<compile_context>
chip_gen: v7x
topology: tpu7x:2x2x1
jax: 0.10.2.dev20260603
libtpu: 0.0.44.dev20260713+nightly
codegen_flags: <defaults>
</compile_context>

<pallas_src>
import functools

import jax
import jax.numpy as jnp
from jax import lax
from jax.experimental import pallas as pl
from jax.experimental.pallas import tpu as pltpu, tpu_sc as plsc

ALPHA = 0.25


def _w_body(p_ref, w_ref):
    p = p_ref[0]
    neg_cost = (1.0 - ALPHA) * (p * p) * -jnp.log(1.0 - p + 1e-08)
    one_m_p = 1.0 - p
    pos_cost = ALPHA * (one_m_p * one_m_p) * -jnp.log(p + 1e-08)
    w_ref[0] = pos_cost - neg_cost


def _merge_body(mv_ref, mi_ref, t_ref, amin_ref, cid_ref):
    b = pl.program_id(0)
    mv = mv_ref[0]
    mi = mi_ref[0]
    best = jnp.min(mv, axis=1, keepdims=True)
    cand = jnp.where(mv == best, mi, jnp.int32(2 ** 30))
    amin_ref[0, 0, :] = jnp.min(cand, axis=1)
    tt = (t_ref[0] == 1.0).astype(jnp.float32)
    M, C = tt.shape
    tmax = jnp.max(tt, axis=1, keepdims=True)
    ciota = lax.broadcasted_iota(jnp.int32, (M, C), 1)
    cid = jnp.min(jnp.where(tt == tmax, ciota, jnp.int32(C)), axis=1)
    cid_ref[0, 0, :] = cid


def _sc_stage(w, loc_pred_t, cls_true_bin, loc_true):
    B, C, N = w.shape
    M = cls_true_bin.shape[1]
    info = plsc.get_sparse_core_info()
    NC, NS, L = info.num_cores, info.num_subcores, info.num_lanes
    NW = NC * NS
    CH = N // NW
    NJ = CH // L

    mesh = plsc.VectorSubcoreMesh(core_axis_name="c", subcore_axis_name="s")

    @functools.partial(
        pl.kernel, mesh=mesh,
        out_type=[
            jax.ShapeDtypeStruct((NW, B, M * L), jnp.float32),
            jax.ShapeDtypeStruct((NW, B, M * L), jnp.int32),
        ],
        scratch_types=[
            pltpu.VMEM((C, CH), jnp.float32),
            pltpu.VMEM((4, CH), jnp.float32),
            pltpu.VMEM((M * C,), jnp.float32),
            pltpu.VMEM((M * 4,), jnp.float32),
            pltpu.VMEM((L,), jnp.float32),
            pltpu.VMEM((L,), jnp.int32),
            pltpu.VMEM((M * L,), jnp.float32),
            pltpu.VMEM((M * L,), jnp.int32),
        ],
    )
    def sc_kernel(w_hbm, lp_hbm, t_hbm, lt_hbm, mv_hbm, mi_hbm,
                  w_v, lp_v, t_vs, lt_vs, run_v, runj_v, res_v, resi_v):
        wid = lax.axis_index("s") * NC + lax.axis_index("c")
        n0 = wid * CH
        lane = lax.broadcasted_iota(jnp.int32, (L,), 0)
        for b in range(B):
            pltpu.sync_copy(w_hbm.at[b, :, pl.ds(n0, CH)], w_v)
            pltpu.sync_copy(lp_hbm.at[b, :, pl.ds(n0, CH)], lp_v)
            pltpu.sync_copy(t_hbm.at[b], t_vs)
            pltpu.sync_copy(lt_hbm.at[b], lt_vs)

            def m_loop(m):
                run_v[...] = jnp.full((L,), jnp.inf, jnp.float32)
                runj_v[...] = jnp.zeros((L,), jnp.int32)
                def _splat(ref, i):
                    return jnp.broadcast_to(ref[pl.ds(i, 1)], (L,))
                t_ymin = _splat(lt_vs, m * 4 + 0)
                t_xmin = _splat(lt_vs, m * 4 + 1)
                t_ymax = _splat(lt_vs, m * 4 + 2)
                t_xmax = _splat(lt_vs, m * 4 + 3)
                tw = [_splat(t_vs, m * C + c) for c in range(C)]
                te_y = jnp.maximum(t_ymax - t_ymin, 0.0)
                te_x = jnp.maximum(t_xmax - t_xmin, 0.0)
                b2_area = te_y * te_x

                def j_loop(j):
                    o = j * L
                    cls = tw[0] * w_v[0, pl.ds(o, L)]
                    for c in range(1, C):
                        cls = cls + tw[c] * w_v[c, pl.ds(o, L)]
                    p_ymin = lp_v[0, pl.ds(o, L)]
                    p_xmin = lp_v[1, pl.ds(o, L)]
                    p_ymax = lp_v[2, pl.ds(o, L)]
                    p_xmax = lp_v[3, pl.ds(o, L)]
                    reg = (((jnp.abs(t_ymin - p_ymin) + jnp.abs(t_xmin - p_xmin))
                            + jnp.abs(t_ymax - p_ymax)) + jnp.abs(t_xmax - p_xmax))
                    pe_y = jnp.maximum(p_ymax - p_ymin, 0.0)
                    pe_x = jnp.maximum(p_xmax - p_xmin, 0.0)
                    b1_area = pe_y * pe_x
                    d_y = jnp.minimum(p_ymax, t_ymax) - jnp.maximum(p_ymin, t_ymin)
                    d_x = jnp.minimum(p_xmax, t_xmax) - jnp.maximum(p_xmin, t_xmin)
                    inter = jnp.maximum(d_y, 0.0) * jnp.maximum(d_x, 0.0)
                    union = b1_area + b2_area - inter
                    iou = inter / jnp.where(union > 0.0, union, 1.0)
                    enc = ((pe_y + te_y) - d_y) * ((pe_x + te_x) - d_x)
                    corr = (enc - union) / jnp.where(enc > 0.0, enc, 1.0)
                    total = ((cls + 2.5 * reg) + (1.0 - iou)) + corr
                    rv = run_v[...]
                    better = total < rv
                    run_v[...] = jnp.minimum(total, rv)
                    runj_v[...] = jnp.where(better, j, runj_v[...])

                pl.loop(0, NJ)(j_loop)
                res_v[pl.ds(m * L, L)] = run_v[...]
                resi_v[pl.ds(m * L, L)] = (runj_v[...] * L + lane) + n0

            pl.loop(0, M)(m_loop)
            pltpu.sync_copy(res_v, mv_hbm.at[wid, b])
            pltpu.sync_copy(resi_v, mi_hbm.at[wid, b])

    return sc_kernel


def kernel(cls_pred, loc_pred, cls_true, loc_true, reg_mask):
    B, N, C = cls_pred.shape
    M = cls_true.shape[1]

    cls_pred_t = jnp.transpose(cls_pred, (0, 2, 1))
    loc_pred_t = jnp.transpose(loc_pred, (0, 2, 1))
    t_bin = (cls_true == 1.0).astype(jnp.float32)

    w = pl.pallas_call(
        _w_body,
        grid=(B,),
        in_specs=[pl.BlockSpec((1, C, N), lambda b: (b, 0, 0))],
        out_specs=pl.BlockSpec((1, C, N), lambda b: (b, 0, 0)),
        out_shape=jax.ShapeDtypeStruct((B, C, N), jnp.float32),
    )(cls_pred_t)

    t_bin_flat = t_bin.reshape(B, M * C)
    loc_true_flat = loc_true.reshape(B, M * 4)
    mv, mi = _sc_stage(w, loc_pred_t, t_bin, loc_true)(
        w, loc_pred_t, t_bin_flat, loc_true_flat)

    NW = mv.shape[0]
    L = mv.shape[2] // M
    mv_t = jnp.transpose(mv.reshape(NW, B, M, L), (1, 2, 0, 3)).reshape(B, M, NW * L)
    mi_t = jnp.transpose(mi.reshape(NW, B, M, L), (1, 2, 0, 3)).reshape(B, M, NW * L)

    amin, cid = pl.pallas_call(
        _merge_body,
        grid=(B,),
        in_specs=[
            pl.BlockSpec((1, M, NW * L), lambda b: (b, 0, 0)),
            pl.BlockSpec((1, M, NW * L), lambda b: (b, 0, 0)),
            pl.BlockSpec((1, M, C), lambda b: (b, 0, 0)),
        ],
        out_specs=[
            pl.BlockSpec((1, 1, M), lambda b: (b, 0, 0)),
            pl.BlockSpec((1, 1, M), lambda b: (b, 0, 0)),
        ],
        out_shape=[
            jax.ShapeDtypeStruct((B, 1, M), jnp.int32),
            jax.ShapeDtypeStruct((B, 1, M), jnp.int32),
        ],
    )(mv_t, mi_t, cls_true)

    batch = jnp.tile(jnp.arange(B, dtype=jnp.int32)[:, None], (1, M))
    return jnp.stack([batch, amin[:, 0, :], cid[:, 0, :]], axis=-1)

# --- scband reference (transcript-rebuilt; emitter-appended) ---
"""Pipeline reference for scband-min-cost-matcher-79250736545929 (READ-ONLY COPY).

The authoritative reference and input builder live on the scoring server;
editing this copy changes nothing except your own understanding.
"""

import jax, jax.numpy as jnp
import numpy as np

ALPHA = 0.25
GAMMA = 2.0
NUM_ANCHORS = 1


def _make_boxes(key, shape):
    raw = jax.random.uniform(key, tuple(shape) + (4,), dtype=jnp.float32)
    ymin = jnp.minimum(raw[..., 0], raw[..., 2])
    ymax = jnp.maximum(raw[..., 0], raw[..., 2])
    xmin = jnp.minimum(raw[..., 1], raw[..., 3])
    xmax = jnp.maximum(raw[..., 1], raw[..., 3])
    return jnp.stack([ymin, xmin, ymax, xmax], axis=-1)


def _giou_loss(b1, b2):
    b1_ymin, b1_xmin, b1_ymax, b1_xmax = b1[..., 0], b1[..., 1], b1[..., 2], b1[..., 3]
    b2_ymin, b2_xmin, b2_ymax, b2_xmax = b2[..., 0], b2[..., 1], b2[..., 2], b2[..., 3]
    b1_area = jnp.maximum(b1_ymax - b1_ymin, 0.0) * jnp.maximum(b1_xmax - b1_xmin, 0.0)
    b2_area = jnp.maximum(b2_ymax - b2_ymin, 0.0) * jnp.maximum(b2_xmax - b2_xmin, 0.0)
    i_ymin = jnp.maximum(b1_ymin, b2_ymin)
    i_xmin = jnp.maximum(b1_xmin, b2_xmin)
    i_ymax = jnp.minimum(b1_ymax, b2_ymax)
    i_xmax = jnp.minimum(b1_xmax, b2_xmax)
    inter = jnp.maximum(i_ymax - i_ymin, 0.0) * jnp.maximum(i_xmax - i_xmin, 0.0)
    union = b1_area + b2_area - inter
    iou = jnp.where(union > 0.0, inter / jnp.where(union > 0.0, union, 1.0), 0.0)
    e_ymin = jnp.minimum(b1_ymin, b2_ymin)
    e_xmin = jnp.minimum(b1_xmin, b2_xmin)
    e_ymax = jnp.maximum(b1_ymax, b2_ymax)
    e_xmax = jnp.maximum(b1_xmax, b2_xmax)
    enc = jnp.maximum(e_ymax - e_ymin, 0.0) * jnp.maximum(e_xmax - e_xmin, 0.0)
    giou = iou - jnp.where(enc > 0.0, (enc - union) / jnp.where(enc > 0.0, enc, 1.0), 0.0)
    return 1.0 - giou


def setup_inputs(seed: int = 0):
    B, N, C, M = 4, 16384, 16, 32
    key = jax.random.key(seed)
    k = jax.random.split(key, 5)
    cls_pred = jax.random.uniform(k[0], (B, N, C), dtype=jnp.float32)
    loc_pred = _make_boxes(k[1], (B, N))
    cls_true = jax.random.randint(k[2], (B, M, C), 0, 2).astype(jnp.float32)
    loc_true = _make_boxes(k[3], (B, M))
    reg_mask = jnp.ones((B, M), dtype=jnp.float32)
    return {"cls_pred": cls_pred, "loc_pred": loc_pred, "cls_true": cls_true, "loc_true": loc_true, "reg_mask": reg_mask}


def reference(cls_pred, loc_pred, cls_true, loc_true, reg_mask):
    b, n, c = cls_pred.shape
    m = cls_true.shape[1]
    length = n // NUM_ANCHORS
    cls_true_bin = (cls_true == 1.0).astype(jnp.float32)
    cls_true_e = cls_true_bin[:, :, None, :]
    loc_true_e = loc_true[:, :, None, :]
    subs = []
    for i in range(NUM_ANCHORS):
        cp = cls_pred[:, i * length:(i + 1) * length]
        lp = loc_pred[:, i * length:(i + 1) * length]
        cls_prob = cp[:, None, :, :]
        neg_cost = (1.0 - ALPHA) * cls_prob ** GAMMA * -jnp.log(1.0 - cls_prob + 1e-08)
        pos_cost = ALPHA * (1.0 - cls_prob) ** GAMMA * -jnp.log(cls_prob + 1e-08)
        cls_loss = jnp.sum((pos_cost - neg_cost) * cls_true_e, axis=-1)
        lp_ = lp[:, None, :, :]
        reg_loss = jnp.sum(jnp.abs(loc_true_e - lp_), axis=-1)
        giou_l = _giou_loss(lp_, loc_true_e)
        total = 2.0 * cls_loss + 5.0 * reg_loss + 2.0 * giou_l
        argmin_total = jnp.argmin(total, axis=-1).astype(jnp.int32) + length * i
        batch = jnp.tile(jnp.arange(b, dtype=jnp.int32)[:, None], (1, m))
        cls_id = jnp.argmax(cls_true_bin, axis=-1).astype(jnp.int32)
        subs.append(jnp.stack([batch, argmin_total, cls_id], axis=-1))
    return jnp.concatenate(subs, axis=1)

if __name__ == "__main__":
    import jax
    _d = setup_inputs()
    print(jax.jit(kernel)(*tuple(_d.values())))

</pallas_src>

<mosaic_0001>
#map = affine_map<(d0, d1) -> (0, 0, 0)>
#map1 = affine_map<(d0, d1) -> (0, 0)>
module attributes {stable_mosaic.version = 14 : i64} {
  func.func @sc_kernel(%arg0: i32, %arg1: i32, %arg2: memref<4x16x16384xf32, #tpu.memory_space<hbm>>, %arg3: memref<4x4x16384xf32, #tpu.memory_space<hbm>>, %arg4: memref<4x512xf32, #tpu.memory_space<hbm>>, %arg5: memref<4x128xf32, #tpu.memory_space<hbm>>, %arg6: memref<32x4x512xf32, #tpu.memory_space<hbm>>, %arg7: memref<32x4x512xi32, #tpu.memory_space<hbm>>, %arg8: memref<16x512xf32, #tpu.memory_space<vmem>>, %arg9: memref<4x512xf32, #tpu.memory_space<vmem>>, %arg10: memref<512xf32, #tpu.memory_space<vmem>>, %arg11: memref<128xf32, #tpu.memory_space<vmem>>, %arg12: memref<16xf32, #tpu.memory_space<vmem>>, %arg13: memref<16xi32, #tpu.memory_space<vmem>>, %arg14: memref<512xf32, #tpu.memory_space<vmem>>, %arg15: memref<512xi32, #tpu.memory_space<vmem>>) attributes {dimension_semantics = [#tpu.dimension_semantics<core_parallel>, #tpu.dimension_semantics<subcore_parallel>], iteration_bounds = array<i64: 2, 16>, scalar_prefetch = 0 : i64, scratch_operands = 8 : i64, tpu.core_type = #tpu.core_type<sc_vector_subcore>, window_params = [{transform_indices = #map}, {transform_indices = #map}, {transform_indices = #map1}, {transform_indices = #map1}, {transform_indices = #map}, {transform_indices = #map}]} {
    %mul3A = arith.constant 2 : i32
    %mul3A_0 = arith.muli %arg1, %mul3A : i32
    %add3A = arith.addi %mul3A_0, %arg0 : i32
    %mul3A_1 = arith.constant 512 : i32
    %mul3A_2 = arith.muli %add3A, %mul3A_1 : i32
    %iota3A = tpu.iota {dimensions = array<i32: 0>} : vector<16xi32>
    %run_scoped3A = arith.constant 0 : i32
    "tpu.region"() ({
      %run_scoped3A_45 = tpu.sem_alloc : memref<!tpu.dma_semaphore, #tpu.memory_space<semaphore_mem>>
      %dma_start3A = arith.constant 0 : i32
      %dma_start3A_46 = tpu.memref_slice %arg2[%run_scoped3A, %dma_start3A, %mul3A_2] : memref<4x16x16384xf32, #tpu.memory_space<hbm>> -> memref<1x16x512xf32, #tpu.memory_space<hbm>>
      %dma_start3A_47 = tpu.memref_squeeze %dma_start3A_46 : memref<1x16x512xf32, #tpu.memory_space<hbm>> -> memref<16x512xf32, #tpu.memory_space<hbm>>
      %dma_start3A_48 = arith.constant 0 : i32
      %dma_start3A_49 = tpu.memref_slice %arg2[%run_scoped3A, %dma_start3A_48, %mul3A_2] : memref<4x16x16384xf32, #tpu.memory_space<hbm>> -> memref<1x16x512xf32, #tpu.memory_space<hbm>>
      %dma_start3A_50 = tpu.memref_squeeze %dma_start3A_49 : memref<1x16x512xf32, #tpu.memory_space<hbm>> -> memref<16x512xf32, #tpu.memory_space<hbm>>
      tpu.enqueue_dma source(%dma_start3A_50 : memref<16x512xf32, #tpu.memory_space<hbm>>) target(%arg8 : memref<16x512xf32, #tpu.memory_space<vmem>>) target_semaphore(%run_scoped3A_45 : memref<!tpu.dma_semaphore, #tpu.memory_space<semaphore_mem>>)
      %dma_wait3A = arith.constant 0 : i32
      %dma_wait3A_51 = tpu.memref_slice %arg2[%run_scoped3A, %dma_wait3A, %mul3A_2] : memref<4x16x16384xf32, #tpu.memory_space<hbm>> -> memref<1x16x512xf32, #tpu.memory_space<hbm>>
      %dma_wait3A_52 = tpu.memref_squeeze %dma_wait3A_51 : memref<1x16x512xf32, #tpu.memory_space<hbm>> -> memref<16x512xf32, #tpu.memory_space<hbm>>
      %dma_wait3A_53 = arith.constant 0 : i32
      %dma_wait3A_54 = tpu.memref_slice %arg2[%run_scoped3A, %dma_wait3A_53, %mul3A_2] : memref<4x16x16384xf32, #tpu.memory_space<hbm>> -> memref<1x16x512xf32, #tpu.memory_space<hbm>>
      %dma_wait3A_55 = tpu.memref_squeeze %dma_wait3A_54 : memref<1x16x512xf32, #tpu.memory_space<hbm>> -> memref<16x512xf32, #tpu.memory_space<hbm>>
      tpu.wait_dma2 semaphore(%run_scoped3A_45 : memref<!tpu.dma_semaphore, #tpu.memory_space<semaphore_mem>>) src(%dma_wait3A_55 : memref<16x512xf32, #tpu.memory_space<hbm>>) dst(%arg8 : memref<16x512xf32, #tpu.memory_space<vmem>>)
      tpu.yield
    }) : () -> ()
    %run_scoped3A_3 = arith.constant 0 : i32
    "tpu.region"() ({
      %run_scoped3A_45 = tpu.sem_alloc : memref<!tpu.dma_semaphore, #tpu.memory_space<semaphore_mem>>
      %dma_start3A = arith.constant 0 : i32
      %dma_start3A_46 = tpu.memref_slice %arg3[%run_scoped3A_3, %dma_start3A, %mul3A_2] : memref<4x4x16384xf32, #tpu.memory_space<hbm>> -> memref<1x4x512xf32, #tpu.memory_space<hbm>>
      %dma_start3A_47 = tpu.memref_squeeze %dma_start3A_46 : memref<1x4x512xf32, #tpu.memory_space<hbm>> -> memref<4x512xf32, #tpu.memory_space<hbm>>
      %dma_start3A_48 = arith.constant 0 : i32
      %dma_start3A_49 = tpu.memref_slice %arg3[%run_scoped3A_3, %dma_start3A_48, %mul3A_2] : memref<4x4x16384xf32, #tpu.memory_space<hbm>> -> memref<1x4x512xf32, #tpu.memory_space<hbm>>
      %dma_start3A_50 = tpu.memref_squeeze %dma_start3A_49 : memref<1x4x512xf32, #tpu.memory_space<hbm>> -> memref<4x512xf32, #tpu.memory_space<hbm>>
      tpu.enqueue_dma source(%dma_start3A_50 : memref<4x512xf32, #tpu.memory_space<hbm>>) target(%arg9 : memref<4x512xf32, #tpu.memory_space<vmem>>) target_semaphore(%run_scoped3A_45 : memref<!tpu.dma_semaphore, #tpu.memory_space<semaphore_mem>>)
      %dma_wait3A = arith.constant 0 : i32
      %dma_wait3A_51 = tpu.memref_slice %arg3[%run_scoped3A_3, %dma_wait3A, %mul3A_2] : memref<4x4x16384xf32, #tpu.memory_space<hbm>> -> memref<1x4x512xf32, #tpu.memory_space<hbm>>
      %dma_wait3A_52 = tpu.memref_squeeze %dma_wait3A_51 : memref<1x4x512xf32, #tpu.memory_space<hbm>> -> memref<4x512xf32, #tpu.memory_space<hbm>>
      %dma_wait3A_53 = arith.constant 0 : i32
      %dma_wait3A_54 = tpu.memref_slice %arg3[%run_scoped3A_3, %dma_wait3A_53, %mul3A_2] : memref<4x4x16384xf32, #tpu.memory_space<hbm>> -> memref<1x4x512xf32, #tpu.memory_space<hbm>>
      %dma_wait3A_55 = tpu.memref_squeeze %dma_wait3A_54 : memref<1x4x512xf32, #tpu.memory_space<hbm>> -> memref<4x512xf32, #tpu.memory_space<hbm>>
      tpu.wait_dma2 semaphore(%run_scoped3A_45 : memref<!tpu.dma_semaphore, #tpu.memory_space<semaphore_mem>>) src(%dma_wait3A_55 : memref<4x512xf32, #tpu.memory_space<hbm>>) dst(%arg9 : memref<4x512xf32, #tpu.memory_space<vmem>>)
      tpu.yield
    }) : () -> ()
    %run_scoped3A_4 = arith.constant 0 : i32
    "tpu.region"() ({
      %run_scoped3A_45 = tpu.sem_alloc : memref<!tpu.dma_semaphore, #tpu.memory_space<semaphore_mem>>
      %dma_start3A = arith.constant 0 : i32
      %dma_start3A_46 = tpu.memref_slice %arg4[%run_scoped3A_4, %dma_start3A] : memref<4x512xf32, #tpu.memory_space<hbm>> -> memref<1x512xf32, #tpu.memory_space<hbm>>
      %dma_start3A_47 = tpu.memref_squeeze %dma_start3A_46 : memref<1x512xf32, #tpu.memory_space<hbm>> -> memref<512xf32, #tpu.memory_space<hbm>>
      %dma_start3A_48 = arith.constant 0 : i32
      %dma_start3A_49 = tpu.memref_slice %arg4[%run_scoped3A_4, %dma_start3A_48] : memref<4x512xf32, #tpu.memory_space<hbm>> -> memref<1x512xf32, #tpu.memory_space<hbm>>
      %dma_start3A_50 = tpu.memref_squeeze %dma_start3A_49 : memref<1x512xf32, #tpu.memory_space<hbm>> -> memref<512xf32, #tpu.memory_space<hbm>>
      tpu.enqueue_dma source(%dma_start3A_50 : memref<512xf32, #tpu.memory_space<hbm>>) target(%arg10 : memref<512xf32, #tpu.memory_space<vmem>>) target_semaphore(%run_scoped3A_45 : memref<!tpu.dma_semaphore, #tpu.memory_space<semaphore_mem>>)
      %dma_wait3A = arith.constant 0 : i32
      %dma_wait3A_51 = tpu.memref_slice %arg4[%run_scoped3A_4, %dma_wait3A] : memref<4x512xf32, #tpu.memory_space<hbm>> -> memref<1x512xf32, #tpu.memory_space<hbm>>
      %dma_wait3A_52 = tpu.memref_squeeze %dma_wait3A_51 : memref<1x512xf32, #tpu.memory_space<hbm>> -> memref<512xf32, #tpu.memory_space<hbm>>
      %dma_wait3A_53 = arith.constant 0 : i32
      %dma_wait3A_54 = tpu.memref_slice %arg4[%run_scoped3A_4, %dma_wait3A_53] : memref<4x512xf32, #tpu.memory_space<hbm>> -> memref<1x512xf32, #tpu.memory_space<hbm>>
      %dma_wait3A_55 = tpu.memref_squeeze %dma_wait3A_54 : memref<1x512xf32, #tpu.memory_space<hbm>> -> memref<512xf32, #tpu.memory_space<hbm>>
      tpu.wait_dma2 semaphore(%run_scoped3A_45 : memref<!tpu.dma_semaphore, #tpu.memory_space<semaphore_mem>>) src(%dma_wait3A_55 : memref<512xf32, #tpu.memory_space<hbm>>) dst(%arg10 : memref<512xf32, #tpu.memory_space<vmem>>)
      tpu.yield
    }) : () -> ()
    %run_scoped3A_5 = arith.constant 0 : i32
    "tpu.region"() ({
      %run_scoped3A_45 = tpu.sem_alloc : memref<!tpu.dma_semaphore, #tpu.memory_space<semaphore_mem>>
      %dma_start3A = arith.constant 0 : i32
      %dma_start3A_46 = tpu.memref_slice %arg5[%run_scoped3A_5, %dma_start3A] : memref<4x128xf32, #tpu.memory_space<hbm>> -> memref<1x128xf32, #tpu.memory_space<hbm>>
      %dma_start3A_47 = tpu.memref_squeeze %dma_start3A_46 : memref<1x128xf32, #tpu.memory_space<hbm>> -> memref<128xf32, #tpu.memory_space<hbm>>
      %dma_start3A_48 = arith.constant 0 : i32
      %dma_start3A_49 = tpu.memref_slice %arg5[%run_scoped3A_5, %dma_start3A_48] : memref<4x128xf32, #tpu.memory_space<hbm>> -> memref<1x128xf32, #tpu.memory_space<hbm>>
      %dma_start3A_50 = tpu.memref_squeeze %dma_start3A_49 : memref<1x128xf32, #tpu.memory_space<hbm>> -> memref<128xf32, #tpu.memory_space<hbm>>
      tpu.enqueue_dma source(%dma_start3A_50 : memref<128xf32, #tpu.memory_space<hbm>>) target(%arg11 : memref<128xf32, #tpu.memory_space<vmem>>) target_semaphore(%run_scoped3A_45 : memref<!tpu.dma_semaphore, #tpu.memory_space<semaphore_mem>>)
      %dma_wait3A = arith.constant 0 : i32
      %dma_wait3A_51 = tpu.memref_slice %arg5[%run_scoped3A_5, %dma_wait3A] : memref<4x128xf32, #tpu.memory_space<hbm>> -> memref<1x128xf32, #tpu.memory_space<hbm>>
      %dma_wait3A_52 = tpu.memref_squeeze %dma_wait3A_51 : memref<1x128xf32, #tpu.memory_space<hbm>> -> memref<128xf32, #tpu.memory_space<hbm>>
      %dma_wait3A_53 = arith.constant 0 : i32
      %dma_wait3A_54 = tpu.memref_slice %arg5[%run_scoped3A_5, %dma_wait3A_53] : memref<4x128xf32, #tpu.memory_space<hbm>> -> memref<1x128xf32, #tpu.memory_space<hbm>>
      %dma_wait3A_55 = tpu.memref_squeeze %dma_wait3A_54 : memref<1x128xf32, #tpu.memory_space<hbm>> -> memref<128xf32, #tpu.memory_space<hbm>>
      tpu.wait_dma2 semaphore(%run_scoped3A_45 : memref<!tpu.dma_semaphore, #tpu.memory_space<semaphore_mem>>) src(%dma_wait3A_55 : memref<128xf32, #tpu.memory_space<hbm>>) dst(%arg11 : memref<128xf32, #tpu.memory_space<vmem>>)
      tpu.yield
    }) : () -> ()
    %scan3A = arith.constant 0 : i32
    %scan3A_6 = arith.constant 32 : i32
    %scan3A_7 = arith.addi %scan3A, %scan3A_6 : i32
    %scan3A_8 = arith.constant 1 : i32
    scf.for %scan3A_45 = %scan3A to %scan3A_7 step %scan3A_8  : i32 {
      %mul3A_46 = arith.constant 1 : i32
      %mul3A_47 = arith.muli %scan3A_45, %mul3A_46 : i32
      %add3A_48 = arith.constant 0 : i32
      %add3A_49 = arith.addi %add3A_48, %mul3A_47 : i32
      %broadcast_in_dim3A = arith.constant 0x7F800000 : f32
      %broadcast_in_dim3A_50 = vector.broadcast %broadcast_in_dim3A : f32 to vector<16xf32>
      %swap3A = arith.constant 0 : index
      %swap3A_51 = tpu.vector_load %arg12[%swap3A] {strides = array<i32>} : memref<16xf32, #tpu.memory_space<vmem>>, vector<16xf32>,
      %swap3A_52 = vector.shape_cast %swap3A_51 : vector<16xf32> to vector<16xf32>
      %swap3A_53 = vector.shape_cast %broadcast_in_dim3A_50 : vector<16xf32> to vector<16xf32>
      tpu.vector_store %arg12[%swap3A], %swap3A_53 {strides = array<i32>} : memref<16xf32, #tpu.memory_space<vmem>>, vector<16xf32>,
      %broadcast_in_dim3A_54 = arith.constant 0 : i32
      %broadcast_in_dim3A_55 = vector.broadcast %broadcast_in_dim3A_54 : i32 to vector<16xi32>
      %swap3A_56 = arith.constant 0 : index
      %swap3A_57 = tpu.vector_load %arg13[%swap3A_56] {strides = array<i32>} : memref<16xi32, #tpu.memory_space<vmem>>, vector<16xi32>,
      %swap3A_58 = vector.shape_cast %swap3A_57 : vector<16xi32> to vector<16xi32>
      %swap3A_59 = vector.shape_cast %broadcast_in_dim3A_55 : vector<16xi32> to vector<16xi32>
      tpu.vector_store %arg13[%swap3A_56], %swap3A_59 {strides = array<i32>} : memref<16xi32, #tpu.memory_space<vmem>>, vector<16xi32>,
      %mul3A_60 = arith.constant 4 : i32
      %mul3A_61 = arith.muli %add3A_49, %mul3A_60 : i32
      %add3A_62 = arith.constant 0 : i32
      %add3A_63 = arith.addi %mul3A_61, %add3A_62 : i32
      %get3A = arith.index_cast %add3A_63 : i32 to index
      %get3A_64 = tpu.vector_load %arg11[%get3A] {strides = array<i32>} : memref<128xf32, #tpu.memory_space<vmem>>, vector<1xf32>,
      %get3A_65 = vector.shape_cast %get3A_64 : vector<1xf32> to vector<1xf32>
      %broadcast_in_dim3A_66 = vector.shape_cast %get3A_65 : vector<1xf32> to vector<1xf32>
      %broadcast_in_dim3A_67 = vector.broadcast %broadcast_in_dim3A_66 : vector<1xf32> to vector<16xf32>
      %mul3A_68 = arith.constant 4 : i32
      %mul3A_69 = arith.muli %add3A_49, %mul3A_68 : i32
      %add3A_70 = arith.constant 1 : i32
      %add3A_71 = arith.addi %mul3A_69, %add3A_70 : i32
      %get3A_72 = arith.index_cast %add3A_71 : i32 to index
      %get3A_73 = tpu.vector_load %arg11[%get3A_72] {strides = array<i32>} : memref<128xf32, #tpu.memory_space<vmem>>, vector<1xf32>,
      %get3A_74 = vector.shape_cast %get3A_73 : vector<1xf32> to vector<1xf32>
      %broadcast_in_dim3A_75 = vector.shape_cast %get3A_74 : vector<1xf32> to vector<1xf32>
      %broadcast_in_dim3A_76 = vector.broadcast %broadcast_in_dim3A_75 : vector<1xf32> to vector<16xf32>
      %mul3A_77 = arith.constant 4 : i32
      %mul3A_78 = arith.muli %add3A_49, %mul3A_77 : i32
      %add3A_79 = arith.constant 2 : i32
      %add3A_80 = arith.addi %mul3A_78, %add3A_79 : i32
      %get3A_81 = arith.index_cast %add3A_80 : i32 to index
      %get3A_82 = tpu.vector_load %arg11[%get3A_81] {strides = array<i32>} : memref<128xf32, #tpu.memory_space<vmem>>, vector<1xf32>,
      %get3A_83 = vector.shape_cast %get3A_82 : vector<1xf32> to vector<1xf32>
      %broadcast_in_dim3A_84 = vector.shape_cast %get3A_83 : vector<1xf32> to vector<1xf32>
      %broadcast_in_dim3A_85 = vector.broadcast %broadcast_in_dim3A_84 : vector<1xf32> to vector<16xf32>
      %mul3A_86 = arith.constant 4 : i32
      %mul3A_87 = arith.muli %add3A_49, %mul3A_86 : i32
      %add3A_88 = arith.constant 3 : i32
      %add3A_89 = arith.addi %mul3A_87, %add3A_88 : i32
      %get3A_90 = arith.index_cast %add3A_89 : i32 to index
      %get3A_91 = tpu.vector_load %arg11[%get3A_90] {strides = array<i32>} : memref<128xf32, #tpu.memory_space<vmem>>, vector<1xf32>,
      %get3A_92 = vector.shape_cast %get3A_91 : vector<1xf32> to vector<1xf32>
      %broadcast_in_dim3A_93 = vector.shape_cast %get3A_92 : vector<1xf32> to vector<1xf32>
      %broadcast_in_dim3A_94 = vector.broadcast %broadcast_in_dim3A_93 : vector<1xf32> to vector<16xf32>
      %mul3A_95 = arith.constant 16 : i32
      %mul3A_96 = arith.muli %add3A_49, %mul3A_95 : i32
      %add3A_97 = arith.constant 0 : i32
      %add3A_98 = arith.addi %mul3A_96, %add3A_97 : i32
      %get3A_99 = arith.index_cast %add3A_98 : i32 to index
      %get3A_100 = tpu.vector_load %arg10[%get3A_99] {strides = array<i32>} : memref<512xf32, #tpu.memory_space<vmem>>, vector<1xf32>,
      %get3A_101 = vector.shape_cast %get3A_100 : vector<1xf32> to vector<1xf32>
      %broadcast_in_dim3A_102 = vector.shape_cast %get3A_101 : vector<1xf32> to vector<1xf32>
      %broadcast_in_dim3A_103 = vector.broadcast %broadcast_in_dim3A_102 : vector<1xf32> to vector<16xf32>
      %mul3A_104 = arith.constant 16 : i32
      %mul3A_105 = arith.muli %add3A_49, %mul3A_104 : i32
      %add3A_106 = arith.constant 1 : i32
      %add3A_107 = arith.addi %mul3A_105, %add3A_106 : i32
      %get3A_108 = arith.index_cast %add3A_107 : i32 to index
      %get3A_109 = tpu.vector_load %arg10[%get3A_108] {strides = array<i32>} : memref<512xf32, #tpu.memory_space<vmem>>, vector<1xf32>,
      %get3A_110 = vector.shape_cast %get3A_109 : vector<1xf32> to vector<1xf32>
      %broadcast_in_dim3A_111 = vector.shape_cast %get3A_110 : vector<1xf32> to vector<1xf32>
      %broadcast_in_dim3A_112 = vector.broadcast %broadcast_in_dim3A_111 : vector<1xf32> to vector<16xf32>
      %mul3A_113 = arith.constant 16 : i32
      %mul3A_114 = arith.muli %add3A_49, %mul3A_113 : i32
      %add3A_115 = arith.constant 2 : i32
      %add3A_116 = arith.addi %mul3A_114, %add3A_115 : i32
      %get3A_117 = arith.index_cast %add3A_116 : i32 to index
      %get3A_118 = tpu.vector_load %arg10[%get3A_117] {strides = array<i32>} : memref<512xf32, #tpu.memory_space<vmem>>, vector<1xf32>,
      %get3A_119 = vector.shape_cast %get3A_118 : vector<1xf32> to vector<1xf32>
      %broadcast_in_dim3A_120 = vector.shape_cast %get3A_119 : vector<1xf32> to vector<1xf32>
      %broadcast_in_dim3A_121 = vector.broadcast %broadcast_in_dim3A_120 : vector<1xf32> to vector<16xf32>
      %mul3A_122 = arith.constant 16 : i32
      %mul3A_123 = arith.muli %add3A_49, %mul3A_122 : i32
      %add3A_124 = arith.constant 3 : i32
      %add3A_125 = arith.addi %mul3A_123, %add3A_124 : i32
      %get3A_126 = arith.index_cast %add3A_125 : i32 to index
      %get3A_127 = tpu.vector_load %arg10[%get3A_126] {strides = array<i32>} : memref<512xf32, #tpu.memory_space<vmem>>, vector<1xf32>,
      %get3A_128 = vector.shape_cast %get3A_127 : vector<1xf32> to vector<1xf32>
      %broadcast_in_dim3A_129 = vector.shape_cast %get3A_128 : vector<1xf32> to vector<1xf32>
      %broadcast_in_dim3A_130 = vector.broadcast %broadcast_in_dim3A_129 : vector<1xf32> to vector<16xf32>
      %mul3A_131 = arith.constant 16 : i32
      %mul3A_132 = arith.muli %add3A_49, %mul3A_131 : i32
      %add3A_133 = arith.constant 4 : i32
      %add3A_134 = arith.addi %mul3A_132, %add3A_133 : i32
      %get3A_135 = arith.index_cast %add3A_134 : i32 to index
      %get3A_136 = tpu.vector_load %arg10[%get3A_135] {strides = array<i32>} : memref<512xf32, #tpu.memory_space<vmem>>, vector<1xf32>,
      %get3A_137 = vector.shape_cast %get3A_136 : vector<1xf32> to vector<1xf32>
      %broadcast_in_dim3A_138 = vector.shape_cast %get3A_137 : vector<1xf32> to vector<1xf32>
      %broadcast_in_dim3A_139 = vector.broadcast %broadcast_in_dim3A_138 : vector<1xf32> to vector<16xf32>
      %mul3A_140 = arith.constant 16 : i32
      %mul3A_141 = arith.muli %add3A_49, %mul3A_140 : i32
      %add3A_142 = arith.constant 5 : i32
      %add3A_143 = arith.addi %mul3A_141, %add3A_142 : i32
      %get3A_144 = arith.index_cast %add3A_143 : i32 to index
      %get3A_145 = tpu.vector_load %arg10[%get3A_144] {strides = array<i32>} : memref<512xf32, #tpu.memory_space<vmem>>, vector<1xf32>,
      %get3A_146 = vector.shape_cast %get3A_145 : vector<1xf32> to vector<1xf32>
      %broadcast_in_dim3A_147 = vector.shape_cast %get3A_146 : vector<1xf32> to vector<1xf32>
      %broadcast_in_dim3A_148 = vector.broadcast %broadcast_in_dim3A_147 : vector<1xf32> to vector<16xf32>
      %mul3A_149 = arith.constant 16 : i32
      %mul3A_150 = arith.muli %add3A_49, %mul3A_149 : i32
      %add3A_151 = arith.constant 6 : i32
      %add3A_152 = arith.addi %mul3A_150, %add3A_151 : i32
      %get3A_153 = arith.index_cast %add3A_152 : i32 to index
      %get3A_154 = tpu.vector_load %arg10[%get3A_153] {strides = array<i32>} : memref<512xf32, #tpu.memory_space<vmem>>, vector<1xf32>,
      %get3A_155 = vector.shape_cast %get3A_154 : vector<1xf32> to vector<1xf32>
      %broadcast_in_dim3A_156 = vector.shape_cast %get3A_155 : vector<1xf32> to vector<1xf32>
      %broadcast_in_dim3A_157 = vector.broadcast %broadcast_in_dim3A_156 : vector<1xf32> to vector<16xf32>
      %mul3A_158 = arith.constant 16 : i32
      %mul3A_159 = arith.muli %add3A_49, %mul3A_158 : i32
      %add3A_160 = arith.constant 7 : i32
      %add3A_161 = arith.addi %mul3A_159, %add3A_160 : i32
      %get3A_162 = arith.index_cast %add3A_161 : i32 to index
      %get3A_163 = tpu.vector_load %arg10[%get3A_162] {strides = array<i32>} : memref<512xf32, #tpu.memory_space<vmem>>, vector<1xf32>,
      %get3A_164 = vector.shape_cast %get3A_163 : vector<1xf32> to vector<1xf32>
      %broadcast_in_dim3A_165 = vector.shape_cast %get3A_164 : vector<1xf32> to vector<1xf32>
      %broadcast_in_dim3A_166 = vector.broadcast %broadcast_in_dim3A_165 : vector<1xf32> to vector<16xf32>
      %mul3A_167 = arith.constant 16 : i32
      %mul3A_168 = arith.muli %add3A_49, %mul3A_167 : i32
      %add3A_169 = arith.constant 8 : i32
      %add3A_170 = arith.addi %mul3A_168, %add3A_169 : i32
      %get3A_171 = arith.index_cast %add3A_170 : i32 to index
      %get3A_172 = tpu.vector_load %arg10[%get3A_171] {strides = array<i32>} : memref<512xf32, #tpu.memory_space<vmem>>, vector<1xf32>,
      %get3A_173 = vector.shape_cast %get3A_172 : vector<1xf32> to vector<1xf32>
      %broadcast_in_dim3A_174 = vector.shape_cast %get3A_173 : vector<1xf32> to vector<1xf32>
      %broadcast_in_dim3A_175 = vector.broadcast %broadcast_in_dim3A_174 : vector<1xf32> to vector<16xf32>
      %mul3A_176 = arith.constant 16 : i32
      %mul3A_177 = arith.muli %add3A_49, %mul3A_176 : i32
      %add3A_178 = arith.constant 9 : i32
      %add3A_179 = arith.addi %mul3A_177, %add3A_178 : i32
      %get3A_180 = arith.index_cast %add3A_179 : i32 to index
      %get3A_181 = tpu.vector_load %arg10[%get3A_180] {strides = array<i32>} : memref<512xf32, #tpu.memory_space<vmem>>, vector<1xf32>,
      %get3A_182 = vector.shape_cast %get3A_181 : vector<1xf32> to vector<1xf32>
      %broadcast_in_dim3A_183 = vector.shape_cast %get3A_182 : vector<1xf32> to vector<1xf32>
      %broadcast_in_dim3A_184 = vector.broadcast %broadcast_in_dim3A_183 : vector<1xf32> to vector<16xf32>
      %mul3A_185 = arith.constant 16 : i32
      %mul3A_186 = arith.muli %add3A_49, %mul3A_185 : i32
      %add3A_187 = arith.constant 10 : i32
      %add3A_188 = arith.addi %mul3A_186, %add3A_187 : i32
      %get3A_189 = arith.index_cast %add3A_188 : i32 to index
      %get3A_190 = tpu.vector_load %arg10[%get3A_189] {strides = array<i32>} : memref<512xf32, #tpu.memory_space<vmem>>, vector<1xf32>,
      %get3A_191 = vector.shape_cast %get3A_190 : vector<1xf32> to vector<1xf32>
      %broadcast_in_dim3A_192 = vector.shape_cast %get3A_191 : vector<1xf32> to vector<1xf32>
      %broadcast_in_dim3A_193 = vector.broadcast %broadcast_in_dim3A_192 : vector<1xf32> to vector<16xf32>
      %mul3A_194 = arith.constant 16 : i32
      %mul3A_195 = arith.muli %add3A_49, %mul3A_194 : i32
      %add3A_196 = arith.constant 11 : i32
      %add3A_197 = arith.addi %mul3A_195, %add3A_196 : i32
      %get3A_198 = arith.index_cast %add3A_197 : i32 to index
      %get3A_199 = tpu.vector_load %arg10[%get3A_198] {strides = array<i32>} : memref<512xf32, #tpu.memory_space<vmem>>, vector<1xf32>,
      %get3A_200 = vector.shape_cast %get3A_199 : vector<1xf32> to vector<1xf32>
      %broadcast_in_dim3A_201 = vector.shape_cast %get3A_200 : vector<1xf32> to vector<1xf32>
      %broadcast_in_dim3A_202 = vector.broadcast %broadcast_in_dim3A_201 : vector<1xf32> to vector<16xf32>
      %mul3A_203 = arith.constant 16 : i32
      %mul3A_204 = arith.muli %add3A_49, %mul3A_203 : i32
      %add3A_205 = arith.constant 12 : i32
      %add3A_206 = arith.addi %mul3A_204, %add3A_205 : i32
      %get3A_207 = arith.index_cast %add3A_206 : i32 to index
      %get3A_208 = tpu.vector_load %arg10[%get3A_207] {strides = array<i32>} : memref<512xf32, #tpu.memory_space<vmem>>, vector<1xf32>,
      %get3A_209 = vector.shape_cast %get3A_208 : vector<1xf32> to vector<1xf32>
      %broadcast_in_dim3A_210 = vector.shape_cast %get3A_209 : vector<1xf32> to vector<1xf32>
      %broadcast_in_dim3A_211 = vector.broadcast %broadcast_in_dim3A_210 : vector<1xf32> to vector<16xf32>
      %mul3A_212 = arith.constant 16 : i32
      %mul3A_213 = arith.muli %add3A_49, %mul3A_212 : i32
      %add3A_214 = arith.constant 13 : i32
      %add3A_215 = arith.addi %mul3A_213, %add3A_214 : i32
      %get3A_216 = arith.index_cast %add3A_215 : i32 to index
      %get3A_217 = tpu.vector_load %arg10[%get3A_216] {strides = array<i32>} : memref<512xf32, #tpu.memory_space<vmem>>, vector<1xf32>,
      %get3A_218 = vector.shape_cast %get3A_217 : vector<1xf32> to vector<1xf32>
      %broadcast_in_dim3A_219 = vector.shape_cast %get3A_218 : vector<1xf32> to vector<1xf32>
      %broadcast_in_dim3A_220 = vector.broadcast %broadcast_in_dim3A_219 : vector<1xf32> to vector<16xf32>
      %mul3A_221 = arith.constant 16 : i32
      %mul3A_222 = arith.muli %add3A_49, %mul3A_221 : i32
      %add3A_223 = arith.constant 14 : i32
      %add3A_224 = arith.addi %mul3A_222, %add3A_223 : i32
      %get3A_225 = arith.index_cast %add3A_224 : i32 to index
      %get3A_226 = tpu.vector_load %arg10[%get3A_225] {strides = array<i32>} : memref<512xf32, #tpu.memory_space<vmem>>, vector<1xf32>,
      %get3A_227 = vector.shape_cast %get3A_226 : vector<1xf32> to vector<1xf32>
      %broadcast_in_dim3A_228 = vector.shape_cast %get3A_227 : vector<1xf32> to vector<1xf32>
      %broadcast_in_dim3A_229 = vector.broadcast %broadcast_in_dim3A_228 : vector<1xf32> to vector<16xf32>
      %mul3A_230 = arith.constant 16 : i32
      %mul3A_231 = arith.muli %add3A_49, %mul3A_230 : i32
      %add3A_232 = arith.constant 15 : i32
      %add3A_233 = arith.addi %mul3A_231, %add3A_232 : i32
      %get3A_234 = arith.index_cast %add3A_233 : i32 to index
      %get3A_235 = tpu.vector_load %arg10[%get3A_234] {strides = array<i32>} : memref<512xf32, #tpu.memory_space<vmem>>, vector<1xf32>,
      %get3A_236 = vector.shape_cast %get3A_235 : vector<1xf32> to vector<1xf32>
      %broadcast_in_dim3A_237 = vector.shape_cast %get3A_236 : vector<1xf32> to vector<1xf32>
      %broadcast_in_dim3A_238 = vector.broadcast %broadcast_in_dim3A_237 : vector<1xf32> to vector<16xf32>
      %sub3A = arith.subf %broadcast_in_dim3A_85, %broadcast_in_dim3A_67 : vector<16xf32>
      %max3A = arith.constant 0.000000e+00 : f32
      %max3A_239 = vector.broadcast %max3A : f32 to vector<16xf32>
      %max3A_240 = arith.maximumf %sub3A, %max3A_239 : vector<16xf32>
      %sub3A_241 = arith.subf %broadcast_in_dim3A_94, %broadcast_in_dim3A_76 : vector<16xf32>
      %max3A_242 = arith.constant 0.000000e+00 : f32
      %max3A_243 = vector.broadcast %max3A_242 : f32 to vector<16xf32>
      %max3A_244 = arith.maximumf %sub3A_241, %max3A_243 : vector<16xf32>
      %mul3A_245 = arith.mulf %max3A_240, %max3A_244 : vector<16xf32>
      %scan3A_246 = arith.constant 0 : i32
      %scan3A_247 = arith.constant 32 : i32
      %scan3A_248 = arith.addi %scan3A_246, %scan3A_247 : i32
      %scan3A_249 = arith.constant 1 : i32
      scf.for %scan3A_275 = %scan3A_246 to %scan3A_248 step %scan3A_249  : i32 {
        %mul3A_276 = arith.constant 1 : i32
        %mul3A_277 = arith.muli %scan3A_275, %mul3A_276 : i32
        %add3A_278 = arith.constant 0 : i32
        %add3A_279 = arith.addi %add3A_278, %mul3A_277 : i32
        %mul3A_280 = arith.constant 16 : i32
        %mul3A_281 = arith.muli %add3A_279, %mul3A_280 : i32
        %get3A_282 = arith.constant 0 : i32
        %get3A_283 = arith.index_cast %get3A_282 : i32 to index
        %get3A_284 = arith.index_cast %mul3A_281 : i32 to index
        %get3A_285 = tpu.vector_load %arg8[%get3A_283, %get3A_284] {strides = array<i32>} : memref<16x512xf32, #tpu.memory_space<vmem>>, vector<1x16xf32>,
        %get3A_286 = vector.shape_cast %get3A_285 : vector<1x16xf32> to vector<16xf32>
        %mul3A_287 = arith.mulf %broadcast_in_dim3A_103, %get3A_286 : vector<16xf32>
        %get3A_288 = arith.constant 1 : i32
        %get3A_289 = arith.index_cast %get3A_288 : i32 to index
        %get3A_290 = arith.index_cast %mul3A_281 : i32 to index
        %get3A_291 = tpu.vector_load %arg8[%get3A_289, %get3A_290] {strides = array<i32>} : memref<16x512xf32, #tpu.memory_space<vmem>>, vector<1x16xf32>,
        %get3A_292 = vector.shape_cast %get3A_291 : vector<1x16xf32> to vector<16xf32>
        %mul3A_293 = arith.mulf %broadcast_in_dim3A_112, %get3A_292 : vector<16xf32>
        %add3A_294 = arith.addf %mul3A_287, %mul3A_293 : vector<16xf32>
        %get3A_295 = arith.constant 2 : i32
        %get3A_296 = arith.index_cast %get3A_295 : i32 to index
        %get3A_297 = arith.index_cast %mul3A_281 : i32 to index
        %get3A_298 = tpu.vector_load %arg8[%get3A_296, %get3A_297] {strides = array<i32>} : memref<16x512xf32, #tpu.memory_space<vmem>>, vector<1x16xf32>,
        %get3A_299 = vector.shape_cast %get3A_298 : vector<1x16xf32> to vector<16xf32>
        %mul3A_300 = arith.mulf %broadcast_in_dim3A_121, %get3A_299 : vector<16xf32>
        %add3A_301 = arith.addf %add3A_294, %mul3A_300 : vector<16xf32>
        %get3A_302 = arith.constant 3 : i32
        %get3A_303 = arith.index_cast %get3A_302 : i32 to index
        %get3A_304 = arith.index_cast %mul3A_281 : i32 to index
        %get3A_305 = tpu.vector_load %arg8[%get3A_303, %get3A_304] {strides = array<i32>} : memref<16x512xf32, #tpu.memory_space<vmem>>, vector<1x16xf32>,
        %get3A_306 = vector.shape_cast %get3A_305 : vector<1x16xf32> to vector<16xf32>
        %mul3A_307 = arith.mulf %broadcast_in_dim3A_130, %get3A_306 : vector<16xf32>
        %add3A_308 = arith.addf %add3A_301, %mul3A_307 : vector<16xf32>
        %get3A_309 = arith.constant 4 : i32
        %get3A_310 = arith.index_cast %get3A_309 : i32 to index
        %get3A_311 = arith.index_cast %mul3A_281 : i32 to index
        %get3A_312 = tpu.vector_load %arg8[%get3A_310, %get3A_311] {strides = array<i32>} : memref<16x512xf32, #tpu.memory_space<vmem>>, vector<1x16xf32>,
        %get3A_313 = vector.shape_cast %get3A_312 : vector<1x16xf32> to vector<16xf32>
        %mul3A_314 = arith.mulf %broadcast_in_dim3A_139, %get3A_313 : vector<16xf32>
        %add3A_315 = arith.addf %add3A_308, %mul3A_314 : vector<16xf32>
        %get3A_316 = arith.constant 5 : i32
        %get3A_317 = arith.index_cast %get3A_316 : i32 to index
        %get3A_318 = arith.index_cast %mul3A_281 : i32 to index
        %get3A_319 = tpu.vector_load %arg8[%get3A_317, %get3A_318] {strides = array<i32>} : memref<16x512xf32, #tpu.memory_space<vmem>>, vector<1x16xf32>,
        %get3A_320 = vector.shape_cast %get3A_319 : vector<1x16xf32> to vector<16xf32>
        %mul3A_321 = arith.mulf %broadcast_in_dim3A_148, %get3A_320 : vector<16xf32>
        %add3A_322 = arith.addf %add3A_315, %mul3A_321 : vector<16xf32>
        %get3A_323 = arith.constant 6 : i32
        %get3A_324 = arith.index_cast %get3A_323 : i32 to index
        %get3A_325 = arith.index_cast %mul3A_281 : i32 to index
        %get3A_326 = tpu.vector_load %arg8[%get3A_324, %get3A_325] {strides = array<i32>} : memref<16x512xf32, #tpu.memory_space<vmem>>, vector<1x16xf32>,
        %get3A_327 = vector.shape_cast %get3A_326 : vector<1x16xf32> to vector<16xf32>
        %mul3A_328 = arith.mulf %broadcast_in_dim3A_157, %get3A_327 : vector<16xf32>
        %add3A_329 = arith.addf %add3A_322, %mul3A_328 : vector<16xf32>
        %get3A_330 = arith.constant 7 : i32
        %get3A_331 = arith.index_cast %get3A_330 : i32 to index
        %get3A_332 = arith.index_cast %mul3A_281 : i32 to index
        %get3A_333 = tpu.vector_load %arg8[%get3A_331, %get3A_332] {strides = array<i32>} : memref<16x512xf32, #tpu.memory_space<vmem>>, vector<1x16xf32>,
        %get3A_334 = vector.shape_cast %get3A_333 : vector<1x16xf32> to vector<16xf32>
        %mul3A_335 = arith.mulf %broadcast_in_dim3A_166, %get3A_334 : vector<16xf32>
        %add3A_336 = arith.addf %add3A_329, %mul3A_335 : vector<16xf32>
        %get3A_337 = arith.constant 8 : i32
        %get3A_338 = arith.index_cast %get3A_337 : i32 to index
        %get3A_339 = arith.index_cast %mul3A_281 : i32 to index
        %get3A_340 = tpu.vector_load %arg8[%get3A_338, %get3A_339] {strides = array<i32>} : memref<16x512xf32, #tpu.memory_space<vmem>>, vector<1x16xf32>,
        %get3A_341 = vector.shape_cast %get3A_340 : vector<1x16xf32> to vector<16xf32>
        %mul3A_342 = arith.mulf %broadcast_in_dim3A_175, %get3A_341 : vector<16xf32>
        %add3A_343 = arith.addf %add3A_336, %mul3A_342 : vector<16xf32>
        %get3A_344 = arith.constant 9 : i32
        %get3A_345 = arith.index_cast %get3A_344 : i32 to index
        %get3A_346 = arith.index_cast %mul3A_281 : i32 to index
        %get3A_347 = tpu.vector_load %arg8[%get3A_345, %get3A_346] {strides = array<i32>} : memref<16x512xf32, #tpu.memory_space<vmem>>, vector<1x16xf32>,
        %get3A_348 = vector.shape_cast %get3A_347 : vector<1x16xf32> to vector<16xf32>
        %mul3A_349 = arith.mulf %broadcast_in_dim3A_184, %get3A_348 : vector<16xf32>
        %add3A_350 = arith.addf %add3A_343, %mul3A_349 : vector<16xf32>
        %get3A_351 = arith.constant 10 : i32
        %get3A_352 = arith.index_cast %get3A_351 : i32 to index
        %get3A_353 = arith.index_cast %mul3A_281 : i32 to index
        %get3A_354 = tpu.vector_load %arg8[%get3A_352, %get3A_353] {strides = array<i32>} : memref<16x512xf32, #tpu.memory_space<vmem>>, vector<1x16xf32>,
        %get3A_355 = vector.shape_cast %get3A_354 : vector<1x16xf32> to vector<16xf32>
        %mul3A_356 = arith.mulf %broadcast_in_dim3A_193, %get3A_355 : vector<16xf32>
        %add3A_357 = arith.addf %add3A_350, %mul3A_356 : vector<16xf32>
        %get3A_358 = arith.constant 11 : i32
        %get3A_359 = arith.index_cast %get3A_358 : i32 to index
        %get3A_360 = arith.index_cast %mul3A_281 : i32 to index
        %get3A_361 = tpu.vector_load %arg8[%get3A_359, %get3A_360] {strides = array<i32>} : memref<16x512xf32, #tpu.memory_space<vmem>>, vector<1x16xf32>,
        %get3A_362 = vector.shape_cast %get3A_361 : vector<1x16xf32> to vector<16xf32>
        %mul3A_363 = arith.mulf %broadcast_in_dim3A_202, %get3A_362 : vector<16xf32>
        %add3A_364 = arith.addf %add3A_357, %mul3A_363 : vector<16xf32>
        %get3A_365 = arith.constant 12 : i32
        %get3A_366 = arith.index_cast %get3A_365 : i32 to index
        %get3A_367 = arith.index_cast %mul3A_281 : i32 to index
        %get3A_368 = tpu.vector_load %arg8[%get3A_366, %get3A_367] {strides = array<i32>} : memref<16x512xf32, #tpu.memory_space<vmem>>, vector<1x16xf32>,
        %get3A_369 = vector.shape_cast %get3A_368 : vector<1x16xf32> to vector<16xf32>
        %mul3A_370 = arith.mulf %broadcast_in_dim3A_211, %get3A_369 : vector<16xf32>
        %add3A_371 = arith.addf %add3A_364, %mul3A_370 : vector<16xf32>
        %get3A_372 = arith.constant 13 : i32
        %get3A_373 = arith.index_cast %get3A_372 : i32 to index
        %get3A_374 = arith.index_cast %mul3A_281 : i32 to index
        %get3A_375 = tpu.vector_load %arg8[%get3A_373, %get3A_374] {strides = array<i32>} : memref<16x512xf32, #tpu.memory_space<vmem>>, vector<1x16xf32>,
        %get3A_376 = vector.shape_cast %get3A_375 : vector<1x16xf32> to vector<16xf32>
        %mul3A_377 = arith.mulf %broadcast_in_dim3A_220, %get3A_376 : vector<16xf32>
        %add3A_378 = arith.addf %add3A_371, %mul3A_377 : vector<16xf32>
        %get3A_379 = arith.constant 14 : i32
        %get3A_380 = arith.index_cast %get3A_379 : i32 to index
        %get3A_381 = arith.index_cast %mul3A_281 : i32 to index
        %get3A_382 = tpu.vector_load %arg8[%get3A_380, %get3A_381] {strides = array<i32>} : memref<16x512xf32, #tpu.memory_space<vmem>>, vector<1x16xf32>,
        %get3A_383 = vector.shape_cast %get3A_382 : vector<1x16xf32> to vector<16xf32>
        %mul3A_384 = arith.mulf %broadcast_in_dim3A_229, %get3A_383 : vector<16xf32>
        %add3A_385 = arith.addf %add3A_378, %mul3A_384 : vector<16xf32>
        %get3A_386 = arith.constant 15 : i32
        %get3A_387 = arith.index_cast %get3A_386 : i32 to index
        %get3A_388 = arith.index_cast %mul3A_281 : i32 to index
        %get3A_389 = tpu.vector_load %arg8[%get3A_387, %get3A_388] {strides = array<i32>} : memref<16x512xf32, #tpu.memory_space<vmem>>, vector<1x16xf32>,
        %get3A_390 = vector.shape_cast %get3A_389 : vector<1x16xf32> to vector<16xf32>
        %mul3A_391 = arith.mulf %broadcast_in_dim3A_238, %get3A_390 : vector<16xf32>
        %add3A_392 = arith.addf %add3A_385, %mul3A_391 : vector<16xf32>
        %get3A_393 = arith.constant 0 : i32
        %get3A_394 = arith.index_cast %get3A_393 : i32 to index
        %get3A_395 = arith.index_cast %mul3A_281 : i32 to index
        %get3A_396 = tpu.vector_load %arg9[%get3A_394, %get3A_395] {strides = array<i32>} : memref<4x512xf32, #tpu.memory_space<vmem>>, vector<1x16xf32>,
        %get3A_397 = vector.shape_cast %get3A_396 : vector<1x16xf32> to vector<16xf32>
        %get3A_398 = arith.constant 1 : i32
        %get3A_399 = arith.index_cast %get3A_398 : i32 to index
        %get3A_400 = arith.index_cast %mul3A_281 : i32 to index
        %get3A_401 = tpu.vector_load %arg9[%get3A_399, %get3A_400] {strides = array<i32>} : memref<4x512xf32, #tpu.memory_space<vmem>>, vector<1x16xf32>,
        %get3A_402 = vector.shape_cast %get3A_401 : vector<1x16xf32> to vector<16xf32>
        %get3A_403 = arith.constant 2 : i32
        %get3A_404 = arith.index_cast %get3A_403 : i32 to index
        %get3A_405 = arith.index_cast %mul3A_281 : i32 to index
        %get3A_406 = tpu.vector_load %arg9[%get3A_404, %get3A_405] {strides = array<i32>} : memref<4x512xf32, #tpu.memory_space<vmem>>, vector<1x16xf32>,
        %get3A_407 = vector.shape_cast %get3A_406 : vector<1x16xf32> to vector<16xf32>
        %get3A_408 = arith.constant 3 : i32
        %get3A_409 = arith.index_cast %get3A_408 : i32 to index
        %get3A_410 = arith.index_cast %mul3A_281 : i32 to index
        %get3A_411 = tpu.vector_load %arg9[%get3A_409, %get3A_410] {strides = array<i32>} : memref<4x512xf32, #tpu.memory_space<vmem>>, vector<1x16xf32>,
        %get3A_412 = vector.shape_cast %get3A_411 : vector<1x16xf32> to vector<16xf32>
        %sub3A_413 = arith.subf %broadcast_in_dim3A_67, %get3A_397 : vector<16xf32>
        %abs3A = math.absf %sub3A_413 : vector<16xf32>
        %sub3A_414 = arith.subf %broadcast_in_dim3A_76, %get3A_402 : vector<16xf32>
        %abs3A_415 = math.absf %sub3A_414 : vector<16xf32>
        %add3A_416 = arith.addf %abs3A, %abs3A_415 : vector<16xf32>
        %sub3A_417 = arith.subf %broadcast_in_dim3A_85, %get3A_407 : vector<16xf32>
        %abs3A_418 = math.absf %sub3A_417 : vector<16xf32>
        %add3A_419 = arith.addf %add3A_416, %abs3A_418 : vector<16xf32>
        %sub3A_420 = arith.subf %broadcast_in_dim3A_94, %get3A_412 : vector<16xf32>
        %abs3A_421 = math.absf %sub3A_420 : vector<16xf32>
        %add3A_422 = arith.addf %add3A_419, %abs3A_421 : vector<16xf32>
        %sub3A_423 = arith.subf %get3A_407, %get3A_397 : vector<16xf32>
        %max3A_424 = arith.constant 0.000000e+00 : f32
        %max3A_425 = vector.broadcast %max3A_424 : f32 to vector<16xf32>
        %max3A_426 = arith.maximumf %sub3A_423, %max3A_425 : vector<16xf32>
        %sub3A_427 = arith.subf %get3A_412, %get3A_402 : vector<16xf32>
        %max3A_428 = arith.constant 0.000000e+00 : f32
        %max3A_429 = vector.broadcast %max3A_428 : f32 to vector<16xf32>
        %max3A_430 = arith.maximumf %sub3A_427, %max3A_429 : vector<16xf32>
        %mul3A_431 = arith.mulf %max3A_426, %max3A_430 : vector<16xf32>
        %min3A = arith.minimumf %get3A_407, %broadcast_in_dim3A_85 : vector<16xf32>
        %max3A_432 = arith.maximumf %get3A_397, %broadcast_in_dim3A_67 : vector<16xf32>
        %sub3A_433 = arith.subf %min3A, %max3A_432 : vector<16xf32>
        %min3A_434 = arith.minimumf %get3A_412, %broadcast_in_dim3A_94 : vector<16xf32>
        %max3A_435 = arith.maximumf %get3A_402, %broadcast_in_dim3A_76 : vector<16xf32>
        %sub3A_436 = arith.subf %min3A_434, %max3A_435 : vector<16xf32>
        %max3A_437 = arith.constant 0.000000e+00 : f32
        %max3A_438 = vector.broadcast %max3A_437 : f32 to vector<16xf32>
        %max3A_439 = arith.maximumf %sub3A_433, %max3A_438 : vector<16xf32>
        %max3A_440 = arith.constant 0.000000e+00 : f32
        %max3A_441 = vector.broadcast %max3A_440 : f32 to vector<16xf32>
        %max3A_442 = arith.maximumf %sub3A_436, %max3A_441 : vector<16xf32>
        %mul3A_443 = arith.mulf %max3A_439, %max3A_442 : vector<16xf32>
        %add3A_444 = arith.addf %mul3A_431, %mul3A_245 : vector<16xf32>
        %sub3A_445 = arith.subf %add3A_444, %mul3A_443 : vector<16xf32>
        %gt3A = arith.constant 0.000000e+00 : f32
        %gt3A_446 = vector.broadcast %gt3A : f32 to vector<16xf32>
        %gt3A_447 = arith.cmpf ogt, %sub3A_445, %gt3A_446 : vector<16xf32>
        %jit3A = arith.constant 1.000000e+00 : f32
        %broadcast_in_dim3A_448 = vector.broadcast %jit3A : f32 to vector<16xf32>
        %select_n3A = arith.select %gt3A_447, %sub3A_445, %broadcast_in_dim3A_448 : vector<16xi1>, vector<16xf32>
        %div3A = arith.divf %mul3A_443, %select_n3A : vector<16xf32>
        %add3A_449 = arith.addf %max3A_426, %max3A_240 : vector<16xf32>
        %sub3A_450 = arith.subf %add3A_449, %sub3A_433 : vector<16xf32>
        %add3A_451 = arith.addf %max3A_430, %max3A_244 : vector<16xf32>
        %sub3A_452 = arith.subf %add3A_451, %sub3A_436 : vector<16xf32>
        %mul3A_453 = arith.mulf %sub3A_450, %sub3A_452 : vector<16xf32>
        %sub3A_454 = arith.subf %mul3A_453, %sub3A_445 : vector<16xf32>
        %gt3A_455 = arith.constant 0.000000e+00 : f32
        %gt3A_456 = vector.broadcast %gt3A_455 : f32 to vector<16xf32>
        %gt3A_457 = arith.cmpf ogt, %mul3A_453, %gt3A_456 : vector<16xf32>
        %jit3A_458 = arith.constant 1.000000e+00 : f32
        %broadcast_in_dim3A_459 = vector.broadcast %jit3A_458 : f32 to vector<16xf32>
        %select_n3A_460 = arith.select %gt3A_457, %mul3A_453, %broadcast_in_dim3A_459 : vector<16xi1>, vector<16xf32>
        %div3A_461 = arith.divf %sub3A_454, %select_n3A_460 : vector<16xf32>
        %mul3A_462 = arith.constant 2.500000e+00 : f32
        %mul3A_463 = vector.broadcast %mul3A_462 : f32 to vector<16xf32>
        %mul3A_464 = arith.mulf %mul3A_463, %add3A_422 : vector<16xf32>
        %add3A_465 = arith.addf %add3A_392, %mul3A_464 : vector<16xf32>
        %sub3A_466 = arith.constant 1.000000e+00 : f32
        %sub3A_467 = vector.broadcast %sub3A_466 : f32 to vector<16xf32>
        %sub3A_468 = arith.subf %sub3A_467, %div3A : vector<16xf32>
        %add3A_469 = arith.addf %add3A_465, %sub3A_468 : vector<16xf32>
        %add3A_470 = arith.addf %add3A_469, %div3A_461 : vector<16xf32>
        %get3A_471 = arith.constant 0 : index
        %get3A_472 = tpu.vector_load %arg12[%get3A_471] {strides = array<i32>} : memref<16xf32, #tpu.memory_space<vmem>>, vector<16xf32>,
        %get3A_473 = vector.shape_cast %get3A_472 : vector<16xf32> to vector<16xf32>
        %lt3A = arith.cmpf olt, %add3A_470, %get3A_473 : vector<16xf32>
        %min3A_474 = arith.minimumf %add3A_470, %get3A_473 : vector<16xf32>
        %swap3A_475 = arith.constant 0 : index
        %swap3A_476 = tpu.vector_load %arg12[%swap3A_475] {strides = array<i32>} : memref<16xf32, #tpu.memory_space<vmem>>, vector<16xf32>,
        %swap3A_477 = vector.shape_cast %swap3A_476 : vector<16xf32> to vector<16xf32>
        %swap3A_478 = vector.shape_cast %min3A_474 : vector<16xf32> to vector<16xf32>
        tpu.vector_store %arg12[%swap3A_475], %swap3A_478 {strides = array<i32>} : memref<16xf32, #tpu.memory_space<vmem>>, vector<16xf32>,
        %get3A_479 = arith.constant 0 : index
        %get3A_480 = tpu.vector_load %arg13[%get3A_479] {strides = array<i32>} : memref<16xi32, #tpu.memory_space<vmem>>, vector<16xi32>,
        %get3A_481 = vector.shape_cast %get3A_480 : vector<16xi32> to vector<16xi32>
        %broadcast_in_dim3A_482 = vector.broadcast %add3A_279 : i32 to vector<16xi32>
        %select_n3A_483 = arith.select %lt3A, %broadcast_in_dim3A_482, %get3A_481 : vector<16xi1>, vector<16xi32>
        %swap3A_484 = arith.constant 0 : index
        %swap3A_485 = tpu.vector_load %arg13[%swap3A_484] {strides = array<i32>} : memref<16xi32, #tpu.memory_space<vmem>>, vector<16xi32>,
        %swap3A_486 = vector.shape_cast %swap3A_485 : vector<16xi32> to vector<16xi32>
        %swap3A_487 = vector.shape_cast %select_n3A_483 : vector<16xi32> to vector<16xi32>
        tpu.vector_store %arg13[%swap3A_484], %swap3A_487 {strides = array<i32>} : memref<16xi32, #tpu.memory_space<vmem>>, vector<16xi32>,
      }
      %scan3A_250 = arith.constant 32 : i32
      %get3A_251 = arith.constant 0 : index
      %get3A_252 = tpu.vector_load %arg12[%get3A_251] {strides = array<i32>} : memref<16xf32, #tpu.memory_space<vmem>>, vector<16xf32>,
      %get3A_253 = vector.shape_cast %get3A_252 : vector<16xf32> to vector<16xf32>
      %mul3A_254 = arith.constant 16 : i32
      %mul3A_255 = arith.muli %add3A_49, %mul3A_254 : i32
      %swap3A_256 = arith.index_cast %mul3A_255 : i32 to index
      %swap3A_257 = tpu.vector_load %arg14[%swap3A_256] {strides = array<i32>} : memref<512xf32, #tpu.memory_space<vmem>>, vector<16xf32>,
      %swap3A_258 = vector.shape_cast %swap3A_257 : vector<16xf32> to vector<16xf32>
      %swap3A_259 = vector.shape_cast %get3A_253 : vector<16xf32> to vector<16xf32>
      tpu.vector_store %arg14[%swap3A_256], %swap3A_259 {strides = array<i32>} : memref<512xf32, #tpu.memory_space<vmem>>, vector<16xf32>,
      %get3A_260 = arith.constant 0 : index
      %get3A_261 = tpu.vector_load %arg13[%get3A_260] {strides = array<i32>} : memref<16xi32, #tpu.memory_space<vmem>>, vector<16xi32>,
      %get3A_262 = vector.shape_cast %get3A_261 : vector<16xi32> to vector<16xi32>
      %mul3A_263 = arith.constant 16 : i32
      %mul3A_264 = vector.broadcast %mul3A_263 : i32 to vector<16xi32>
      %mul3A_265 = arith.muli %get3A_262, %mul3A_264 : vector<16xi32>
      %add3A_266 = arith.addi %mul3A_265, %iota3A : vector<16xi32>
      %add3A_267 = vector.broadcast %mul3A_2 : i32 to vector<16xi32>
      %add3A_268 = arith.addi %add3A_266, %add3A_267 : vector<16xi32>
      %mul3A_269 = arith.constant 16 : i32
      %mul3A_270 = arith.muli %add3A_49, %mul3A_269 : i32
      %swap3A_271 = arith.index_cast %mul3A_270 : i32 to index
      %swap3A_272 = tpu.vector_load %arg15[%swap3A_271] {strides = array<i32>} : memref<512xi32, #tpu.memory_space<vmem>>, vector<16xi32>,
      %swap3A_273 = vector.shape_cast %swap3A_272 : vector<16xi32> to vector<16xi32>
      %swap3A_274 = vector.shape_cast %add3A_268 : vector<16xi32> to vector<16xi32>
      tpu.vector_store %arg15[%swap3A_271], %swap3A_274 {strides = array<i32>} : memref<512xi32, #tpu.memory_space<vmem>>, vector<16xi32>,
    }
    %scan3A_9 = arith.constant 32 : i32
    %run_scoped3A_10 = arith.constant 0 : i32
    "tpu.region"() ({
      %run_scoped3A_45 = tpu.sem_alloc : memref<!tpu.dma_semaphore, #tpu.memory_space<semaphore_mem>>
      %dma_start3A = arith.constant 0 : i32
      %dma_start3A_46 = tpu.memref_slice %arg6[%add3A, %run_scoped3A_10, %dma_start3A] : memref<32x4x512xf32, #tpu.memory_space<hbm>> -> memref<1x1x512xf32, #tpu.memory_space<hbm>>
      %dma_start3A_47 = tpu.memref_squeeze %dma_start3A_46 : memref<1x1x512xf32, #tpu.memory_space<hbm>> -> memref<512xf32, #tpu.memory_space<hbm>>
      %dma_start3A_48 = arith.constant 0 : i32
      %dma_start3A_49 = tpu.memref_slice %arg6[%add3A, %run_scoped3A_10, %dma_start3A_48] : memref<32x4x512xf32, #tpu.memory_space<hbm>> -> memref<1x1x512xf32, #tpu.memory_space<hbm>>
      %dma_start3A_50 = tpu.memref_squeeze %dma_start3A_49 : memref<1x1x512xf32, #tpu.memory_space<hbm>> -> memref<512xf32, #tpu.memory_space<hbm>>
      tpu.enqueue_dma source(%arg14 : memref<512xf32, #tpu.memory_space<vmem>>) target(%dma_start3A_50 : memref<512xf32, #tpu.memory_space<hbm>>) target_semaphore(%run_scoped3A_45 : memref<!tpu.dma_semaphore, #tpu.memory_space<semaphore_mem>>)
      %dma_wait3A = arith.constant 0 : i32
      %dma_wait3A_51 = tpu.memref_slice %arg6[%add3A, %run_scoped3A_10, %dma_wait3A] : memref<32x4x512xf32, #tpu.memory_space<hbm>> -> memref<1x1x512xf32, #tpu.memory_space<hbm>>
      %dma_wait3A_52 = tpu.memref_squeeze %dma_wait3A_51 : memref<1x1x512xf32, #tpu.memory_space<hbm>> -> memref<512xf32, #tpu.memory_space<hbm>>
      %dma_wait3A_53 = arith.constant 0 : i32
      %dma_wait3A_54 = tpu.memref_slice %arg6[%add3A, %run_scoped3A_10, %dma_wait3A_53] : memref<32x4x512xf32, #tpu.memory_space<hbm>> -> memref<1x1x512xf32, #tpu.memory_space<hbm>>
      %dma_wait3A_55 = tpu.memref_squeeze %dma_wait3A_54 : memref<1x1x512xf32, #tpu.memory_space<hbm>> -> memref<512xf32, #tpu.memory_space<hbm>>
      tpu.wait_dma2 semaphore(%run_scoped3A_45 : memref<!tpu.dma_semaphore, #tpu.memory_space<semaphore_mem>>) src(%arg14 : memref<512xf32, #tpu.memory_space<vmem>>) dst(%dma_wait3A_55 : memref<512xf32, #tpu.memory_space<hbm>>)
      tpu.yield
    }) : () -> ()
    %run_scoped3A_11 = arith.constant 0 : i32
    "tpu.region"() ({
      %run_scoped3A_45 = tpu.sem_alloc : memref<!tpu.dma_semaphore, #tpu.memory_space<semaphore_mem>>
      %dma_start3A = arith.constant 0 : i32
      %dma_start3A_46 = tpu.memref_slice %arg7[%add3A, %run_scoped3A_11, %dma_start3A] : memref<32x4x512xi32, #tpu.memory_space<hbm>> -> memref<1x1x512xi32, #tpu.memory_space<hbm>>
      %dma_start3A_47 = tpu.memref_squeeze %dma_start3A_46 : memref<1x1x512xi32, #tpu.memory_space<hbm>> -> memref<512xi32, #tpu.memory_space<hbm>>
      %dma_start3A_48 = arith.constant 0 : i32
      %dma_start3A_49 = tpu.memref_slice %arg7[%add3A, %run_scoped3A_11, %dma_start3A_48] : memref<32x4x512xi32, #tpu.memory_space<hbm>> -> memref<1x1x512xi32, #tpu.memory_space<hbm>>
      %dma_start3A_50 = tpu.memref_squeeze %dma_start3A_49 : memref<1x1x512xi32, #tpu.memory_space<hbm>> -> memref<512xi32, #tpu.memory_space<hbm>>
      tpu.enqueue_dma source(%arg15 : memref<512xi32, #tpu.memory_space<vmem>>) target(%dma_start3A_50 : memref<512xi32, #tpu.memory_space<hbm>>) target_semaphore(%run_scoped3A_45 : memref<!tpu.dma_semaphore, #tpu.memory_space<semaphore_mem>>)
      %dma_wait3A = arith.constant 0 : i32
      %dma_wait3A_51 = tpu.memref_slice %arg7[%add3A, %run_scoped3A_11, %dma_wait3A] : memref<32x4x512xi32, #tpu.memory_space<hbm>> -> memref<1x1x512xi32, #tpu.memory_space<hbm>>
      %dma_wait3A_52 = tpu.memref_squeeze %dma_wait3A_51 : memref<1x1x512xi32, #tpu.memory_space<hbm>> -> memref<512xi32, #tpu.memory_space<hbm>>
      %dma_wait3A_53 = arith.constant 0 : i32
      %dma_wait3A_54 = tpu.memref_slice %arg7[%add3A, %run_scoped3A_11, %dma_wait3A_53] : memref<32x4x512xi32, #tpu.memory_space<hbm>> -> memref<1x1x512xi32, #tpu.memory_space<hbm>>
      %dma_wait3A_55 = tpu.memref_squeeze %dma_wait3A_54 : memref<1x1x512xi32, #tpu.memory_space<hbm>> -> memref<512xi32, #tpu.memory_space<hbm>>
      tpu.wait_dma2 semaphore(%run_scoped3A_45 : memref<!tpu.dma_semaphore, #tpu.memory_space<semaphore_mem>>) src(%arg15 : memref<512xi32, #tpu.memory_space<vmem>>) dst(%dma_wait3A_55 : memref<512xi32, #tpu.memory_space<hbm>>)
      tpu.yield
    }) : () -> ()
    %run_scoped3A_12 = arith.constant 1 : i32
    "tpu.region"() ({
      %run_scoped3A_45 = tpu.sem_alloc : memref<!tpu.dma_semaphore, #tpu.memory_space<semaphore_mem>>
      %dma_start3A = arith.constant 0 : i32
      %dma_start3A_46 = tpu.memref_slice %arg2[%run_scoped3A_12, %dma_start3A, %mul3A_2] : memref<4x16x16384xf32, #tpu.memory_space<hbm>> -> memref<1x16x512xf32, #tpu.memory_space<hbm>>
      %dma_start3A_47 = tpu.memref_squeeze %dma_start3A_46 : memref<1x16x512xf32, #tpu.memory_space<hbm>> -> memref<16x512xf32, #tpu.memory_space<hbm>>
      %dma_start3A_48 = arith.constant 0 : i32
      %dma_start3A_49 = tpu.memref_slice %arg2[%run_scoped3A_12, %dma_start3A_48, %mul3A_2] : memref<4x16x16384xf32, #tpu.memory_space<hbm>> -> memref<1x16x512xf32, #tpu.memory_space<hbm>>
      %dma_start3A_50 = tpu.memref_squeeze %dma_start3A_49 : memref<1x16x512xf32, #tpu.memory_space<hbm>> -> memref<16x512xf32, #tpu.memory_space<hbm>>
      tpu.enqueue_dma source(%dma_start3A_50 : memref<16x512xf32, #tpu.memory_space<hbm>>) target(%arg8 : memref<16x512xf32, #tpu.memory_space<vmem>>) target_semaphore(%run_scoped3A_45 : memref<!tpu.dma_semaphore, #tpu.memory_space<semaphore_mem>>)
      %dma_wait3A = arith.constant 0 : i32
      %dma_wait3A_51 = tpu.memref_slice %arg2[%run_scoped3A_12, %dma_wait3A, %mul3A_2] : memref<4x16x16384xf32, #tpu.memory_space<hbm>> -> memref<1x16x512xf32, #tpu.memory_space<hbm>>
      %dma_wait3A_52 = tpu.memref_squeeze %dma_wait3A_51 : memref<1x16x512xf32, #tpu.memory_space<hbm>> -> memref<16x512xf32, #tpu.memory_space<hbm>>
      %dma_wait3A_53 = arith.constant 0 : i32
      %dma_wait3A_54 = tpu.memref_slice %arg2[%run_scoped3A_12, %dma_wait3A_53, %mul3A_2] : memref<4x16x16384xf32, #tpu.memory_space<hbm>> -> memref<1x16x512xf32, #tpu.memory_space<hbm>>
      %dma_wait3A_55 = tpu.memref_squeeze %dma_wait3A_54 : memref<1x16x512xf32, #tpu.memory_space<hbm>> -> memref<16x512xf32, #tpu.memory_space<hbm>>
      tpu.wait_dma2 semaphore(%run_scoped3A_45 : memref<!tpu.dma_semaphore, #tpu.memory_space<semaphore_mem>>) src(%dma_wait3A_55 : memref<16x512xf32, #tpu.memory_space<hbm>>) dst(%arg8 : memref<16x512xf32, #tpu.memory_space<vmem>>)
      tpu.yield
    }) : () -> ()
    %run_scoped3A_13 = arith.constant 1 : i32
    "tpu.region"() ({
      %run_scoped3A_45 = tpu.sem_alloc : memref<!tpu.dma_semaphore, #tpu.memory_space<semaphore_mem>>
      %dma_start3A = arith.constant 0 : i32
      %dma_start3A_46 = tpu.memref_slice %arg3[%run_scoped3A_13, %dma_start3A, %mul3A_2] : memref<4x4x16384xf32, #tpu.memory_space<hbm>> -> memref<1x4x512xf32, #tpu.memory_space<hbm>>
      %dma_start3A_47 = tpu.memref_squeeze %dma_start3A_46 : memref<1x4x512xf32, #tpu.memory_space<hbm>> -> memref<4x512xf32, #tpu.memory_space<hbm>>
      %dma_start3A_48 = arith.constant 0 : i32
      %dma_start3A_49 = tpu.memref_slice %arg3[%run_scoped3A_13, %dma_start3A_48, %mul3A_2] : memref<4x4x16384xf32, #tpu.memory_space<hbm>> -> memref<1x4x512xf32, #tpu.memory_space<hbm>>
      %dma_start3A_50 = tpu.memref_squeeze %dma_start3A_49 : memref<1x4x512xf32, #tpu.memory_space<hbm>> -> memref<4x512xf32, #tpu.memory_space<hbm>>
      tpu.enqueue_dma source(%dma_start3A_50 : memref<4x512xf32, #tpu.memory_space<hbm>>) target(%arg9 : memref<4x512xf32, #tpu.memory_space<vmem>>) target_semaphore(%run_scoped3A_45 : memref<!tpu.dma_semaphore, #tpu.memory_space<semaphore_mem>>)
      %dma_wait3A = arith.constant 0 : i32
      %dma_wait3A_51 = tpu.memref_slice %arg3[%run_scoped3A_13, %dma_wait3A, %mul3A_2] : memref<4x4x16384xf32, #tpu.memory_space<hbm>> -> memref<1x4x512xf32, #tpu.memory_space<hbm>>
      %dma_wait3A_52 = tpu.memref_squeeze %dma_wait3A_51 : memref<1x4x512xf32, #tpu.memory_space<hbm>> -> memref<4x512xf32, #tpu.memory_space<hbm>>
      %dma_wait3A_53 = arith.constant 0 : i32
      %dma_wait3A_54 = tpu.memref_slice %arg3[%run_scoped3A_13, %dma_wait3A_53, %mul3A_2] : memref<4x4x16384xf32, #tpu.memory_space<hbm>> -> memref<1x4x512xf32, #tpu.memory_space<hbm>>
      %dma_wait3A_55 = tpu.memref_squeeze %dma_wait3A_54 : memref<1x4x512xf32, #tpu.memory_space<hbm>> -> memref<4x512xf32, #tpu.memory_space<hbm>>
      tpu.wait_dma2 semaphore(%run_scoped3A_45 : memref<!tpu.dma_semaphore, #tpu.memory_space<semaphore_mem>>) src(%dma_wait3A_55 : memref<4x512xf32, #tpu.memory_space<hbm>>) dst(%arg9 : memref<4x512xf32, #tpu.memory_space<vmem>>)
      tpu.yield
    }) : () -> ()
    %run_scoped3A_14 = arith.constant 1 : i32
    "tpu.region"() ({
      %run_scoped3A_45 = tpu.sem_alloc : memref<!tpu.dma_semaphore, #tpu.memory_space<semaphore_mem>>
      %dma_start3A = arith.constant 0 : i32
      %dma_start3A_46 = tpu.memref_slice %arg4[%run_scoped3A_14, %dma_start3A] : memref<4x512xf32, #tpu.memory_space<hbm>> -> memref<1x512xf32, #tpu.memory_space<hbm>>
      %dma_start3A_47 = tpu.memref_squeeze %dma_start3A_46 : memref<1x512xf32, #tpu.memory_space<hbm>> -> memref<512xf32, #tpu.memory_space<hbm>>
      %dma_start3A_48 = arith.constant 0 : i32
      %dma_start3A_49 = tpu.memref_slice %arg4[%run_scoped3A_14, %dma_start3A_48] : memref<4x512xf32, #tpu.memory_space<hbm>> -> memref<1x512xf32, #tpu.memory_space<hbm>>
      %dma_start3A_50 = tpu.memref_squeeze %dma_start3A_49 : memref<1x512xf32, #tpu.memory_space<hbm>> -> memref<512xf32, #tpu.memory_space<hbm>>
      tpu.enqueue_dma source(%dma_start3A_50 : memref<512xf32, #tpu.memory_space<hbm>>) target(%arg10 : memref<512xf32, #tpu.memory_space<vmem>>) target_semaphore(%run_scoped3A_45 : memref<!tpu.dma_semaphore, #tpu.memory_space<semaphore_mem>>)
      %dma_wait3A = arith.constant 0 : i32
      %dma_wait3A_51 = tpu.memref_slice %arg4[%run_scoped3A_14, %dma_wait3A] : memref<4x512xf32, #tpu.memory_space<hbm>> -> memref<1x512xf32, #tpu.memory_space<hbm>>
      %dma_wait3A_52 = tpu.memref_squeeze %dma_wait3A_51 : memref<1x512xf32, #tpu.memory_space<hbm>> -> memref<512xf32, #tpu.memory_space<hbm>>
      %dma_wait3A_53 = arith.constant 0 : i32
      %dma_wait3A_54 = tpu.memref_slice %arg4[%run_scoped3A_14, %dma_wait3A_53] : memref<4x512xf32, #tpu.memory_space<hbm>> -> memref<1x512xf32, #tpu.memory_space<hbm>>
      %dma_wait3A_55 = tpu.memref_squeeze %dma_wait3A_54 : memref<1x512xf32, #tpu.memory_space<hbm>> -> memref<512xf32, #tpu.memory_space<hbm>>
      tpu.wait_dma2 semaphore(%run_scoped3A_45 : memref<!tpu.dma_semaphore, #tpu.memory_space<semaphore_mem>>) src(%dma_wait3A_55 : memref<512xf32, #tpu.memory_space<hbm>>) dst(%arg10 : memref<512xf32, #tpu.memory_space<vmem>>)
      tpu.yield
    }) : () -> ()
    %run_scoped3A_15 = arith.constant 1 : i32
    "tpu.region"() ({
      %run_scoped3A_45 = tpu.sem_alloc : memref<!tpu.dma_semaphore, #tpu.memory_space<semaphore_mem>>
      %dma_start3A = arith.constant 0 : i32
      %dma_start3A_46 = tpu.memref_slice %arg5[%run_scoped3A_15, %dma_start3A] : memref<4x128xf32, #tpu.memory_space<hbm>> -> memref<1x128xf32, #tpu.memory_space<hbm>>
      %dma_start3A_47 = tpu.memref_squeeze %dma_start3A_46 : memref<1x128xf32, #tpu.memory_space<hbm>> -> memref<128xf32, #tpu.memory_space<hbm>>
      %dma_start3A_48 = arith.constant 0 : i32
      %dma_start3A_49 = tpu.memref_slice %arg5[%run_scoped3A_15, %dma_start3A_48] : memref<4x128xf32, #tpu.memory_space<hbm>> -> memref<1x128xf32, #tpu.memory_space<hbm>>
      %dma_start3A_50 = tpu.memref_squeeze %dma_start3A_49 : memref<1x128xf32, #tpu.memory_space<hbm>> -> memref<128xf32, #tpu.memory_space<hbm>>
      tpu.enqueue_dma source(%dma_start3A_50 : memref<128xf32, #tpu.memory_space<hbm>>) target(%arg11 : memref<128xf32, #tpu.memory_space<vmem>>) target_semaphore(%run_scoped3A_45 : memref<!tpu.dma_semaphore, #tpu.memory_space<semaphore_mem>>)
      %dma_wait3A = arith.constant 0 : i32
      %dma_wait3A_51 = tpu.memref_slice %arg5[%run_scoped3A_15, %dma_wait3A] : memref<4x128xf32, #tpu.memory_space<hbm>> -> memref<1x128xf32, #tpu.memory_space<hbm>>
      %dma_wait3A_52 = tpu.memref_squeeze %dma_wait3A_51 : memref<1x128xf32, #tpu.memory_space<hbm>> -> memref<128xf32, #tpu.memory_space<hbm>>
      %dma_wait3A_53 = arith.constant 0 : i32
      %dma_wait3A_54 = tpu.memref_slice %arg5[%run_scoped3A_15, %dma_wait3A_53] : memref<4x128xf32, #tpu.memory_space<hbm>> -> memref<1x128xf32, #tpu.memory_space<hbm>>
      %dma_wait3A_55 = tpu.memref_squeeze %dma_wait3A_54 : memref<1x128xf32, #tpu.memory_space<hbm>> -> memref<128xf32, #tpu.memory_space<hbm>>
      tpu.wait_dma2 semaphore(%run_scoped3A_45 : memref<!tpu.dma_semaphore, #tpu.memory_space<semaphore_mem>>) src(%dma_wait3A_55 : memref<128xf32, #tpu.memory_space<hbm>>) dst(%arg11 : memref<128xf32, #tpu.memory_space<vmem>>)
      tpu.yield
    }) : () -> ()
    %scan3A_16 = arith.constant 0 : i32
    %scan3A_17 = arith.constant 32 : i32
    %scan3A_18 = arith.addi %scan3A_16, %scan3A_17 : i32
    %scan3A_19 = arith.constant 1 : i32
    scf.for %scan3A_45 = %scan3A_16 to %scan3A_18 step %scan3A_19  : i32 {
      %mul3A_46 = arith.constant 1 : i32
      %mul3A_47 = arith.muli %scan3A_45, %mul3A_46 : i32
      %add3A_48 = arith.constant 0 : i32
      %add3A_49 = arith.addi %add3A_48, %mul3A_47 : i32
      %broadcast_in_dim3A = arith.constant 0x7F800000 : f32
      %broadcast_in_dim3A_50 = vector.broadcast %broadcast_in_dim3A : f32 to vector<16xf32>
      %swap3A = arith.constant 0 : index
      %swap3A_51 = tpu.vector_load %arg12[%swap3A] {strides = array<i32>} : memref<16xf32, #tpu.memory_space<vmem>>, vector<16xf32>,
      %swap3A_52 = vector.shape_cast %swap3A_51 : vector<16xf32> to vector<16xf32>
      %swap3A_53 = vector.shape_cast %broadcast_in_dim3A_50 : vector<16xf32> to vector<16xf32>
      tpu.vector_store %arg12[%swap3A], %swap3A_53 {strides = array<i32>} : memref<16xf32, #tpu.memory_space<vmem>>, vector<16xf32>,
      %broadcast_in_dim3A_54 = arith.constant 0 : i32
      %broadcast_in_dim3A_55 = vector.broadcast %broadcast_in_dim3A_54 : i32 to vector<16xi32>
      %swap3A_56 = arith.constant 0 : index
      %swap3A_57 = tpu.vector_load %arg13[%swap3A_56] {strides = array<i32>} : memref<16xi32, #tpu.memory_space<vmem>>, vector<16xi32>,
      %swap3A_58 = vector.shape_cast %swap3A_57 : vector<16xi32> to vector<16xi32>
      %swap3A_59 = vector.shape_cast %broadcast_in_dim3A_55 : vector<16xi32> to vector<16xi32>
      tpu.vector_store %arg13[%swap3A_56], %swap3A_59 {strides = array<i32>} : memref<16xi32, #tpu.memory_space<vmem>>, vector<16xi32>,
      %mul3A_60 = arith.constant 4 : i32
      %mul3A_61 = arith.muli %add3A_49, %mul3A_60 : i32
      %add3A_62 = arith.constant 0 : i32
      %add3A_63 = arith.addi %mul3A_61, %add3A_62 : i32
      %get3A = arith.index_cast %add3A_63 : i32 to index
      %get3A_64 = tpu.vector_load %arg11[%get3A] {strides = array<i32>} : memref<128xf32, #tpu.memory_space<vmem>>, vector<1xf32>,
      %get3A_65 = vector.shape_cast %get3A_64 : vector<1xf32> to vector<1xf32>
      %broadcast_in_dim3A_66 = vector.shape_cast %get3A_65 : vector<1xf32> to vector<1xf32>
      %broadcast_in_dim3A_67 = vector.broadcast %broadcast_in_dim3A_66 : vector<1xf32> to vector<16xf32>
      %mul3A_68 = arith.constant 4 : i32
      %mul3A_69 = arith.muli %add3A_49, %mul3A_68 : i32
      %add3A_70 = arith.constant 1 : i32
      %add3A_71 = arith.addi %mul3A_69, %add3A_70 : i32
      %get3A_72 = arith.index_cast %add3A_71 : i32 to index
      %get3A_73 = tpu.vector_load %arg11[%get3A_72] {strides = array<i32>} : memref<128xf32, #tpu.memory_space<vmem>>, vector<1xf32>,
      %get3A_74 = vector.shape_cast %get3A_73 : vector<1xf32> to vector<1xf32>
      %broadcast_in_dim3A_75 = vector.shape_cast %get3A_74 : vector<1xf32> to vector<1xf32>
      %broadcast_in_dim3A_76 = vector.broadcast %broadcast_in_dim3A_75 : vector<1xf32> to vector<16xf32>
      %mul3A_77 = arith.constant 4 : i32
      %mul3A_78 = arith.muli %add3A_49, %mul3A_77 : i32
      %add3A_79 = arith.constant 2 : i32
      %add3A_80 = arith.addi %mul3A_78, %add3A_79 : i32
      %get3A_81 = arith.index_cast %add3A_80 : i32 to index
      %get3A_82 = tpu.vector_load %arg11[%get3A_81] {strides = array<i32>} : memref<128xf32, #tpu.memory_space<vmem>>, vector<1xf32>,
      %get3A_83 = vector.shape_cast %get3A_82 : vector<1xf32> to vector<1xf32>
      %broadcast_in_dim3A_84 = vector.shape_cast %get3A_83 : vector<1xf32> to vector<1xf32>
      %broadcast_in_dim3A_85 = vector.broadcast %broadcast_in_dim3A_84 : vector<1xf32> to vector<16xf32>
      %mul3A_86 = arith.constant 4 : i32
      %mul3A_87 = arith.muli %add3A_49, %mul3A_86 : i32
      %add3A_88 = arith.constant 3 : i32
      %add3A_89 = arith.addi %mul3A_87, %add3A_88 : i32
      %get3A_90 = arith.index_cast %add3A_89 : i32 to index
      %get3A_91 = tpu.vector_load %arg11[%get3A_90] {strides = array<i32>} : memref<128xf32, #tpu.memory_space<vmem>>, vector<1xf32>,
      %get3A_92 = vector.shape_cast %get3A_91 : vector<1xf32> to vector<1xf32>
      %broadcast_in_dim3A_93 = vector.shape_cast %get3A_92 : vector<1xf32> to vector<1xf32>
      %broadcast_in_dim3A_94 = vector.broadcast %broadcast_in_dim3A_93 : vector<1xf32> to vector<16xf32>
      %mul3A_95 = arith.constant 16 : i32
      %mul3A_96 = arith.muli %add3A_49, %mul3A_95 : i32
      %add3A_97 = arith.constant 0 : i32
      %add3A_98 = arith.addi %mul3A_96, %add3A_97 : i32
      %get3A_99 = arith.index_cast %add3A_98 : i32 to index
      %get3A_100 = tpu.vector_load %arg10[%get3A_99] {strides = array<i32>} : memref<512xf32, #tpu.memory_space<vmem>>, vector<1xf32>,
      %get3A_101 = vector.shape_cast %get3A_100 : vector<1xf32> to vector<1xf32>
      %broadcast_in_dim3A_102 = vector.shape_cast %get3A_101 : vector<1xf32> to vector<1xf32>
      %broadcast_in_dim3A_103 = vector.broadcast %broadcast_in_dim3A_102 : vector<1xf32> to vector<16xf32>
      %mul3A_104 = arith.constant 16 : i32
      %mul3A_105 = arith.muli %add3A_49, %mul3A_104 : i32
      %add3A_106 = arith.constant 1 : i32
      %add3A_107 = arith.addi %mul3A_105, %add3A_106 : i32
      %get3A_108 = arith.index_cast %add3A_107 : i32 to index
      %get3A_109 = tpu.vector_load %arg10[%get3A_108] {strides = array<i32>} : memref<512xf32, #tpu.memory_space<vmem>>, vector<1xf32>,
      %get3A_110 = vector.shape_cast %get3A_109 : vector<1xf32> to vector<1xf32>
      %broadcast_in_dim3A_111 = vector.shape_cast %get3A_110 : vector<1xf32> to vector<1xf32>
      %broadcast_in_dim3A_112 = vector.broadcast %broadcast_in_dim3A_111 : vector<1xf32> to vector<16xf32>
      %mul3A_113 = arith.constant 16 : i32
      %mul3A_114 = arith.muli %add3A_49, %mul3A_113 : i32
      %add3A_115 = arith.constant 2 : i32
      %add3A_116 = arith.addi %mul3A_114, %add3A_115 : i32
      %get3A_117 = arith.index_cast %add3A_116 : i32 to index
      %get3A_118 = tpu.vector_load %arg10[%get3A_117] {strides = array<i32>} : memref<512xf32, #tpu.memory_space<vmem>>, vector<1xf32>,
      %get3A_119 = vector.shape_cast %get3A_118 : vector<1xf32> to vector<1xf32>
      %broadcast_in_dim3A_120 = vector.shape_cast %get3A_119 : vector<1xf32> to vector<1xf32>
      %broadcast_in_dim3A_121 = vector.broadcast %broadcast_in_dim3A_120 : vector<1xf32> to vector<16xf32>
      %mul3A_122 = arith.constant 16 : i32
      %mul3A_123 = arith.muli %add3A_49, %mul3A_122 : i32
      %add3A_124 = arith.constant 3 : i32
      %add3A_125 = arith.addi %mul3A_123, %add3A_124 : i32
      %get3A_126 = arith.index_cast %add3A_125 : i32 to index
      %get3A_127 = tpu.vector_load %arg10[%get3A_126] {strides = array<i32>} : memref<512xf32, #tpu.memory_space<vmem>>, vector<1xf32>,
      %get3A_128 = vector.shape_cast %get3A_127 : vector<1xf32> to vector<1xf32>
      %broadcast_in_dim3A_129 = vector.shape_cast %get3A_128 : vector<1xf32> to vector<1xf32>
      %broadcast_in_dim3A_130 = vector.broadcast %broadcast_in_dim3A_129 : vector<1xf32> to vector<16xf32>
      %mul3A_131 = arith.constant 16 : i32
      %mul3A_132 = arith.muli %add3A_49, %mul3A_131 : i32
      %add3A_133 = arith.constant 4 : i32
      %add3A_134 = arith.addi %mul3A_132, %add3A_133 : i32
      %get3A_135 = arith.index_cast %add3A_134 : i32 to index
      %get3A_136 = tpu.vector_load %arg10[%get3A_135] {strides = array<i32>} : memref<512xf32, #tpu.memory_space<vmem>>, vector<1xf32>,
      %get3A_137 = vector.shape_cast %get3A_136 : vector<1xf32> to vector<1xf32>
      %broadcast_in_dim3A_138 = vector.shape_cast %get3A_137 : vector<1xf32> to vector<1xf32>
      %broadcast_in_dim3A_139 = vector.broadcast %broadcast_in_dim3A_138 : vector<1xf32> to vector<16xf32>
      %mul3A_140 = arith.constant 16 : i32
      %mul3A_141 = arith.muli %add3A_49, %mul3A_140 : i32
      %add3A_142 = arith.constant 5 : i32
      %add3A_143 = arith.addi %mul3A_141, %add3A_142 : i32
      %get3A_144 = arith.index_cast %add3A_143 : i32 to index
      %get3A_145 = tpu.vector_load %arg10[%get3A_144] {strides = array<i32>} : memref<512xf32, #tpu.memory_space<vmem>>, vector<1xf32>,
      %get3A_146 = vector.shape_cast %get3A_145 : vector<1xf32> to vector<1xf32>
      %broadcast_in_dim3A_147 = vector.shape_cast %get3A_146 : vector<1xf32> to vector<1xf32>
      %broadcast_in_dim3A_148 = vector.broadcast %broadcast_in_dim3A_147 : vector<1xf32> to vector<16xf32>
      %mul3A_149 = arith.constant 16 : i32
      %mul3A_150 = arith.muli %add3A_49, %mul3A_149 : i32
      %add3A_151 = arith.constant 6 : i32
      %add3A_152 = arith.addi %mul3A_150, %add3A_151 : i32
      %get3A_153 = arith.index_cast %add3A_152 : i32 to index
      %get3A_154 = tpu.vector_load %arg10[%get3A_153] {strides = array<i32>} : memref<512xf32, #tpu.memory_space<vmem>>, vector<1xf32>,
      %get3A_155 = vector.shape_cast %get3A_154 : vector<1xf32> to vector<1xf32>
      %broadcast_in_dim3A_156 = vector.shape_cast %get3A_155 : vector<1xf32> to vector<1xf32>
      %broadcast_in_dim3A_157 = vector.broadcast %broadcast_in_dim3A_156 : vector<1xf32> to vector<16xf32>
      %mul3A_158 = arith.constant 16 : i32
      %mul3A_159 = arith.muli %add3A_49, %mul3A_158 : i32
      %add3A_160 = arith.constant 7 : i32
      %add3A_161 = arith.addi %mul3A_159, %add3A_160 : i32
      %get3A_162 = arith.index_cast %add3A_161 : i32 to index
      %get3A_163 = tpu.vector_load %arg10[%get3A_162] {strides = array<i32>} : memref<512xf32, #tpu.memory_space<vmem>>, vector<1xf32>,
      %get3A_164 = vector.shape_cast %get3A_163 : vector<1xf32> to vector<1xf32>
      %broadcast_in_dim3A_165 = vector.shape_cast %get3A_164 : vector<1xf32> to vector<1xf32>
      %broadcast_in_dim3A_166 = vector.broadcast %broadcast_in_dim3A_165 : vector<1xf32> to vector<16xf32>
      %mul3A_167 = arith.constant 16 : i32
      %mul3A_168 = arith.muli %add3A_49, %mul3A_167 : i32
      %add3A_169 = arith.constant 8 : i32
      %add3A_170 = arith.addi %mul3A_168, %add3A_169 : i32
      %get3A_171 = arith.index_cast %add3A_170 : i32 to index
      %get3A_172 = tpu.vector_load %arg10[%get3A_171] {strides = array<i32>} : memref<512xf32, #tpu.memory_space<vmem>>, vector<1xf32>,
      %get3A_173 = vector.shape_cast %get3A_172 : vector<1xf32> to vector<1xf32>
      %broadcast_in_dim3A_174 = vector.shape_cast %get3A_173 : vector<1xf32> to vector<1xf32>
      %broadcast_in_dim3A_175 = vector.broadcast %broadcast_in_dim3A_174 : vector<1xf32> to vector<16xf32>
      %mul3A_176 = arith.constant 16 : i32
      %mul3A_177 = arith.muli %add3A_49, %mul3A_176 : i32
      %add3A_178 = arith.constant 9 : i32
      %add3A_179 = arith.addi %mul3A_177, %add3A_178 : i32
      %get3A_180 = arith.index_cast %add3A_179 : i32 to index
      %get3A_181 = tpu.vector_load %arg10[%get3A_180] {strides = array<i32>} : memref<512xf32, #tpu.memory_space<vmem>>, vector<1xf32>,
      %get3A_182 = vector.shape_cast %get3A_181 : vector<1xf32> to vector<1xf32>
      %broadcast_in_dim3A_183 = vector.shape_cast %get3A_182 : vector<1xf32> to vector<1xf32>
      %broadcast_in_dim3A_184 = vector.broadcast %broadcast_in_dim3A_183 : vector<1xf32> to vector<16xf32>
      %mul3A_185 = arith.constant 16 : i32
      %mul3A_186 = arith.muli %add3A_49, %mul3A_185 : i32
      %add3A_187 = arith.constant 10 : i32
      %add3A_188 = arith.addi %mul3A_186, %add3A_187 : i32
      %get3A_189 = arith.index_cast %add3A_188 : i32 to index
      %get3A_190 = tpu.vector_load %arg10[%get3A_189] {strides = array<i32>} : memref<512xf32, #tpu.memory_space<vmem>>, vector<1xf32>,
      %get3A_191 = vector.shape_cast %get3A_190 : vector<1xf32> to vector<1xf32>
      %broadcast_in_dim3A_192 = vector.shape_cast %get3A_191 : vector<1xf32> to vector<1xf32>
      %broadcast_in_dim3A_193 = vector.broadcast %broadcast_in_dim3A_192 : vector<1xf32> to vector<16xf32>
      %mul3A_194 = arith.constant 16 : i32
      %mul3A_195 = arith.muli %add3A_49, %mul3A_194 : i32
      %add3A_196 = arith.constant 11 : i32
      %add3A_197 = arith.addi %mul3A_195, %add3A_196 : i32
      %get3A_198 = arith.index_cast %add3A_197 : i32 to index
      %get3A_199 = tpu.vector_load %arg10[%get3A_198] {strides = array<i32>} : memref<512xf32, #tpu.memory_space<vmem>>, vector<1xf32>,
      %get3A_200 = vector.shape_cast %get3A_199 : vector<1xf32> to vector<1xf32>
      %broadcast_in_dim3A_201 = vector.shape_cast %get3A_200 : vector<1xf32> to vector<1xf32>
      %broadcast_in_dim3A_202 = vector.broadcast %broadcast_in_dim3A_201 : vector<1xf32> to vector<16xf32>
      %mul3A_203 = arith.constant 16 : i32
      %mul3A_204 = arith.muli %add3A_49, %mul3A_203 : i32
      %add3A_205 = arith.constant 12 : i32
      %add3A_206 = arith.addi %mul3A_204, %add3A_205 : i32
      %get3A_207 = arith.index_cast %add3A_206 : i32 to index
      %get3A_208 = tpu.vector_load %arg10[%get3A_207] {strides = array<i32>} : memref<512xf32, #tpu.memory_space<vmem>>, vector<1xf32>,
      %get3A_209 = vector.shape_cast %get3A_208 : vector<1xf32> to vector<1xf32>
      %broadcast_in_dim3A_210 = vector.shape_cast %get3A_209 : vector<1xf32> to vector<1xf32>
      %broadcast_in_dim3A_211 = vector.broadcast %broadcast_in_dim3A_210 : vector<1xf32> to vector<16xf32>
      %mul3A_212 = arith.constant 16 : i32
      %mul3A_213 = arith.muli %add3A_49, %mul3A_212 : i32
      %add3A_214 = arith.constant 13 : i32
      %add3A_215 = arith.addi %mul3A_213, %add3A_214 : i32
      %get3A_216 = arith.index_cast %add3A_215 : i32 to index
      %get3A_217 = tpu.vector_load %arg10[%get3A_216] {strides = array<i32>} : memref<512xf32, #tpu.memory_space<vmem>>, vector<1xf32>,
      %get3A_218 = vector.shape_cast %get3A_217 : vector<1xf32> to vector<1xf32>
      %broadcast_in_dim3A_219 = vector.shape_cast %get3A_218 : vector<1xf32> to vector<1xf32>
      %broadcast_in_dim3A_220 = vector.broadcast %broadcast_in_dim3A_219 : vector<1xf32> to vector<16xf32>
      %mul3A_221 = arith.constant 16 : i32
      %mul3A_222 = arith.muli %add3A_49, %mul3A_221 : i32
      %add3A_223 = arith.constant 14 : i32
      %add3A_224 = arith.addi %mul3A_222, %add3A_223 : i32
      %get3A_225 = arith.index_cast %add3A_224 : i32 to index
      %get3A_226 = tpu.vector_load %arg10[%get3A_225] {strides = array<i32>} : memref<512xf32, #tpu.memory_space<vmem>>, vector<1xf32>,
      %get3A_227 = vector.shape_cast %get3A_226 : vector<1xf32> to vector<1xf32>
      %broadcast_in_dim3A_228 = vector.shape_cast %get3A_227 : vector<1xf32> to vector<1xf32>
      %broadcast_in_dim3A_229 = vector.broadcast %broadcast_in_dim3A_228 : vector<1xf32> to vector<16xf32>
      %mul3A_230 = arith.constant 16 : i32
      %mul3A_231 = arith.muli %add3A_49, %mul3A_230 : i32
      %add3A_232 = arith.constant 15 : i32
      %add3A_233 = arith.addi %mul3A_231, %add3A_232 : i32
      %get3A_234 = arith.index_cast %add3A_233 : i32 to index
      %get3A_235 = tpu.vector_load %arg10[%get3A_234] {strides = array<i32>} : memref<512xf32, #tpu.memory_space<vmem>>, vector<1xf32>,
      %get3A_236 = vector.shape_cast %get3A_235 : vector<1xf32> to vector<1xf32>
      %broadcast_in_dim3A_237 = vector.shape_cast %get3A_236 : vector<1xf32> to vector<1xf32>
      %broadcast_in_dim3A_238 = vector.broadcast %broadcast_in_dim3A_237 : vector<1xf32> to vector<16xf32>
      %sub3A = arith.subf %broadcast_in_dim3A_85, %broadcast_in_dim3A_67 : vector<16xf32>
      %max3A = arith.constant 0.000000e+00 : f32
      %max3A_239 = vector.broadcast %max3A : f32 to vector<16xf32>
      %max3A_240 = arith.maximumf %sub3A, %max3A_239 : vector<16xf32>
      %sub3A_241 = arith.subf %broadcast_in_dim3A_94, %broadcast_in_dim3A_76 : vector<16xf32>
      %max3A_242 = arith.constant 0.000000e+00 : f32
      %max3A_243 = vector.broadcast %max3A_242 : f32 to vector<16xf32>
      %max3A_244 = arith.maximumf %sub3A_241, %max3A_243 : vector<16xf32>
      %mul3A_245 = arith.mulf %max3A_240, %max3A_244 : vector<16xf32>
      %scan3A_246 = arith.constant 0 : i32
      %scan3A_247 = arith.constant 32 : i32
      %scan3A_248 = arith.addi %scan3A_246, %scan3A_247 : i32
      %scan3A_249 = arith.constant 1 : i32
      scf.for %scan3A_275 = %scan3A_246 to %scan3A_248 step %scan3A_249  : i32 {
        %mul3A_276 = arith.constant 1 : i32
        %mul3A_277 = arith.muli %scan3A_275, %mul3A_276 : i32
        %add3A_278 = arith.constant 0 : i32
        %add3A_279 = arith.addi %add3A_278, %mul3A_277 : i32
        %mul3A_280 = arith.constant 16 : i32
        %mul3A_281 = arith.muli %add3A_279, %mul3A_280 : i32
        %get3A_282 = arith.constant 0 : i32
        %get3A_283 = arith.index_cast %get3A_282 : i32 to index
        %get3A_284 = arith.index_cast %mul3A_281 : i32 to index
        %get3A_285 = tpu.vector_load %arg8[%get3A_283, %get3A_284] {strides = array<i32>} : memref<16x512xf32, #tpu.memory_space<vmem>>, vector<1x16xf32>,
        %get3A_286 = vector.shape_cast %get3A_285 : vector<1x16xf32> to vector<16xf32>
        %mul3A_287 = arith.mulf %broadcast_in_dim3A_103, %get3A_286 : vector<16xf32>
        %get3A_288 = arith.constant 1 : i32
        %get3A_289 = arith.index_cast %get3A_288 : i32 to index
        %get3A_290 = arith.index_cast %mul3A_281 : i32 to index
        %get3A_291 = tpu.vector_load %arg8[%get3A_289, %get3A_290] {strides = array<i32>} : memref<16x512xf32, #tpu.memory_space<vmem>>, vector<1x16xf32>,
        %get3A_292 = vector.shape_cast %get3A_291 : vector<1x16xf32> to vector<16xf32>
        %mul3A_293 = arith.mulf %broadcast_in_dim3A_112, %get3A_292 : vector<16xf32>
        %add3A_294 = arith.addf %mul3A_287, %mul3A_293 : vector<16xf32>
        %get3A_295 = arith.constant 2 : i32
        %get3A_296 = arith.index_cast %get3A_295 : i32 to index
        %get3A_297 = arith.index_cast %mul3A_281 : i32 to index
        %get3A_298 = tpu.vector_load %arg8[%get3A_296, %get3A_297] {strides = array<i32>} : memref<16x512xf32, #tpu.memory_space<vmem>>, vector<1x16xf32>,
        %get3A_299 = vector.shape_cast %get3A_298 : vector<1x16xf32> to vector<16xf32>
        %mul3A_300 = arith.mulf %broadcast_in_dim3A_121, %get3A_299 : vector<16xf32>
        %add3A_301 = arith.addf %add3A_294, %mul3A_300 : vector<16xf32>
        %get3A_302 = arith.constant 3 : i32
        %get3A_303 = arith.index_cast %get3A_302 : i32 to index
        %get3A_304 = arith.index_cast %mul3A_281 : i32 to index
        %get3A_305 = tpu.vector_load %arg8[%get3A_303, %get3A_304] {strides = array<i32>} : memref<16x512xf32, #tpu.memory_space<vmem>>, vector<1x16xf32>,
        %get3A_306 = vector.shape_cast %get3A_305 : vector<1x16xf32> to vector<16xf32>
        %mul3A_307 = arith.mulf %broadcast_in_dim3A_130, %get3A_306 : vector<16xf32>
        %add3A_308 = arith.addf %add3A_301, %mul3A_307 : vector<16xf32>
        %get3A_309 = arith.constant 4 : i32
        %get3A_310 = arith.index_cast %get3A_309 : i32 to index
        %get3A_311 = arith.index_cast %mul3A_281 : i32 to index
        %get3A_312 = tpu.vector_load %arg8[%get3A_310, %get3A_311] {strides = array<i32>} : memref<16x512xf32, #tpu.memory_space<vmem>>, vector<1x16xf32>,
        %get3A_313 = vector.shape_cast %get3A_312 : vector<1x16xf32> to vector<16xf32>
        %mul3A_314 = arith.mulf %broadcast_in_dim3A_139, %get3A_313 : vector<16xf32>
        %add3A_315 = arith.addf %add3A_308, %mul3A_314 : vector<16xf32>
        %get3A_316 = arith.constant 5 : i32
        %get3A_317 = arith.index_cast %get3A_316 : i32 to index
        %get3A_318 = arith.index_cast %mul3A_281 : i32 to index
        %get3A_319 = tpu.vector_load %arg8[%get3A_317, %get3A_318] {strides = array<i32>} : memref<16x512xf32, #tpu.memory_space<vmem>>, vector<1x16xf32>,
        %get3A_320 = vector.shape_cast %get3A_319 : vector<1x16xf32> to vector<16xf32>
        %mul3A_321 = arith.mulf %broadcast_in_dim3A_148, %get3A_320 : vector<16xf32>
        %add3A_322 = arith.addf %add3A_315, %mul3A_321 : vector<16xf32>
        %get3A_323 = arith.constant 6 : i32
        %get3A_324 = arith.index_cast %get3A_323 : i32 to index
        %get3A_325 = arith.index_cast %mul3A_281 : i32 to index
        %get3A_326 = tpu.vector_load %arg8[%get3A_324, %get3A_325] {strides = array<i32>} : memref<16x512xf32, #tpu.memory_space<vmem>>, vector<1x16xf32>,
        %get3A_327 = vector.shape_cast %get3A_326 : vector<1x16xf32> to vector<16xf32>
        %mul3A_328 = arith.mulf %broadcast_in_dim3A_157, %get3A_327 : vector<16xf32>
        %add3A_329 = arith.addf %add3A_322, %mul3A_328 : vector<16xf32>
        %get3A_330 = arith.constant 7 : i32
        %get3A_331 = arith.index_cast %get3A_330 : i32 to index
        %get3A_332 = arith.index_cast %mul3A_281 : i32 to index
        %get3A_333 = tpu.vector_load %arg8[%get3A_331, %get3A_332] {strides = array<i32>} : memref<16x512xf32, #tpu.memory_space<vmem>>, vector<1x16xf32>,
        %get3A_334 = vector.shape_cast %get3A_333 : vector<1x16xf32> to vector<16xf32>
        %mul3A_335 = arith.mulf %broadcast_in_dim3A_166, %get3A_334 : vector<16xf32>
        %add3A_336 = arith.addf %add3A_329, %mul3A_335 : vector<16xf32>
        %get3A_337 = arith.constant 8 : i32
        %get3A_338 = arith.index_cast %get3A_337 : i32 to index
        %get3A_339 = arith.index_cast %mul3A_281 : i32 to index
        %get3A_340 = tpu.vector_load %arg8[%get3A_338, %get3A_339] {strides = array<i32>} : memref<16x512xf32, #tpu.memory_space<vmem>>, vector<1x16xf32>,
        %get3A_341 = vector.shape_cast %get3A_340 : vector<1x16xf32> to vector<16xf32>
        %mul3A_342 = arith.mulf %broadcast_in_dim3A_175, %get3A_341 : vector<16xf32>
        %add3A_343 = arith.addf %add3A_336, %mul3A_342 : vector<16xf32>
        %get3A_344 = arith.constant 9 : i32
        %get3A_345 = arith.index_cast %get3A_344 : i32 to index
        %get3A_346 = arith.index_cast %mul3A_281 : i32 to index
        %get3A_347 = tpu.vector_load %arg8[%get3A_345, %get3A_346] {strides = array<i32>} : memref<16x512xf32, #tpu.memory_space<vmem>>, vector<1x16xf32>,
        %get3A_348 = vector.shape_cast %get3A_347 : vector<1x16xf32> to vector<16xf32>
        %mul3A_349 = arith.mulf %broadcast_in_dim3A_184, %get3A_348 : vector<16xf32>
        %add3A_350 = arith.addf %add3A_343, %mul3A_349 : vector<16xf32>
        %get3A_351 = arith.constant 10 : i32
        %get3A_352 = arith.index_cast %get3A_351 : i32 to index
        %get3A_353 = arith.index_cast %mul3A_281 : i32 to index
        %get3A_354 = tpu.vector_load %arg8[%get3A_352, %get3A_353] {strides = array<i32>} : memref<16x512xf32, #tpu.memory_space<vmem>>, vector<1x16xf32>,
        %get3A_355 = vector.shape_cast %get3A_354 : vector<1x16xf32> to vector<16xf32>
        %mul3A_356 = arith.mulf %broadcast_in_dim3A_193, %get3A_355 : vector<16xf32>
        %add3A_357 = arith.addf %add3A_350, %mul3A_356 : vector<16xf32>
        %get3A_358 = arith.constant 11 : i32
        %get3A_359 = arith.index_cast %get3A_358 : i32 to index
        %get3A_360 = arith.index_cast %mul3A_281 : i32 to index
        %get3A_361 = tpu.vector_load %arg8[%get3A_359, %get3A_360] {strides = array<i32>} : memref<16x512xf32, #tpu.memory_space<vmem>>, vector<1x16xf32>,
        %get3A_362 = vector.shape_cast %get3A_361 : vector<1x16xf32> to vector<16xf32>
        %mul3A_363 = arith.mulf %broadcast_in_dim3A_202, %get3A_362 : vector<16xf32>
        %add3A_364 = arith.addf %add3A_357, %mul3A_363 : vector<16xf32>
        %get3A_365 = arith.constant 12 : i32
        %get3A_366 = arith.index_cast %get3A_365 : i32 to index
        %get3A_367 = arith.index_cast %mul3A_281 : i32 to index
        %get3A_368 = tpu.vector_load %arg8[%get3A_366, %get3A_367] {strides = array<i32>} : memref<16x512xf32, #tpu.memory_space<vmem>>, vector<1x16xf32>,
        %get3A_369 = vector.shape_cast %get3A_368 : vector<1x16xf32> to vector<16xf32>
        %mul3A_370 = arith.mulf %broadcast_in_dim3A_211, %get3A_369 : vector<16xf32>
        %add3A_371 = arith.addf %add3A_364, %mul3A_370 : vector<16xf32>
        %get3A_372 = arith.constant 13 : i32
        %get3A_373 = arith.index_cast %get3A_372 : i32 to index
        %get3A_374 = arith.index_cast %mul3A_281 : i32 to index
        %get3A_375 = tpu.vector_load %arg8[%get3A_373, %get3A_374] {strides = array<i32>} : memref<16x512xf32, #tpu.memory_space<vmem>>, vector<1x16xf32>,
        %get3A_376 = vector.shape_cast %get3A_375 : vector<1x16xf32> to vector<16xf32>
        %mul3A_377 = arith.mulf %broadcast_in_dim3A_220, %get3A_376 : vector<16xf32>
        %add3A_378 = arith.addf %add3A_371, %mul3A_377 : vector<16xf32>
        %get3A_379 = arith.constant 14 : i32
        %get3A_380 = arith.index_cast %get3A_379 : i32 to index
        %get3A_381 = arith.index_cast %mul3A_281 : i32 to index
        %get3A_382 = tpu.vector_load %arg8[%get3A_380, %get3A_381] {strides = array<i32>} : memref<16x512xf32, #tpu.memory_space<vmem>>, vector<1x16xf32>,
        %get3A_383 = vector.shape_cast %get3A_382 : vector<1x16xf32> to vector<16xf32>
        %mul3A_384 = arith.mulf %broadcast_in_dim3A_229, %get3A_383 : vector<16xf32>
        %add3A_385 = arith.addf %add3A_378, %mul3A_384 : vector<16xf32>
        %get3A_386 = arith.constant 15 : i32
        %get3A_387 = arith.index_cast %get3A_386 : i32 to index
        %get3A_388 = arith.index_cast %mul3A_281 : i32 to index
        %get3A_389 = tpu.vector_load %arg8[%get3A_387, %get3A_388] {strides = array<i32>} : memref<16x512xf32, #tpu.memory_space<vmem>>, vector<1x16xf32>,
        %get3A_390 = vector.shape_cast %get3A_389 : vector<1x16xf32> to vector<16xf32>
        %mul3A_391 = arith.mulf %broadcast_in_dim3A_238, %get3A_390 : vector<16xf32>
        %add3A_392 = arith.addf %add3A_385, %mul3A_391 : vector<16xf32>
        %get3A_393 = arith.constant 0 : i32
        %get3A_394 = arith.index_cast %get3A_393 : i32 to index
        %get3A_395 = arith.index_cast %mul3A_281 : i32 to index
        %get3A_396 = tpu.vector_load %arg9[%get3A_394, %get3A_395] {strides = array<i32>} : memref<4x512xf32, #tpu.memory_space<vmem>>, vector<1x16xf32>,
        %get3A_397 = vector.shape_cast %get3A_396 : vector<1x16xf32> to vector<16xf32>
        %get3A_398 = arith.constant 1 : i32
        %get3A_399 = arith.index_cast %get3A_398 : i32 to index
        %get3A_400 = arith.index_cast %mul3A_281 : i32 to index
        %get3A_401 = tpu.vector_load %arg9[%get3A_399, %get3A_400] {strides = array<i32>} : memref<4x512xf32, #tpu.memory_space<vmem>>, vector<1x16xf32>,
        %get3A_402 = vector.shape_cast %get3A_401 : vector<1x16xf32> to vector<16xf32>
        %get3A_403 = arith.constant 2 : i32
        %get3A_404 = arith.index_cast %get3A_403 : i32 to index
        %get3A_405 = arith.index_cast %mul3A_281 : i32 to index
        %get3A_406 = tpu.vector_load %arg9[%get3A_404, %get3A_405] {strides = array<i32>} : memref<4x512xf32, #tpu.memory_space<vmem>>, vector<1x16xf32>,
        %get3A_407 = vector.shape_cast %get3A_406 : vector<1x16xf32> to vector<16xf32>
        %get3A_408 = arith.constant 3 : i32
        %get3A_409 = arith.index_cast %get3A_408 : i32 to index
        %get3A_410 = arith.index_cast %mul3A_281 : i32 to index
        %get3A_411 = tpu.vector_load %arg9[%get3A_409, %get3A_410] {strides = array<i32>} : memref<4x512xf32, #tpu.memory_space<vmem>>, vector<1x16xf32>,
        %get3A_412 = vector.shape_cast %get3A_411 : vector<1x16xf32> to vector<16xf32>
        %sub3A_413 = arith.subf %broadcast_in_dim3A_67, %get3A_397 : vector<16xf32>
        %abs3A = math.absf %sub3A_413 : vector<16xf32>
        %sub3A_414 = arith.subf %broadcast_in_dim3A_76, %get3A_402 : vector<16xf32>
        %abs3A_415 = math.absf %sub3A_414 : vector<16xf32>
        %add3A_416 = arith.addf %abs3A, %abs3A_415 : vector<16xf32>
        %sub3A_417 = arith.subf %broadcast_in_dim3A_85, %get3A_407 : vector<16xf32>
        %abs3A_418 = math.absf %sub3A_417 : vector<16xf32>
        %add3A_419 = arith.addf %add3A_416, %abs3A_418 : vector<16xf32>
        %sub3A_420 = arith.subf %broadcast_in_dim3A_94, %get3A_412 : vector<16xf32>
        %abs3A_421 = math.absf %sub3A_420 : vector<16xf32>
        %add3A_422 = arith.addf %add3A_419, %abs3A_421 : vector<16xf32>
        %sub3A_423 = arith.subf %get3A_407, %get3A_397 : vector<16xf32>
        %max3A_424 = arith.constant 0.000000e+00 : f32
        %max3A_425 = vector.broadcast %max3A_424 : f32 to vector<16xf32>
        %max3A_426 = arith.maximumf %sub3A_423, %max3A_425 : vector<16xf32>
        %sub3A_427 = arith.subf %get3A_412, %get3A_402 : vector<16xf32>
        %max3A_428 = arith.constant 0.000000e+00 : f32
        %max3A_429 = vector.broadcast %max3A_428 : f32 to vector<16xf32>
        %max3A_430 = arith.maximumf %sub3A_427, %max3A_429 : vector<16xf32>
        %mul3A_431 = arith.mulf %max3A_426, %max3A_430 : vector<16xf32>
        %min3A = arith.minimumf %get3A_407, %broadcast_in_dim3A_85 : vector<16xf32>
        %max3A_432 = arith.maximumf %get3A_397, %broadcast_in_dim3A_67 : vector<16xf32>
        %sub3A_433 = arith.subf %min3A, %max3A_432 : vector<16xf32>
        %min3A_434 = arith.minimumf %get3A_412, %broadcast_in_dim3A_94 : vector<16xf32>
        %max3A_435 = arith.maximumf %get3A_402, %broadcast_in_dim3A_76 : vector<16xf32>
        %sub3A_436 = arith.subf %min3A_434, %max3A_435 : vector<16xf32>
        %max3A_437 = arith.constant 0.000000e+00 : f32
        %max3A_438 = vector.broadcast %max3A_437 : f32 to vector<16xf32>
        %max3A_439 = arith.maximumf %sub3A_433, %max3A_438 : vector<16xf32>
        %max3A_440 = arith.constant 0.000000e+00 : f32
        %max3A_441 = vector.broadcast %max3A_440 : f32 to vector<16xf32>
        %max3A_442 = arith.maximumf %sub3A_436, %max3A_441 : vector<16xf32>
        %mul3A_443 = arith.mulf %max3A_439, %max3A_442 : vector<16xf32>
        %add3A_444 = arith.addf %mul3A_431, %mul3A_245 : vector<16xf32>
        %sub3A_445 = arith.subf %add3A_444, %mul3A_443 : vector<16xf32>
        %gt3A = arith.constant 0.000000e+00 : f32
        %gt3A_446 = vector.broadcast %gt3A : f32 to vector<16xf32>
        %gt3A_447 = arith.cmpf ogt, %sub3A_445, %gt3A_446 : vector<16xf32>
        %jit3A = arith.constant 1.000000e+00 : f32
        %broadcast_in_dim3A_448 = vector.broadcast %jit3A : f32 to vector<16xf32>
        %select_n3A = arith.select %gt3A_447, %sub3A_445, %broadcast_in_dim3A_448 : vector<16xi1>, vector<16xf32>
        %div3A = arith.divf %mul3A_443, %select_n3A : vector<16xf32>
        %add3A_449 = arith.addf %max3A_426, %max3A_240 : vector<16xf32>
        %sub3A_450 = arith.subf %add3A_449, %sub3A_433 : vector<16xf32>
        %add3A_451 = arith.addf %max3A_430, %max3A_244 : vector<16xf32>
        %sub3A_452 = arith.subf %add3A_451, %sub3A_436 : vector<16xf32>
        %mul3A_453 = arith.mulf %sub3A_450, %sub3A_452 : vector<16xf32>
        %sub3A_454 = arith.subf %mul3A_453, %sub3A_445 : vector<16xf32>
        %gt3A_455 = arith.constant 0.000000e+00 : f32
        %gt3A_456 = vector.broadcast %gt3A_455 : f32 to vector<16xf32>
        %gt3A_457 = arith.cmpf ogt, %mul3A_453, %gt3A_456 : vector<16xf32>
        %jit3A_458 = arith.constant 1.000000e+00 : f32
        %broadcast_in_dim3A_459 = vector.broadcast %jit3A_458 : f32 to vector<16xf32>
        %select_n3A_460 = arith.select %gt3A_457, %mul3A_453, %broadcast_in_dim3A_459 : vector<16xi1>, vector<16xf32>
        %div3A_461 = arith.divf %sub3A_454, %select_n3A_460 : vector<16xf32>
        %mul3A_462 = arith.constant 2.500000e+00 : f32
        %mul3A_463 = vector.broadcast %mul3A_462 : f32 to vector<16xf32>
        %mul3A_464 = arith.mulf %mul3A_463, %add3A_422 : vector<16xf32>
        %add3A_465 = arith.addf %add3A_392, %mul3A_464 : vector<16xf32>
        %sub3A_466 = arith.constant 1.000000e+00 : f32
        %sub3A_467 = vector.broadcast %sub3A_466 : f32 to vector<16xf32>
        %sub3A_468 = arith.subf %sub3A_467, %div3A : vector<16xf32>
        %add3A_469 = arith.addf %add3A_465, %sub3A_468 : vector<16xf32>
        %add3A_470 = arith.addf %add3A_469, %div3A_461 : vector<16xf32>
        %get3A_471 = arith.constant 0 : index
        %get3A_472 = tpu.vector_load %arg12[%get3A_471] {strides = array<i32>} : memref<16xf32, #tpu.memory_space<vmem>>, vector<16xf32>,
        %get3A_473 = vector.shape_cast %get3A_472 : vector<16xf32> to vector<16xf32>
        %lt3A = arith.cmpf olt, %add3A_470, %get3A_473 : vector<16xf32>
        %min3A_474 = arith.minimumf %add3A_470, %get3A_473 : vector<16xf32>
        %swap3A_475 = arith.constant 0 : index
        %swap3A_476 = tpu.vector_load %arg12[%swap3A_475] {strides = array<i32>} : memref<16xf32, #tpu.memory_space<vmem>>, vector<16xf32>,
        %swap3A_477 = vector.shape_cast %swap3A_476 : vector<16xf32> to vector<16xf32>
        %swap3A_478 = vector.shape_cast %min3A_474 : vector<16xf32> to vector<16xf32>
        tpu.vector_store %arg12[%swap3A_475], %swap3A_478 {strides = array<i32>} : memref<16xf32, #tpu.memory_space<vmem>>, vector<16xf32>,
        %get3A_479 = arith.constant 0 : index
        %get3A_480 = tpu.vector_load %arg13[%get3A_479] {strides = array<i32>} : memref<16xi32, #tpu.memory_space<vmem>>, vector<16xi32>,
        %get3A_481 = vector.shape_cast %get3A_480 : vector<16xi32> to vector<16xi32>
        %broadcast_in_dim3A_482 = vector.broadcast %add3A_279 : i32 to vector<16xi32>
        %select_n3A_483 = arith.select %lt3A, %broadcast_in_dim3A_482, %get3A_481 : vector<16xi1>, vector<16xi32>
        %swap3A_484 = arith.constant 0 : index
        %swap3A_485 = tpu.vector_load %arg13[%swap3A_484] {strides = array<i32>} : memref<16xi32, #tpu.memory_space<vmem>>, vector<16xi32>,
        %swap3A_486 = vector.shape_cast %swap3A_485 : vector<16xi32> to vector<16xi32>
        %swap3A_487 = vector.shape_cast %select_n3A_483 : vector<16xi32> to vector<16xi32>
        tpu.vector_store %arg13[%swap3A_484], %swap3A_487 {strides = array<i32>} : memref<16xi32, #tpu.memory_space<vmem>>, vector<16xi32>,
      }
      %scan3A_250 = arith.constant 32 : i32
      %get3A_251 = arith.constant 0 : index
      %get3A_252 = tpu.vector_load %arg12[%get3A_251] {strides = array<i32>} : memref<16xf32, #tpu.memory_space<vmem>>, vector<16xf32>,
      %get3A_253 = vector.shape_cast %get3A_252 : vector<16xf32> to vector<16xf32>
      %mul3A_254 = arith.constant 16 : i32
      %mul3A_255 = arith.muli %add3A_49, %mul3A_254 : i32
      %swap3A_256 = arith.index_cast %mul3A_255 : i32 to index
      %swap3A_257 = tpu.vector_load %arg14[%swap3A_256] {strides = array<i32>} : memref<512xf32, #tpu.memory_space<vmem>>, vector<16xf32>,
      %swap3A_258 = vector.shape_cast %swap3A_257 : vector<16xf32> to vector<16xf32>
      %swap3A_259 = vector.shape_cast %get3A_253 : vector<16xf32> to vector<16xf32>
      tpu.vector_store %arg14[%swap3A_256], %swap3A_259 {strides = array<i32>} : memref<512xf32, #tpu.memory_space<vmem>>, vector<16xf32>,
      %get3A_260 = arith.constant 0 : index
      %get3A_261 = tpu.vector_load %arg13[%get3A_260] {strides = array<i32>} : memref<16xi32, #tpu.memory_space<vmem>>, vector<16xi32>,
      %get3A_262 = vector.shape_cast %get3A_261 : vector<16xi32> to vector<16xi32>
      %mul3A_263 = arith.constant 16 : i32
      %mul3A_264 = vector.broadcast %mul3A_263 : i32 to vector<16xi32>
      %mul3A_265 = arith.muli %get3A_262, %mul3A_264 : vector<16xi32>
      %add3A_266 = arith.addi %mul3A_265, %iota3A : vector<16xi32>
      %add3A_267 = vector.broadcast %mul3A_2 : i32 to vector<16xi32>
      %add3A_268 = arith.addi %add3A_266, %add3A_267 : vector<16xi32>
      %mul3A_269 = arith.constant 16 : i32
      %mul3A_270 = arith.muli %add3A_49, %mul3A_269 : i32
      %swap3A_271 = arith.index_cast %mul3A_270 : i32 to index
      %swap3A_272 = tpu.vector_load %arg15[%swap3A_271] {strides = array<i32>} : memref<512xi32, #tpu.memory_space<vmem>>, vector<16xi32>,
      %swap3A_273 = vector.shape_cast %swap3A_272 : vector<16xi32> to vector<16xi32>
      %swap3A_274 = vector.shape_cast %add3A_268 : vector<16xi32> to vector<16xi32>
      tpu.vector_store %arg15[%swap3A_271], %swap3A_274 {strides = array<i32>} : memref<512xi32, #tpu.memory_space<vmem>>, vector<16xi32>,
    }
    %scan3A_20 = arith.constant 32 : i32
    %run_scoped3A_21 = arith.constant 1 : i32
    "tpu.region"() ({
      %run_scoped3A_45 = tpu.sem_alloc : memref<!tpu.dma_semaphore, #tpu.memory_space<semaphore_mem>>
      %dma_start3A = arith.constant 0 : i32
      %dma_start3A_46 = tpu.memref_slice %arg6[%add3A, %run_scoped3A_21, %dma_start3A] : memref<32x4x512xf32, #tpu.memory_space<hbm>> -> memref<1x1x512xf32, #tpu.memory_space<hbm>>
      %dma_start3A_47 = tpu.memref_squeeze %dma_start3A_46 : memref<1x1x512xf32, #tpu.memory_space<hbm>> -> memref<512xf32, #tpu.memory_space<hbm>>
      %dma_start3A_48 = arith.constant 0 : i32
      %dma_start3A_49 = tpu.memref_slice %arg6[%add3A, %run_scoped3A_21, %dma_start3A_48] : memref<32x4x512xf32, #tpu.memory_space<hbm>> -> memref<1x1x512xf32, #tpu.memory_space<hbm>>
      %dma_start3A_50 = tpu.memref_squeeze %dma_start3A_49 : memref<1x1x512xf32, #tpu.memory_space<hbm>> -> memref<512xf32, #tpu.memory_space<hbm>>
      tpu.enqueue_dma source(%arg14 : memref<512xf32, #tpu.memory_space<vmem>>) target(%dma_start3A_50 : memref<512xf32, #tpu.memory_space<hbm>>) target_semaphore(%run_scoped3A_45 : memref<!tpu.dma_semaphore, #tpu.memory_space<semaphore_mem>>)
      %dma_wait3A = arith.constant 0 : i32
      %dma_wait3A_51 = tpu.memref_slice %arg6[%add3A, %run_scoped3A_21, %dma_wait3A] : memref<32x4x512xf32, #tpu.memory_space<hbm>> -> memref<1x1x512xf32, #tpu.memory_space<hbm>>
      %dma_wait3A_52 = tpu.memref_squeeze %dma_wait3A_51 : memref<1x1x512xf32, #tpu.memory_space<hbm>> -> memref<512xf32, #tpu.memory_space<hbm>>
      %dma_wait3A_53 = arith.constant 0 : i32
      %dma_wait3A_54 = tpu.memref_slice %arg6[%add3A, %run_scoped3A_21, %dma_wait3A_53] : memref<32x4x512xf32, #tpu.memory_space<hbm>> -> memref<1x1x512xf32, #tpu.memory_space<hbm>>
      %dma_wait3A_55 = tpu.memref_squeeze %dma_wait3A_54 : memref<1x1x512xf32, #tpu.memory_space<hbm>> -> memref<512xf32, #tpu.memory_space<hbm>>
      tpu.wait_dma2 semaphore(%run_scoped3A_45 : memref<!tpu.dma_semaphore, #tpu.memory_space<semaphore_mem>>) src(%arg14 : memref<512xf32, #tpu.memory_space<vmem>>) dst(%dma_wait3A_55 : memref<512xf32, #tpu.memory_space<hbm>>)
      tpu.yield
    }) : () -> ()
    %run_scoped3A_22 = arith.constant 1 : i32
    "tpu.region"() ({
      %run_scoped3A_45 = tpu.sem_alloc : memref<!tpu.dma_semaphore, #tpu.memory_space<semaphore_mem>>
      %dma_start3A = arith.constant 0 : i32
      %dma_start3A_46 = tpu.memref_slice %arg7[%add3A, %run_scoped3A_22, %dma_start3A] : memref<32x4x512xi32, #tpu.memory_space<hbm>> -> memref<1x1x512xi32, #tpu.memory_space<hbm>>
      %dma_start3A_47 = tpu.memref_squeeze %dma_start3A_46 : memref<1x1x512xi32, #tpu.memory_space<hbm>> -> memref<512xi32, #tpu.memory_space<hbm>>
      %dma_start3A_48 = arith.constant 0 : i32
      %dma_start3A_49 = tpu.memref_slice %arg7[%add3A, %run_scoped3A_22, %dma_start3A_48] : memref<32x4x512xi32, #tpu.memory_space<hbm>> -> memref<1x1x512xi32, #tpu.memory_space<hbm>>
      %dma_start3A_50 = tpu.memref_squeeze %dma_start3A_49 : memref<1x1x512xi32, #tpu.memory_space<hbm>> -> memref<512xi32, #tpu.memory_space<hbm>>
      tpu.enqueue_dma source(%arg15 : memref<512xi32, #tpu.memory_space<vmem>>) target(%dma_start3A_50 : memref<512xi32, #tpu.memory_space<hbm>>) target_semaphore(%run_scoped3A_45 : memref<!tpu.dma_semaphore, #tpu.memory_space<semaphore_mem>>)
      %dma_wait3A = arith.constant 0 : i32
      %dma_wait3A_51 = tpu.memref_slice %arg7[%add3A, %run_scoped3A_22, %dma_wait3A] : memref<32x4x512xi32, #tpu.memory_space<hbm>> -> memref<1x1x512xi32, #tpu.memory_space<hbm>>
      %dma_wait3A_52 = tpu.memref_squeeze %dma_wait3A_51 : memref<1x1x512xi32, #tpu.memory_space<hbm>> -> memref<512xi32, #tpu.memory_space<hbm>>
      %dma_wait3A_53 = arith.constant 0 : i32
      %dma_wait3A_54 = tpu.memref_slice %arg7[%add3A, %run_scoped3A_22, %dma_wait3A_53] : memref<32x4x512xi32, #tpu.memory_space<hbm>> -> memref<1x1x512xi32, #tpu.memory_space<hbm>>
      %dma_wait3A_55 = tpu.memref_squeeze %dma_wait3A_54 : memref<1x1x512xi32, #tpu.memory_space<hbm>> -> memref<512xi32, #tpu.memory_space<hbm>>
      tpu.wait_dma2 semaphore(%run_scoped3A_45 : memref<!tpu.dma_semaphore, #tpu.memory_space<semaphore_mem>>) src(%arg15 : memref<512xi32, #tpu.memory_space<vmem>>) dst(%dma_wait3A_55 : memref<512xi32, #tpu.memory_space<hbm>>)
      tpu.yield
    }) : () -> ()
    %run_scoped3A_23 = arith.constant 2 : i32
    "tpu.region"() ({
      %run_scoped3A_45 = tpu.sem_alloc : memref<!tpu.dma_semaphore, #tpu.memory_space<semaphore_mem>>
      %dma_start3A = arith.constant 0 : i32
      %dma_start3A_46 = tpu.memref_slice %arg2[%run_scoped3A_23, %dma_start3A, %mul3A_2] : memref<4x16x16384xf32, #tpu.memory_space<hbm>> -> memref<1x16x512xf32, #tpu.memory_space<hbm>>
      %dma_start3A_47 = tpu.memref_squeeze %dma_start3A_46 : memref<1x16x512xf32, #tpu.memory_space<hbm>> -> memref<16x512xf32, #tpu.memory_space<hbm>>
      %dma_start3A_48 = arith.constant 0 : i32
      %dma_start3A_49 = tpu.memref_slice %arg2[%run_scoped3A_23, %dma_start3A_48, %mul3A_2] : memref<4x16x16384xf32, #tpu.memory_space<hbm>> -> memref<1x16x512xf32, #tpu.memory_space<hbm>>
      %dma_start3A_50 = tpu.memref_squeeze %dma_start3A_49 : memref<1x16x512xf32, #tpu.memory_space<hbm>> -> memref<16x512xf32, #tpu.memory_space<hbm>>
      tpu.enqueue_dma source(%dma_start3A_50 : memref<16x512xf32, #tpu.memory_space<hbm>>) target(%arg8 : memref<16x512xf32, #tpu.memory_space<vmem>>) target_semaphore(%run_scoped3A_45 : memref<!tpu.dma_semaphore, #tpu.memory_space<semaphore_mem>>)
      %dma_wait3A = arith.constant 0 : i32
      %dma_wait3A_51 = tpu.memref_slice %arg2[%run_scoped3A_23, %dma_wait3A, %mul3A_2] : memref<4x16x16384xf32, #tpu.memory_space<hbm>> -> memref<1x16x512xf32, #tpu.memory_space<hbm>>
      %dma_wait3A_52 = tpu.memref_squeeze %dma_wait3A_51 : memref<1x16x512xf32, #tpu.memory_space<hbm>> -> memref<16x512xf32, #tpu.memory_space<hbm>>
      %dma_wait3A_53 = arith.constant 0 : i32
      %dma_wait3A_54 = tpu.memref_slice %arg2[%run_scoped3A_23, %dma_wait3A_53, %mul3A_2] : memref<4x16x16384xf32, #tpu.memory_space<hbm>> -> memref<1x16x512xf32, #tpu.memory_space<hbm>>
      %dma_wait3A_55 = tpu.memref_squeeze %dma_wait3A_54 : memref<1x16x512xf32, #tpu.memory_space<hbm>> -> memref<16x512xf32, #tpu.memory_space<hbm>>
      tpu.wait_dma2 semaphore(%run_scoped3A_45 : memref<!tpu.dma_semaphore, #tpu.memory_space<semaphore_mem>>) src(%dma_wait3A_55 : memref<16x512xf32, #tpu.memory_space<hbm>>) dst(%arg8 : memref<16x512xf32, #tpu.memory_space<vmem>>)
      tpu.yield
    }) : () -> ()
    %run_scoped3A_24 = arith.constant 2 : i32
    "tpu.region"() ({
      %run_scoped3A_45 = tpu.sem_alloc : memref<!tpu.dma_semaphore, #tpu.memory_space<semaphore_mem>>
      %dma_start3A = arith.constant 0 : i32
      %dma_start3A_46 = tpu.memref_slice %arg3[%run_scoped3A_24, %dma_start3A, %mul3A_2] : memref<4x4x16384xf32, #tpu.memory_space<hbm>> -> memref<1x4x512xf32, #tpu.memory_space<hbm>>
      %dma_start3A_47 = tpu.memref_squeeze %dma_start3A_46 : memref<1x4x512xf32, #tpu.memory_space<hbm>> -> memref<4x512xf32, #tpu.memory_space<hbm>>
      %dma_start3A_48 = arith.constant 0 : i32
      %dma_start3A_49 = tpu.memref_slice %arg3[%run_scoped3A_24, %dma_start3A_48, %mul3A_2] : memref<4x4x16384xf32, #tpu.memory_space<hbm>> -> memref<1x4x512xf32, #tpu.memory_space<hbm>>
      %dma_start3A_50 = tpu.memref_squeeze %dma_start3A_49 : memref<1x4x512xf32, #tpu.memory_space<hbm>> -> memref<4x512xf32, #tpu.memory_space<hbm>>
      tpu.enqueue_dma source(%dma_start3A_50 : memref<4x512xf32, #tpu.memory_space<hbm>>) target(%arg9 : memref<4x512xf32, #tpu.memory_space<vmem>>) target_semaphore(%run_scoped3A_45 : memref<!tpu.dma_semaphore, #tpu.memory_space<semaphore_mem>>)
      %dma_wait3A = arith.constant 0 : i32
      %dma_wait3A_51 = tpu.memref_slice %arg3[%run_scoped3A_24, %dma_wait3A, %mul3A_2] : memref<4x4x16384xf32, #tpu.memory_space<hbm>> -> memref<1x4x512xf32, #tpu.memory_space<hbm>>
      %dma_wait3A_52 = tpu.memref_squeeze %dma_wait3A_51 : memref<1x4x512xf32, #tpu.memory_space<hbm>> -> memref<4x512xf32, #tpu.memory_space<hbm>>
      %dma_wait3A_53 = arith.constant 0 : i32
      %dma_wait3A_54 = tpu.memref_slice %arg3[%run_scoped3A_24, %dma_wait3A_53, %mul3A_2] : memref<4x4x16384xf32, #tpu.memory_space<hbm>> -> memref<1x4x512xf32, #tpu.memory_space<hbm>>
      %dma_wait3A_55 = tpu.memref_squeeze %dma_wait3A_54 : memref<1x4x512xf32, #tpu.memory_space<hbm>> -> memref<4x512xf32, #tpu.memory_space<hbm>>
      tpu.wait_dma2 semaphore(%run_scoped3A_45 : memref<!tpu.dma_semaphore, #tpu.memory_space<semaphore_mem>>) src(%dma_wait3A_55 : memref<4x512xf32, #tpu.memory_space<hbm>>) dst(%arg9 : memref<4x512xf32, #tpu.memory_space<vmem>>)
      tpu.yield
    }) : () -> ()
    %run_scoped3A_25 = arith.constant 2 : i32
    "tpu.region"() ({
      %run_scoped3A_45 = tpu.sem_alloc : memref<!tpu.dma_semaphore, #tpu.memory_space<semaphore_mem>>
      %dma_start3A = arith.constant 0 : i32
      %dma_start3A_46 = tpu.memref_slice %arg4[%run_scoped3A_25, %dma_start3A] : memref<4x512xf32, #tpu.memory_space<hbm>> -> memref<1x512xf32, #tpu.memory_space<hbm>>
      %dma_start3A_47 = tpu.memref_squeeze %dma_start3A_46 : memref<1x512xf32, #tpu.memory_space<hbm>> -> memref<512xf32, #tpu.memory_space<hbm>>
      %dma_start3A_48 = arith.constant 0 : i32
      %dma_start3A_49 = tpu.memref_slice %arg4[%run_scoped3A_25, %dma_start3A_48] : memref<4x512xf32, #tpu.memory_space<hbm>> -> memref<1x512xf32, #tpu.memory_space<hbm>>
      %dma_start3A_50 = tpu.memref_squeeze %dma_start3A_49 : memref<1x512xf32, #tpu.memory_space<hbm>> -> memref<512xf32, #tpu.memory_space<hbm>>
      tpu.enqueue_dma source(%dma_start3A_50 : memref<512xf32, #tpu.memory_space<hbm>>) target(%arg10 : memref<512xf32, #tpu.memory_space<vmem>>) target_semaphore(%run_scoped3A_45 : memref<!tpu.dma_semaphore, #tpu.memory_space<semaphore_mem>>)
      %dma_wait3A = arith.constant 0 : i32
      %dma_wait3A_51 = tpu.memref_slice %arg4[%run_scoped3A_25, %dma_wait3A] : memref<4x512xf32, #tpu.memory_space<hbm>> -> memref<1x512xf32, #tpu.memory_space<hbm>>
      %dma_wait3A_52 = tpu.memref_squeeze %dma_wait3A_51 : memref<1x512xf32, #tpu.memory_space<hbm>> -> memref<512xf32, #tpu.memory_space<hbm>>
      %dma_wait3A_53 = arith.constant 0 : i32
      %dma_wait3A_54 = tpu.memref_slice %arg4[%run_scoped3A_25, %dma_wait3A_53] : memref<4x512xf32, #tpu.memory_space<hbm>> -> memref<1x512xf32, #tpu.memory_space<hbm>>
      %dma_wait3A_55 = tpu.memref_squeeze %dma_wait3A_54 : memref<1x512xf32, #tpu.memory_space<hbm>> -> memref<512xf32, #tpu.memory_space<hbm>>
      tpu.wait_dma2 semaphore(%run_scoped3A_45 : memref<!tpu.dma_semaphore, #tpu.memory_space<semaphore_mem>>) src(%dma_wait3A_55 : memref<512xf32, #tpu.memory_space<hbm>>) dst(%arg10 : memref<512xf32, #tpu.memory_space<vmem>>)
      tpu.yield
    }) : () -> ()
    %run_scoped3A_26 = arith.constant 2 : i32
    "tpu.region"() ({
      %run_scoped3A_45 = tpu.sem_alloc : memref<!tpu.dma_semaphore, #tpu.memory_space<semaphore_mem>>
      %dma_start3A = arith.constant 0 : i32
      %dma_start3A_46 = tpu.memref_slice %arg5[%run_scoped3A_26, %dma_start3A] : memref<4x128xf32, #tpu.memory_space<hbm>> -> memref<1x128xf32, #tpu.memory_space<hbm>>
      %dma_start3A_47 = tpu.memref_squeeze %dma_start3A_46 : memref<1x128xf32, #tpu.memory_space<hbm>> -> memref<128xf32, #tpu.memory_space<hbm>>
      %dma_start3A_48 = arith.constant 0 : i32
      %dma_start3A_49 = tpu.memref_slice %arg5[%run_scoped3A_26, %dma_start3A_48] : memref<4x128xf32, #tpu.memory_space<hbm>> -> memref<1x128xf32, #tpu.memory_space<hbm>>
      %dma_start3A_50 = tpu.memref_squeeze %dma_start3A_49 : memref<1x128xf32, #tpu.memory_space<hbm>> -> memref<128xf32, #tpu.memory_space<hbm>>
      tpu.enqueue_dma source(%dma_start3A_50 : memref<128xf32, #tpu.memory_space<hbm>>) target(%arg11 : memref<128xf32, #tpu.memory_space<vmem>>) target_semaphore(%run_scoped3A_45 : memref<!tpu.dma_semaphore, #tpu.memory_space<semaphore_mem>>)
      %dma_wait3A = arith.constant 0 : i32
      %dma_wait3A_51 = tpu.memref_slice %arg5[%run_scoped3A_26, %dma_wait3A] : memref<4x128xf32, #tpu.memory_space<hbm>> -> memref<1x128xf32, #tpu.memory_space<hbm>>
      %dma_wait3A_52 = tpu.memref_squeeze %dma_wait3A_51 : memref<1x128xf32, #tpu.memory_space<hbm>> -> memref<128xf32, #tpu.memory_space<hbm>>
      %dma_wait3A_53 = arith.constant 0 : i32
      %dma_wait3A_54 = tpu.memref_slice %arg5[%run_scoped3A_26, %dma_wait3A_53] : memref<4x128xf32, #tpu.memory_space<hbm>> -> memref<1x128xf32, #tpu.memory_space<hbm>>
      %dma_wait3A_55 = tpu.memref_squeeze %dma_wait3A_54 : memref<1x128xf32, #tpu.memory_space<hbm>> -> memref<128xf32, #tpu.memory_space<hbm>>
      tpu.wait_dma2 semaphore(%run_scoped3A_45 : memref<!tpu.dma_semaphore, #tpu.memory_space<semaphore_mem>>) src(%dma_wait3A_55 : memref<128xf32, #tpu.memory_space<hbm>>) dst(%arg11 : memref<128xf32, #tpu.memory_space<vmem>>)
      tpu.yield
    }) : () -> ()
    %scan3A_27 = arith.constant 0 : i32
    %scan3A_28 = arith.constant 32 : i32
    %scan3A_29 = arith.addi %scan3A_27, %scan3A_28 : i32
    %scan3A_30 = arith.constant 1 : i32
    scf.for %scan3A_45 = %scan3A_27 to %scan3A_29 step %scan3A_30  : i32 {
      %mul3A_46 = arith.constant 1 : i32
      %mul3A_47 = arith.muli %scan3A_45, %mul3A_46 : i32
      %add3A_48 = arith.constant 0 : i32
      %add3A_49 = arith.addi %add3A_48, %mul3A_47 : i32
      %broadcast_in_dim3A = arith.constant 0x7F800000 : f32
      %broadcast_in_dim3A_50 = vector.broadcast %broadcast_in_dim3A : f32 to vector<16xf32>
      %swap3A = arith.constant 0 : index
      %swap3A_51 = tpu.vector_load %arg12[%swap3A] {strides = array<i32>} : memref<16xf32, #tpu.memory_space<vmem>>, vector<16xf32>,
      %swap3A_52 = vector.shape_cast %swap3A_51 : vector<16xf32> to vector<16xf32>
      %swap3A_53 = vector.shape_cast %broadcast_in_dim3A_50 : vector<16xf32> to vector<16xf32>
      tpu.vector_store %arg12[%swap3A], %swap3A_53 {strides = array<i32>} : memref<16xf32, #tpu.memory_space<vmem>>, vector<16xf32>,
      %broadcast_in_dim3A_54 = arith.constant 0 : i32
      %broadcast_in_dim3A_55 = vector.broadcast %broadcast_in_dim3A_54 : i32 to vector<16xi32>
      %swap3A_56 = arith.constant 0 : index
      %swap3A_57 = tpu.vector_load %arg13[%swap3A_56] {strides = array<i32>} : memref<16xi32, #tpu.memory_space<vmem>>, vector<16xi32>,
      %swap3A_58 = vector.shape_cast %swap3A_57 : vector<16xi32> to vector<16xi32>
      %swap3A_59 = vector.shape_cast %broadcast_in_dim3A_55 : vector<16xi32> to vector<16xi32>
      tpu.vector_store %arg13[%swap3A_56], %swap3A_59 {strides = array<i32>} : memref<16xi32, #tpu.memory_space<vmem>>, vector<16xi32>,
      %mul3A_60 = arith.constant 4 : i32
      %mul3A_61 = arith.muli %add3A_49, %mul3A_60 : i32
      %add3A_62 = arith.constant 0 : i32
      %add3A_63 = arith.addi %mul3A_61, %add3A_62 : i32
      %get3A = arith.index_cast %add3A_63 : i32 to index
      %get3A_64 = tpu.vector_load %arg11[%get3A] {strides = array<i32>} : memref<128xf32, #tpu.memory_space<vmem>>, vector<1xf32>,
      %get3A_65 = vector.shape_cast %get3A_64 : vector<1xf32> to vector<1xf32>
      %broadcast_in_dim3A_66 = vector.shape_cast %get3A_65 : vector<1xf32> to vector<1xf32>
      %broadcast_in_dim3A_67 = vector.broadcast %broadcast_in_dim3A_66 : vector<1xf32> to vector<16xf32>
      %mul3A_68 = arith.constant 4 : i32
      %mul3A_69 = arith.muli %add3A_49, %mul3A_68 : i32
      %add3A_70 = arith.constant 1 : i32
      %add3A_71 = arith.addi %mul3A_69, %add3A_70 : i32
      %get3A_72 = arith.index_cast %add3A_71 : i32 to index
      %get3A_73 = tpu.vector_load %arg11[%get3A_72] {strides = array<i32>} : memref<128xf32, #tpu.memory_space<vmem>>, vector<1xf32>,
      %get3A_74 = vector.shape_cast %get3A_73 : vector<1xf32> to vector<1xf32>
      %broadcast_in_dim3A_75 = vector.shape_cast %get3A_74 : vector<1xf32> to vector<1xf32>
      %broadcast_in_dim3A_76 = vector.broadcast %broadcast_in_dim3A_75 : vector<1xf32> to vector<16xf32>
      %mul3A_77 = arith.constant 4 : i32
      %mul3A_78 = arith.muli %add3A_49, %mul3A_77 : i32
      %add3A_79 = arith.constant 2 : i32
      %add3A_80 = arith.addi %mul3A_78, %add3A_79 : i32
      %get3A_81 = arith.index_cast %add3A_80 : i32 to index
      %get3A_82 = tpu.vector_load %arg11[%get3A_81] {strides = array<i32>} : memref<128xf32, #tpu.memory_space<vmem>>, vector<1xf32>,
      %get3A_83 = vector.shape_cast %get3A_82 : vector<1xf32> to vector<1xf32>
      %broadcast_in_dim3A_84 = vector.shape_cast %get3A_83 : vector<1xf32> to vector<1xf32>
      %broadcast_in_dim3A_85 = vector.broadcast %broadcast_in_dim3A_84 : vector<1xf32> to vector<16xf32>
      %mul3A_86 = arith.constant 4 : i32
      %mul3A_87 = arith.muli %add3A_49, %mul3A_86 : i32
      %add3A_88 = arith.constant 3 : i32
      %add3A_89 = arith.addi %mul3A_87, %add3A_88 : i32
      %get3A_90 = arith.index_cast %add3A_89 : i32 to index
      %get3A_91 = tpu.vector_load %arg11[%get3A_90] {strides = array<i32>} : memref<128xf32, #tpu.memory_space<vmem>>, vector<1xf32>,
      %get3A_92 = vector.shape_cast %get3A_91 : vector<1xf32> to vector<1xf32>
      %broadcast_in_dim3A_93 = vector.shape_cast %get3A_92 : vector<1xf32> to vector<1xf32>
      %broadcast_in_dim3A_94 = vector.broadcast %broadcast_in_dim3A_93 : vector<1xf32> to vector<16xf32>
      %mul3A_95 = arith.constant 16 : i32
      %mul3A_96 = arith.muli %add3A_49, %mul3A_95 : i32
      %add3A_97 = arith.constant 0 : i32
      %add3A_98 = arith.addi %mul3A_96, %add3A_97 : i32
      %get3A_99 = arith.index_cast %add3A_98 : i32 to index
      %get3A_100 = tpu.vector_load %arg10[%get3A_99] {strides = array<i32>} : memref<512xf32, #tpu.memory_space<vmem>>, vector<1xf32>,
      %get3A_101 = vector.shape_cast %get3A_100 : vector<1xf32> to vector<1xf32>
      %broadcast_in_dim3A_102 = vector.shape_cast %get3A_101 : vector<1xf32> to vector<1xf32>
      %broadcast_in_dim3A_103 = vector.broadcast %broadcast_in_dim3A_102 : vector<1xf32> to vector<16xf32>
      %mul3A_104 = arith.constant 16 : i32
      %mul3A_105 = arith.muli %add3A_49, %mul3A_104 : i32
      %add3A_106 = arith.constant 1 : i32
      %add3A_107 = arith.addi %mul3A_105, %add3A_106 : i32
      %get3A_108 = arith.index_cast %add3A_107 : i32 to index
      %get3A_109 = tpu.vector_load %arg10[%get3A_108] {strides = array<i32>} : memref<512xf32, #tpu.memory_space<vmem>>, vector<1xf32>,
      %get3A_110 = vector.shape_cast %get3A_109 : vector<1xf32> to vector<1xf32>
      %broadcast_in_dim3A_111 = vector.shape_cast %get3A_110 : vector<1xf32> to vector<1xf32>
      %broadcast_in_dim3A_112 = vector.broadcast %broadcast_in_dim3A_111 : vector<1xf32> to vector<16xf32>
      %mul3A_113 = arith.constant 16 : i32
      %mul3A_114 = arith.muli %add3A_49, %mul3A_113 : i32
      %add3A_115 = arith.constant 2 : i32
      %add3A_116 = arith.addi %mul3A_114, %add3A_115 : i32
      %get3A_117 = arith.index_cast %add3A_116 : i32 to index
      %get3A_118 = tpu.vector_load %arg10[%get3A_117] {strides = array<i32>} : memref<512xf32, #tpu.memory_space<vmem>>, vector<1xf32>,
      %get3A_119 = vector.shape_cast %get3A_118 : vector<1xf32> to vector<1xf32>
      %broadcast_in_dim3A_120 = vector.shape_cast %get3A_119 : vector<1xf32> to vector<1xf32>
      %broadcast_in_dim3A_121 = vector.broadcast %broadcast_in_dim3A_120 : vector<1xf32> to vector<16xf32>
      %mul3A_122 = arith.constant 16 : i32
      %mul3A_123 = arith.muli %add3A_49, %mul3A_122 : i32
      %add3A_124 = arith.constant 3 : i32
      %add3A_125 = arith.addi %mul3A_123, %add3A_124 : i32
      %get3A_126 = arith.index_cast %add3A_125 : i32 to index
      %get3A_127 = tpu.vector_load %arg10[%get3A_126] {strides = array<i32>} : memref<512xf32, #tpu.memory_space<vmem>>, vector<1xf32>,
      %get3A_128 = vector.shape_cast %get3A_127 : vector<1xf32> to vector<1xf32>
      %broadcast_in_dim3A_129 = vector.shape_cast %get3A_128 : vector<1xf32> to vector<1xf32>
      %broadcast_in_dim3A_130 = vector.broadcast %broadcast_in_dim3A_129 : vector<1xf32> to vector<16xf32>
      %mul3A_131 = arith.constant 16 : i32
      %mul3A_132 = arith.muli %add3A_49, %mul3A_131 : i32
      %add3A_133 = arith.constant 4 : i32
      %add3A_134 = arith.addi %mul3A_132, %add3A_133 : i32
      %get3A_135 = arith.index_cast %add3A_134 : i32 to index
      %get3A_136 = tpu.vector_load %arg10[%get3A_135] {strides = array<i32>} : memref<512xf32, #tpu.memory_space<vmem>>, vector<1xf32>,
      %get3A_137 = vector.shape_cast %get3A_136 : vector<1xf32> to vector<1xf32>
      %broadcast_in_dim3A_138 = vector.shape_cast %get3A_137 : vector<1xf32> to vector<1xf32>
      %broadcast_in_dim3A_139 = vector.broadcast %broadcast_in_dim3A_138 : vector<1xf32> to vector<16xf32>
      %mul3A_140 = arith.constant 16 : i32
      %mul3A_141 = arith.muli %add3A_49, %mul3A_140 : i32
      %add3A_142 = arith.constant 5 : i32
      %add3A_143 = arith.addi %mul3A_141, %add3A_142 : i32
      %get3A_144 = arith.index_cast %add3A_143 : i32 to index
      %get3A_145 = tpu.vector_load %arg10[%get3A_144] {strides = array<i32>} : memref<512xf32, #tpu.memory_space<vmem>>, vector<1xf32>,
      %get3A_146 = vector.shape_cast %get3A_145 : vector<1xf32> to vector<1xf32>
      %broadcast_in_dim3A_147 = vector.shape_cast %get3A_146 : vector<1xf32> to vector<1xf32>
      %broadcast_in_dim3A_148 = vector.broadcast %broadcast_in_dim3A_147 : vector<1xf32> to vector<16xf32>
      %mul3A_149 = arith.constant 16 : i32
      %mul3A_150 = arith.muli %add3A_49, %mul3A_149 : i32
      %add3A_151 = arith.constant 6 : i32
      %add3A_152 = arith.addi %mul3A_150, %add3A_151 : i32
      %get3A_153 = arith.index_cast %add3A_152 : i32 to index
      %get3A_154 = tpu.vector_load %arg10[%get3A_153] {strides = array<i32>} : memref<512xf32, #tpu.memory_space<vmem>>, vector<1xf32>,
      %get3A_155 = vector.shape_cast %get3A_154 : vector<1xf32> to vector<1xf32>
      %broadcast_in_dim3A_156 = vector.shape_cast %get3A_155 : vector<1xf32> to vector<1xf32>
      %broadcast_in_dim3A_157 = vector.broadcast %broadcast_in_dim3A_156 : vector<1xf32> to vector<16xf32>
      %mul3A_158 = arith.constant 16 : i32
      %mul3A_159 = arith.muli %add3A_49, %mul3A_158 : i32
      %add3A_160 = arith.constant 7 : i32
      %add3A_161 = arith.addi %mul3A_159, %add3A_160 : i32
      %get3A_162 = arith.index_cast %add3A_161 : i32 to index
      %get3A_163 = tpu.vector_load %arg10[%get3A_162] {strides = array<i32>} : memref<512xf32, #tpu.memory_space<vmem>>, vector<1xf32>,
      %get3A_164 = vector.shape_cast %get3A_163 : vector<1xf32> to vector<1xf32>
      %broadcast_in_dim3A_165 = vector.shape_cast %get3A_164 : vector<1xf32> to vector<1xf32>
      %broadcast_in_dim3A_166 = vector.broadcast %broadcast_in_dim3A_165 : vector<1xf32> to vector<16xf32>
      %mul3A_167 = arith.constant 16 : i32
      %mul3A_168 = arith.muli %add3A_49, %mul3A_167 : i32
      %add3A_169 = arith.constant 8 : i32
      %add3A_170 = arith.addi %mul3A_168, %add3A_169 : i32
      %get3A_171 = arith.index_cast %add3A_170 : i32 to index
      %get3A_172 = tpu.vector_load %arg10[%get3A_171] {strides = array<i32>} : memref<512xf32, #tpu.memory_space<vmem>>, vector<1xf32>,
      %get3A_173 = vector.shape_cast %get3A_172 : vector<1xf32> to vector<1xf32>
      %broadcast_in_dim3A_174 = vector.shape_cast %get3A_173 : vector<1xf32> to vector<1xf32>
      %broadcast_in_dim3A_175 = vector.broadcast %broadcast_in_dim3A_174 : vector<1xf32> to vector<16xf32>
      %mul3A_176 = arith.constant 16 : i32
      %mul3A_177 = arith.muli %add3A_49, %mul3A_176 : i32
      %add3A_178 = arith.constant 9 : i32
      %add3A_179 = arith.addi %mul3A_177, %add3A_178 : i32
      %get3A_180 = arith.index_cast %add3A_179 : i32 to index
      %get3A_181 = tpu.vector_load %arg10[%get3A_180] {strides = array<i32>} : memref<512xf32, #tpu.memory_space<vmem>>, vector<1xf32>,
      %get3A_182 = vector.shape_cast %get3A_181 : vector<1xf32> to vector<1xf32>
      %broadcast_in_dim3A_183 = vector.shape_cast %get3A_182 : vector<1xf32> to vector<1xf32>
      %broadcast_in_dim3A_184 = vector.broadcast %broadcast_in_dim3A_183 : vector<1xf32> to vector<16xf32>
      %mul3A_185 = arith.constant 16 : i32
      %mul3A_186 = arith.muli %add3A_49, %mul3A_185 : i32
      %add3A_187 = arith.constant 10 : i32
      %add3A_188 = arith.addi %mul3A_186, %add3A_187 : i32
      %get3A_189 = arith.index_cast %add3A_188 : i32 to index
      %get3A_190 = tpu.vector_load %arg10[%get3A_189] {strides = array<i32>} : memref<512xf32, #tpu.memory_space<vmem>>, vector<1xf32>,
      %get3A_191 = vector.shape_cast %get3A_190 : vector<1xf32> to vector<1xf32>
      %broadcast_in_dim3A_192 = vector.shape_cast %get3A_191 : vector<1xf32> to vector<1xf32>
      %broadcast_in_dim3A_193 = vector.broadcast %broadcast_in_dim3A_192 : vector<1xf32> to vector<16xf32>
      %mul3A_194 = arith.constant 16 : i32
      %mul3A_195 = arith.muli %add3A_49, %mul3A_194 : i32
      %add3A_196 = arith.constant 11 : i32
      %add3A_197 = arith.addi %mul3A_195, %add3A_196 : i32
      %get3A_198 = arith.index_cast %add3A_197 : i32 to index
      %get3A_199 = tpu.vector_load %arg10[%get3A_198] {strides = array<i32>} : memref<512xf32, #tpu.memory_space<vmem>>, vector<1xf32>,
      %get3A_200 = vector.shape_cast %get3A_199 : vector<1xf32> to vector<1xf32>
      %broadcast_in_dim3A_201 = vector.shape_cast %get3A_200 : vector<1xf32> to vector<1xf32>
      %broadcast_in_dim3A_202 = vector.broadcast %broadcast_in_dim3A_201 : vector<1xf32> to vector<16xf32>
      %mul3A_203 = arith.constant 16 : i32
      %mul3A_204 = arith.muli %add3A_49, %mul3A_203 : i32
      %add3A_205 = arith.constant 12 : i32
      %add3A_206 = arith.addi %mul3A_204, %add3A_205 : i32
      %get3A_207 = arith.index_cast %add3A_206 : i32 to index
      %get3A_208 = tpu.vector_load %arg10[%get3A_207] {strides = array<i32>} : memref<512xf32, #tpu.memory_space<vmem>>, vector<1xf32>,
      %get3A_209 = vector.shape_cast %get3A_208 : vector<1xf32> to vector<1xf32>
      %broadcast_in_dim3A_210 = vector.shape_cast %get3A_209 : vector<1xf32> to vector<1xf32>
      %broadcast_in_dim3A_211 = vector.broadcast %broadcast_in_dim3A_210 : vector<1xf32> to vector<16xf32>
      %mul3A_212 = arith.constant 16 : i32
      %mul3A_213 = arith.muli %add3A_49, %mul3A_212 : i32
      %add3A_214 = arith.constant 13 : i32
      %add3A_215 = arith.addi %mul3A_213, %add3A_214 : i32
      %get3A_216 = arith.index_cast %add3A_215 : i32 to index
      %get3A_217 = tpu.vector_load %arg10[%get3A_216] {strides = array<i32>} : memref<512xf32, #tpu.memory_space<vmem>>, vector<1xf32>,
      %get3A_218 = vector.shape_cast %get3A_217 : vector<1xf32> to vector<1xf32>
      %broadcast_in_dim3A_219 = vector.shape_cast %get3A_218 : vector<1xf32> to vector<1xf32>
      %broadcast_in_dim3A_220 = vector.broadcast %broadcast_in_dim3A_219 : vector<1xf32> to vector<16xf32>
      %mul3A_221 = arith.constant 16 : i32
      %mul3A_222 = arith.muli %add3A_49, %mul3A_221 : i32
      %add3A_223 = arith.constant 14 : i32
      %add3A_224 = arith.addi %mul3A_222, %add3A_223 : i32
      %get3A_225 = arith.index_cast %add3A_224 : i32 to index
      %get3A_226 = tpu.vector_load %arg10[%get3A_225] {strides = array<i32>} : memref<512xf32, #tpu.memory_space<vmem>>, vector<1xf32>,
      %get3A_227 = vector.shape_cast %get3A_226 : vector<1xf32> to vector<1xf32>
      %broadcast_in_dim3A_228 = vector.shape_cast %get3A_227 : vector<1xf32> to vector<1xf32>
      %broadcast_in_dim3A_229 = vector.broadcast %broadcast_in_dim3A_228 : vector<1xf32> to vector<16xf32>
      %mul3A_230 = arith.constant 16 : i32
      %mul3A_231 = arith.muli %add3A_49, %mul3A_230 : i32
      %add3A_232 = arith.constant 15 : i32
      %add3A_233 = arith.addi %mul3A_231, %add3A_232 : i32
      %get3A_234 = arith.index_cast %add3A_233 : i32 to index
      %get3A_235 = tpu.vector_load %arg10[%get3A_234] {strides = array<i32>} : memref<512xf32, #tpu.memory_space<vmem>>, vector<1xf32>,
      %get3A_236 = vector.shape_cast %get3A_235 : vector<1xf32> to vector<1xf32>
      %broadcast_in_dim3A_237 = vector.shape_cast %get3A_236 : vector<1xf32> to vector<1xf32>
      %broadcast_in_dim3A_238 = vector.broadcast %broadcast_in_dim3A_237 : vector<1xf32> to vector<16xf32>
      %sub3A = arith.subf %broadcast_in_dim3A_85, %broadcast_in_dim3A_67 : vector<16xf32>
      %max3A = arith.constant 0.000000e+00 : f32
      %max3A_239 = vector.broadcast %max3A : f32 to vector<16xf32>
      %max3A_240 = arith.maximumf %sub3A, %max3A_239 : vector<16xf32>
      %sub3A_241 = arith.subf %broadcast_in_dim3A_94, %broadcast_in_dim3A_76 : vector<16xf32>
      %max3A_242 = arith.constant 0.000000e+00 : f32
      %max3A_243 = vector.broadcast %max3A_242 : f32 to vector<16xf32>
      %max3A_244 = arith.maximumf %sub3A_241, %max3A_243 : vector<16xf32>
      %mul3A_245 = arith.mulf %max3A_240, %max3A_244 : vector<16xf32>
      %scan3A_246 = arith.constant 0 : i32
      %scan3A_247 = arith.constant 32 : i32
      %scan3A_248 = arith.addi %scan3A_246, %scan3A_247 : i32
      %scan3A_249 = arith.constant 1 : i32
      scf.for %scan3A_275 = %scan3A_246 to %scan3A_248 step %scan3A_249  : i32 {
        %mul3A_276 = arith.constant 1 : i32
        %mul3A_277 = arith.muli %scan3A_275, %mul3A_276 : i32
        %add3A_278 = arith.constant 0 : i32
        %add3A_279 = arith.addi %add3A_278, %mul3A_277 : i32
        %mul3A_280 = arith.constant 16 : i32
        %mul3A_281 = arith.muli %add3A_279, %mul3A_280 : i32
        %get3A_282 = arith.constant 0 : i32
        %get3A_283 = arith.index_cast %get3A_282 : i32 to index
        %get3A_284 = arith.index_cast %mul3A_281 : i32 to index
        %get3A_285 = tpu.vector_load %arg8[%get3A_283, %get3A_284] {strides = array<i32>} : memref<16x512xf32, #tpu.memory_space<vmem>>, vector<1x16xf32>,
        %get3A_286 = vector.shape_cast %get3A_285 : vector<1x16xf32> to vector<16xf32>
        %mul3A_287 = arith.mulf %broadcast_in_dim3A_103, %get3A_286 : vector<16xf32>
        %get3A_288 = arith.constant 1 : i32
        %get3A_289 = arith.index_cast %get3A_288 : i32 to index
        %get3A_290 = arith.index_cast %mul3A_281 : i32 to index
        %get3A_291 = tpu.vector_load %arg8[%get3A_289, %get3A_290] {strides = array<i32>} : memref<16x512xf32, #tpu.memory_space<vmem>>, vector<1x16xf32>,
        %get3A_292 = vector.shape_cast %get3A_291 : vector<1x16xf32> to vector<16xf32>
        %mul3A_293 = arith.mulf %broadcast_in_dim3A_112, %get3A_292 : vector<16xf32>
        %add3A_294 = arith.addf %mul3A_287, %mul3A_293 : vector<16xf32>
        %get3A_295 = arith.constant 2 : i32
        %get3A_296 = arith.index_cast %get3A_295 : i32 to index
        %get3A_297 = arith.index_cast %mul3A_281 : i32 to index
        %get3A_298 = tpu.vector_load %arg8[%get3A_296, %get3A_297] {strides = array<i32>} : memref<16x512xf32, #tpu.memory_space<vmem>>, vector<1x16xf32>,
        %get3A_299 = vector.shape_cast %get3A_298 : vector<1x16xf32> to vector<16xf32>
        %mul3A_300 = arith.mulf %broadcast_in_dim3A_121, %get3A_299 : vector<16xf32>
        %add3A_301 = arith.addf %add3A_294, %mul3A_300 : vector<16xf32>
        %get3A_302 = arith.constant 3 : i32
        %get3A_303 = arith.index_cast %get3A_302 : i32 to index
        %get3A_304 = arith.index_cast %mul3A_281 : i32 to index
        %get3A_305 = tpu.vector_load %arg8[%get3A_303, %get3A_304] {strides = array<i32>} : memref<16x512xf32, #tpu.memory_space<vmem>>, vector<1x16xf32>,
        %get3A_306 = vector.shape_cast %get3A_305 : vector<1x16xf32> to vector<16xf32>
        %mul3A_307 = arith.mulf %broadcast_in_dim3A_130, %get3A_306 : vector<16xf32>
        %add3A_308 = arith.addf %add3A_301, %mul3A_307 : vector<16xf32>
        %get3A_309 = arith.constant 4 : i32
        %get3A_310 = arith.index_cast %get3A_309 : i32 to index
        %get3A_311 = arith.index_cast %mul3A_281 : i32 to index
        %get3A_312 = tpu.vector_load %arg8[%get3A_310, %get3A_311] {strides = array<i32>} : memref<16x512xf32, #tpu.memory_space<vmem>>, vector<1x16xf32>,
        %get3A_313 = vector.shape_cast %get3A_312 : vector<1x16xf32> to vector<16xf32>
        %mul3A_314 = arith.mulf %broadcast_in_dim3A_139, %get3A_313 : vector<16xf32>
        %add3A_315 = arith.addf %add3A_308, %mul3A_314 : vector<16xf32>
        %get3A_316 = arith.constant 5 : i32
        %get3A_317 = arith.index_cast %get3A_316 : i32 to index
        %get3A_318 = arith.index_cast %mul3A_281 : i32 to index
        %get3A_319 = tpu.vector_load %arg8[%get3A_317, %get3A_318] {strides = array<i32>} : memref<16x512xf32, #tpu.memory_space<vmem>>, vector<1x16xf32>,
        %get3A_320 = vector.shape_cast %get3A_319 : vector<1x16xf32> to vector<16xf32>
        %mul3A_321 = arith.mulf %broadcast_in_dim3A_148, %get3A_320 : vector<16xf32>
        %add3A_322 = arith.addf %add3A_315, %mul3A_321 : vector<16xf32>
        %get3A_323 = arith.constant 6 : i32
        %get3A_324 = arith.index_cast %get3A_323 : i32 to index
        %get3A_325 = arith.index_cast %mul3A_281 : i32 to index
        %get3A_326 = tpu.vector_load %arg8[%get3A_324, %get3A_325] {strides = array<i32>} : memref<16x512xf32, #tpu.memory_space<vmem>>, vector<1x16xf32>,
        %get3A_327 = vector.shape_cast %get3A_326 : vector<1x16xf32> to vector<16xf32>
        %mul3A_328 = arith.mulf %broadcast_in_dim3A_157, %get3A_327 : vector<16xf32>
        %add3A_329 = arith.addf %add3A_322, %mul3A_328 : vector<16xf32>
        %get3A_330 = arith.constant 7 : i32
        %get3A_331 = arith.index_cast %get3A_330 : i32 to index
        %get3A_332 = arith.index_cast %mul3A_281 : i32 to index
        %get3A_333 = tpu.vector_load %arg8[%get3A_331, %get3A_332] {strides = array<i32>} : memref<16x512xf32, #tpu.memory_space<vmem>>, vector<1x16xf32>,
        %get3A_334 = vector.shape_cast %get3A_333 : vector<1x16xf32> to vector<16xf32>
        %mul3A_335 = arith.mulf %broadcast_in_dim3A_166, %get3A_334 : vector<16xf32>
        %add3A_336 = arith.addf %add3A_329, %mul3A_335 : vector<16xf32>
        %get3A_337 = arith.constant 8 : i32
        %get3A_338 = arith.index_cast %get3A_337 : i32 to index
        %get3A_339 = arith.index_cast %mul3A_281 : i32 to index
        %get3A_340 = tpu.vector_load %arg8[%get3A_338, %get3A_339] {strides = array<i32>} : memref<16x512xf32, #tpu.memory_space<vmem>>, vector<1x16xf32>,
        %get3A_341 = vector.shape_cast %get3A_340 : vector<1x16xf32> to vector<16xf32>
        %mul3A_342 = arith.mulf %broadcast_in_dim3A_175, %get3A_341 : vector<16xf32>
        %add3A_343 = arith.addf %add3A_336, %mul3A_342 : vector<16xf32>
        %get3A_344 = arith.constant 9 : i32
        %get3A_345 = arith.index_cast %get3A_344 : i32 to index
        %get3A_346 = arith.index_cast %mul3A_281 : i32 to index
        %get3A_347 = tpu.vector_load %arg8[%get3A_345, %get3A_346] {strides = array<i32>} : memref<16x512xf32, #tpu.memory_space<vmem>>, vector<1x16xf32>,
        %get3A_348 = vector.shape_cast %get3A_347 : vector<1x16xf32> to vector<16xf32>
        %mul3A_349 = arith.mulf %broadcast_in_dim3A_184, %get3A_348 : vector<16xf32>
        %add3A_350 = arith.addf %add3A_343, %mul3A_349 : vector<16xf32>
        %get3A_351 = arith.constant 10 : i32
        %get3A_352 = arith.index_cast %get3A_351 : i32 to index
        %get3A_353 = arith.index_cast %mul3A_281 : i32 to index
        %get3A_354 = tpu.vector_load %arg8[%get3A_352, %get3A_353] {strides = array<i32>} : memref<16x512xf32, #tpu.memory_space<vmem>>, vector<1x16xf32>,
        %get3A_355 = vector.shape_cast %get3A_354 : vector<1x16xf32> to vector<16xf32>
        %mul3A_356 = arith.mulf %broadcast_in_dim3A_193, %get3A_355 : vector<16xf32>
        %add3A_357 = arith.addf %add3A_350, %mul3A_356 : vector<16xf32>
        %get3A_358 = arith.constant 11 : i32
        %get3A_359 = arith.index_cast %get3A_358 : i32 to index
        %get3A_360 = arith.index_cast %mul3A_281 : i32 to index
        %get3A_361 = tpu.vector_load %arg8[%get3A_359, %get3A_360] {strides = array<i32>} : memref<16x512xf32, #tpu.memory_space<vmem>>, vector<1x16xf32>,
        %get3A_362 = vector.shape_cast %get3A_361 : vector<1x16xf32> to vector<16xf32>
        %mul3A_363 = arith.mulf %broadcast_in_dim3A_202, %get3A_362 : vector<16xf32>
        %add3A_364 = arith.addf %add3A_357, %mul3A_363 : vector<16xf32>
        %get3A_365 = arith.constant 12 : i32
        %get3A_366 = arith.index_cast %get3A_365 : i32 to index
        %get3A_367 = arith.index_cast %mul3A_281 : i32 to index
        %get3A_368 = tpu.vector_load %arg8[%get3A_366, %get3A_367] {strides = array<i32>} : memref<16x512xf32, #tpu.memory_space<vmem>>, vector<1x16xf32>,
        %get3A_369 = vector.shape_cast %get3A_368 : vector<1x16xf32> to vector<16xf32>
        %mul3A_370 = arith.mulf %broadcast_in_dim3A_211, %get3A_369 : vector<16xf32>
        %add3A_371 = arith.addf %add3A_364, %mul3A_370 : vector<16xf32>
        %get3A_372 = arith.constant 13 : i32
        %get3A_373 = arith.index_cast %get3A_372 : i32 to index
        %get3A_374 = arith.index_cast %mul3A_281 : i32 to index
        %get3A_375 = tpu.vector_load %arg8[%get3A_373, %get3A_374] {strides = array<i32>} : memref<16x512xf32, #tpu.memory_space<vmem>>, vector<1x16xf32>,
        %get3A_376 = vector.shape_cast %get3A_375 : vector<1x16xf32> to vector<16xf32>
        %mul3A_377 = arith.mulf %broadcast_in_dim3A_220, %get3A_376 : vector<16xf32>
        %add3A_378 = arith.addf %add3A_371, %mul3A_377 : vector<16xf32>
        %get3A_379 = arith.constant 14 : i32
        %get3A_380 = arith.index_cast %get3A_379 : i32 to index
        %get3A_381 = arith.index_cast %mul3A_281 : i32 to index
        %get3A_382 = tpu.vector_load %arg8[%get3A_380, %get3A_381] {strides = array<i32>} : memref<16x512xf32, #tpu.memory_space<vmem>>, vector<1x16xf32>,
        %get3A_383 = vector.shape_cast %get3A_382 : vector<1x16xf32> to vector<16xf32>
        %mul3A_384 = arith.mulf %broadcast_in_dim3A_229, %get3A_383 : vector<16xf32>
        %add3A_385 = arith.addf %add3A_378, %mul3A_384 : vector<16xf32>
        %get3A_386 = arith.constant 15 : i32
        %get3A_387 = arith.index_cast %get3A_386 : i32 to index
        %get3A_388 = arith.index_cast %mul3A_281 : i32 to index
        %get3A_389 = tpu.vector_load %arg8[%get3A_387, %get3A_388] {strides = array<i32>} : memref<16x512xf32, #tpu.memory_space<vmem>>, vector<1x16xf32>,
        %get3A_390 = vector.shape_cast %get3A_389 : vector<1x16xf32> to vector<16xf32>
        %mul3A_391 = arith.mulf %broadcast_in_dim3A_238, %get3A_390 : vector<16xf32>
        %add3A_392 = arith.addf %add3A_385, %mul3A_391 : vector<16xf32>
        %get3A_393 = arith.constant 0 : i32
        %get3A_394 = arith.index_cast %get3A_393 : i32 to index
        %get3A_395 = arith.index_cast %mul3A_281 : i32 to index
        %get3A_396 = tpu.vector_load %arg9[%get3A_394, %get3A_395] {strides = array<i32>} : memref<4x512xf32, #tpu.memory_space<vmem>>, vector<1x16xf32>,
        %get3A_397 = vector.shape_cast %get3A_396 : vector<1x16xf32> to vector<16xf32>
        %get3A_398 = arith.constant 1 : i32
        %get3A_399 = arith.index_cast %get3A_398 : i32 to index
        %get3A_400 = arith.index_cast %mul3A_281 : i32 to index
        %get3A_401 = tpu.vector_load %arg9[%get3A_399, %get3A_400] {strides = array<i32>} : memref<4x512xf32, #tpu.memory_space<vmem>>, vector<1x16xf32>,
        %get3A_402 = vector.shape_cast %get3A_401 : vector<1x16xf32> to vector<16xf32>
        %get3A_403 = arith.constant 2 : i32
        %get3A_404 = arith.index_cast %get3A_403 : i32 to index
        %get3A_405 = arith.index_cast %mul3A_281 : i32 to index
        %get3A_406 = tpu.vector_load %arg9[%get3A_404, %get3A_405] {strides = array<i32>} : memref<4x512xf32, #tpu.memory_space<vmem>>, vector<1x16xf32>,
        %get3A_407 = vector.shape_cast %get3A_406 : vector<1x16xf32> to vector<16xf32>
        %get3A_408 = arith.constant 3 : i32
        %get3A_409 = arith.index_cast %get3A_408 : i32 to index
        %get3A_410 = arith.index_cast %mul3A_281 : i32 to index
        %get3A_411 = tpu.vector_load %arg9[%get3A_409, %get3A_410] {strides = array<i32>} : memref<4x512xf32, #tpu.memory_space<vmem>>, vector<1x16xf32>,
        %get3A_412 = vector.shape_cast %get3A_411 : vector<1x16xf32> to vector<16xf32>
        %sub3A_413 = arith.subf %broadcast_in_dim3A_67, %get3A_397 : vector<16xf32>
        %abs3A = math.absf %sub3A_413 : vector<16xf32>
        %sub3A_414 = arith.subf %broadcast_in_dim3A_76, %get3A_402 : vector<16xf32>
        %abs3A_415 = math.absf %sub3A_414 : vector<16xf32>
        %add3A_416 = arith.addf %abs3A, %abs3A_415 : vector<16xf32>
        %sub3A_417 = arith.subf %broadcast_in_dim3A_85, %get3A_407 : vector<16xf32>
        %abs3A_418 = math.absf %sub3A_417 : vector<16xf32>
        %add3A_419 = arith.addf %add3A_416, %abs3A_418 : vector<16xf32>
        %sub3A_420 = arith.subf %broadcast_in_dim3A_94, %get3A_412 : vector<16xf32>
        %abs3A_421 = math.absf %sub3A_420 : vector<16xf32>
        %add3A_422 = arith.addf %add3A_419, %abs3A_421 : vector<16xf32>
        %sub3A_423 = arith.subf %get3A_407, %get3A_397 : vector<16xf32>
        %max3A_424 = arith.constant 0.000000e+00 : f32
        %max3A_425 = vector.broadcast %max3A_424 : f32 to vector<16xf32>
        %max3A_426 = arith.maximumf %sub3A_423, %max3A_425 : vector<16xf32>
        %sub3A_427 = arith.subf %get3A_412, %get3A_402 : vector<16xf32>
        %max3A_428 = arith.constant 0.000000e+00 : f32
        %max3A_429 = vector.broadcast %max3A_428 : f32 to vector<16xf32>
        %max3A_430 = arith.maximumf %sub3A_427, %max3A_429 : vector<16xf32>
        %mul3A_431 = arith.mulf %max3A_426, %max3A_430 : vector<16xf32>
        %min3A = arith.minimumf %get3A_407, %broadcast_in_dim3A_85 : vector<16xf32>
        %max3A_432 = arith.maximumf %get3A_397, %broadcast_in_dim3A_67 : vector<16xf32>
        %sub3A_433 = arith.subf %min3A, %max3A_432 : vector<16xf32>
        %min3A_434 = arith.minimumf %get3A_412, %broadcast_in_dim3A_94 : vector<16xf32>
        %max3A_435 = arith.maximumf %get3A_402, %broadcast_in_dim3A_76 : vector<16xf32>
        %sub3A_436 = arith.subf %min3A_434, %max3A_435 : vector<16xf32>
        %max3A_437 = arith.constant 0.000000e+00 : f32
        %max3A_438 = vector.broadcast %max3A_437 : f32 to vector<16xf32>
        %max3A_439 = arith.maximumf %sub3A_433, %max3A_438 : vector<16xf32>
        %max3A_440 = arith.constant 0.000000e+00 : f32
        %max3A_441 = vector.broadcast %max3A_440 : f32 to vector<16xf32>
        %max3A_442 = arith.maximumf %sub3A_436, %max3A_441 : vector<16xf32>
        %mul3A_443 = arith.mulf %max3A_439, %max3A_442 : vector<16xf32>
        %add3A_444 = arith.addf %mul3A_431, %mul3A_245 : vector<16xf32>
        %sub3A_445 = arith.subf %add3A_444, %mul3A_443 : vector<16xf32>
        %gt3A = arith.constant 0.000000e+00 : f32
        %gt3A_446 = vector.broadcast %gt3A : f32 to vector<16xf32>
        %gt3A_447 = arith.cmpf ogt, %sub3A_445, %gt3A_446 : vector<16xf32>
        %jit3A = arith.constant 1.000000e+00 : f32
        %broadcast_in_dim3A_448 = vector.broadcast %jit3A : f32 to vector<16xf32>
        %select_n3A = arith.select %gt3A_447, %sub3A_445, %broadcast_in_dim3A_448 : vector<16xi1>, vector<16xf32>
        %div3A = arith.divf %mul3A_443, %select_n3A : vector<16xf32>
        %add3A_449 = arith.addf %max3A_426, %max3A_240 : vector<16xf32>
        %sub3A_450 = arith.subf %add3A_449, %sub3A_433 : vector<16xf32>
        %add3A_451 = arith.addf %max3A_430, %max3A_244 : vector<16xf32>
        %sub3A_452 = arith.subf %add3A_451, %sub3A_436 : vector<16xf32>
        %mul3A_453 = arith.mulf %sub3A_450, %sub3A_452 : vector<16xf32>
        %sub3A_454 = arith.subf %mul3A_453, %sub3A_445 : vector<16xf32>
        %gt3A_455 = arith.constant 0.000000e+00 : f32
        %gt3A_456 = vector.broadcast %gt3A_455 : f32 to vector<16xf32>
        %gt3A_457 = arith.cmpf ogt, %mul3A_453, %gt3A_456 : vector<16xf32>
        %jit3A_458 = arith.constant 1.000000e+00 : f32
        %broadcast_in_dim3A_459 = vector.broadcast %jit3A_458 : f32 to vector<16xf32>
        %select_n3A_460 = arith.select %gt3A_457, %mul3A_453, %broadcast_in_dim3A_459 : vector<16xi1>, vector<16xf32>
        %div3A_461 = arith.divf %sub3A_454, %select_n3A_460 : vector<16xf32>
        %mul3A_462 = arith.constant 2.500000e+00 : f32
        %mul3A_463 = vector.broadcast %mul3A_462 : f32 to vector<16xf32>
        %mul3A_464 = arith.mulf %mul3A_463, %add3A_422 : vector<16xf32>
        %add3A_465 = arith.addf %add3A_392, %mul3A_464 : vector<16xf32>
        %sub3A_466 = arith.constant 1.000000e+00 : f32
        %sub3A_467 = vector.broadcast %sub3A_466 : f32 to vector<16xf32>
        %sub3A_468 = arith.subf %sub3A_467, %div3A : vector<16xf32>
        %add3A_469 = arith.addf %add3A_465, %sub3A_468 : vector<16xf32>
        %add3A_470 = arith.addf %add3A_469, %div3A_461 : vector<16xf32>
        %get3A_471 = arith.constant 0 : index
        %get3A_472 = tpu.vector_load %arg12[%get3A_471] {strides = array<i32>} : memref<16xf32, #tpu.memory_space<vmem>>, vector<16xf32>,
        %get3A_473 = vector.shape_cast %get3A_472 : vector<16xf32> to vector<16xf32>
        %lt3A = arith.cmpf olt, %add3A_470, %get3A_473 : vector<16xf32>
        %min3A_474 = arith.minimumf %add3A_470, %get3A_473 : vector<16xf32>
        %swap3A_475 = arith.constant 0 : index
        %swap3A_476 = tpu.vector_load %arg12[%swap3A_475] {strides = array<i32>} : memref<16xf32, #tpu.memory_space<vmem>>, vector<16xf32>,
        %swap3A_477 = vector.shape_cast %swap3A_476 : vector<16xf32> to vector<16xf32>
        %swap3A_478 = vector.shape_cast %min3A_474 : vector<16xf32> to vector<16xf32>
        tpu.vector_store %arg12[%swap3A_475], %swap3A_478 {strides = array<i32>} : memref<16xf32, #tpu.memory_space<vmem>>, vector<16xf32>,
        %get3A_479 = arith.constant 0 : index
        %get3A_480 = tpu.vector_load %arg13[%get3A_479] {strides = array<i32>} : memref<16xi32, #tpu.memory_space<vmem>>, vector<16xi32>,
        %get3A_481 = vector.shape_cast %get3A_480 : vector<16xi32> to vector<16xi32>
        %broadcast_in_dim3A_482 = vector.broadcast %add3A_279 : i32 to vector<16xi32>
        %select_n3A_483 = arith.select %lt3A, %broadcast_in_dim3A_482, %get3A_481 : vector<16xi1>, vector<16xi32>
        %swap3A_484 = arith.constant 0 : index
        %swap3A_485 = tpu.vector_load %arg13[%swap3A_484] {strides = array<i32>} : memref<16xi32, #tpu.memory_space<vmem>>, vector<16xi32>,
        %swap3A_486 = vector.shape_cast %swap3A_485 : vector<16xi32> to vector<16xi32>
        %swap3A_487 = vector.shape_cast %select_n3A_483 : vector<16xi32> to vector<16xi32>
        tpu.vector_store %arg13[%swap3A_484], %swap3A_487 {strides = array<i32>} : memref<16xi32, #tpu.memory_space<vmem>>, vector<16xi32>,
      }
      %scan3A_250 = arith.constant 32 : i32
      %get3A_251 = arith.constant 0 : index
      %get3A_252 = tpu.vector_load %arg12[%get3A_251] {strides = array<i32>} : memref<16xf32, #tpu.memory_space<vmem>>, vector<16xf32>,
      %get3A_253 = vector.shape_cast %get3A_252 : vector<16xf32> to vector<16xf32>
      %mul3A_254 = arith.constant 16 : i32
      %mul3A_255 = arith.muli %add3A_49, %mul3A_254 : i32
      %swap3A_256 = arith.index_cast %mul3A_255 : i32 to index
      %swap3A_257 = tpu.vector_load %arg14[%swap3A_256] {strides = array<i32>} : memref<512xf32, #tpu.memory_space<vmem>>, vector<16xf32>,
      %swap3A_258 = vector.shape_cast %swap3A_257 : vector<16xf32> to vector<16xf32>
      %swap3A_259 = vector.shape_cast %get3A_253 : vector<16xf32> to vector<16xf32>
      tpu.vector_store %arg14[%swap3A_256], %swap3A_259 {strides = array<i32>} : memref<512xf32, #tpu.memory_space<vmem>>, vector<16xf32>,
      %get3A_260 = arith.constant 0 : index
      %get3A_261 = tpu.vector_load %arg13[%get3A_260] {strides = array<i32>} : memref<16xi32, #tpu.memory_space<vmem>>, vector<16xi32>,
      %get3A_262 = vector.shape_cast %get3A_261 : vector<16xi32> to vector<16xi32>
      %mul3A_263 = arith.constant 16 : i32
      %mul3A_264 = vector.broadcast %mul3A_263 : i32 to vector<16xi32>
      %mul3A_265 = arith.muli %get3A_262, %mul3A_264 : vector<16xi32>
      %add3A_266 = arith.addi %mul3A_265, %iota3A : vector<16xi32>
      %add3A_267 = vector.broadcast %mul3A_2 : i32 to vector<16xi32>
      %add3A_268 = arith.addi %add3A_266, %add3A_267 : vector<16xi32>
      %mul3A_269 = arith.constant 16 : i32
      %mul3A_270 = arith.muli %add3A_49, %mul3A_269 : i32
      %swap3A_271 = arith.index_cast %mul3A_270 : i32 to index
      %swap3A_272 = tpu.vector_load %arg15[%swap3A_271] {strides = array<i32>} : memref<512xi32, #tpu.memory_space<vmem>>, vector<16xi32>,
      %swap3A_273 = vector.shape_cast %swap3A_272 : vector<16xi32> to vector<16xi32>
      %swap3A_274 = vector.shape_cast %add3A_268 : vector<16xi32> to vector<16xi32>
      tpu.vector_store %arg15[%swap3A_271], %swap3A_274 {strides = array<i32>} : memref<512xi32, #tpu.memory_space<vmem>>, vector<16xi32>,
    }
    %scan3A_31 = arith.constant 32 : i32
    %run_scoped3A_32 = arith.constant 2 : i32
    "tpu.region"() ({
      %run_scoped3A_45 = tpu.sem_alloc : memref<!tpu.dma_semaphore, #tpu.memory_space<semaphore_mem>>
      %dma_start3A = arith.constant 0 : i32
      %dma_start3A_46 = tpu.memref_slice %arg6[%add3A, %run_scoped3A_32, %dma_start3A] : memref<32x4x512xf32, #tpu.memory_space<hbm>> -> memref<1x1x512xf32, #tpu.memory_space<hbm>>
      %dma_start3A_47 = tpu.memref_squeeze %dma_start3A_46 : memref<1x1x512xf32, #tpu.memory_space<hbm>> -> memref<512xf32, #tpu.memory_space<hbm>>
      %dma_start3A_48 = arith.constant 0 : i32
      %dma_start3A_49 = tpu.memref_slice %arg6[%add3A, %run_scoped3A_32, %dma_start3A_48] : memref<32x4x512xf32, #tpu.memory_space<hbm>> -> memref<1x1x512xf32, #tpu.memory_space<hbm>>
      %dma_start3A_50 = tpu.memref_squeeze %dma_start3A_49 : memref<1x1x512xf32, #tpu.memory_space<hbm>> -> memref<512xf32, #tpu.memory_space<hbm>>
      tpu.enqueue_dma source(%arg14 : memref<512xf32, #tpu.memory_space<vmem>>) target(%dma_start3A_50 : memref<512xf32, #tpu.memory_space<hbm>>) target_semaphore(%run_scoped3A_45 : memref<!tpu.dma_semaphore, #tpu.memory_space<semaphore_mem>>)
      %dma_wait3A = arith.constant 0 : i32
      %dma_wait3A_51 = tpu.memref_slice %arg6[%add3A, %run_scoped3A_32, %dma_wait3A] : memref<32x4x512xf32, #tpu.memory_space<hbm>> -> memref<1x1x512xf32, #tpu.memory_space<hbm>>
      %dma_wait3A_52 = tpu.memref_squeeze %dma_wait3A_51 : memref<1x1x512xf32, #tpu.memory_space<hbm>> -> memref<512xf32, #tpu.memory_space<hbm>>
      %dma_wait3A_53 = arith.constant 0 : i32
      %dma_wait3A_54 = tpu.memref_slice %arg6[%add3A, %run_scoped3A_32, %dma_wait3A_53] : memref<32x4x512xf32, #tpu.memory_space<hbm>> -> memref<1x1x512xf32, #tpu.memory_space<hbm>>
      %dma_wait3A_55 = tpu.memref_squeeze %dma_wait3A_54 : memref<1x1x512xf32, #tpu.memory_space<hbm>> -> memref<512xf32, #tpu.memory_space<hbm>>
      tpu.wait_dma2 semaphore(%run_scoped3A_45 : memref<!tpu.dma_semaphore, #tpu.memory_space<semaphore_mem>>) src(%arg14 : memref<512xf32, #tpu.memory_space<vmem>>) dst(%dma_wait3A_55 : memref<512xf32, #tpu.memory_space<hbm>>)
      tpu.yield
    }) : () -> ()
    %run_scoped3A_33 = arith.constant 2 : i32
    "tpu.region"() ({
      %run_scoped3A_45 = tpu.sem_alloc : memref<!tpu.dma_semaphore, #tpu.memory_space<semaphore_mem>>
      %dma_start3A = arith.constant 0 : i32
      %dma_start3A_46 = tpu.memref_slice %arg7[%add3A, %run_scoped3A_33, %dma_start3A] : memref<32x4x512xi32, #tpu.memory_space<hbm>> -> memref<1x1x512xi32, #tpu.memory_space<hbm>>
      %dma_start3A_47 = tpu.memref_squeeze %dma_start3A_46 : memref<1x1x512xi32, #tpu.memory_space<hbm>> -> memref<512xi32, #tpu.memory_space<hbm>>
      %dma_start3A_48 = arith.constant 0 : i32
      %dma_start3A_49 = tpu.memref_slice %arg7[%add3A, %run_scoped3A_33, %dma_start3A_48] : memref<32x4x512xi32, #tpu.memory_space<hbm>> -> memref<1x1x512xi32, #tpu.memory_space<hbm>>
      %dma_start3A_50 = tpu.memref_squeeze %dma_start3A_49 : memref<1x1x512xi32, #tpu.memory_space<hbm>> -> memref<512xi32, #tpu.memory_space<hbm>>
      tpu.enqueue_dma source(%arg15 : memref<512xi32, #tpu.memory_space<vmem>>) target(%dma_start3A_50 : memref<512xi32, #tpu.memory_space<hbm>>) target_semaphore(%run_scoped3A_45 : memref<!tpu.dma_semaphore, #tpu.memory_space<semaphore_mem>>)
      %dma_wait3A = arith.constant 0 : i32
      %dma_wait3A_51 = tpu.memref_slice %arg7[%add3A, %run_scoped3A_33, %dma_wait3A] : memref<32x4x512xi32, #tpu.memory_space<hbm>> -> memref<1x1x512xi32, #tpu.memory_space<hbm>>
      %dma_wait3A_52 = tpu.memref_squeeze %dma_wait3A_51 : memref<1x1x512xi32, #tpu.memory_space<hbm>> -> memref<512xi32, #tpu.memory_space<hbm>>
      %dma_wait3A_53 = arith.constant 0 : i32
      %dma_wait3A_54 = tpu.memref_slice %arg7[%add3A, %run_scoped3A_33, %dma_wait3A_53] : memref<32x4x512xi32, #tpu.memory_space<hbm>> -> memref<1x1x512xi32, #tpu.memory_space<hbm>>
      %dma_wait3A_55 = tpu.memref_squeeze %dma_wait3A_54 : memref<1x1x512xi32, #tpu.memory_space<hbm>> -> memref<512xi32, #tpu.memory_space<hbm>>
      tpu.wait_dma2 semaphore(%run_scoped3A_45 : memref<!tpu.dma_semaphore, #tpu.memory_space<semaphore_mem>>) src(%arg15 : memref<512xi32, #tpu.memory_space<vmem>>) dst(%dma_wait3A_55 : memref<512xi32, #tpu.memory_space<hbm>>)
      tpu.yield
    }) : () -> ()
    %run_scoped3A_34 = arith.constant 3 : i32
    "tpu.region"() ({
      %run_scoped3A_45 = tpu.sem_alloc : memref<!tpu.dma_semaphore, #tpu.memory_space<semaphore_mem>>
      %dma_start3A = arith.constant 0 : i32
      %dma_start3A_46 = tpu.memref_slice %arg2[%run_scoped3A_34, %dma_start3A, %mul3A_2] : memref<4x16x16384xf32, #tpu.memory_space<hbm>> -> memref<1x16x512xf32, #tpu.memory_space<hbm>>
      %dma_start3A_47 = tpu.memref_squeeze %dma_start3A_46 : memref<1x16x512xf32, #tpu.memory_space<hbm>> -> memref<16x512xf32, #tpu.memory_space<hbm>>
      %dma_start3A_48 = arith.constant 0 : i32
      %dma_start3A_49 = tpu.memref_slice %arg2[%run_scoped3A_34, %dma_start3A_48, %mul3A_2] : memref<4x16x16384xf32, #tpu.memory_space<hbm>> -> memref<1x16x512xf32, #tpu.memory_space<hbm>>
      %dma_start3A_50 = tpu.memref_squeeze %dma_start3A_49 : memref<1x16x512xf32, #tpu.memory_space<hbm>> -> memref<16x512xf32, #tpu.memory_space<hbm>>
      tpu.enqueue_dma source(%dma_start3A_50 : memref<16x512xf32, #tpu.memory_space<hbm>>) target(%arg8 : memref<16x512xf32, #tpu.memory_space<vmem>>) target_semaphore(%run_scoped3A_45 : memref<!tpu.dma_semaphore, #tpu.memory_space<semaphore_mem>>)
      %dma_wait3A = arith.constant 0 : i32
      %dma_wait3A_51 = tpu.memref_slice %arg2[%run_scoped3A_34, %dma_wait3A, %mul3A_2] : memref<4x16x16384xf32, #tpu.memory_space<hbm>> -> memref<1x16x512xf32, #tpu.memory_space<hbm>>
      %dma_wait3A_52 = tpu.memref_squeeze %dma_wait3A_51 : memref<1x16x512xf32, #tpu.memory_space<hbm>> -> memref<16x512xf32, #tpu.memory_space<hbm>>
      %dma_wait3A_53 = arith.constant 0 : i32
      %dma_wait3A_54 = tpu.memref_slice %arg2[%run_scoped3A_34, %dma_wait3A_53, %mul3A_2] : memref<4x16x16384xf32, #tpu.memory_space<hbm>> -> memref<1x16x512xf32, #tpu.memory_space<hbm>>
      %dma_wait3A_55 = tpu.memref_squeeze %dma_wait3A_54 : memref<1x16x512xf32, #tpu.memory_space<hbm>> -> memref<16x512xf32, #tpu.memory_space<hbm>>
      tpu.wait_dma2 semaphore(%run_scoped3A_45 : memref<!tpu.dma_semaphore, #tpu.memory_space<semaphore_mem>>) src(%dma_wait3A_55 : memref<16x512xf32, #tpu.memory_space<hbm>>) dst(%arg8 : memref<16x512xf32, #tpu.memory_space<vmem>>)
      tpu.yield
    }) : () -> ()
    %run_scoped3A_35 = arith.constant 3 : i32
    "tpu.region"() ({
      %run_scoped3A_45 = tpu.sem_alloc : memref<!tpu.dma_semaphore, #tpu.memory_space<semaphore_mem>>
      %dma_start3A = arith.constant 0 : i32
      %dma_start3A_46 = tpu.memref_slice %arg3[%run_scoped3A_35, %dma_start3A, %mul3A_2] : memref<4x4x16384xf32, #tpu.memory_space<hbm>> -> memref<1x4x512xf32, #tpu.memory_space<hbm>>
      %dma_start3A_47 = tpu.memref_squeeze %dma_start3A_46 : memref<1x4x512xf32, #tpu.memory_space<hbm>> -> memref<4x512xf32, #tpu.memory_space<hbm>>
      %dma_start3A_48 = arith.constant 0 : i32
      %dma_start3A_49 = tpu.memref_slice %arg3[%run_scoped3A_35, %dma_start3A_48, %mul3A_2] : memref<4x4x16384xf32, #tpu.memory_space<hbm>> -> memref<1x4x512xf32, #tpu.memory_space<hbm>>
      %dma_start3A_50 = tpu.memref_squeeze %dma_start3A_49 : memref<1x4x512xf32, #tpu.memory_space<hbm>> -> memref<4x512xf32, #tpu.memory_space<hbm>>
      tpu.enqueue_dma source(%dma_start3A_50 : memref<4x512xf32, #tpu.memory_space<hbm>>) target(%arg9 : memref<4x512xf32, #tpu.memory_space<vmem>>) target_semaphore(%run_scoped3A_45 : memref<!tpu.dma_semaphore, #tpu.memory_space<semaphore_mem>>)
      %dma_wait3A = arith.constant 0 : i32
      %dma_wait3A_51 = tpu.memref_slice %arg3[%run_scoped3A_35, %dma_wait3A, %mul3A_2] : memref<4x4x16384xf32, #tpu.memory_space<hbm>> -> memref<1x4x512xf32, #tpu.memory_space<hbm>>
      %dma_wait3A_52 = tpu.memref_squeeze %dma_wait3A_51 : memref<1x4x512xf32, #tpu.memory_space<hbm>> -> memref<4x512xf32, #tpu.memory_space<hbm>>
      %dma_wait3A_53 = arith.constant 0 : i32
      %dma_wait3A_54 = tpu.memref_slice %arg3[%run_scoped3A_35, %dma_wait3A_53, %mul3A_2] : memref<4x4x16384xf32, #tpu.memory_space<hbm>> -> memref<1x4x512xf32, #tpu.memory_space<hbm>>
      %dma_wait3A_55 = tpu.memref_squeeze %dma_wait3A_54 : memref<1x4x512xf32, #tpu.memory_space<hbm>> -> memref<4x512xf32, #tpu.memory_space<hbm>>
      tpu.wait_dma2 semaphore(%run_scoped3A_45 : memref<!tpu.dma_semaphore, #tpu.memory_space<semaphore_mem>>) src(%dma_wait3A_55 : memref<4x512xf32, #tpu.memory_space<hbm>>) dst(%arg9 : memref<4x512xf32, #tpu.memory_space<vmem>>)
      tpu.yield
    }) : () -> ()
    %run_scoped3A_36 = arith.constant 3 : i32
    "tpu.region"() ({
      %run_scoped3A_45 = tpu.sem_alloc : memref<!tpu.dma_semaphore, #tpu.memory_space<semaphore_mem>>
      %dma_start3A = arith.constant 0 : i32
      %dma_start3A_46 = tpu.memref_slice %arg4[%run_scoped3A_36, %dma_start3A] : memref<4x512xf32, #tpu.memory_space<hbm>> -> memref<1x512xf32, #tpu.memory_space<hbm>>
      %dma_start3A_47 = tpu.memref_squeeze %dma_start3A_46 : memref<1x512xf32, #tpu.memory_space<hbm>> -> memref<512xf32, #tpu.memory_space<hbm>>
      %dma_start3A_48 = arith.constant 0 : i32
      %dma_start3A_49 = tpu.memref_slice %arg4[%run_scoped3A_36, %dma_start3A_48] : memref<4x512xf32, #tpu.memory_space<hbm>> -> memref<1x512xf32, #tpu.memory_space<hbm>>
      %dma_start3A_50 = tpu.memref_squeeze %dma_start3A_49 : memref<1x512xf32, #tpu.memory_space<hbm>> -> memref<512xf32, #tpu.memory_space<hbm>>
      tpu.enqueue_dma source(%dma_start3A_50 : memref<512xf32, #tpu.memory_space<hbm>>) target(%arg10 : memref<512xf32, #tpu.memory_space<vmem>>) target_semaphore(%run_scoped3A_45 : memref<!tpu.dma_semaphore, #tpu.memory_space<semaphore_mem>>)
      %dma_wait3A = arith.constant 0 : i32
      %dma_wait3A_51 = tpu.memref_slice %arg4[%run_scoped3A_36, %dma_wait3A] : memref<4x512xf32, #tpu.memory_space<hbm>> -> memref<1x512xf32, #tpu.memory_space<hbm>>
      %dma_wait3A_52 = tpu.memref_squeeze %dma_wait3A_51 : memref<1x512xf32, #tpu.memory_space<hbm>> -> memref<512xf32, #tpu.memory_space<hbm>>
      %dma_wait3A_53 = arith.constant 0 : i32
      %dma_wait3A_54 = tpu.memref_slice %arg4[%run_scoped3A_36, %dma_wait3A_53] : memref<4x512xf32, #tpu.memory_space<hbm>> -> memref<1x512xf32, #tpu.memory_space<hbm>>
      %dma_wait3A_55 = tpu.memref_squeeze %dma_wait3A_54 : memref<1x512xf32, #tpu.memory_space<hbm>> -> memref<512xf32, #tpu.memory_space<hbm>>
      tpu.wait_dma2 semaphore(%run_scoped3A_45 : memref<!tpu.dma_semaphore, #tpu.memory_space<semaphore_mem>>) src(%dma_wait3A_55 : memref<512xf32, #tpu.memory_space<hbm>>) dst(%arg10 : memref<512xf32, #tpu.memory_space<vmem>>)
      tpu.yield
    }) : () -> ()
    %run_scoped3A_37 = arith.constant 3 : i32
    "tpu.region"() ({
      %run_scoped3A_45 = tpu.sem_alloc : memref<!tpu.dma_semaphore, #tpu.memory_space<semaphore_mem>>
      %dma_start3A = arith.constant 0 : i32
      %dma_start3A_46 = tpu.memref_slice %arg5[%run_scoped3A_37, %dma_start3A] : memref<4x128xf32, #tpu.memory_space<hbm>> -> memref<1x128xf32, #tpu.memory_space<hbm>>
      %dma_start3A_47 = tpu.memref_squeeze %dma_start3A_46 : memref<1x128xf32, #tpu.memory_space<hbm>> -> memref<128xf32, #tpu.memory_space<hbm>>
      %dma_start3A_48 = arith.constant 0 : i32
      %dma_start3A_49 = tpu.memref_slice %arg5[%run_scoped3A_37, %dma_start3A_48] : memref<4x128xf32, #tpu.memory_space<hbm>> -> memref<1x128xf32, #tpu.memory_space<hbm>>
      %dma_start3A_50 = tpu.memref_squeeze %dma_start3A_49 : memref<1x128xf32, #tpu.memory_space<hbm>> -> memref<128xf32, #tpu.memory_space<hbm>>
      tpu.enqueue_dma source(%dma_start3A_50 : memref<128xf32, #tpu.memory_space<hbm>>) target(%arg11 : memref<128xf32, #tpu.memory_space<vmem>>) target_semaphore(%run_scoped3A_45 : memref<!tpu.dma_semaphore, #tpu.memory_space<semaphore_mem>>)
      %dma_wait3A = arith.constant 0 : i32
      %dma_wait3A_51 = tpu.memref_slice %arg5[%run_scoped3A_37, %dma_wait3A] : memref<4x128xf32, #tpu.memory_space<hbm>> -> memref<1x128xf32, #tpu.memory_space<hbm>>
      %dma_wait3A_52 = tpu.memref_squeeze %dma_wait3A_51 : memref<1x128xf32, #tpu.memory_space<hbm>> -> memref<128xf32, #tpu.memory_space<hbm>>
      %dma_wait3A_53 = arith.constant 0 : i32
      %dma_wait3A_54 = tpu.memref_slice %arg5[%run_scoped3A_37, %dma_wait3A_53] : memref<4x128xf32, #tpu.memory_space<hbm>> -> memref<1x128xf32, #tpu.memory_space<hbm>>
      %dma_wait3A_55 = tpu.memref_squeeze %dma_wait3A_54 : memref<1x128xf32, #tpu.memory_space<hbm>> -> memref<128xf32, #tpu.memory_space<hbm>>
      tpu.wait_dma2 semaphore(%run_scoped3A_45 : memref<!tpu.dma_semaphore, #tpu.memory_space<semaphore_mem>>) src(%dma_wait3A_55 : memref<128xf32, #tpu.memory_space<hbm>>) dst(%arg11 : memref<128xf32, #tpu.memory_space<vmem>>)
      tpu.yield
    }) : () -> ()
    %scan3A_38 = arith.constant 0 : i32
    %scan3A_39 = arith.constant 32 : i32
    %scan3A_40 = arith.addi %scan3A_38, %scan3A_39 : i32
    %scan3A_41 = arith.constant 1 : i32
    scf.for %scan3A_45 = %scan3A_38 to %scan3A_40 step %scan3A_41  : i32 {
      %mul3A_46 = arith.constant 1 : i32
      %mul3A_47 = arith.muli %scan3A_45, %mul3A_46 : i32
      %add3A_48 = arith.constant 0 : i32
      %add3A_49 = arith.addi %add3A_48, %mul3A_47 : i32
      %broadcast_in_dim3A = arith.constant 0x7F800000 : f32
      %broadcast_in_dim3A_50 = vector.broadcast %broadcast_in_dim3A : f32 to vector<16xf32>
      %swap3A = arith.constant 0 : index
      %swap3A_51 = tpu.vector_load %arg12[%swap3A] {strides = array<i32>} : memref<16xf32, #tpu.memory_space<vmem>>, vector<16xf32>,
      %swap3A_52 = vector.shape_cast %swap3A_51 : vector<16xf32> to vector<16xf32>
      %swap3A_53 = vector.shape_cast %broadcast_in_dim3A_50 : vector<16xf32> to vector<16xf32>
      tpu.vector_store %arg12[%swap3A], %swap3A_53 {strides = array<i32>} : memref<16xf32, #tpu.memory_space<vmem>>, vector<16xf32>,
      %broadcast_in_dim3A_54 = arith.constant 0 : i32
      %broadcast_in_dim3A_55 = vector.broadcast %broadcast_in_dim3A_54 : i32 to vector<16xi32>
      %swap3A_56 = arith.constant 0 : index
      %swap3A_57 = tpu.vector_load %arg13[%swap3A_56] {strides = array<i32>} : memref<16xi32, #tpu.memory_space<vmem>>, vector<16xi32>,
      %swap3A_58 = vector.shape_cast %swap3A_57 : vector<16xi32> to vector<16xi32>
      %swap3A_59 = vector.shape_cast %broadcast_in_dim3A_55 : vector<16xi32> to vector<16xi32>
      tpu.vector_store %arg13[%swap3A_56], %swap3A_59 {strides = array<i32>} : memref<16xi32, #tpu.memory_space<vmem>>, vector<16xi32>,
      %mul3A_60 = arith.constant 4 : i32
      %mul3A_61 = arith.muli %add3A_49, %mul3A_60 : i32
      %add3A_62 = arith.constant 0 : i32
      %add3A_63 = arith.addi %mul3A_61, %add3A_62 : i32
      %get3A = arith.index_cast %add3A_63 : i32 to index
      %get3A_64 = tpu.vector_load %arg11[%get3A] {strides = array<i32>} : memref<128xf32, #tpu.memory_space<vmem>>, vector<1xf32>,
      %get3A_65 = vector.shape_cast %get3A_64 : vector<1xf32> to vector<1xf32>
      %broadcast_in_dim3A_66 = vector.shape_cast %get3A_65 : vector<1xf32> to vector<1xf32>
      %broadcast_in_dim3A_67 = vector.broadcast %broadcast_in_dim3A_66 : vector<1xf32> to vector<16xf32>
      %mul3A_68 = arith.constant 4 : i32
      %mul3A_69 = arith.muli %add3A_49, %mul3A_68 : i32
      %add3A_70 = arith.constant 1 : i32
      %add3A_71 = arith.addi %mul3A_69, %add3A_70 : i32
      %get3A_72 = arith.index_cast %add3A_71 : i32 to index
      %get3A_73 = tpu.vector_load %arg11[%get3A_72] {strides = array<i32>} : memref<128xf32, #tpu.memory_space<vmem>>, vector<1xf32>,
      %get3A_74 = vector.shape_cast %get3A_73 : vector<1xf32> to vector<1xf32>
      %broadcast_in_dim3A_75 = vector.shape_cast %get3A_74 : vector<1xf32> to vector<1xf32>
      %broadcast_in_dim3A_76 = vector.broadcast %broadcast_in_dim3A_75 : vector<1xf32> to vector<16xf32>
      %mul3A_77 = arith.constant 4 : i32
      %mul3A_78 = arith.muli %add3A_49, %mul3A_77 : i32
      %add3A_79 = arith.constant 2 : i32
      %add3A_80 = arith.addi %mul3A_78, %add3A_79 : i32
      %get3A_81 = arith.index_cast %add3A_80 : i32 to index
      %get3A_82 = tpu.vector_load %arg11[%get3A_81] {strides = array<i32>} : memref<128xf32, #tpu.memory_space<vmem>>, vector<1xf32>,
      %get3A_83 = vector.shape_cast %get3A_82 : vector<1xf32> to vector<1xf32>
      %broadcast_in_dim3A_84 = vector.shape_cast %get3A_83 : vector<1xf32> to vector<1xf32>
      %broadcast_in_dim3A_85 = vector.broadcast %broadcast_in_dim3A_84 : vector<1xf32> to vector<16xf32>
      %mul3A_86 = arith.constant 4 : i32
      %mul3A_87 = arith.muli %add3A_49, %mul3A_86 : i32
      %add3A_88 = arith.constant 3 : i32
      %add3A_89 = arith.addi %mul3A_87, %add3A_88 : i32
      %get3A_90 = arith.index_cast %add3A_89 : i32 to index
      %get3A_91 = tpu.vector_load %arg11[%get3A_90] {strides = array<i32>} : memref<128xf32, #tpu.memory_space<vmem>>, vector<1xf32>,
      %get3A_92 = vector.shape_cast %get3A_91 : vector<1xf32> to vector<1xf32>
      %broadcast_in_dim3A_93 = vector.shape_cast %get3A_92 : vector<1xf32> to vector<1xf32>
      %broadcast_in_dim3A_94 = vector.broadcast %broadcast_in_dim3A_93 : vector<1xf32> to vector<16xf32>
      %mul3A_95 = arith.constant 16 : i32
      %mul3A_96 = arith.muli %add3A_49, %mul3A_95 : i32
      %add3A_97 = arith.constant 0 : i32
      %add3A_98 = arith.addi %mul3A_96, %add3A_97 : i32
      %get3A_99 = arith.index_cast %add3A_98 : i32 to index
      %get3A_100 = tpu.vector_load %arg10[%get3A_99] {strides = array<i32>} : memref<512xf32, #tpu.memory_space<vmem>>, vector<1xf32>,
      %get3A_101 = vector.shape_cast %get3A_100 : vector<1xf32> to vector<1xf32>
      %broadcast_in_dim3A_102 = vector.shape_cast %get3A_101 : vector<1xf32> to vector<1xf32>
      %broadcast_in_dim3A_103 = vector.broadcast %broadcast_in_dim3A_102 : vector<1xf32> to vector<16xf32>
      %mul3A_104 = arith.constant 16 : i32
      %mul3A_105 = arith.muli %add3A_49, %mul3A_104 : i32
      %add3A_106 = arith.constant 1 : i32
      %add3A_107 = arith.addi %mul3A_105, %add3A_106 : i32
      %get3A_108 = arith.index_cast %add3A_107 : i32 to index
      %get3A_109 = tpu.vector_load %arg10[%get3A_108] {strides = array<i32>} : memref<512xf32, #tpu.memory_space<vmem>>, vector<1xf32>,
      %get3A_110 = vector.shape_cast %get3A_109 : vector<1xf32> to vector<1xf32>
      %broadcast_in_dim3A_111 = vector.shape_cast %get3A_110 : vector<1xf32> to vector<1xf32>
      %broadcast_in_dim3A_112 = vector.broadcast %broadcast_in_dim3A_111 : vector<1xf32> to vector<16xf32>
      %mul3A_113 = arith.constant 16 : i32
      %mul3A_114 = arith.muli %add3A_49, %mul3A_113 : i32
      %add3A_115 = arith.constant 2 : i32
      %add3A_116 = arith.addi %mul3A_114, %add3A_115 : i32
      %get3A_117 = arith.index_cast %add3A_116 : i32 to index
      %get3A_118 = tpu.vector_load %arg10[%get3A_117] {strides = array<i32>} : memref<512xf32, #tpu.memory_space<vmem>>, vector<1xf32>,
      %get3A_119 = vector.shape_cast %get3A_118 : vector<1xf32> to vector<1xf32>
      %broadcast_in_dim3A_120 = vector.shape_cast %get3A_119 : vector<1xf32> to vector<1xf32>
      %broadcast_in_dim3A_121 = vector.broadcast %broadcast_in_dim3A_120 : vector<1xf32> to vector<16xf32>
      %mul3A_122 = arith.constant 16 : i32
      %mul3A_123 = arith.muli %add3A_49, %mul3A_122 : i32
      %add3A_124 = arith.constant 3 : i32
      %add3A_125 = arith.addi %mul3A_123, %add3A_124 : i32
      %get3A_126 = arith.index_cast %add3A_125 : i32 to index
      %get3A_127 = tpu.vector_load %arg10[%get3A_126] {strides = array<i32>} : memref<512xf32, #tpu.memory_space<vmem>>, vector<1xf32>,
      %get3A_128 = vector.shape_cast %get3A_127 : vector<1xf32> to vector<1xf32>
      %broadcast_in_dim3A_129 = vector.shape_cast %get3A_128 : vector<1xf32> to vector<1xf32>
      %broadcast_in_dim3A_130 = vector.broadcast %broadcast_in_dim3A_129 : vector<1xf32> to vector<16xf32>
      %mul3A_131 = arith.constant 16 : i32
      %mul3A_132 = arith.muli %add3A_49, %mul3A_131 : i32
      %add3A_133 = arith.constant 4 : i32
      %add3A_134 = arith.addi %mul3A_132, %add3A_133 : i32
      %get3A_135 = arith.index_cast %add3A_134 : i32 to index
      %get3A_136 = tpu.vector_load %arg10[%get3A_135] {strides = array<i32>} : memref<512xf32, #tpu.memory_space<vmem>>, vector<1xf32>,
      %get3A_137 = vector.shape_cast %get3A_136 : vector<1xf32> to vector<1xf32>
      %broadcast_in_dim3A_138 = vector.shape_cast %get3A_137 : vector<1xf32> to vector<1xf32>
      %broadcast_in_dim3A_139 = vector.broadcast %broadcast_in_dim3A_138 : vector<1xf32> to vector<16xf32>
      %mul3A_140 = arith.constant 16 : i32
      %mul3A_141 = arith.muli %add3A_49, %mul3A_140 : i32
      %add3A_142 = arith.constant 5 : i32
      %add3A_143 = arith.addi %mul3A_141, %add3A_142 : i32
      %get3A_144 = arith.index_cast %add3A_143 : i32 to index
      %get3A_145 = tpu.vector_load %arg10[%get3A_144] {strides = array<i32>} : memref<512xf32, #tpu.memory_space<vmem>>, vector<1xf32>,
      %get3A_146 = vector.shape_cast %get3A_145 : vector<1xf32> to vector<1xf32>
      %broadcast_in_dim3A_147 = vector.shape_cast %get3A_146 : vector<1xf32> to vector<1xf32>
      %broadcast_in_dim3A_148 = vector.broadcast %broadcast_in_dim3A_147 : vector<1xf32> to vector<16xf32>
      %mul3A_149 = arith.constant 16 : i32
      %mul3A_150 = arith.muli %add3A_49, %mul3A_149 : i32
      %add3A_151 = arith.constant 6 : i32
      %add3A_152 = arith.addi %mul3A_150, %add3A_151 : i32
      %get3A_153 = arith.index_cast %add3A_152 : i32 to index
      %get3A_154 = tpu.vector_load %arg10[%get3A_153] {strides = array<i32>} : memref<512xf32, #tpu.memory_space<vmem>>, vector<1xf32>,
      %get3A_155 = vector.shape_cast %get3A_154 : vector<1xf32> to vector<1xf32>
      %broadcast_in_dim3A_156 = vector.shape_cast %get3A_155 : vector<1xf32> to vector<1xf32>
      %broadcast_in_dim3A_157 = vector.broadcast %broadcast_in_dim3A_156 : vector<1xf32> to vector<16xf32>
      %mul3A_158 = arith.constant 16 : i32
      %mul3A_159 = arith.muli %add3A_49, %mul3A_158 : i32
      %add3A_160 = arith.constant 7 : i32
      %add3A_161 = arith.addi %mul3A_159, %add3A_160 : i32
      %get3A_162 = arith.index_cast %add3A_161 : i32 to index
      %get3A_163 = tpu.vector_load %arg10[%get3A_162] {strides = array<i32>} : memref<512xf32, #tpu.memory_space<vmem>>, vector<1xf32>,
      %get3A_164 = vector.shape_cast %get3A_163 : vector<1xf32> to vector<1xf32>
      %broadcast_in_dim3A_165 = vector.shape_cast %get3A_164 : vector<1xf32> to vector<1xf32>
      %broadcast_in_dim3A_166 = vector.broadcast %broadcast_in_dim3A_165 : vector<1xf32> to vector<16xf32>
      %mul3A_167 = arith.constant 16 : i32
      %mul3A_168 = arith.muli %add3A_49, %mul3A_167 : i32
      %add3A_169 = arith.constant 8 : i32
      %add3A_170 = arith.addi %mul3A_168, %add3A_169 : i32
      %get3A_171 = arith.index_cast %add3A_170 : i32 to index
      %get3A_172 = tpu.vector_load %arg10[%get3A_171] {strides = array<i32>} : memref<512xf32, #tpu.memory_space<vmem>>, vector<1xf32>,
      %get3A_173 = vector.shape_cast %get3A_172 : vector<1xf32> to vector<1xf32>
      %broadcast_in_dim3A_174 = vector.shape_cast %get3A_173 : vector<1xf32> to vector<1xf32>
      %broadcast_in_dim3A_175 = vector.broadcast %broadcast_in_dim3A_174 : vector<1xf32> to vector<16xf32>
      %mul3A_176 = arith.constant 16 : i32
      %mul3A_177 = arith.muli %add3A_49, %mul3A_176 : i32
      %add3A_178 = arith.constant 9 : i32
      %add3A_179 = arith.addi %mul3A_177, %add3A_178 : i32
      %get3A_180 = arith.index_cast %add3A_179 : i32 to index
      %get3A_181 = tpu.vector_load %arg10[%get3A_180] {strides = array<i32>} : memref<512xf32, #tpu.memory_space<vmem>>, vector<1xf32>,
      %get3A_182 = vector.shape_cast %get3A_181 : vector<1xf32> to vector<1xf32>
      %broadcast_in_dim3A_183 = vector.shape_cast %get3A_182 : vector<1xf32> to vector<1xf32>
      %broadcast_in_dim3A_184 = vector.broadcast %broadcast_in_dim3A_183 : vector<1xf32> to vector<16xf32>
      %mul3A_185 = arith.constant 16 : i32
      %mul3A_186 = arith.muli %add3A_49, %mul3A_185 : i32
      %add3A_187 = arith.constant 10 : i32
      %add3A_188 = arith.addi %mul3A_186, %add3A_187 : i32
      %get3A_189 = arith.index_cast %add3A_188 : i32 to index
      %get3A_190 = tpu.vector_load %arg10[%get3A_189] {strides = array<i32>} : memref<512xf32, #tpu.memory_space<vmem>>, vector<1xf32>,
      %get3A_191 = vector.shape_cast %get3A_190 : vector<1xf32> to vector<1xf32>
      %broadcast_in_dim3A_192 = vector.shape_cast %get3A_191 : vector<1xf32> to vector<1xf32>
      %broadcast_in_dim3A_193 = vector.broadcast %broadcast_in_dim3A_192 : vector<1xf32> to vector<16xf32>
      %mul3A_194 = arith.constant 16 : i32
      %mul3A_195 = arith.muli %add3A_49, %mul3A_194 : i32
      %add3A_196 = arith.constant 11 : i32
      %add3A_197 = arith.addi %mul3A_195, %add3A_196 : i32
      %get3A_198 = arith.index_cast %add3A_197 : i32 to index
      %get3A_199 = tpu.vector_load %arg10[%get3A_198] {strides = array<i32>} : memref<512xf32, #tpu.memory_space<vmem>>, vector<1xf32>,
      %get3A_200 = vector.shape_cast %get3A_199 : vector<1xf32> to vector<1xf32>
      %broadcast_in_dim3A_201 = vector.shape_cast %get3A_200 : vector<1xf32> to vector<1xf32>
      %broadcast_in_dim3A_202 = vector.broadcast %broadcast_in_dim3A_201 : vector<1xf32> to vector<16xf32>
      %mul3A_203 = arith.constant 16 : i32
      %mul3A_204 = arith.muli %add3A_49, %mul3A_203 : i32
      %add3A_205 = arith.constant 12 : i32
      %add3A_206 = arith.addi %mul3A_204, %add3A_205 : i32
      %get3A_207 = arith.index_cast %add3A_206 : i32 to index
      %get3A_208 = tpu.vector_load %arg10[%get3A_207] {strides = array<i32>} : memref<512xf32, #tpu.memory_space<vmem>>, vector<1xf32>,
      %get3A_209 = vector.shape_cast %get3A_208 : vector<1xf32> to vector<1xf32>
      %broadcast_in_dim3A_210 = vector.shape_cast %get3A_209 : vector<1xf32> to vector<1xf32>
      %broadcast_in_dim3A_211 = vector.broadcast %broadcast_in_dim3A_210 : vector<1xf32> to vector<16xf32>
      %mul3A_212 = arith.constant 16 : i32
      %mul3A_213 = arith.muli %add3A_49, %mul3A_212 : i32
      %add3A_214 = arith.constant 13 : i32
      %add3A_215 = arith.addi %mul3A_213, %add3A_214 : i32
      %get3A_216 = arith.index_cast %add3A_215 : i32 to index
      %get3A_217 = tpu.vector_load %arg10[%get3A_216] {strides = array<i32>} : memref<512xf32, #tpu.memory_space<vmem>>, vector<1xf32>,
      %get3A_218 = vector.shape_cast %get3A_217 : vector<1xf32> to vector<1xf32>
      %broadcast_in_dim3A_219 = vector.shape_cast %get3A_218 : vector<1xf32> to vector<1xf32>
      %broadcast_in_dim3A_220 = vector.broadcast %broadcast_in_dim3A_219 : vector<1xf32> to vector<16xf32>
      %mul3A_221 = arith.constant 16 : i32
      %mul3A_222 = arith.muli %add3A_49, %mul3A_221 : i32
      %add3A_223 = arith.constant 14 : i32
      %add3A_224 = arith.addi %mul3A_222, %add3A_223 : i32
      %get3A_225 = arith.index_cast %add3A_224 : i32 to index
      %get3A_226 = tpu.vector_load %arg10[%get3A_225] {strides = array<i32>} : memref<512xf32, #tpu.memory_space<vmem>>, vector<1xf32>,
      %get3A_227 = vector.shape_cast %get3A_226 : vector<1xf32> to vector<1xf32>
      %broadcast_in_dim3A_228 = vector.shape_cast %get3A_227 : vector<1xf32> to vector<1xf32>
      %broadcast_in_dim3A_229 = vector.broadcast %broadcast_in_dim3A_228 : vector<1xf32> to vector<16xf32>
      %mul3A_230 = arith.constant 16 : i32
      %mul3A_231 = arith.muli %add3A_49, %mul3A_230 : i32
      %add3A_232 = arith.constant 15 : i32
      %add3A_233 = arith.addi %mul3A_231, %add3A_232 : i32
      %get3A_234 = arith.index_cast %add3A_233 : i32 to index
      %get3A_235 = tpu.vector_load %arg10[%get3A_234] {strides = array<i32>} : memref<512xf32, #tpu.memory_space<vmem>>, vector<1xf32>,
      %get3A_236 = vector.shape_cast %get3A_235 : vector<1xf32> to vector<1xf32>
      %broadcast_in_dim3A_237 = vector.shape_cast %get3A_236 : vector<1xf32> to vector<1xf32>
      %broadcast_in_dim3A_238 = vector.broadcast %broadcast_in_dim3A_237 : vector<1xf32> to vector<16xf32>
      %sub3A = arith.subf %broadcast_in_dim3A_85, %broadcast_in_dim3A_67 : vector<16xf32>
      %max3A = arith.constant 0.000000e+00 : f32
      %max3A_239 = vector.broadcast %max3A : f32 to vector<16xf32>
      %max3A_240 = arith.maximumf %sub3A, %max3A_239 : vector<16xf32>
      %sub3A_241 = arith.subf %broadcast_in_dim3A_94, %broadcast_in_dim3A_76 : vector<16xf32>
      %max3A_242 = arith.constant 0.000000e+00 : f32
      %max3A_243 = vector.broadcast %max3A_242 : f32 to vector<16xf32>
      %max3A_244 = arith.maximumf %sub3A_241, %max3A_243 : vector<16xf32>
      %mul3A_245 = arith.mulf %max3A_240, %max3A_244 : vector<16xf32>
      %scan3A_246 = arith.constant 0 : i32
      %scan3A_247 = arith.constant 32 : i32
      %scan3A_248 = arith.addi %scan3A_246, %scan3A_247 : i32
      %scan3A_249 = arith.constant 1 : i32
      scf.for %scan3A_275 = %scan3A_246 to %scan3A_248 step %scan3A_249  : i32 {
        %mul3A_276 = arith.constant 1 : i32
        %mul3A_277 = arith.muli %scan3A_275, %mul3A_276 : i32
        %add3A_278 = arith.constant 0 : i32
        %add3A_279 = arith.addi %add3A_278, %mul3A_277 : i32
        %mul3A_280 = arith.constant 16 : i32
        %mul3A_281 = arith.muli %add3A_279, %mul3A_280 : i32
        %get3A_282 = arith.constant 0 : i32
        %get3A_283 = arith.index_cast %get3A_282 : i32 to index
        %get3A_284 = arith.index_cast %mul3A_281 : i32 to index
        %get3A_285 = tpu.vector_load %arg8[%get3A_283, %get3A_284] {strides = array<i32>} : memref<16x512xf32, #tpu.memory_space<vmem>>, vector<1x16xf32>,
        %get3A_286 = vector.shape_cast %get3A_285 : vector<1x16xf32> to vector<16xf32>
        %mul3A_287 = arith.mulf %broadcast_in_dim3A_103, %get3A_286 : vector<16xf32>
        %get3A_288 = arith.constant 1 : i32
        %get3A_289 = arith.index_cast %get3A_288 : i32 to index
        %get3A_290 = arith.index_cast %mul3A_281 : i32 to index
        %get3A_291 = tpu.vector_load %arg8[%get3A_289, %get3A_290] {strides = array<i32>} : memref<16x512xf32, #tpu.memory_space<vmem>>, vector<1x16xf32>,
        %get3A_292 = vector.shape_cast %get3A_291 : vector<1x16xf32> to vector<16xf32>
        %mul3A_293 = arith.mulf %broadcast_in_dim3A_112, %get3A_292 : vector<16xf32>
        %add3A_294 = arith.addf %mul3A_287, %mul3A_293 : vector<16xf32>
        %get3A_295 = arith.constant 2 : i32
        %get3A_296 = arith.index_cast %get3A_295 : i32 to index
        %get3A_297 = arith.index_cast %mul3A_281 : i32 to index
        %get3A_298 = tpu.vector_load %arg8[%get3A_296, %get3A_297] {strides = array<i32>} : memref<16x512xf32, #tpu.memory_space<vmem>>, vector<1x16xf32>,
        %get3A_299 = vector.shape_cast %get3A_298 : vector<1x16xf32> to vector<16xf32>
        %mul3A_300 = arith.mulf %broadcast_in_dim3A_121, %get3A_299 : vector<16xf32>
        %add3A_301 = arith.addf %add3A_294, %mul3A_300 : vector<16xf32>
        %get3A_302 = arith.constant 3 : i32
        %get3A_303 = arith.index_cast %get3A_302 : i32 to index
        %get3A_304 = arith.index_cast %mul3A_281 : i32 to index
        %get3A_305 = tpu.vector_load %arg8[%get3A_303, %get3A_304] {strides = array<i32>} : memref<16x512xf32, #tpu.memory_space<vmem>>, vector<1x16xf32>,
        %get3A_306 = vector.shape_cast %get3A_305 : vector<1x16xf32> to vector<16xf32>
        %mul3A_307 = arith.mulf %broadcast_in_dim3A_130, %get3A_306 : vector<16xf32>
        %add3A_308 = arith.addf %add3A_301, %mul3A_307 : vector<16xf32>
        %get3A_309 = arith.constant 4 : i32
        %get3A_310 = arith.index_cast %get3A_309 : i32 to index
        %get3A_311 = arith.index_cast %mul3A_281 : i32 to index
        %get3A_312 = tpu.vector_load %arg8[%get3A_310, %get3A_311] {strides = array<i32>} : memref<16x512xf32, #tpu.memory_space<vmem>>, vector<1x16xf32>,
        %get3A_313 = vector.shape_cast %get3A_312 : vector<1x16xf32> to vector<16xf32>
        %mul3A_314 = arith.mulf %broadcast_in_dim3A_139, %get3A_313 : vector<16xf32>
        %add3A_315 = arith.addf %add3A_308, %mul3A_314 : vector<16xf32>
        %get3A_316 = arith.constant 5 : i32
        %get3A_317 = arith.index_cast %get3A_316 : i32 to index
        %get3A_318 = arith.index_cast %mul3A_281 : i32 to index
        %get3A_319 = tpu.vector_load %arg8[%get3A_317, %get3A_318] {strides = array<i32>} : memref<16x512xf32, #tpu.memory_space<vmem>>, vector<1x16xf32>,
        %get3A_320 = vector.shape_cast %get3A_319 : vector<1x16xf32> to vector<16xf32>
        %mul3A_321 = arith.mulf %broadcast_in_dim3A_148, %get3A_320 : vector<16xf32>
        %add3A_322 = arith.addf %add3A_315, %mul3A_321 : vector<16xf32>
        %get3A_323 = arith.constant 6 : i32
        %get3A_324 = arith.index_cast %get3A_323 : i32 to index
        %get3A_325 = arith.index_cast %mul3A_281 : i32 to index
        %get3A_326 = tpu.vector_load %arg8[%get3A_324, %get3A_325] {strides = array<i32>} : memref<16x512xf32, #tpu.memory_space<vmem>>, vector<1x16xf32>,
        %get3A_327 = vector.shape_cast %get3A_326 : vector<1x16xf32> to vector<16xf32>
        %mul3A_328 = arith.mulf %broadcast_in_dim3A_157, %get3A_327 : vector<16xf32>
        %add3A_329 = arith.addf %add3A_322, %mul3A_328 : vector<16xf32>
        %get3A_330 = arith.constant 7 : i32
        %get3A_331 = arith.index_cast %get3A_330 : i32 to index
        %get3A_332 = arith.index_cast %mul3A_281 : i32 to index
        %get3A_333 = tpu.vector_load %arg8[%get3A_331, %get3A_332] {strides = array<i32>} : memref<16x512xf32, #tpu.memory_space<vmem>>, vector<1x16xf32>,
        %get3A_334 = vector.shape_cast %get3A_333 : vector<1x16xf32> to vector<16xf32>
        %mul3A_335 = arith.mulf %broadcast_in_dim3A_166, %get3A_334 : vector<16xf32>
        %add3A_336 = arith.addf %add3A_329, %mul3A_335 : vector<16xf32>
        %get3A_337 = arith.constant 8 : i32
        %get3A_338 = arith.index_cast %get3A_337 : i32 to index
        %get3A_339 = arith.index_cast %mul3A_281 : i32 to index
        %get3A_340 = tpu.vector_load %arg8[%get3A_338, %get3A_339] {strides = array<i32>} : memref<16x512xf32, #tpu.memory_space<vmem>>, vector<1x16xf32>,
        %get3A_341 = vector.shape_cast %get3A_340 : vector<1x16xf32> to vector<16xf32>
        %mul3A_342 = arith.mulf %broadcast_in_dim3A_175, %get3A_341 : vector<16xf32>
        %add3A_343 = arith.addf %add3A_336, %mul3A_342 : vector<16xf32>
        %get3A_344 = arith.constant 9 : i32
        %get3A_345 = arith.index_cast %get3A_344 : i32 to index
        %get3A_346 = arith.index_cast %mul3A_281 : i32 to index
        %get3A_347 = tpu.vector_load %arg8[%get3A_345, %get3A_346] {strides = array<i32>} : memref<16x512xf32, #tpu.memory_space<vmem>>, vector<1x16xf32>,
        %get3A_348 = vector.shape_cast %get3A_347 : vector<1x16xf32> to vector<16xf32>
        %mul3A_349 = arith.mulf %broadcast_in_dim3A_184, %get3A_348 : vector<16xf32>
        %add3A_350 = arith.addf %add3A_343, %mul3A_349 : vector<16xf32>
        %get3A_351 = arith.constant 10 : i32
        %get3A_352 = arith.index_cast %get3A_351 : i32 to index
        %get3A_353 = arith.index_cast %mul3A_281 : i32 to index
        %get3A_354 = tpu.vector_load %arg8[%get3A_352, %get3A_353] {strides = array<i32>} : memref<16x512xf32, #tpu.memory_space<vmem>>, vector<1x16xf32>,
        %get3A_355 = vector.shape_cast %get3A_354 : vector<1x16xf32> to vector<16xf32>
        %mul3A_356 = arith.mulf %broadcast_in_dim3A_193, %get3A_355 : vector<16xf32>
        %add3A_357 = arith.addf %add3A_350, %mul3A_356 : vector<16xf32>
        %get3A_358 = arith.constant 11 : i32
        %get3A_359 = arith.index_cast %get3A_358 : i32 to index
        %get3A_360 = arith.index_cast %mul3A_281 : i32 to index
        %get3A_361 = tpu.vector_load %arg8[%get3A_359, %get3A_360] {strides = array<i32>} : memref<16x512xf32, #tpu.memory_space<vmem>>, vector<1x16xf32>,
        %get3A_362 = vector.shape_cast %get3A_361 : vector<1x16xf32> to vector<16xf32>
        %mul3A_363 = arith.mulf %broadcast_in_dim3A_202, %get3A_362 : vector<16xf32>
        %add3A_364 = arith.addf %add3A_357, %mul3A_363 : vector<16xf32>
        %get3A_365 = arith.constant 12 : i32
        %get3A_366 = arith.index_cast %get3A_365 : i32 to index
        %get3A_367 = arith.index_cast %mul3A_281 : i32 to index
        %get3A_368 = tpu.vector_load %arg8[%get3A_366, %get3A_367] {strides = array<i32>} : memref<16x512xf32, #tpu.memory_space<vmem>>, vector<1x16xf32>,
        %get3A_369 = vector.shape_cast %get3A_368 : vector<1x16xf32> to vector<16xf32>
        %mul3A_370 = arith.mulf %broadcast_in_dim3A_211, %get3A_369 : vector<16xf32>
        %add3A_371 = arith.addf %add3A_364, %mul3A_370 : vector<16xf32>
        %get3A_372 = arith.constant 13 : i32
        %get3A_373 = arith.index_cast %get3A_372 : i32 to index
        %get3A_374 = arith.index_cast %mul3A_281 : i32 to index
        %get3A_375 = tpu.vector_load %arg8[%get3A_373, %get3A_374] {strides = array<i32>} : memref<16x512xf32, #tpu.memory_space<vmem>>, vector<1x16xf32>,
        %get3A_376 = vector.shape_cast %get3A_375 : vector<1x16xf32> to vector<16xf32>
        %mul3A_377 = arith.mulf %broadcast_in_dim3A_220, %get3A_376 : vector<16xf32>
        %add3A_378 = arith.addf %add3A_371, %mul3A_377 : vector<16xf32>
        %get3A_379 = arith.constant 14 : i32
        %get3A_380 = arith.index_cast %get3A_379 : i32 to index
        %get3A_381 = arith.index_cast %mul3A_281 : i32 to index
        %get3A_382 = tpu.vector_load %arg8[%get3A_380, %get3A_381] {strides = array<i32>} : memref<16x512xf32, #tpu.memory_space<vmem>>, vector<1x16xf32>,
        %get3A_383 = vector.shape_cast %get3A_382 : vector<1x16xf32> to vector<16xf32>
        %mul3A_384 = arith.mulf %broadcast_in_dim3A_229, %get3A_383 : vector<16xf32>
        %add3A_385 = arith.addf %add3A_378, %mul3A_384 : vector<16xf32>
        %get3A_386 = arith.constant 15 : i32
        %get3A_387 = arith.index_cast %get3A_386 : i32 to index
        %get3A_388 = arith.index_cast %mul3A_281 : i32 to index
        %get3A_389 = tpu.vector_load %arg8[%get3A_387, %get3A_388] {strides = array<i32>} : memref<16x512xf32, #tpu.memory_space<vmem>>, vector<1x16xf32>,
        %get3A_390 = vector.shape_cast %get3A_389 : vector<1x16xf32> to vector<16xf32>
        %mul3A_391 = arith.mulf %broadcast_in_dim3A_238, %get3A_390 : vector<16xf32>
        %add3A_392 = arith.addf %add3A_385, %mul3A_391 : vector<16xf32>
        %get3A_393 = arith.constant 0 : i32
        %get3A_394 = arith.index_cast %get3A_393 : i32 to index
        %get3A_395 = arith.index_cast %mul3A_281 : i32 to index
        %get3A_396 = tpu.vector_load %arg9[%get3A_394, %get3A_395] {strides = array<i32>} : memref<4x512xf32, #tpu.memory_space<vmem>>, vector<1x16xf32>,
        %get3A_397 = vector.shape_cast %get3A_396 : vector<1x16xf32> to vector<16xf32>
        %get3A_398 = arith.constant 1 : i32
        %get3A_399 = arith.index_cast %get3A_398 : i32 to index
        %get3A_400 = arith.index_cast %mul3A_281 : i32 to index
        %get3A_401 = tpu.vector_load %arg9[%get3A_399, %get3A_400] {strides = array<i32>} : memref<4x512xf32, #tpu.memory_space<vmem>>, vector<1x16xf32>,
        %get3A_402 = vector.shape_cast %get3A_401 : vector<1x16xf32> to vector<16xf32>
        %get3A_403 = arith.constant 2 : i32
        %get3A_404 = arith.index_cast %get3A_403 : i32 to index
        %get3A_405 = arith.index_cast %mul3A_281 : i32 to index
        %get3A_406 = tpu.vector_load %arg9[%get3A_404, %get3A_405] {strides = array<i32>} : memref<4x512xf32, #tpu.memory_space<vmem>>, vector<1x16xf32>,
        %get3A_407 = vector.shape_cast %get3A_406 : vector<1x16xf32> to vector<16xf32>
        %get3A_408 = arith.constant 3 : i32
        %get3A_409 = arith.index_cast %get3A_408 : i32 to index
        %get3A_410 = arith.index_cast %mul3A_281 : i32 to index
        %get3A_411 = tpu.vector_load %arg9[%get3A_409, %get3A_410] {strides = array<i32>} : memref<4x512xf32, #tpu.memory_space<vmem>>, vector<1x16xf32>,
        %get3A_412 = vector.shape_cast %get3A_411 : vector<1x16xf32> to vector<16xf32>
        %sub3A_413 = arith.subf %broadcast_in_dim3A_67, %get3A_397 : vector<16xf32>
        %abs3A = math.absf %sub3A_413 : vector<16xf32>
        %sub3A_414 = arith.subf %broadcast_in_dim3A_76, %get3A_402 : vector<16xf32>
        %abs3A_415 = math.absf %sub3A_414 : vector<16xf32>
        %add3A_416 = arith.addf %abs3A, %abs3A_415 : vector<16xf32>
        %sub3A_417 = arith.subf %broadcast_in_dim3A_85, %get3A_407 : vector<16xf32>
        %abs3A_418 = math.absf %sub3A_417 : vector<16xf32>
        %add3A_419 = arith.addf %add3A_416, %abs3A_418 : vector<16xf32>
        %sub3A_420 = arith.subf %broadcast_in_dim3A_94, %get3A_412 : vector<16xf32>
        %abs3A_421 = math.absf %sub3A_420 : vector<16xf32>
        %add3A_422 = arith.addf %add3A_419, %abs3A_421 : vector<16xf32>
        %sub3A_423 = arith.subf %get3A_407, %get3A_397 : vector<16xf32>
        %max3A_424 = arith.constant 0.000000e+00 : f32
        %max3A_425 = vector.broadcast %max3A_424 : f32 to vector<16xf32>
        %max3A_426 = arith.maximumf %sub3A_423, %max3A_425 : vector<16xf32>
        %sub3A_427 = arith.subf %get3A_412, %get3A_402 : vector<16xf32>
        %max3A_428 = arith.constant 0.000000e+00 : f32
        %max3A_429 = vector.broadcast %max3A_428 : f32 to vector<16xf32>
        %max3A_430 = arith.maximumf %sub3A_427, %max3A_429 : vector<16xf32>
        %mul3A_431 = arith.mulf %max3A_426, %max3A_430 : vector<16xf32>
        %min3A = arith.minimumf %get3A_407, %broadcast_in_dim3A_85 : vector<16xf32>
        %max3A_432 = arith.maximumf %get3A_397, %broadcast_in_dim3A_67 : vector<16xf32>
        %sub3A_433 = arith.subf %min3A, %max3A_432 : vector<16xf32>
        %min3A_434 = arith.minimumf %get3A_412, %broadcast_in_dim3A_94 : vector<16xf32>
        %max3A_435 = arith.maximumf %get3A_402, %broadcast_in_dim3A_76 : vector<16xf32>
        %sub3A_436 = arith.subf %min3A_434, %max3A_435 : vector<16xf32>
        %max3A_437 = arith.constant 0.000000e+00 : f32
        %max3A_438 = vector.broadcast %max3A_437 : f32 to vector<16xf32>
        %max3A_439 = arith.maximumf %sub3A_433, %max3A_438 : vector<16xf32>
        %max3A_440 = arith.constant 0.000000e+00 : f32
        %max3A_441 = vector.broadcast %max3A_440 : f32 to vector<16xf32>
        %max3A_442 = arith.maximumf %sub3A_436, %max3A_441 : vector<16xf32>
        %mul3A_443 = arith.mulf %max3A_439, %max3A_442 : vector<16xf32>
        %add3A_444 = arith.addf %mul3A_431, %mul3A_245 : vector<16xf32>
        %sub3A_445 = arith.subf %add3A_444, %mul3A_443 : vector<16xf32>
        %gt3A = arith.constant 0.000000e+00 : f32
        %gt3A_446 = vector.broadcast %gt3A : f32 to vector<16xf32>
        %gt3A_447 = arith.cmpf ogt, %sub3A_445, %gt3A_446 : vector<16xf32>
        %jit3A = arith.constant 1.000000e+00 : f32
        %broadcast_in_dim3A_448 = vector.broadcast %jit3A : f32 to vector<16xf32>
        %select_n3A = arith.select %gt3A_447, %sub3A_445, %broadcast_in_dim3A_448 : vector<16xi1>, vector<16xf32>
        %div3A = arith.divf %mul3A_443, %select_n3A : vector<16xf32>
        %add3A_449 = arith.addf %max3A_426, %max3A_240 : vector<16xf32>
        %sub3A_450 = arith.subf %add3A_449, %sub3A_433 : vector<16xf32>
        %add3A_451 = arith.addf %max3A_430, %max3A_244 : vector<16xf32>
        %sub3A_452 = arith.subf %add3A_451, %sub3A_436 : vector<16xf32>
        %mul3A_453 = arith.mulf %sub3A_450, %sub3A_452 : vector<16xf32>
        %sub3A_454 = arith.subf %mul3A_453, %sub3A_445 : vector<16xf32>
        %gt3A_455 = arith.constant 0.000000e+00 : f32
        %gt3A_456 = vector.broadcast %gt3A_455 : f32 to vector<16xf32>
        %gt3A_457 = arith.cmpf ogt, %mul3A_453, %gt3A_456 : vector<16xf32>
        %jit3A_458 = arith.constant 1.000000e+00 : f32
        %broadcast_in_dim3A_459 = vector.broadcast %jit3A_458 : f32 to vector<16xf32>
        %select_n3A_460 = arith.select %gt3A_457, %mul3A_453, %broadcast_in_dim3A_459 : vector<16xi1>, vector<16xf32>
        %div3A_461 = arith.divf %sub3A_454, %select_n3A_460 : vector<16xf32>
        %mul3A_462 = arith.constant 2.500000e+00 : f32
        %mul3A_463 = vector.broadcast %mul3A_462 : f32 to vector<16xf32>
        %mul3A_464 = arith.mulf %mul3A_463, %add3A_422 : vector<16xf32>
        %add3A_465 = arith.addf %add3A_392, %mul3A_464 : vector<16xf32>
        %sub3A_466 = arith.constant 1.000000e+00 : f32
        %sub3A_467 = vector.broadcast %sub3A_466 : f32 to vector<16xf32>
        %sub3A_468 = arith.subf %sub3A_467, %div3A : vector<16xf32>
        %add3A_469 = arith.addf %add3A_465, %sub3A_468 : vector<16xf32>
        %add3A_470 = arith.addf %add3A_469, %div3A_461 : vector<16xf32>
        %get3A_471 = arith.constant 0 : index
        %get3A_472 = tpu.vector_load %arg12[%get3A_471] {strides = array<i32>} : memref<16xf32, #tpu.memory_space<vmem>>, vector<16xf32>,
        %get3A_473 = vector.shape_cast %get3A_472 : vector<16xf32> to vector<16xf32>
        %lt3A = arith.cmpf olt, %add3A_470, %get3A_473 : vector<16xf32>
        %min3A_474 = arith.minimumf %add3A_470, %get3A_473 : vector<16xf32>
        %swap3A_475 = arith.constant 0 : index
        %swap3A_476 = tpu.vector_load %arg12[%swap3A_475] {strides = array<i32>} : memref<16xf32, #tpu.memory_space<vmem>>, vector<16xf32>,
        %swap3A_477 = vector.shape_cast %swap3A_476 : vector<16xf32> to vector<16xf32>
        %swap3A_478 = vector.shape_cast %min3A_474 : vector<16xf32> to vector<16xf32>
        tpu.vector_store %arg12[%swap3A_475], %swap3A_478 {strides = array<i32>} : memref<16xf32, #tpu.memory_space<vmem>>, vector<16xf32>,
        %get3A_479 = arith.constant 0 : index
        %get3A_480 = tpu.vector_load %arg13[%get3A_479] {strides = array<i32>} : memref<16xi32, #tpu.memory_space<vmem>>, vector<16xi32>,
        %get3A_481 = vector.shape_cast %get3A_480 : vector<16xi32> to vector<16xi32>
        %broadcast_in_dim3A_482 = vector.broadcast %add3A_279 : i32 to vector<16xi32>
        %select_n3A_483 = arith.select %lt3A, %broadcast_in_dim3A_482, %get3A_481 : vector<16xi1>, vector<16xi32>
        %swap3A_484 = arith.constant 0 : index
        %swap3A_485 = tpu.vector_load %arg13[%swap3A_484] {strides = array<i32>} : memref<16xi32, #tpu.memory_space<vmem>>, vector<16xi32>,
        %swap3A_486 = vector.shape_cast %swap3A_485 : vector<16xi32> to vector<16xi32>
        %swap3A_487 = vector.shape_cast %select_n3A_483 : vector<16xi32> to vector<16xi32>
        tpu.vector_store %arg13[%swap3A_484], %swap3A_487 {strides = array<i32>} : memref<16xi32, #tpu.memory_space<vmem>>, vector<16xi32>,
      }
      %scan3A_250 = arith.constant 32 : i32
      %get3A_251 = arith.constant 0 : index
      %get3A_252 = tpu.vector_load %arg12[%get3A_251] {strides = array<i32>} : memref<16xf32, #tpu.memory_space<vmem>>, vector<16xf32>,
      %get3A_253 = vector.shape_cast %get3A_252 : vector<16xf32> to vector<16xf32>
      %mul3A_254 = arith.constant 16 : i32
      %mul3A_255 = arith.muli %add3A_49, %mul3A_254 : i32
      %swap3A_256 = arith.index_cast %mul3A_255 : i32 to index
      %swap3A_257 = tpu.vector_load %arg14[%swap3A_256] {strides = array<i32>} : memref<512xf32, #tpu.memory_space<vmem>>, vector<16xf32>,
      %swap3A_258 = vector.shape_cast %swap3A_257 : vector<16xf32> to vector<16xf32>
      %swap3A_259 = vector.shape_cast %get3A_253 : vector<16xf32> to vector<16xf32>
      tpu.vector_store %arg14[%swap3A_256], %swap3A_259 {strides = array<i32>} : memref<512xf32, #tpu.memory_space<vmem>>, vector<16xf32>,
      %get3A_260 = arith.constant 0 : index
      %get3A_261 = tpu.vector_load %arg13[%get3A_260] {strides = array<i32>} : memref<16xi32, #tpu.memory_space<vmem>>, vector<16xi32>,
      %get3A_262 = vector.shape_cast %get3A_261 : vector<16xi32> to vector<16xi32>
      %mul3A_263 = arith.constant 16 : i32
      %mul3A_264 = vector.broadcast %mul3A_263 : i32 to vector<16xi32>
      %mul3A_265 = arith.muli %get3A_262, %mul3A_264 : vector<16xi32>
      %add3A_266 = arith.addi %mul3A_265, %iota3A : vector<16xi32>
      %add3A_267 = vector.broadcast %mul3A_2 : i32 to vector<16xi32>
      %add3A_268 = arith.addi %add3A_266, %add3A_267 : vector<16xi32>
      %mul3A_269 = arith.constant 16 : i32
      %mul3A_270 = arith.muli %add3A_49, %mul3A_269 : i32
      %swap3A_271 = arith.index_cast %mul3A_270 : i32 to index
      %swap3A_272 = tpu.vector_load %arg15[%swap3A_271] {strides = array<i32>} : memref<512xi32, #tpu.memory_space<vmem>>, vector<16xi32>,
      %swap3A_273 = vector.shape_cast %swap3A_272 : vector<16xi32> to vector<16xi32>
      %swap3A_274 = vector.shape_cast %add3A_268 : vector<16xi32> to vector<16xi32>
      tpu.vector_store %arg15[%swap3A_271], %swap3A_274 {strides = array<i32>} : memref<512xi32, #tpu.memory_space<vmem>>, vector<16xi32>,
    }
    %scan3A_42 = arith.constant 32 : i32
    %run_scoped3A_43 = arith.constant 3 : i32
    "tpu.region"() ({
      %run_scoped3A_45 = tpu.sem_alloc : memref<!tpu.dma_semaphore, #tpu.memory_space<semaphore_mem>>
      %dma_start3A = arith.constant 0 : i32
      %dma_start3A_46 = tpu.memref_slice %arg6[%add3A, %run_scoped3A_43, %dma_start3A] : memref<32x4x512xf32, #tpu.memory_space<hbm>> -> memref<1x1x512xf32, #tpu.memory_space<hbm>>
      %dma_start3A_47 = tpu.memref_squeeze %dma_start3A_46 : memref<1x1x512xf32, #tpu.memory_space<hbm>> -> memref<512xf32, #tpu.memory_space<hbm>>
      %dma_start3A_48 = arith.constant 0 : i32
      %dma_start3A_49 = tpu.memref_slice %arg6[%add3A, %run_scoped3A_43, %dma_start3A_48] : memref<32x4x512xf32, #tpu.memory_space<hbm>> -> memref<1x1x512xf32, #tpu.memory_space<hbm>>
      %dma_start3A_50 = tpu.memref_squeeze %dma_start3A_49 : memref<1x1x512xf32, #tpu.memory_space<hbm>> -> memref<512xf32, #tpu.memory_space<hbm>>
      tpu.enqueue_dma source(%arg14 : memref<512xf32, #tpu.memory_space<vmem>>) target(%dma_start3A_50 : memref<512xf32, #tpu.memory_space<hbm>>) target_semaphore(%run_scoped3A_45 : memref<!tpu.dma_semaphore, #tpu.memory_space<semaphore_mem>>)
      %dma_wait3A = arith.constant 0 : i32
      %dma_wait3A_51 = tpu.memref_slice %arg6[%add3A, %run_scoped3A_43, %dma_wait3A] : memref<32x4x512xf32, #tpu.memory_space<hbm>> -> memref<1x1x512xf32, #tpu.memory_space<hbm>>
      %dma_wait3A_52 = tpu.memref_squeeze %dma_wait3A_51 : memref<1x1x512xf32, #tpu.memory_space<hbm>> -> memref<512xf32, #tpu.memory_space<hbm>>
      %dma_wait3A_53 = arith.constant 0 : i32
      %dma_wait3A_54 = tpu.memref_slice %arg6[%add3A, %run_scoped3A_43, %dma_wait3A_53] : memref<32x4x512xf32, #tpu.memory_space<hbm>> -> memref<1x1x512xf32, #tpu.memory_space<hbm>>
      %dma_wait3A_55 = tpu.memref_squeeze %dma_wait3A_54 : memref<1x1x512xf32, #tpu.memory_space<hbm>> -> memref<512xf32, #tpu.memory_space<hbm>>
      tpu.wait_dma2 semaphore(%run_scoped3A_45 : memref<!tpu.dma_semaphore, #tpu.memory_space<semaphore_mem>>) src(%arg14 : memref<512xf32, #tpu.memory_space<vmem>>) dst(%dma_wait3A_55 : memref<512xf32, #tpu.memory_space<hbm>>)
      tpu.yield
    }) : () -> ()
    %run_scoped3A_44 = arith.constant 3 : i32
    "tpu.region"() ({
      %run_scoped3A_45 = tpu.sem_alloc : memref<!tpu.dma_semaphore, #tpu.memory_space<semaphore_mem>>
      %dma_start3A = arith.constant 0 : i32
      %dma_start3A_46 = tpu.memref_slice %arg7[%add3A, %run_scoped3A_44, %dma_start3A] : memref<32x4x512xi32, #tpu.memory_space<hbm>> -> memref<1x1x512xi32, #tpu.memory_space<hbm>>
      %dma_start3A_47 = tpu.memref_squeeze %dma_start3A_46 : memref<1x1x512xi32, #tpu.memory_space<hbm>> -> memref<512xi32, #tpu.memory_space<hbm>>
      %dma_start3A_48 = arith.constant 0 : i32
      %dma_start3A_49 = tpu.memref_slice %arg7[%add3A, %run_scoped3A_44, %dma_start3A_48] : memref<32x4x512xi32, #tpu.memory_space<hbm>> -> memref<1x1x512xi32, #tpu.memory_space<hbm>>
      %dma_start3A_50 = tpu.memref_squeeze %dma_start3A_49 : memref<1x1x512xi32, #tpu.memory_space<hbm>> -> memref<512xi32, #tpu.memory_space<hbm>>
      tpu.enqueue_dma source(%arg15 : memref<512xi32, #tpu.memory_space<vmem>>) target(%dma_start3A_50 : memref<512xi32, #tpu.memory_space<hbm>>) target_semaphore(%run_scoped3A_45 : memref<!tpu.dma_semaphore, #tpu.memory_space<semaphore_mem>>)
      %dma_wait3A = arith.constant 0 : i32
      %dma_wait3A_51 = tpu.memref_slice %arg7[%add3A, %run_scoped3A_44, %dma_wait3A] : memref<32x4x512xi32, #tpu.memory_space<hbm>> -> memref<1x1x512xi32, #tpu.memory_space<hbm>>
      %dma_wait3A_52 = tpu.memref_squeeze %dma_wait3A_51 : memref<1x1x512xi32, #tpu.memory_space<hbm>> -> memref<512xi32, #tpu.memory_space<hbm>>
      %dma_wait3A_53 = arith.constant 0 : i32
      %dma_wait3A_54 = tpu.memref_slice %arg7[%add3A, %run_scoped3A_44, %dma_wait3A_53] : memref<32x4x512xi32, #tpu.memory_space<hbm>> -> memref<1x1x512xi32, #tpu.memory_space<hbm>>
      %dma_wait3A_55 = tpu.memref_squeeze %dma_wait3A_54 : memref<1x1x512xi32, #tpu.memory_space<hbm>> -> memref<512xi32, #tpu.memory_space<hbm>>
      tpu.wait_dma2 semaphore(%run_scoped3A_45 : memref<!tpu.dma_semaphore, #tpu.memory_space<semaphore_mem>>) src(%arg15 : memref<512xi32, #tpu.memory_space<vmem>>) dst(%dma_wait3A_55 : memref<512xi32, #tpu.memory_space<hbm>>)
      tpu.yield
    }) : () -> ()
    return
  }
}

module attributes {stable_mosaic.version = 14 : i64} {
  func.func @_w_body(%arg0: i32, %arg1: memref<1x16x16384xf32, #tpu.memory_space<vmem>>, %arg2: memref<1x16x16384xf32, #tpu.memory_space<vmem>>) attributes {dimension_semantics = [#tpu.dimension_semantics<arbitrary>], iteration_bounds = array<i64: 4>, scalar_prefetch = 0 : i64, scratch_operands = 0 : i64, tpu.core_type = #tpu.core_type<tc>, window_params = [{transform_indices = @transform_0, window_bounds = array<i64: 1, 16, 16384>}, {transform_indices = @transform_1, window_bounds = array<i64: 1, 16, 16384>}]} {
    %get3A = arith.constant 0 : index
    %get3A_0 = arith.constant 0 : index
    %get3A_1 = arith.constant 0 : index
    %get3A_2 = vector.load %arg1[%get3A, %get3A_0, %get3A_1] : memref<1x16x16384xf32, #tpu.memory_space<vmem>>, vector<1x16x16384xf32>
    %get3A_3 = vector.shape_cast %get3A_2 : vector<1x16x16384xf32> to vector<16x16384xf32>
    %mul3A = arith.mulf %get3A_3, %get3A_3 : vector<16x16384xf32>
    %mul3A_4 = arith.constant 7.500000e-01 : f32
    %mul3A_5 = vector.broadcast %mul3A_4 : f32 to vector<16x16384xf32>
    %mul3A_6 = arith.mulf %mul3A_5, %mul3A : vector<16x16384xf32>
    %sub3A = arith.constant 1.000000e+00 : f32
    %sub3A_7 = vector.broadcast %sub3A : f32 to vector<16x16384xf32>
    %sub3A_8 = arith.subf %sub3A_7, %get3A_3 : vector<16x16384xf32>
    %add3A = arith.constant 9.99999993E-9 : f32
    %add3A_9 = vector.broadcast %add3A : f32 to vector<16x16384xf32>
    %add3A_10 = arith.addf %sub3A_8, %add3A_9 : vector<16x16384xf32>
    %log3A = math.log %add3A_10 : vector<16x16384xf32>
    %neg3A = arith.constant 0.000000e+00 : f32
    %neg3A_11 = vector.broadcast %neg3A : f32 to vector<16x16384xf32>
    %neg3A_12 = arith.subf %neg3A_11, %log3A : vector<16x16384xf32>
    %mul3A_13 = arith.mulf %mul3A_6, %neg3A_12 : vector<16x16384xf32>
    %sub3A_14 = arith.constant 1.000000e+00 : f32
    %sub3A_15 = vector.broadcast %sub3A_14 : f32 to vector<16x16384xf32>
    %sub3A_16 = arith.subf %sub3A_15, %get3A_3 : vector<16x16384xf32>
    %mul3A_17 = arith.mulf %sub3A_16, %sub3A_16 : vector<16x16384xf32>
    %mul3A_18 = arith.constant 2.500000e-01 : f32
    %mul3A_19 = vector.broadcast %mul3A_18 : f32 to vector<16x16384xf32>
    %mul3A_20 = arith.mulf %mul3A_19, %mul3A_17 : vector<16x16384xf32>
    %add3A_21 = arith.constant 9.99999993E-9 : f32
    %add3A_22 = vector.broadcast %add3A_21 : f32 to vector<16x16384xf32>
    %add3A_23 = arith.addf %get3A_3, %add3A_22 : vector<16x16384xf32>
    %log3A_24 = math.log %add3A_23 : vector<16x16384xf32>
    %neg3A_25 = arith.constant 0.000000e+00 : f32
    %neg3A_26 = vector.broadcast %neg3A_25 : f32 to vector<16x16384xf32>
    %neg3A_27 = arith.subf %neg3A_26, %log3A_24 : vector<16x16384xf32>
    %mul3A_28 = arith.mulf %mul3A_20, %neg3A_27 : vector<16x16384xf32>
    %sub3A_29 = arith.subf %mul3A_28, %mul3A_13 : vector<16x16384xf32>
    %swap3A = arith.constant 0 : index
    %swap3A_30 = arith.constant 0 : index
    %swap3A_31 = arith.constant 0 : index
    %swap3A_32 = vector.load %arg2[%swap3A, %swap3A_30, %swap3A_31] : memref<1x16x16384xf32, #tpu.memory_space<vmem>>, vector<1x16x16384xf32>
    %swap3A_33 = vector.shape_cast %swap3A_32 : vector<1x16x16384xf32> to vector<16x16384xf32>
    %swap3A_34 = vector.shape_cast %sub3A_29 : vector<16x16384xf32> to vector<1x16x16384xf32>
    tpu.vector_store %arg2[%swap3A, %swap3A_30, %swap3A_31], %swap3A_34 {strides = array<i32>} : memref<1x16x16384xf32, #tpu.memory_space<vmem>>, vector<1x16x16384xf32>,
    return
  }
  func.func @transform_0(%arg0: i32) -> (i32, i32, i32) {
    %c0_i32 = arith.constant 0 : i32
    %c0_i32_0 = arith.constant 0 : i32
    %c0_i32_1 = arith.constant 0 : i32
    return %arg0, %c0_i32, %c0_i32_0 : i32, i32, i32
  }
  func.func @transform_1(%arg0: i32) -> (i32, i32, i32) {
    %c0_i32 = arith.constant 0 : i32
    %c0_i32_0 = arith.constant 0 : i32
    %c0_i32_1 = arith.constant 0 : i32
    return %arg0, %c0_i32, %c0_i32_0 : i32, i32, i32
  }
}

module attributes {stable_mosaic.version = 14 : i64} {
  func.func @_merge_body(%arg0: i32, %arg1: memref<1x32x512xf32, #tpu.memory_space<vmem>>, %arg2: memref<1x32x512xi32, #tpu.memory_space<vmem>>, %arg3: memref<1x32x16xf32, #tpu.memory_space<vmem>>, %arg4: memref<1x1x32xi32, #tpu.memory_space<vmem>>, %arg5: memref<1x1x32xi32, #tpu.memory_space<vmem>>) attributes {dimension_semantics = [#tpu.dimension_semantics<arbitrary>], iteration_bounds = array<i64: 4>, scalar_prefetch = 0 : i64, scratch_operands = 0 : i64, tpu.core_type = #tpu.core_type<tc>, window_params = [{transform_indices = @transform_0, window_bounds = array<i64: 1, 32, 512>}, {transform_indices = @transform_1, window_bounds = array<i64: 1, 32, 512>}, {transform_indices = @transform_2, window_bounds = array<i64: 1, 32, 16>}, {transform_indices = @transform_3, window_bounds = array<i64: 1, 1, 32>}, {transform_indices = @transform_4, window_bounds = array<i64: 1, 1, 32>}]} {
    %get3A = arith.constant 0 : index
    %get3A_0 = arith.constant 0 : index
    %get3A_1 = arith.constant 0 : index
    %get3A_2 = vector.load %arg1[%get3A, %get3A_0, %get3A_1] : memref<1x32x512xf32, #tpu.memory_space<vmem>>, vector<1x32x512xf32>
    %get3A_3 = vector.shape_cast %get3A_2 : vector<1x32x512xf32> to vector<32x512xf32>
    %get3A_4 = arith.constant 0 : index
    %get3A_5 = arith.constant 0 : index
    %get3A_6 = arith.constant 0 : index
    %get3A_7 = vector.load %arg2[%get3A_4, %get3A_5, %get3A_6] : memref<1x32x512xi32, #tpu.memory_space<vmem>>, vector<1x32x512xi32>
    %get3A_8 = vector.shape_cast %get3A_7 : vector<1x32x512xi32> to vector<32x512xi32>
    %reduce_min3A = arith.constant dense<0x7F800000> : vector<32xf32>
    %reduce_min3A_9 = vector.multi_reduction <minimumf>, %get3A_3, %reduce_min3A [1] : vector<32x512xf32> to vector<32xf32>
    %broadcast_in_dim3A = vector.shape_cast %reduce_min3A_9 : vector<32xf32> to vector<32x1xf32>
    %eq3A = vector.broadcast %broadcast_in_dim3A : vector<32x1xf32> to vector<32x512xf32>
    %eq3A_10 = arith.cmpf oeq, %get3A_3, %eq3A : vector<32x512xf32>
    %jit3A = arith.constant 1073741824 : i32
    %broadcast_in_dim3A_11 = vector.broadcast %jit3A : i32 to vector<32x512xi32>
    %select_n3A = arith.select %eq3A_10, %get3A_8, %broadcast_in_dim3A_11 : vector<32x512xi1>, vector<32x512xi32>
    %reduce_min3A_12 = arith.constant dense<2147483647> : vector<32xi32>
    %reduce_min3A_13 = vector.multi_reduction <minsi>, %select_n3A, %reduce_min3A_12 [1] : vector<32x512xi32> to vector<32xi32>
    %swap3A = arith.constant 0 : index
    %swap3A_14 = arith.constant 0 : index
    %swap3A_15 = arith.constant 0 : index
    %swap3A_16 = vector.load %arg4[%swap3A, %swap3A_14, %swap3A_15] : memref<1x1x32xi32, #tpu.memory_space<vmem>>, vector<1x1x32xi32>
    %swap3A_17 = vector.shape_cast %swap3A_16 : vector<1x1x32xi32> to vector<32xi32>
    %swap3A_18 = vector.shape_cast %reduce_min3A_13 : vector<32xi32> to vector<1x1x32xi32>
    tpu.vector_store %arg4[%swap3A, %swap3A_14, %swap3A_15], %swap3A_18 {strides = array<i32>} : memref<1x1x32xi32, #tpu.memory_space<vmem>>, vector<1x1x32xi32>,
    %get3A_19 = arith.constant 0 : index
    %get3A_20 = arith.constant 0 : index
    %get3A_21 = arith.constant 0 : index
    %get3A_22 = vector.load %arg3[%get3A_19, %get3A_20, %get3A_21] : memref<1x32x16xf32, #tpu.memory_space<vmem>>, vector<1x32x16xf32>
    %get3A_23 = vector.shape_cast %get3A_22 : vector<1x32x16xf32> to vector<32x16xf32>
    %eq3A_24 = arith.constant 1.000000e+00 : f32
    %eq3A_25 = vector.broadcast %eq3A_24 : f32 to vector<32x16xf32>
    %eq3A_26 = arith.cmpf oeq, %get3A_23, %eq3A_25 : vector<32x16xf32>
    %convert_element_type3A = arith.extui %eq3A_26 : vector<32x16xi1> to vector<32x16xi32>
    %convert_element_type3A_27 = arith.sitofp %convert_element_type3A : vector<32x16xi32> to vector<32x16xf32>
    %reduce_max3A = arith.constant dense<0xFF800000> : vector<32xf32>
    %reduce_max3A_28 = vector.multi_reduction <maximumf>, %convert_element_type3A_27, %reduce_max3A [1] : vector<32x16xf32> to vector<32xf32>
    %broadcast_in_dim3A_29 = vector.shape_cast %reduce_max3A_28 : vector<32xf32> to vector<32x1xf32>
    %iota3A = tpu.iota {dimensions = array<i32: 1>} : vector<32x16xi32>
    %eq3A_30 = vector.broadcast %broadcast_in_dim3A_29 : vector<32x1xf32> to vector<32x16xf32>
    %eq3A_31 = arith.cmpf oeq, %convert_element_type3A_27, %eq3A_30 : vector<32x16xf32>
    %jit3A_32 = arith.constant 16 : i32
    %broadcast_in_dim3A_33 = vector.broadcast %jit3A_32 : i32 to vector<32x16xi32>
    %select_n3A_34 = arith.select %eq3A_31, %iota3A, %broadcast_in_dim3A_33 : vector<32x16xi1>, vector<32x16xi32>
    %reduce_min3A_35 = arith.constant dense<2147483647> : vector<32xi32>
    %reduce_min3A_36 = vector.multi_reduction <minsi>, %select_n3A_34, %reduce_min3A_35 [1] : vector<32x16xi32> to vector<32xi32>
    %swap3A_37 = arith.constant 0 : index
    %swap3A_38 = arith.constant 0 : index
    %swap3A_39 = arith.constant 0 : index
    %swap3A_40 = vector.load %arg5[%swap3A_37, %swap3A_38, %swap3A_39] : memref<1x1x32xi32, #tpu.memory_space<vmem>>, vector<1x1x32xi32>
    %swap3A_41 = vector.shape_cast %swap3A_40 : vector<1x1x32xi32> to vector<32xi32>
    %swap3A_42 = vector.shape_cast %reduce_min3A_36 : vector<32xi32> to vector<1x1x32xi32>
    tpu.vector_store %arg5[%swap3A_37, %swap3A_38, %swap3A_39], %swap3A_42 {strides = array<i32>} : memref<1x1x32xi32, #tpu.memory_space<vmem>>, vector<1x1x32xi32>,
    return
  }
  func.func @transform_0(%arg0: i32) -> (i32, i32, i32) {
    %c0_i32 = arith.constant 0 : i32
    %c0_i32_0 = arith.constant 0 : i32
    %c0_i32_1 = arith.constant 0 : i32
    return %arg0, %c0_i32, %c0_i32_0 : i32, i32, i32
  }
  func.func @transform_1(%arg0: i32) -> (i32, i32, i32) {
    %c0_i32 = arith.constant 0 : i32
    %c0_i32_0 = arith.constant 0 : i32
    %c0_i32_1 = arith.constant 0 : i32
    return %arg0, %c0_i32, %c0_i32_0 : i32, i32, i32
  }
  func.func @transform_2(%arg0: i32) -> (i32, i32, i32) {
    %c0_i32 = arith.constant 0 : i32
    %c0_i32_0 = arith.constant 0 : i32
    %c0_i32_1 = arith.constant 0 : i32
    return %arg0, %c0_i32, %c0_i32_0 : i32, i32, i32
  }
  func.func @transform_3(%arg0: i32) -> (i32, i32, i32) {
    %c0_i32 = arith.constant 0 : i32
    %c0_i32_0 = arith.constant 0 : i32
    %c0_i32_1 = arith.constant 0 : i32
    return %arg0, %c0_i32, %c0_i32_0 : i32, i32, i32
  }
  func.func @transform_4(%arg0: i32) -> (i32, i32, i32) {
    %c0_i32 = arith.constant 0 : i32
    %c0_i32_0 = arith.constant 0 : i32
    %c0_i32_1 = arith.constant 0 : i32
    return %arg0, %c0_i32, %c0_i32_0 : i32, i32, i32
  }
}

</mosaic_0001>

<sc_bundles>
// kernel: kernel.5.cloned.1.call-start
scs
__scs_entry_jumppad:
0x0: {  	(pc) =	sbr.rel $0x88, $3  }
0x1: {  	(tag) =	ssettag $0x0;
	lr =	simm.s32 $0x1  }
0x2: {  	[smem:$0x3F9D] =	sst lr;
	_ =	strace $0xD0000000  }
0x3: {  	_ = 	snop  }
0x4: {  	_ = 	snop  }
0x5: {  	_ = 	snop  }
0x6: {  	_ = 	snop  }
0x7: {  	_ = 	snop  }
__scs_overlays_trampoline_lowered:
0x8: {  	[smem:$0x3FAC] =	sst s0  }
0x9: {  	[smem:$0x3FAD] =	sst s1  }
0xa: {  	[smem:$0x3FAE] =	sst s2  }
0xb: {  	[smem:$0x3FAF] =	sst s3  }
0xc: {  	[smem:$0x3FB0] =	sst s4  }
0xd: {  	[smem:$0x3FB1] =	sst s5  }
0xe: {  	[smem:$0x3FB2] =	sst s6  }
0xf: {  	[smem:$0x3FB3] =	sst s7  }
0x10: {  	[smem:$0x3FB4] =	sst s8  }
0x11: {  	[smem:$0x3FB5] =	sst s9;
	s0 =	simm.s32 @!p0 $0x0  }
0x12: {  	s1 =	sld [smem:$0x3F9B];
	s0 =	simm.s32 @p0 $0x1  }
0x13: {  	[smem:$0x3FB6] =	sst s0;
	s0 =	simm.s32 @!p1 $0x0  }
0x14: {  	s2 =	sld [smem:$0x3F9A];
	s0 =	simm.s32 @p1 $0x1  }
0x15: {  	[smem:$0x3FB7] =	sst s0;
	s0 =	simm.s32 @!p2 $0x0  }
0x16: {  	s3 =	sld [smem:$0x3FDB];
	s0 =	simm.s32 @p2 $0x1  }
0x17: {  	s4 =	simm.s32 $0x1BF5;
	[smem:$0x3FB9] =	sst s0  }
0x18: {  	s0 =	sld [smem:$0x3F9C];
	_ =	swait.ge [sflag:s4], $0x0  }
0x19: {  	s7 =	sld [smem:$0x3F9D]  }
0x1a: {  	s8 =	sadd.s32 $0xFFFFE003, lr  }
0x1b: {  	s9 =	sadd.s32 $0xFFFFFEF7, lr;
	s5 =	simm.s32 $0xFFFFFFFF;
	p2 =	slt.u32 s8, $0xFFFFF086  }
0x1c: {  	p1 =	slt.u32 s9, $0xF7A;
	s5 =	simm.s32 @!p2 $0x0  }
0x1d: {  	s5 =	simm.s32 @p1 $0x1;
	p0 =	seq.s32 s7, s2  }
0x1e: {  	s7 =	smul.u32 @!p0 $0xF7A, s2;
	p2 =	seq.s32 @!p0 s5, $0x0  }
0x1f: {  	s9 =	smul.u32 $0xF7A, s1;
	s8 =	simm.s32 @!p0 $0x1BF5;
	p2 =	por !p2, p0  }
0x20: {  	[sflag:s8] =	ssyncset.s32 @!p0 $0xFFFFF086;
	s6 =	sadd.s32 @!p0 s3, s7;
	s7 =	simm.s32 @!p0 $0x108  }
0x21: {  	s3 =	sadd.s32 s3, s9;
	s6 =	sadd.s32 @!p0 $0x88, s6;
	s7 =	simm.s32 @p2 $0x1082  }
0x22: {  	[simem:s7], [sflag:s8] =	dma.local @!p0 [hbm:s6], $0xF7A  }
0x23: {  	s9 =	sor.u32 $0xD0000000, s2;
	s6 =	simm.s32 $0x108;
	_ =	swait.ge @!p0 [sflag:s8], $0x0  }
0x24: {  	s3 =	sadd.s32 $0x88, s3;
	s6 =	simm.s32 @!p1 $0x1082;
	[sflag:s4] =	ssyncset.s32 $0xFFFFF086  }
0x25: {  	[simem:s6], [sflag:s4] =	dma.local [hbm:s3], $0xF7A  }
0x26: {  	[smem:$0x3F9D] =	sst s1;
	(tag) =	ssettag s2;
	_ =	strace s9  }
0x27: {  	s1 =	sld [smem:$0x3FAD]  }
0x28: {  	s2 =	sld [smem:$0x3FAE]  }
0x29: {  	s4 =	sld [smem:$0x3FB0]  }
0x2a: {  	p0 =	seq.s32 s5, $0x0;
	s5 =	sld [smem:$0x3FB1]  }
0x2b: {  	s6 =	sld [smem:$0x3FB2]  }
0x2c: {  	s7 =	sld [smem:$0x3FB3]  }
0x2d: {  	s3 =	simm.s32 $0x108;
	s8 =	sld [smem:$0x3FB4]  }
0x2e: {  	s3 =	simm.s32 @!p0 $0x1082;
	s9 =	sld [smem:$0x3FB5]  }
0x2f: {  	lr =	sadd.s32 s0, s3;
	s0 =	sld [smem:$0x3FAC]  }
0x30: {  	s3 =	sld [smem:$0x3FAF]  }
0x31: {  	[smem:$0x3FB8] =	sst s10  }
0x32: {  	s10 =	sld [smem:$0x3FB6];
	_ =	sdelay $0x3  }
0x33: {  	p0 =	seq.s32 s10, $0x1;
	s10 =	sld [smem:$0x3FB8];
	_ =	sdelay $0x3  }
0x34: {  	[smem:$0x3FB8] =	sst s10  }
0x35: {  	s10 =	sld [smem:$0x3FB7];
	_ =	sdelay $0x3  }
0x36: {  	p1 =	seq.s32 s10, $0x1;
	s10 =	sld [smem:$0x3FB8];
	_ =	sdelay $0x3  }
0x37: {  	[smem:$0x3FB8] =	sst s10  }
0x38: {  	s10 =	sld [smem:$0x3FB9]  }
0x39: {  	_ = 	snop;
	(pc) =	sbr.ind lr, $3  }
0x3a: {  	_ = 	snop  }
0x3b: {  	_ = 	snop  }
0x3c: {  	p2 =	seq.s32 s10, $0x1;
	s10 =	sld [smem:$0x3FB8]  }
0x3d: {  	_ =	shalt  }
0x3e: {  	_ =	shalt  }
0x3f: {  	_ =	shalt  }
0x40: {  	_ =	shalt  }
0x41: {  	_ =	shalt  }
0x42: {  	_ =	shalt  }
0x43: {  	_ =	shalt  }
0x44: {  	_ =	shalt  }
0x45: {  	_ =	shalt  }
0x46: {  	_ =	shalt  }
0x47: {  	_ =	shalt  }
0x48: {  	_ =	shalt  }
0x49: {  	_ =	shalt  }
0x4a: {  	_ =	shalt  }
0x4b: {  	_ =	shalt  }
0x4c: {  	_ =	shalt  }
0x4d: {  	_ =	shalt  }
0x4e: {  	_ =	shalt  }
0x4f: {  	_ =	shalt  }
0x50: {  	_ =	shalt  }
0x51: {  	_ =	shalt  }
0x52: {  	_ =	shalt  }
0x53: {  	_ =	shalt  }
0x54: {  	_ =	shalt  }
0x55: {  	_ =	shalt  }
0x56: {  	_ =	shalt  }
0x57: {  	_ =	shalt  }
0x58: {  	_ =	shalt  }
0x59: {  	_ =	shalt  }
0x5a: {  	_ =	shalt  }
0x5b: {  	_ =	shalt  }
0x5c: {  	_ =	shalt  }
0x5d: {  	_ =	shalt  }
0x5e: {  	_ =	shalt  }
0x5f: {  	_ =	shalt  }
0x60: {  	_ =	shalt  }
0x61: {  	_ =	shalt  }
0x62: {  	_ =	shalt  }
0x63: {  	_ =	shalt  }
0x64: {  	_ =	shalt  }
0x65: {  	_ =	shalt  }
0x66: {  	_ =	shalt  }
0x67: {  	_ =	shalt  }
0x68: {  	_ =	shalt  }
0x69: {  	_ =	shalt  }
0x6a: {  	_ =	shalt  }
0x6b: {  	_ =	shalt  }
0x6c: {  	_ =	shalt  }
0x6d: {  	_ =	shalt  }
0x6e: {  	_ =	shalt  }
0x6f: {  	_ =	shalt  }
0x70: {  	_ =	shalt  }
0x71: {  	_ =	shalt  }
0x72: {  	_ =	shalt  }
0x73: {  	_ =	shalt  }
0x74: {  	_ =	shalt  }
0x75: {  	_ =	shalt  }
0x76: {  	_ =	shalt  }
0x77: {  	_ =	shalt  }
0x78: {  	_ =	shalt  }
0x79: {  	_ =	shalt  }
0x7a: {  	_ =	shalt  }
0x7b: {  	_ =	shalt  }
0x7c: {  	_ =	shalt  }
0x7d: {  	_ =	shalt  }
0x7e: {  	_ =	shalt  }
0x7f: {  	_ =	shalt  }
0x80: {  	_ =	shalt  }
0x81: {  	_ =	shalt  }
0x82: {  	_ =	shalt  }
0x83: {  	_ =	shalt  }
0x84: {  	_ =	shalt  }
0x85: {  	_ =	shalt  }
0x86: {  	_ =	shalt  }
0x87: {  	_ =	shalt  }
.Lfunc_end0:
.L_simem_size_0:
called_computation_lowered:
.L_overlay_start_0:
0x88: {  	s2 =	sld [smem:$0x3FD9]  }
0x89: {  	s3 =	sld [smem:$0x3FFE];
	_ =	sdelay $0x1  }
0x8a: {  	s1 =	srdreg.scid  }
0x8b: {  	s0 =	sand.u32 $0x1, s1  }
0x8c: {  	s17 =	sshll.u32 s0, $0xA;
	s2 =	sadd.s32 s3, s2  }
0x8d: {  	s2 =	sadd.s32 s2, s17  }
0x8e: {  	[smem:$0x3FC4] =	sst s2  }
0x8f: {  	_ = 	snop  }
0x90: {  	s2 =	sld [smem:$0x3FC8]  }
0x91: {  	s18 =	sld [smem:$0x3FD0];
	(tm) =	ssettm $0x1  }
0x92: {  	s4 =	sld [smem:$0x3FFB];
	_ =	sdelay $0x3  }
0x93: {  	_ =	strace s4  }
0x94: {  	s4 =	sld [smem:$0x3FFC];
	_ =	sdelay $0x3  }
0x95: {  	_ =	strace s4  }
0x96: {  	s4 =	sld [smem:$0x3FFD];
	_ =	sdelay $0x3  }
0x97: {  	_ =	strace s4  }
0x98: {  	_ =	strace $0x8FFFFFFF  }
0x99: {  	s19 =	sld [smem:$0x3FDB];
	_ =	sdelay $0x1  }
0x9a: {  	s5 =	simm.s32 $_scs_section_size  }
0x9b: {  	s6 =	simm.s32 $_size__tile_overlayer_lowered;
	s7 =	simm.s32 $_tile_overlayer_lowered  }
0x9c: {  	s22 =	simm.s32 $0x1BFF;
	s21 =	sshll.u32 s7, $0x1;
	s4 =	sadd.s32 s5, s19  }
0x9d: {  	s8 =	simm.s32 $0x0;
	s20 =	sshll.u32 s6, $0x1;
	s6 =	sadd.s32 s21, s4  }
0x9e: {  	[timem:s8], [sflag:s22] =	dma.local [hbm:s6], s20  }
0x9f: {  	_ =	swait.ge [sflag:s22], s20  }
0xa0: {  	s5 =	ssub.s32 $0x0, s20;
	[sflag:s22] =	ssyncset.done $0x0  }
0xa1: {  	[sflag:s22] =	ssyncadd.s32 s5;
	_ =	sdelay $0x1  }
0xa2: {  	s23 =	simm.s32 $0x1B8B  }
0xa3: {  	_ =	swait.ge [sflag:s23], $0x1  }
0xa4: {  	[sflag:s23] =	ssyncset.done $0x0  }
0xa5: {  	s25 =	simm.s32 $0x1B8E;
	s24 =	sld [smem:$0x3FFE];
	[sflag:s23] =	ssyncadd.s32 $0xFFFFFFFF  }
0xa6: {  	s26 =	simm.s32 $execute0_lowered;
	[smem:$0x3FD2] =	sst s25  }
0xa7: {  	s6 =	sshll.u32 s26, $0x1;
	_ =	strace $0x80000046;
	[dreg:$0x1] =	wrdreg $0xFFFFFFFF  }
0xa8: {  	s28 =	simm.s32 $_size_execute0_lowered;
	s4 =	sadd.s32 s4, s6;
	[dreg:$0x0] =	wrdreg $0x0  }
0xa9: {  	s6 =	sshll.u32 s28, $0x1;
	[dreg:$0x2] =	wrdreg s4  }
0xaa: {  	[dreg:$0x3] =	wrdreg s6  }
0xab: {  	[dreg:$0x4] =	wrdreg $0xC0  }
0xac: {  	_ =	task [dreg:s8], $0x5FFFF  }
0xad: {  	[dreg:$0x1] =	wrdreg $0xFFFFFFFF  }
0xae: {  	[dreg:$0x0] =	wrdreg $0x60  }
0xaf: {  	[dreg:$0x2] =	wrdreg s24  }
0xb0: {  	[dreg:$0x3] =	wrdreg s2  }
0xb1: {  	[dreg:$0x4] =	wrdreg s18  }
0xb2: {  	[dreg:$0x5] =	wrdreg $0x9  }
0xb3: {  	_ =	task.clear_ibuf [dreg:s8], $0x6FFFF;
	_ =	strace $0x90000046  }
0xb4: {  	s29 =	simm.s32 $0x9;
	_ =	strace $0x80000048  }
0xb5: {  	_ =	swait.ge [sflag:s29], $0x1  }
0xb6: {  	[sflag:s29] =	ssyncadd.s32 $0xFFFFFFFF  }
0xb7: {  	_ =	strace $0x90000048  }
0xb8: {  	_ =	sfence  }
0xb9: {  	s30 =	sld [smem:$0x0];
	_ =	sdelay $0x2  }
0xba: {  	s31 =	sshll.u32 s1, $0xD;
	s1 =	sshrl.u32 s1, $0x2  }
0xbb: {  	s3 =	sand.u32 $0x4000, s31;
	s1 =	sadd.s32 s1, s30  }
0xbc: {  	s0 =	sor.u32 s3, s0;
	s1 =	sshll.u32 s1, $0x11  }
0xbd: {  	s0 =	sor.u32 s1, s0  }
0xbe: {  	s0 =	sadd.s32 $0x8F2B, s0  }
0xbf: {  	[sflag:s0] =	ssyncadd.remote.s32 $0x1  }
0xc0: {  	_ =	sfence.sel $0xFFFF  }
0xc1: {  	[dreg:$0x0] =	wrdreg $0xFFFFFFFF;
	(pc) =	sbr.abs _section_cstart, $3  }
0xc2: {  	[dreg:$0x1] =	wrdreg $0xFFFFFFFF  }
0xc3: {  	_ =	task.clear_ibuf [dreg:s8], $0x2FFFF;
	_ =	strace $0x9FFFFFFF  }
0xc4: {  	(tm) =	ssettm $0x7FFFFFFF  }
0xc5: {  	_ =	shalt  }
tec
execute0_lowered:
.L_overlay_start_1:
0x0: {  	(tag) =	ssettag $0x1  }
0x1: {  	s0 =	rddreg [dreg:$0x0]  }
0x2: {  	s1 =	rddreg [dreg:$0x1]  }
0x3: {  	s10 =	rddreg [dreg:$0x2];
	s2 =	srdreg.scid  }
0x4: {  	s4 =	stileid.u32;
	s3 =	simm.s32 $0x0;
	s2 =	sand.u32 $0x1, s2  }
0x5: {  	s4 =	sshll.u32 s4, $0x1;
	[smem:$0x7FF] =	sst s3;
	s6 =	sadd.s32 $0x21400, s0  }
0x6: {  	s8 =	sadd.s32 $0x21600, s0;
	s14 =	sadd.s32 $0x10, s10;
	s22 =	sadd.s32 $0x21420, s0  }
0x7: {  	s4 =	sor.u32 s2, s4;
	_ =	strace $0x80000047;
	[dreg:$0x4] =	wrdreg s6  }
0x8: {  	[dreg:$0xb] =	wrdreg s14;
	s7 =	sshll.u32 s4, $0x9;
	s4 =	sshll.u32 s4, $0x8  }
0x9: {  	s9 =	sadd.s32 $0x23600, s0;
	[dreg:$0x14] =	wrdreg s22;
	s25 =	sadd.s32 s8, s4  }
0xa: {  	s5 =	sadd.s32 s7, s0;
	s26 =	sadd.s32 s9, s4;
	[dreg:$0x6] =	wrdreg s25  }
0xb: {  	s29 =	simm.s32 $0x1000;
	s24 =	sadd.s32 $0x1400, s5;
	[dreg:$0x7] =	wrdreg s26  }
0xc: {  	s6 =	sadd.s32 s1, s4;
	s11 =	sadd.s32 $0x9400, s5;
	[dreg:$0x5] =	wrdreg s24  }
0xd: {  	s13 =	sor.u32 $0x10, s4;
	s12 =	sadd.s32 $0x2000, s6;
	[dreg:$0x8] =	wrdreg s11  }
0xe: {  	s30 =	simm.s32 $0x20000;
	s15 =	sadd.s32 s8, s13;
	[dreg:$0x9] =	wrdreg s12  }
0xf: {  	s31 =	simm.s32 $0x1;
	s1 =	sadd.s32 s9, s13;
	[dreg:$0xc] =	wrdreg s15  }
0x10: {  	s28 =	sadd.s32 $0x30, s10;
	s16 =	sadd.s32 $0x11400, s5;
	[dreg:$0xd] =	wrdreg s1  }
0x11: {  	s17 =	sor.u32 $0x20, s4;
	s18 =	sadd.s32 $0x4000, s6;
	[dreg:$0xe] =	wrdreg s16  }
0x12: {  	s4 =	sor.u32 $0x30, s4;
	s19 =	sadd.s32 s8, s17;
	[dreg:$0xf] =	wrdreg s18  }
0x13: {  	s2 =	ssub.s32 $0x2, s2;
	s20 =	sadd.s32 s8, s4;
	[dreg:$0x10] =	wrdreg s19  }
0x14: {  	s23 =	sshrl.u32 s2, $0x1;
	s21 =	sadd.s32 s9, s4;
	[dreg:$0x12] =	wrdreg s20  }
0x15: {  	v0 =	vlaneseq.u32;
	s2 =	ssub.s32 s2, s23;
	s23 =	sadd.s32 $0x19400, s5;
	[dreg:$0x13] =	wrdreg s21  }
0x16: {  	v0 =	vor.u32 s7, v0;
	s7 =	simm.s32 $0x2B80;
	s25 =	sadd.s32 $0x20, s10;
	[dreg:$0x15] =	wrdreg s23  }
0x17: {  	s26 =	sadd.s32 $0x6000, s6;
	s4 =	simm.s32 $0x2800;
	[dreg:$0x18] =	wrdreg s25  }
0x18: {  	s5 =	simm.s32 $0x2A00;
	s11 =	sadd.s32 $0x21410, s0;
	[dreg:$0x19] =	wrdreg s26  }
0x19: {  	s8 =	simm.s32 $0x2D80;
	s1 =	sadd.s32 s9, s17;
	[dreg:$0xa] =	wrdreg s11  }
0x1a: {  	s0 =	sadd.s32 $0x21430, s0;
	s24 =	smax.u32 s2, $0x1;
	[dreg:$0x11] =	wrdreg s1  }
0x1b: {  	s2 =	simm.s32 $0x200;
	s9 =	simm.s32 $0x0;
	[dreg:$0x16] =	wrdreg s0  }
0x1c: {  	v1 =	vimm.f32 $+Inf;
	v2 =	vimm.s32 $0x0;
	[dreg:$0x17] =	wrdreg s24;
	s0 =	simm.s32 $0x2000;
	s1 =	simm.s32 $0x80  }
.LBB2_1:
0x1d: {  	s10 =	rddreg [dreg:$0x5]  }
0x1e: {  	[tilespmem:s3], [sflag:$0x1] =	stream.strided.gather [hbm4b:s10+s29], $0x2000, s30, s29, $0x38;
	[tilespmem:$0x2F80] =	vst v63  }
0x1f: {  	_ =	swait.ge [sflag:s31], $0x2000  }
0x20: {  	[sflag:s31] =	ssyncset.done $0x0  }
0x21: {  	[sflag:s31] =	ssyncadd.s32 $0xFFFFE000  }
0x22: {  	[tilespmem:s0], [sflag:$0x1] =	stream.linear.gather [hbm4b:s6+s3], $0x800, $0x38;
	[tilespmem:$0x2F80] =	vst v63  }
0x23: {  	_ =	swait.ge [sflag:s31], $0x800  }
0x24: {  	[sflag:s31] =	ssyncset.done $0x0  }
0x25: {  	s25 =	rddreg [dreg:$0x4];
	[sflag:s31] =	ssyncadd.s32 $0xFFFFF800  }
0x26: {  	[tilespmem:s4], [sflag:$0x1] =	stream.strided.gather [hbm4b:s25+s1], $0x200, s2, s1, $0x38;
	[tilespmem:$0x2F80] =	vst v63  }
0x27: {  	_ =	swait.ge [sflag:s31], $0x200  }
0x28: {  	[sflag:s31] =	ssyncset.done $0x0  }
0x29: {  	[sflag:s31] =	ssyncadd.s32 $0xFFFFFE00  }
0x2a: {  	s26 =	rddreg [dreg:$0x2]  }
0x2b: {  	[tilespmem:s5], [sflag:$0x1] =	stream.linear.gather [hbm4b:s26+s3], $0x80, $0x38;
	[tilespmem:$0x2F80] =	vst v63  }
0x2c: {  	_ =	swait.ge [sflag:s31], $0x80  }
0x2d: {  	[sflag:s31] =	ssyncset.done $0x0  }
0x2e: {  	s10 =	simm.s32 $0x0;
	[sflag:s31] =	ssyncadd.s32 $0xFFFFFF80  }
.LBB2_2:
0x2f: {  	[tilespmem:$0x2A80] =	vst v1  }
0x30: {  	s11 =	sshll.u32 s10, $0x4;
	[tilespmem:$0x2B00] =	vst v2  }
0x31: {  	v9 =	vld.msk [tilespmem:s11+$0x2800], $0x1  }
0x32: {  	v10 =	vld.msk [tilespmem:s11+$0x2801], $0x1  }
0x33: {  	v11 =	vld.msk [tilespmem:s11+$0x2802], $0x1  }
0x34: {  	v12 =	vld.msk [tilespmem:s11+$0x2803], $0x1  }
0x35: {  	v13 =	vld.msk [tilespmem:s11+$0x2804], $0x1  }
0x36: {  	v14 =	vld.msk [tilespmem:s11+$0x2805], $0x1  }
0x37: {  	v15 =	vld.msk [tilespmem:s11+$0x2806], $0x1  }
0x38: {  	v16 =	vld.msk [tilespmem:s11+$0x2807], $0x1  }
0x39: {  	v17 =	vld.msk [tilespmem:s11+$0x2808], $0x1  }
0x3a: {  	v20 =	vld.msk [tilespmem:s11+$0x2809], $0x1  }
0x3b: {  	v21 =	vld.msk [tilespmem:s11+$0x280A], $0x1  }
0x3c: {  	s12 =	sshrl.u32 s11, $0x2;
	v26 =	vld.msk [tilespmem:s11+$0x280B], $0x1  }
0x3d: {  	v3 =	vld.msk [tilespmem:s12+$0x2A00], $0x1  }
0x3e: {  	v4 =	vld.msk [tilespmem:s12+$0x2A01], $0x1  }
0x3f: {  	s18 =	simm.s32 $0x0;
	s25 =	simm.s32 $0x0;
	v6 =	vld.msk [tilespmem:s12+$0x2A02], $0x1  }
0x40: {  	s13 =	sand.u32 $0x70, s18;
	v7 =	vld.msk [tilespmem:s12+$0x2A03], $0x1;
	s12 =	sand.u32 $0x3FFFFC00, s25  }
0x41: {  	v27 =	vld.msk [tilespmem:s11+$0x280C], $0x1;
	s20 =	sor.u32 s13, s12  }
0x42: {  	v28 =	vld [tilespmem:s20+$0x100];
	v23 =	vperm.xlane v9, v2  }
0x43: {  	v29 =	vld [tilespmem:s20+$0x0];
	v25 =	vperm.xlane v10, v2;
	v24 =	vperm.xlane v11, v2  }
0x44: {  	v30 =	vld [tilespmem:s20+$0x80];
	v22 =	vperm.xlane v12, v2;
	v18 =	vperm.xlane v13, v2  }
0x45: {  	s26 =	simm.s32 $0x0;
	v31 =	vld [tilespmem:s20+$0x180];
	v19 =	vperm.xlane v14, v2;
	v15 =	vperm.xlane v15, v2  }
0x46: {  	s12 =	sand.u32 $0x3FFFFE00, s26;
	v35 =	vld [tilespmem:s20+$0x380];
	v14 =	vperm.xlane v16, v2;
	v13 =	vperm.xlane v17, v2  }
0x47: {  	s12 =	sor.u32 s13, s12;
	v58 =	vld [tilespmem:s20+$0x1000];
	v12 =	vperm.xlane v20, v2;
	v11 =	vperm.xlane v21, v2  }
0x48: {  	v32 =	vld [tilespmem:s12+$0x2080];
	v10 =	vperm.xlane v26, v2;
	v9 =	vperm.xlane v27, v2  }
0x49: {  	v33 =	vld [tilespmem:s12+$0x2100];
	v5 =	vperm.xlane v3, v2;
	v8 =	vperm.xlane v4, v2  }
0x4a: {  	v34 =	vld [tilespmem:s12+$0x2000];
	v4 =	vperm.xlane v6, v2;
	v3 =	vperm.xlane v7, v2  }
0x4b: {  	v20 =	vld [tilespmem:s12+$0x2180];
	v26 =	vmul.f32 v23, v29;
	v29 =	vmul.f32 v25, v30  }
0x4c: {  	v27 =	vld [tilespmem:s20+$0x200];
	v16 =	vsub.f32 v4, v5;
	v28 =	vmul.f32 v24, v28;
	v31 =	vmul.f32 v22, v31  }
0x4d: {  	v17 =	vsub.f32 v3, v8;
	v35 =	vmul.f32 v14, v35;
	v62 =	vmul.f32 v13, v58  }
0x4e: {  	v37 =	vmax.f32 v32, v8;
	v39 =	vsub.f32 v8, v32;
	v29 =	vadd.f32 v29, v26  }
0x4f: {  	v30 =	vld [tilespmem:s20+$0x280];
	v56 =	vmax.f32 v34, v5;
	v16 =	vmax.f32 v16, $0.0e+00;
	v17 =	vmax.f32 v17, $0.0e+00  }
0x50: {  	v26 =	vsub.f32 v3, v20;
	v36 =	vmin.f32 v20, v3;
	v28 =	vadd.f32 v28, v29  }
0x51: {  	v20 =	vsub.f32 v20, v32;
	v38 =	vmul.f32 v18, v27;
	v27 =	vsub.f32 v4, v33;
	v29 =	vld [tilespmem:s20+$0x300]  }
0x52: {  	v21 =	vmul.f32 v17, v16;
	v55 =	vsub.f32 v36, v37;
	v28 =	vadd.f32 v31, v28  }
0x53: {  	v57 =	vld.msk [tilespmem:s11+$0x280F], $0x1;
	v36 =	vsub.f32 v5, v34;
	v20 =	vmax.f32 v20, $0.0e+00;
	v31 =	vsub.f32 v33, v34  }
0x54: {  	v6 =	vld.msk [tilespmem:s11+$0x280D], $0x1;
	v30 =	vmul.f32 v19, v30;
	v33 =	vmin.f32 v33, v4;
	v28 =	vadd.f32 v38, v28  }
0x55: {  	v7 =	vld.msk [tilespmem:s11+$0x280E], $0x1;
	v41 =	vmax.f32 v55, $0.0e+00;
	v33 =	vsub.f32 v33, v56;
	v31 =	vmax.f32 v31, $0.0e+00  }
0x56: {  	v29 =	vmul.f32 v15, v29;
	v59 =	vmul.f32 v20, v31;
	v28 =	vadd.f32 v30, v28;
	v30 =	vld [tilespmem:s20+$0x1080]  }
0x57: {  	v42 =	vadd.f32 v20, v17;
	v40 =	vmax.f32 v33, $0.0e+00;
	v31 =	vadd.f32 v31, v16  }
0x58: {  	s16 =	simm.s32 $0x1;
	s15 =	simm.s32 $0x80;
	v38 =	vadd.f32 v59, v21;
	v29 =	vadd.f32 v29, v28;
	v28 =	vmul.f32 v41, v40  }
0x59: {  	s14 =	simm.s32 $0x10;
	s19 =	simm.s32 $0x100;
	s23 =	simm.s32 $0x4;
	v6 =	vperm.xlane v6, v2;
	v61 =	vsub.f32 v42, v55;
	v60 =	vsub.f32 v31, v33;
	v33 =	vld [tilespmem:s20+$0x1100]  }
0x5a: {  	s21 =	sand.u32 $0x70, s14;
	s14 =	simm.s32 $0x20;
	s15 =	sand.u32 $0x3FFFFC00, s15;
	v7 =	vperm.xlane v7, v2;
	v63 =	vadd.f32 v35, v29;
	v29 =	vsub.f32 v38, v28  }
0x5b: {  	s22 =	sand.u32 $0x3FFFFC00, s19;
	s17 =	sand.u32 $0x70, s14;
	s19 =	sor.u32 s21, s15;
	v32 =	vld [tilespmem:s20+$0x1180];
	v20 =	vperm.xlane v57, v2;
	v31 =	vand.u32 $0x7FFFFFFF, v39;
	v35 =	vmul.f32 v12, v30  }
0x5c: {  	s15 =	sor.u32 s17, s22;
	s13 =	simm.s32 $0x2;
	s12 =	simm.s32 $0x3;
	v34 =	vld [tilespmem:s20+$0x1200];
	v30 =	vmul.f32 v61, v60;
	v37 =	vadd.f32 v62, v63;
	vm0 =	vgt.f32 v29, $0.0e+00  }
.LBB2_3:
0x5d: {  	s25 =	sshll.u32 s12, $0x7  }
0x5e: {  	s14 =	sadd.s32 $0x10, s14;
	v33 =	vmul.f32 v11, v33;
	v36 =	vand.u32 $0x7FFFFFFF, v36;
	s24 =	smov.u32 s23;
	s22 =	sadd.s32 $0x1, s23  }
0x5f: {  	p0 =	sne.s32 s23, $0x1F;
	s23 =	sand.u32 $0x70, s14;
	s25 =	sand.u32 $0x3FFFFC00, s25;
	v35 =	vadd.f32 v35, v37;
	v37 =	vld [tilespmem:s20+$0x1280];
	v31 =	vadd.f32 v31, v36;
	v36 =	vnsel vm0, $0x3F800000, v29  }
0x60: {  	v27 =	vand.u32 $0x7FFFFFFF, v27;
	s25 =	sor.u32 s23, s25;
	v32 =	vmul.f32 v10, v32;
	(erf) = vrcp.f32 v36  }
0x61: {  	v33 =	vadd.f32 v33, v35;
	v35 =	vld [tilespmem:s20+$0x1300];
	v27 =	vadd.f32 v27, v31  }
0x62: {  	v26 =	vand.u32 $0x7FFFFFFF, v26;
	vm0 =	vgt.f32 v30, $0.0e+00;
	v31 =	vmul.f32 v9, v34  }
0x63: {  	v32 =	vadd.f32 v32, v33;
	v33 =	vld [tilespmem:s20+$0x1380];
	v26 =	vadd.f32 v26, v27;
	v27 =	vnsel vm0, $0x3F800000, v30;
	s20 =	smov.u32 s19;
	s19 =	smov.u32 s15;
	s15 =	smov.u32 s25  }
0x64: {  	v34 =	vmul.f32 v6, v37;
	(erf) = vrcp.f32 v27  }
0x65: {  	v27 =	vadd.f32 v31, v32  }
0x66: {  	v35 =	vmul.f32 v7, v35  }
0x67: {  	v27 =	vadd.f32 v34, v27  }
0x68: {  	v32 =	vmul.f32 v20, v33  }
0x69: {  	v27 =	vadd.f32 v35, v27;
	v31 =	vpop (erf)  }
0x6a: {  	v26 =	vmul.f32 $2.500000000e+00, v26;
	v28 =	vmul.f32 v31, v28  }
0x6b: {  	v27 =	vadd.f32 v32, v27  }
0x6c: {  	v29 =	vsub.f32 v30, v29;
	v28 =	vsub.f32 $1.000000000e+00, v28  }
0x6d: {  	v26 =	vadd.f32 v26, v27;
	v27 =	vld [tilespmem:$0x2A80];
	v30 =	vpop (erf)  }
0x6e: {  	v29 =	vmul.f32 v30, v29;
	v30 =	vld [tilespmem:$0x2B00]  }
0x6f: {  	v26 =	vadd.f32 v28, v26;
	_ =	sdelay $0x1  }
0x70: {  	v26 =	vadd.f32 v26, v29;
	_ =	sdelay $0x1  }
0x71: {  	vm0 =	vlt.f32 v26, v27;
	v26 =	vmin.f32 v26, v27  }
0x72: {  	[tilespmem:$0x2A80] =	vst v26;
	v26 =	vsel vm0, s18, v30;
	s18 =	smov.u32 s16;
	s16 =	smov.u32 s13;
	s13 =	smov.u32 s12  }
0x73: {  	s12 =	smov.u32 s24;
	[tilespmem:$0x2B00] =	vst v26  }
0x74: {  	v26 =	vld [tilespmem:s20+$0x100]  }
0x75: {  	s24 =	sshll.u32 s18, $0x6;
	v27 =	vld [tilespmem:s20+$0x0]  }
0x76: {  	s24 =	sand.u32 $0x3FFFFE00, s24;
	v28 =	vld [tilespmem:s20+$0x80]  }
0x77: {  	s24 =	sor.u32 s21, s24;
	s21 =	smov.u32 s17;
	s17 =	smov.u32 s23;
	v29 =	vld [tilespmem:s20+$0x180]  }
0x78: {  	v30 =	vld [tilespmem:s24+$0x2180]  }
0x79: {  	v31 =	vld [tilespmem:s20+$0x200]  }
0x7a: {  	v27 =	vmul.f32 v23, v27;
	v32 =	vld [tilespmem:s24+$0x2080]  }
0x7b: {  	v28 =	vmul.f32 v25, v28;
	v33 =	vld [tilespmem:s20+$0x280]  }
0x7c: {  	v34 =	vmul.f32 v24, v26;
	v35 =	vld [tilespmem:s24+$0x2100]  }
0x7d: {  	v27 =	vadd.f32 v28, v27;
	v36 =	vld [tilespmem:s24+$0x2000];
	v26 =	vsub.f32 v3, v30  }
0x7e: {  	v28 =	vmul.f32 v22, v29;
	v37 =	vmin.f32 v30, v3;
	v29 =	vld [tilespmem:s20+$0x380]  }
0x7f: {  	v27 =	vadd.f32 v34, v27;
	v34 =	vld [tilespmem:s20+$0x300];
	v30 =	vsub.f32 v30, v32;
	v38 =	vmax.f32 v32, v8  }
0x80: {  	v31 =	vmul.f32 v18, v31;
	v39 =	vsub.f32 v8, v32;
	v32 =	vsub.f32 v37, v38  }
0x81: {  	v33 =	vmul.f32 v19, v33;
	v28 =	vadd.f32 v28, v27;
	v27 =	vsub.f32 v4, v35  }
0x82: {  	v37 =	vsub.f32 v35, v36;
	v35 =	vmin.f32 v35, v4;
	v38 =	vmax.f32 v36, v5  }
0x83: {  	v28 =	vadd.f32 v31, v28;
	v29 =	vmul.f32 v14, v29;
	v31 =	vld [tilespmem:s20+$0x1000];
	v35 =	vsub.f32 v35, v38  }
0x84: {  	v30 =	vmax.f32 v30, $0.0e+00;
	v34 =	vmul.f32 v15, v34;
	v37 =	vmax.f32 v37, $0.0e+00  }
0x85: {  	v28 =	vadd.f32 v33, v28;
	v38 =	vld [tilespmem:s20+$0x1080];
	v40 =	vmul.f32 v30, v37;
	v41 =	vmax.f32 v35, $0.0e+00  }
0x86: {  	v42 =	vmax.f32 v32, $0.0e+00;
	v37 =	vadd.f32 v37, v16;
	v30 =	vadd.f32 v30, v17  }
.Ltmp0:
0x87: {  	v34 =	vadd.f32 v34, v28;
	v33 =	vld [tilespmem:s20+$0x1100];
	v28 =	vmul.f32 v42, v41;
	v40 =	vadd.f32 v40, v21;
	(pc) =	sbr.rel @p0 .LBB2_3-.Ltmp0, $4  }
0x88: {  	v37 =	vsub.f32 v37, v35;
	v30 =	vsub.f32 v30, v32;
	v41 =	vmul.f32 v13, v31  }
0x89: {  	v31 =	vand.u32 $0x7FFFFFFF, v39;
	v34 =	vadd.f32 v29, v34;
	v32 =	vld [tilespmem:s20+$0x1180];
	v29 =	vsub.f32 v40, v28  }
0x8a: {  	v36 =	vsub.f32 v5, v36;
	v30 =	vmul.f32 v30, v37;
	v35 =	vmul.f32 v12, v38  }
0x8b: {  	s23 =	smov.u32 s22;
	v37 =	vadd.f32 v41, v34;
	v34 =	vld [tilespmem:s20+$0x1200];
	vm0 =	vgt.f32 v29, $0.0e+00  }
0x8c: {  	_ = 	snop  }
0x8d: {  	v33 =	vmul.f32 v11, v33;
	v35 =	vadd.f32 v35, v37  }
0x8e: {  	v40 =	vld [tilespmem:s20+$0x1280];
	v38 =	vnsel vm0, $0x3F800000, v29  }
0x8f: {  	(erf) = vrcp.f32 v38;
	v32 =	vmul.f32 v10, v32;
	v33 =	vadd.f32 v33, v35  }
0x90: {  	v41 =	vand.u32 $0x7FFFFFFF, v36;
	v42 =	vld [tilespmem:s20+$0x1300]  }
0x91: {  	vm5 =	vgt.f32 v30, $0.0e+00;
	v34 =	vmul.f32 v9, v34;
	v32 =	vadd.f32 v32, v33  }
0x92: {  	v43 =	vld [tilespmem:s20+$0x1380];
	v31 =	vadd.f32 v31, v41;
	v44 =	vnsel vm5, $0x3F800000, v30  }
0x93: {  	(erf) = vrcp.f32 v44;
	v37 =	vmul.f32 v6, v40;
	v32 =	vadd.f32 v34, v32  }
0x94: {  	v27 =	vand.u32 $0x7FFFFFFF, v27  }
0x95: {  	v27 =	vadd.f32 v27, v31;
	v45 =	vmul.f32 v7, v42;
	v32 =	vadd.f32 v37, v32  }
0x96: {  	v26 =	vand.u32 $0x7FFFFFFF, v26  }
0x97: {  	v26 =	vadd.f32 v26, v27;
	v46 =	vmul.f32 v20, v43;
	v31 =	vadd.f32 v45, v32  }
0x98: {  	v47 =	vpop (erf)  }
0x99: {  	v26 =	vmul.f32 $2.500000000e+00, v26;
	v28 =	vmul.f32 v47, v28;
	v27 =	vadd.f32 v46, v31  }
0x9a: {  	v48 =	vsub.f32 v30, v29  }
0x9b: {  	v28 =	vsub.f32 $1.000000000e+00, v28;
	v26 =	vadd.f32 v26, v27  }
0x9c: {  	v49 =	vld [tilespmem:$0x2A80];
	v50 =	vpop (erf)  }
0x9d: {  	v51 =	vld [tilespmem:$0x2B00];
	v29 =	vmul.f32 v50, v48;
	v26 =	vadd.f32 v28, v26;
	_ =	sdelay $0x1  }
0x9e: {  	v26 =	vadd.f32 v26, v29;
	_ =	sdelay $0x1  }
0x9f: {  	vm6 =	vlt.f32 v26, v49;
	v26 =	vmin.f32 v26, v49  }
0xa0: {  	[tilespmem:$0x2A80] =	vst v26;
	v52 =	vsel vm6, s18, v51  }
0xa1: {  	[tilespmem:$0x2B00] =	vst v52  }
0xa2: {  	v53 =	vld [tilespmem:s19+$0x0]  }
0xa3: {  	s22 =	sshll.u32 s16, $0x6;
	v54 =	vld [tilespmem:s19+$0x80]  }
0xa4: {  	s18 =	sand.u32 $0x3FFFFE00, s22;
	v26 =	vld [tilespmem:s19+$0x100]  }
0xa5: {  	s18 =	sor.u32 s21, s18;
	v55 =	vld [tilespmem:s19+$0x180]  }
0xa6: {  	v30 =	vld [tilespmem:s18+$0x2180]  }
0xa7: {  	v56 =	vld [tilespmem:s19+$0x200]  }
0xa8: {  	v57 =	vld [tilespmem:s18+$0x2080];
	v27 =	vmul.f32 v23, v53;
	v28 =	vmul.f32 v25, v54  }
0xa9: {  	v34 =	vld [tilespmem:s18+$0x2100]  }
0xaa: {  	v59 =	vld [tilespmem:s18+$0x2000];
	v26 =	vmul.f32 v24, v26;
	v27 =	vadd.f32 v28, v27  }
0xab: {  	v58 =	vld [tilespmem:s19+$0x280]  }
0xac: {  	v29 =	vmul.f32 v22, v55;
	v26 =	vadd.f32 v26, v27  }
0xad: {  	v60 =	vld [tilespmem:s19+$0x300]  }
0xae: {  	v31 =	vmul.f32 v18, v56;
	v26 =	vadd.f32 v29, v26  }
0xaf: {  	v62 =	vld [tilespmem:s19+$0x380];
	v61 =	vmin.f32 v30, v3;
	v63 =	vsub.f32 v30, v57;
	v45 =	vsub.f32 v34, v59  }
0xb0: {  	v44 =	vmax.f32 v57, v8;
	v33 =	vmul.f32 v19, v58;
	v26 =	vadd.f32 v31, v26  }
0xb1: {  	v46 =	vld [tilespmem:s19+$0x1000];
	v39 =	vmin.f32 v34, v4;
	v40 =	vmax.f32 v59, v5;
	v38 =	vmax.f32 v45, $0.0e+00  }
0xb2: {  	v37 =	vmax.f32 v63, $0.0e+00;
	v27 =	vmul.f32 v15, v60;
	v26 =	vadd.f32 v33, v26  }
0xb3: {  	v49 =	vld [tilespmem:s19+$0x1080];
	v47 =	vsub.f32 v39, v40;
	v50 =	vmul.f32 v37, v38;
	v29 =	vsub.f32 v61, v44  }
0xb4: {  	v52 =	vld [tilespmem:s19+$0x1100];
	v48 =	vmul.f32 v14, v62;
	v26 =	vadd.f32 v27, v26  }
0xb5: {  	v40 =	vmax.f32 v47, $0.0e+00;
	v39 =	vadd.f32 v50, v21;
	v41 =	vmax.f32 v29, $0.0e+00  }
0xb6: {  	v54 =	vld [tilespmem:s19+$0x1180];
	v31 =	vmul.f32 v13, v46;
	v40 =	vmul.f32 v41, v40;
	v26 =	vadd.f32 v48, v26  }
0xb7: {  	v53 =	vadd.f32 v38, v16;
	v37 =	vadd.f32 v37, v17  }
0xb8: {  	v36 =	vmul.f32 v12, v49;
	v56 =	vld [tilespmem:s19+$0x1200];
	v39 =	vsub.f32 v39, v40;
	v26 =	vadd.f32 v31, v26  }
0xb9: {  	v51 =	vsub.f32 v8, v57;
	v32 =	vmul.f32 v11, v52;
	v55 =	vsub.f32 v53, v47  }
0xba: {  	v29 =	vsub.f32 v37, v29;
	vm7 =	vgt.f32 v39, $0.0e+00;
	v26 =	vadd.f32 v36, v26  }
0xbb: {  	v57 =	vld [tilespmem:s19+$0x1280];
	v28 =	vsub.f32 v5, v59;
	v59 =	vmul.f32 v10, v54;
	v58 =	vnsel vm7, $0x3F800000, v39  }
0xbc: {  	v29 =	vmul.f32 v29, v55;
	(erf) = vrcp.f32 v58;
	v26 =	vadd.f32 v32, v26  }
0xbd: {  	v28 =	vand.u32 $0x7FFFFFFF, v28;
	v60 =	vld [tilespmem:s19+$0x1300];
	v33 =	vmul.f32 v9, v56  }
0xbe: {  	v27 =	vand.u32 $0x7FFFFFFF, v51;
	vm8 =	vgt.f32 v29, $0.0e+00;
	v26 =	vadd.f32 v59, v26  }
0xbf: {  	v34 =	vsub.f32 v4, v34;
	v61 =	vld [tilespmem:s19+$0x1380];
	v27 =	vadd.f32 v27, v28;
	v62 =	vnsel vm8, $0x3F800000, v29  }
0xc0: {  	v31 =	vmul.f32 v6, v57;
	(erf) = vrcp.f32 v62;
	v26 =	vadd.f32 v33, v26  }
0xc1: {  	v30 =	vsub.f32 v3, v30;
	v63 =	vand.u32 $0x7FFFFFFF, v34  }
0xc2: {  	v27 =	vadd.f32 v63, v27;
	v32 =	vmul.f32 v7, v60;
	v26 =	vadd.f32 v31, v26  }
0xc3: {  	v30 =	vand.u32 $0x7FFFFFFF, v30  }
0xc4: {  	v28 =	vmul.f32 v20, v61;
	v27 =	vadd.f32 v30, v27;
	v26 =	vadd.f32 v32, v26  }
0xc5: {  	v34 =	vpop (erf)  }
0xc6: {  	v27 =	vmul.f32 $2.500000000e+00, v27;
	v30 =	vmul.f32 v34, v40;
	v26 =	vadd.f32 v28, v26  }
0xc7: {  	v35 =	vsub.f32 v29, v39  }
0xc8: {  	v36 =	vsub.f32 $1.000000000e+00, v30;
	v26 =	vadd.f32 v27, v26  }
0xc9: {  	v37 =	vld [tilespmem:$0x2A80];
	v38 =	vpop (erf)  }
0xca: {  	v39 =	vld [tilespmem:$0x2B00];
	v28 =	vmul.f32 v38, v35;
	v26 =	vadd.f32 v36, v26;
	_ =	sdelay $0x1  }
0xcb: {  	v26 =	vadd.f32 v26, v28;
	_ =	sdelay $0x1  }
0xcc: {  	vm9 =	vlt.f32 v26, v37;
	v26 =	vmin.f32 v26, v37  }
0xcd: {  	[tilespmem:$0x2A80] =	vst v26;
	v40 =	vsel vm9, s16, v39  }
0xce: {  	[tilespmem:$0x2B00] =	vst v40  }
0xcf: {  	v41 =	vld [tilespmem:s15+$0x0]  }
0xd0: {  	s23 =	sshll.u32 s13, $0x6;
	v42 =	vld [tilespmem:s15+$0x80]  }
0xd1: {  	s16 =	sand.u32 $0x3FFFFE00, s23;
	v26 =	vld [tilespmem:s15+$0x100]  }
0xd2: {  	s16 =	sor.u32 s17, s16;
	v43 =	vld [tilespmem:s15+$0x180]  }
0xd3: {  	v30 =	vld [tilespmem:s16+$0x2180]  }
0xd4: {  	v44 =	vld [tilespmem:s15+$0x200]  }
0xd5: {  	v45 =	vld [tilespmem:s16+$0x2080];
	v27 =	vmul.f32 v23, v41;
	v28 =	vmul.f32 v25, v42  }
0xd6: {  	v34 =	vld [tilespmem:s16+$0x2100]  }
0xd7: {  	v47 =	vld [tilespmem:s16+$0x2000];
	v26 =	vmul.f32 v24, v26;
	v27 =	vadd.f32 v28, v27  }
0xd8: {  	v46 =	vld [tilespmem:s15+$0x280]  }
0xd9: {  	v29 =	vmul.f32 v22, v43;
	v26 =	vadd.f32 v26, v27  }
0xda: {  	v48 =	vld [tilespmem:s15+$0x300]  }
0xdb: {  	v31 =	vmul.f32 v18, v44;
	v26 =	vadd.f32 v29, v26  }
0xdc: {  	v50 =	vld [tilespmem:s15+$0x380];
	v49 =	vmin.f32 v30, v3;
	v51 =	vsub.f32 v30, v45;
	v53 =	vsub.f32 v34, v47  }
0xdd: {  	v52 =	vmax.f32 v45, v8;
	v33 =	vmul.f32 v19, v46;
	v26 =	vadd.f32 v31, v26  }
0xde: {  	v56 =	vld [tilespmem:s15+$0x1000];
	v54 =	vmin.f32 v34, v4;
	v55 =	vmax.f32 v47, v5;
	v38 =	vmax.f32 v53, $0.0e+00  }
0xdf: {  	v37 =	vmax.f32 v51, $0.0e+00;
	v27 =	vmul.f32 v15, v48;
	v26 =	vadd.f32 v33, v26  }
0xe0: {  	v59 =	vld [tilespmem:s15+$0x1080];
	v57 =	vsub.f32 v54, v55;
	v60 =	vmul.f32 v37, v38;
	v29 =	vsub.f32 v49, v52  }
0xe1: {  	v63 =	vld [tilespmem:s15+$0x1100];
	v58 =	vmul.f32 v14, v50;
	v26 =	vadd.f32 v27, v26  }
0xe2: {  	v40 =	vmax.f32 v57, $0.0e+00;
	v39 =	vadd.f32 v60, v21;
	v61 =	vmax.f32 v29, $0.0e+00  }
0xe3: {  	v44 =	vld [tilespmem:s15+$0x1180];
	v31 =	vmul.f32 v13, v56;
	v40 =	vmul.f32 v61, v40;
	v26 =	vadd.f32 v58, v26  }
0xe4: {  	v43 =	vadd.f32 v38, v16;
	v37 =	vadd.f32 v37, v17  }
0xe5: {  	v36 =	vmul.f32 v12, v59;
	v46 =	vld [tilespmem:s15+$0x1200];
	v39 =	vsub.f32 v39, v40;
	v26 =	vadd.f32 v31, v26  }
0xe6: {  	v62 =	vsub.f32 v8, v45;
	v32 =	vmul.f32 v11, v63;
	v45 =	vsub.f32 v43, v57  }
0xe7: {  	v29 =	vsub.f32 v37, v29;
	vm10 =	vgt.f32 v39, $0.0e+00;
	v26 =	vadd.f32 v36, v26  }
0xe8: {  	v28 =	vsub.f32 v5, v47;
	v47 =	vld [tilespmem:s15+$0x1280];
	v49 =	vmul.f32 v10, v44;
	v48 =	vnsel vm10, $0x3F800000, v39  }
0xe9: {  	v29 =	vmul.f32 v29, v45;
	(erf) = vrcp.f32 v48;
	v26 =	vadd.f32 v32, v26  }
0xea: {  	v50 =	vld [tilespmem:s15+$0x1300];
	v28 =	vand.u32 $0x7FFFFFFF, v28;
	v33 =	vmul.f32 v9, v46  }
0xeb: {  	v27 =	vand.u32 $0x7FFFFFFF, v62;
	vm11 =	vgt.f32 v29, $0.0e+00;
	v26 =	vadd.f32 v49, v26  }
0xec: {  	v34 =	vsub.f32 v4, v34;
	v51 =	vld [tilespmem:s15+$0x1380];
	v27 =	vadd.f32 v27, v28;
	v52 =	vnsel vm11, $0x3F800000, v29  }
0xed: {  	v31 =	vmul.f32 v6, v47;
	(erf) = vrcp.f32 v52;
	v26 =	vadd.f32 v33, v26  }
0xee: {  	v30 =	vsub.f32 v3, v30;
	v53 =	vand.u32 $0x7FFFFFFF, v34  }
0xef: {  	v27 =	vadd.f32 v53, v27;
	v32 =	vmul.f32 v7, v50;
	v26 =	vadd.f32 v31, v26  }
0xf0: {  	v30 =	vand.u32 $0x7FFFFFFF, v30  }
0xf1: {  	v28 =	vmul.f32 v20, v51;
	v27 =	vadd.f32 v30, v27;
	v26 =	vadd.f32 v32, v26  }
0xf2: {  	v54 =	vpop (erf)  }
0xf3: {  	v27 =	vmul.f32 $2.500000000e+00, v27;
	v30 =	vmul.f32 v54, v40;
	v26 =	vadd.f32 v28, v26  }
0xf4: {  	v55 =	vsub.f32 v29, v39  }
0xf5: {  	v56 =	vsub.f32 $1.000000000e+00, v30;
	v26 =	vadd.f32 v27, v26  }
0xf6: {  	v57 =	vld [tilespmem:$0x2A80];
	v58 =	vpop (erf)  }
0xf7: {  	v59 =	vld [tilespmem:$0x2B00];
	v28 =	vmul.f32 v58, v55;
	v26 =	vadd.f32 v56, v26;
	_ =	sdelay $0x1  }
0xf8: {  	v26 =	vadd.f32 v26, v28;
	_ =	sdelay $0x1  }
0xf9: {  	s24 =	sshll.u32 s12, $0x7;
	s14 =	sadd.s32 $0x10, s14;
	vm12 =	vlt.f32 v26, v57;
	v26 =	vmin.f32 v26, v57  }
0xfa: {  	s14 =	sand.u32 $0x70, s14;
	s15 =	sand.u32 $0x3FFFFC00, s24;
	[tilespmem:$0x2A80] =	vst v26;
	v60 =	vsel vm12, s13, v59  }
0xfb: {  	s25 =	sor.u32 s14, s15;
	[tilespmem:$0x2B00] =	vst v60  }
0xfc: {  	v26 =	vld [tilespmem:s25+$0x100]  }
0xfd: {  	s26 =	sshll.u32 s12, $0x6;
	v61 =	vld [tilespmem:s25+$0x0]  }
0xfe: {  	s15 =	sand.u32 $0x3FFFFE00, s26;
	v62 =	vld [tilespmem:s25+$0x80]  }
0xff: {  	s14 =	sor.u32 s14, s15;
	v63 =	vld [tilespmem:s25+$0x180]  }
0x100: {  	v30 =	vld [tilespmem:s14+$0x2180]  }
0x101: {  	v36 =	vld [tilespmem:s25+$0x200]  }
0x102: {  	v37 =	vld [tilespmem:s14+$0x2080]  }
0x103: {  	v40 =	vld [tilespmem:s25+$0x280];
	v38 =	vmul.f32 v23, v61;
	v39 =	vmul.f32 v25, v62  }
0x104: {  	v28 =	vld [tilespmem:s14+$0x2100]  }
0x105: {  	v43 =	vld [tilespmem:s25+$0x300];
	v41 =	vmul.f32 v24, v26;
	v23 =	vadd.f32 v39, v38  }
0x106: {  	v45 =	vld [tilespmem:s25+$0x380]  }
0x107: {  	v25 =	vld [tilespmem:s14+$0x2000];
	v42 =	vmul.f32 v22, v63;
	v23 =	vadd.f32 v41, v23;
	_ =	sdelay $0x1  }
0x108: {  	v47 =	vmul.f32 v18, v36;
	v22 =	vadd.f32 v42, v23  }
0x109: {  	v44 =	vmin.f32 v30, v3;
	v46 =	vsub.f32 v30, v37;
	v48 =	vmax.f32 v37, v8  }
0x10a: {  	v54 =	vld [tilespmem:s25+$0x1000];
	v49 =	vmul.f32 v19, v40;
	v51 =	vmin.f32 v28, v4;
	v18 =	vadd.f32 v47, v22  }
0x10b: {  	v56 =	vmul.f32 v15, v43;
	v59 =	vmul.f32 v14, v45;
	v50 =	vsub.f32 v28, v25  }
0x10c: {  	v53 =	vsub.f32 v44, v48;
	v52 =	vmax.f32 v25, v5;
	v18 =	vadd.f32 v49, v18  }
0x10d: {  	v60 =	vld [tilespmem:s25+$0x1080];
	v58 =	vmax.f32 v46, $0.0e+00;
	v55 =	vsub.f32 v51, v52;
	v57 =	vmax.f32 v50, $0.0e+00  }
0x10e: {  	v34 =	vld [tilespmem:s25+$0x1100];
	v63 =	vsub.f32 v8, v37;
	v61 =	vmul.f32 v58, v57;
	v15 =	vadd.f32 v56, v18  }
0x10f: {  	v36 =	vmul.f32 v13, v54;
	v62 =	vmax.f32 v53, $0.0e+00;
	v31 =	vmax.f32 v55, $0.0e+00  }
0x110: {  	v39 =	vld [tilespmem:s25+$0x1180];
	v31 =	vmul.f32 v62, v31;
	v35 =	vadd.f32 v61, v21;
	v14 =	vadd.f32 v59, v15  }
0x111: {  	v38 =	vadd.f32 v58, v17;
	v37 =	vadd.f32 v57, v16  }
0x112: {  	v40 =	vmul.f32 v12, v60;
	v43 =	vld [tilespmem:s25+$0x1200];
	v21 =	vsub.f32 v35, v31;
	v13 =	vadd.f32 v36, v14  }
0x113: {  	v44 =	vmul.f32 v11, v34;
	v42 =	vsub.f32 v38, v53  }
0x114: {  	v41 =	vsub.f32 v37, v55;
	vm13 =	vgt.f32 v21, $0.0e+00;
	v12 =	vadd.f32 v40, v13  }
0x115: {  	v45 =	vsub.f32 v5, v25;
	v47 =	vld [tilespmem:s25+$0x1280];
	v49 =	vmul.f32 v10, v39;
	v48 =	vnsel vm13, $0x3F800000, v21  }
0x116: {  	v46 =	vmul.f32 v42, v41;
	(erf) = vrcp.f32 v48;
	v11 =	vadd.f32 v44, v12  }
0x117: {  	v8 =	vand.u32 $0x7FFFFFFF, v63;
	v51 =	vmul.f32 v9, v43;
	v50 =	vld [tilespmem:s25+$0x1300]  }
0x118: {  	v5 =	vand.u32 $0x7FFFFFFF, v45;
	vm14 =	vgt.f32 v46, $0.0e+00;
	v10 =	vadd.f32 v49, v11  }
0x119: {  	v52 =	vsub.f32 v4, v28;
	v53 =	vld [tilespmem:s25+$0x1380];
	v5 =	vadd.f32 v8, v5;
	v54 =	vnsel vm14, $0x3F800000, v46  }
0x11a: {  	v55 =	vmul.f32 v6, v47;
	(erf) = vrcp.f32 v54;
	v9 =	vadd.f32 v51, v10  }
0x11b: {  	v3 =	vsub.f32 v3, v30;
	v4 =	vand.u32 $0x7FFFFFFF, v52  }
0x11c: {  	v4 =	vadd.f32 v4, v5;
	v56 =	vmul.f32 v7, v50;
	v6 =	vadd.f32 v55, v9  }
0x11d: {  	v3 =	vand.u32 $0x7FFFFFFF, v3  }
0x11e: {  	v57 =	vmul.f32 v20, v53;
	v3 =	vadd.f32 v3, v4;
	v5 =	vadd.f32 v56, v6  }
0x11f: {  	v58 =	vpop (erf)  }
0x120: {  	v3 =	vmul.f32 $2.500000000e+00, v3;
	v6 =	vmul.f32 v58, v31;
	v4 =	vadd.f32 v57, v5  }
0x121: {  	v59 =	vsub.f32 v46, v21  }
0x122: {  	v6 =	vsub.f32 $1.000000000e+00, v6;
	v3 =	vadd.f32 v3, v4  }
0x123: {  	v60 =	vld [tilespmem:$0x2A80];
	v61 =	vpop (erf)  }
0x124: {  	v5 =	vmul.f32 v61, v59;
	v3 =	vadd.f32 v6, v3;
	_ =	sdelay $0x1  }
0x125: {  	v3 =	vadd.f32 v3, v5;
	_ =	sdelay $0x1  }
0x126: {  	v62 =	vld [tilespmem:$0x2B00];
	v63 =	vmin.f32 v3, v60  }
0x127: {  	[tilespmem:$0x2A80] =	vst v63  }
0x128: {  	v6 =	vld [tilespmem:$0x2A80];
	_ =	sdelay $0x1  }
0x129: {  	vm15 =	vlt.f32 v3, v60  }
0x12a: {  	v3 =	vsel vm15, s12, v62  }
0x12b: {  	[tilespmem:$0x2B00] =	vst v3  }
0x12c: {  	[tilespmem:s11+$0x2B80] =	vst v6  }
0x12d: {  	v3 =	vld [tilespmem:$0x2B00]  }
0x12e: {  	s10 =	sadd.s32 $0x1, s10  }
0x12f: {  	p0 =	sne.s32 s10, $0x20  }
.Ltmp1:
0x130: {  	_ = 	snop;
	(pc) =	sbr.rel @p0 .LBB2_2-.Ltmp1, $4  }
0x131: {  	_ = 	snop  }
0x132: {  	v3 =	vshll.u32 v3, $0x4  }
0x133: {  	v3 =	vadd.s32 v3, v0  }
0x134: {  	[tilespmem:s11+$0x2D80] =	vst v3  }
0x135: {  	s10 =	rddreg [dreg:$0x6]  }
0x136: {  	[hbm4b:s10+s1] =	stream.strided.scatter [tilespmem:s7], [sflag:$0x1], $0x200, s2, s1, $0x38;
	[tilespmem:$0x2F80] =	vst v63  }
0x137: {  	_ =	swait.ge [sflag:s31], $0x200  }
0x138: {  	[sflag:s31] =	ssyncset.done $0x0  }
0x139: {  	s23 =	rddreg [dreg:$0x7];
	[sflag:s31] =	ssyncadd.s32 $0xFFFFFE00  }
0x13a: {  	[hbm4b:s23+s1] =	stream.strided.scatter [tilespmem:s8], [sflag:$0x1], $0x200, s2, s1, $0x38;
	[tilespmem:$0x2F80] =	vst v63  }
0x13b: {  	_ =	swait.ge [sflag:s31], $0x200  }
0x13c: {  	[sflag:s31] =	ssyncset.done $0x0  }
0x13d: {  	s10 =	simm.s32 $0x0;
	s11 =	rddreg [dreg:$0x8];
	[sflag:s31] =	ssyncadd.s32 $0xFFFFFE00  }
0x13e: {  	[tilespmem:s10], [sflag:$0x1] =	stream.strided.gather [hbm4b:s11+s29], $0x2000, s30, s29, $0x38;
	[tilespmem:$0x2F80] =	vst v63  }
0x13f: {  	_ =	swait.ge [sflag:s31], $0x2000  }
0x140: {  	[sflag:s31] =	ssyncset.done $0x0  }
0x141: {  	s24 =	rddreg [dreg:$0x9];
	[sflag:s31] =	ssyncadd.s32 $0xFFFFE000  }
0x142: {  	[tilespmem:s0], [sflag:$0x1] =	stream.linear.gather [hbm4b:s24+s10], $0x800, $0x38;
	[tilespmem:$0x2F80] =	vst v63  }
0x143: {  	_ =	swait.ge [sflag:s31], $0x800  }
0x144: {  	[sflag:s31] =	ssyncset.done $0x0  }
0x145: {  	s25 =	rddreg [dreg:$0xa];
	[sflag:s31] =	ssyncadd.s32 $0xFFFFF800  }
0x146: {  	[tilespmem:s4], [sflag:$0x1] =	stream.strided.gather [hbm4b:s25+s1], $0x200, s2, s1, $0x38;
	[tilespmem:$0x2F80] =	vst v63  }
0x147: {  	_ =	swait.ge [sflag:s31], $0x200  }
0x148: {  	[sflag:s31] =	ssyncset.done $0x0  }
0x149: {  	s26 =	rddreg [dreg:$0xb];
	[sflag:s31] =	ssyncadd.s32 $0xFFFFFE00  }
0x14a: {  	[tilespmem:s5], [sflag:$0x1] =	stream.linear.gather [hbm4b:s26+s10], $0x80, $0x38;
	[tilespmem:$0x2F80] =	vst v63  }
0x14b: {  	_ =	swait.ge [sflag:s31], $0x80  }
0x14c: {  	[sflag:s31] =	ssyncset.done $0x0  }
0x14d: {  	s11 =	simm.s32 $0x0;
	[sflag:s31] =	ssyncadd.s32 $0xFFFFFF80  }
.LBB2_6:
0x14e: {  	[tilespmem:$0x2A80] =	vst v1  }
0x14f: {  	s12 =	sshll.u32 s11, $0x4;
	[tilespmem:$0x2B00] =	vst v2  }
0x150: {  	v9 =	vld.msk [tilespmem:s12+$0x2800], $0x1  }
0x151: {  	v10 =	vld.msk [tilespmem:s12+$0x2801], $0x1  }
0x152: {  	v11 =	vld.msk [tilespmem:s12+$0x2802], $0x1  }
0x153: {  	v12 =	vld.msk [tilespmem:s12+$0x2803], $0x1  }
0x154: {  	v13 =	vld.msk [tilespmem:s12+$0x2804], $0x1  }
0x155: {  	v14 =	vld.msk [tilespmem:s12+$0x2805], $0x1  }
0x156: {  	v15 =	vld.msk [tilespmem:s12+$0x2806], $0x1  }
0x157: {  	v16 =	vld.msk [tilespmem:s12+$0x2807], $0x1  }
0x158: {  	v17 =	vld.msk [tilespmem:s12+$0x2808], $0x1  }
0x159: {  	v20 =	vld.msk [tilespmem:s12+$0x2809], $0x1  }
0x15a: {  	v21 =	vld.msk [tilespmem:s12+$0x280A], $0x1  }
0x15b: {  	s13 =	sshrl.u32 s12, $0x2;
	v26 =	vld.msk [tilespmem:s12+$0x280B], $0x1  }
0x15c: {  	v3 =	vld.msk [tilespmem:s13+$0x2A00], $0x1  }
0x15d: {  	v4 =	vld.msk [tilespmem:s13+$0x2A01], $0x1  }
0x15e: {  	s24 =	simm.s32 $0x0;
	v6 =	vld.msk [tilespmem:s13+$0x2A02], $0x1  }
0x15f: {  	s14 =	sand.u32 $0x70, s10;
	v7 =	vld.msk [tilespmem:s13+$0x2A03], $0x1;
	s13 =	sand.u32 $0x3FFFFC00, s24  }
0x160: {  	v27 =	vld.msk [tilespmem:s12+$0x280C], $0x1;
	s20 =	sor.u32 s14, s13  }
0x161: {  	v28 =	vld [tilespmem:s20+$0x100];
	v23 =	vperm.xlane v9, v2  }
0x162: {  	v29 =	vld [tilespmem:s20+$0x0];
	v25 =	vperm.xlane v10, v2;
	v24 =	vperm.xlane v11, v2  }
0x163: {  	v30 =	vld [tilespmem:s20+$0x80];
	v22 =	vperm.xlane v12, v2;
	v18 =	vperm.xlane v13, v2  }
0x164: {  	s25 =	simm.s32 $0x0;
	v31 =	vld [tilespmem:s20+$0x180];
	v19 =	vperm.xlane v14, v2;
	v15 =	vperm.xlane v15, v2  }
0x165: {  	s13 =	sand.u32 $0x3FFFFE00, s25;
	v35 =	vld [tilespmem:s20+$0x380];
	v14 =	vperm.xlane v16, v2;
	v13 =	vperm.xlane v17, v2  }
0x166: {  	s13 =	sor.u32 s14, s13;
	v58 =	vld [tilespmem:s20+$0x1000];
	v12 =	vperm.xlane v20, v2;
	v11 =	vperm.xlane v21, v2  }
0x167: {  	v32 =	vld [tilespmem:s13+$0x2080];
	v10 =	vperm.xlane v26, v2;
	v9 =	vperm.xlane v27, v2  }
0x168: {  	v33 =	vld [tilespmem:s13+$0x2100];
	v5 =	vperm.xlane v3, v2;
	v8 =	vperm.xlane v4, v2  }
0x169: {  	v34 =	vld [tilespmem:s13+$0x2000];
	v4 =	vperm.xlane v6, v2;
	v3 =	vperm.xlane v7, v2  }
0x16a: {  	v20 =	vld [tilespmem:s13+$0x2180];
	v26 =	vmul.f32 v23, v29;
	v29 =	vmul.f32 v25, v30  }
0x16b: {  	v27 =	vld [tilespmem:s20+$0x200];
	v16 =	vsub.f32 v4, v5;
	v28 =	vmul.f32 v24, v28;
	v31 =	vmul.f32 v22, v31  }
0x16c: {  	v17 =	vsub.f32 v3, v8;
	v35 =	vmul.f32 v14, v35;
	v62 =	vmul.f32 v13, v58  }
0x16d: {  	v37 =	vmax.f32 v32, v8;
	v39 =	vsub.f32 v8, v32;
	v29 =	vadd.f32 v29, v26  }
0x16e: {  	v30 =	vld [tilespmem:s20+$0x280];
	v56 =	vmax.f32 v34, v5;
	v16 =	vmax.f32 v16, $0.0e+00;
	v17 =	vmax.f32 v17, $0.0e+00  }
0x16f: {  	v26 =	vsub.f32 v3, v20;
	v36 =	vmin.f32 v20, v3;
	v28 =	vadd.f32 v28, v29  }
0x170: {  	v20 =	vsub.f32 v20, v32;
	v38 =	vmul.f32 v18, v27;
	v27 =	vsub.f32 v4, v33;
	v29 =	vld [tilespmem:s20+$0x300]  }
0x171: {  	v21 =	vmul.f32 v17, v16;
	v55 =	vsub.f32 v36, v37;
	v28 =	vadd.f32 v31, v28  }
0x172: {  	v57 =	vld.msk [tilespmem:s12+$0x280F], $0x1;
	v36 =	vsub.f32 v5, v34;
	v20 =	vmax.f32 v20, $0.0e+00;
	v31 =	vsub.f32 v33, v34  }
0x173: {  	v6 =	vld.msk [tilespmem:s12+$0x280D], $0x1;
	v30 =	vmul.f32 v19, v30;
	v33 =	vmin.f32 v33, v4;
	v28 =	vadd.f32 v38, v28  }
0x174: {  	v7 =	vld.msk [tilespmem:s12+$0x280E], $0x1;
	v41 =	vmax.f32 v55, $0.0e+00;
	v33 =	vsub.f32 v33, v56;
	v31 =	vmax.f32 v31, $0.0e+00  }
0x175: {  	v29 =	vmul.f32 v15, v29;
	v59 =	vmul.f32 v20, v31;
	v28 =	vadd.f32 v30, v28;
	v30 =	vld [tilespmem:s20+$0x1080]  }
0x176: {  	v42 =	vadd.f32 v20, v17;
	v40 =	vmax.f32 v33, $0.0e+00;
	v31 =	vadd.f32 v31, v16  }
0x177: {  	s17 =	simm.s32 $0x1;
	s15 =	simm.s32 $0x10;
	s16 =	simm.s32 $0x80;
	v38 =	vadd.f32 v59, v21;
	v29 =	vadd.f32 v29, v28;
	v28 =	vmul.f32 v41, v40  }
0x178: {  	s22 =	simm.s32 $0x100;
	s21 =	sand.u32 $0x70, s15;
	s16 =	sand.u32 $0x3FFFFC00, s16;
	v6 =	vperm.xlane v6, v2;
	v61 =	vsub.f32 v42, v55;
	v60 =	vsub.f32 v31, v33;
	v33 =	vld [tilespmem:s20+$0x1100]  }
0x179: {  	s15 =	simm.s32 $0x20;
	s26 =	sand.u32 $0x3FFFFC00, s22;
	s22 =	simm.s32 $0x0;
	v7 =	vperm.xlane v7, v2;
	v63 =	vadd.f32 v35, v29;
	v29 =	vsub.f32 v38, v28  }
0x17a: {  	s19 =	sor.u32 s21, s16;
	s18 =	sand.u32 $0x70, s15;
	s24 =	simm.s32 $0x4;
	v32 =	vld [tilespmem:s20+$0x1180];
	v20 =	vperm.xlane v57, v2;
	v31 =	vand.u32 $0x7FFFFFFF, v39;
	v35 =	vmul.f32 v12, v30  }
0x17b: {  	s16 =	sor.u32 s18, s26;
	s14 =	simm.s32 $0x2;
	s13 =	simm.s32 $0x3;
	v34 =	vld [tilespmem:s20+$0x1200];
	v30 =	vmul.f32 v61, v60;
	v37 =	vadd.f32 v62, v63;
	vm0 =	vgt.f32 v29, $0.0e+00  }
.LBB2_7:
0x17c: {  	s26 =	sshll.u32 s13, $0x7  }
0x17d: {  	s15 =	sadd.s32 $0x10, s15;
	v33 =	vmul.f32 v11, v33;
	v36 =	vand.u32 $0x7FFFFFFF, v36;
	s25 =	smov.u32 s24;
	s23 =	sadd.s32 $0x1, s24  }
0x17e: {  	p0 =	sne.s32 s24, $0x1F;
	s24 =	sand.u32 $0x70, s15;
	s26 =	sand.u32 $0x3FFFFC00, s26;
	v35 =	vadd.f32 v35, v37;
	v37 =	vld [tilespmem:s20+$0x1280];
	v31 =	vadd.f32 v31, v36;
	v36 =	vnsel vm0, $0x3F800000, v29  }
0x17f: {  	v27 =	vand.u32 $0x7FFFFFFF, v27;
	s26 =	sor.u32 s24, s26;
	v32 =	vmul.f32 v10, v32;
	(erf) = vrcp.f32 v36  }
0x180: {  	v33 =	vadd.f32 v33, v35;
	v35 =	vld [tilespmem:s20+$0x1300];
	v27 =	vadd.f32 v27, v31  }
0x181: {  	v26 =	vand.u32 $0x7FFFFFFF, v26;
	vm0 =	vgt.f32 v30, $0.0e+00;
	v31 =	vmul.f32 v9, v34  }
0x182: {  	v32 =	vadd.f32 v32, v33;
	v33 =	vld [tilespmem:s20+$0x1380];
	v26 =	vadd.f32 v26, v27;
	v27 =	vnsel vm0, $0x3F800000, v30;
	s20 =	smov.u32 s19;
	s19 =	smov.u32 s16;
	s16 =	smov.u32 s26  }
0x183: {  	v34 =	vmul.f32 v6, v37;
	(erf) = vrcp.f32 v27  }
0x184: {  	v27 =	vadd.f32 v31, v32  }
0x185: {  	v35 =	vmul.f32 v7, v35  }
0x186: {  	v27 =	vadd.f32 v34, v27  }
0x187: {  	v32 =	vmul.f32 v20, v33  }
0x188: {  	v27 =	vadd.f32 v35, v27;
	v31 =	vpop (erf)  }
0x189: {  	v26 =	vmul.f32 $2.500000000e+00, v26;
	v28 =	vmul.f32 v31, v28  }
0x18a: {  	v27 =	vadd.f32 v32, v27  }
0x18b: {  	v29 =	vsub.f32 v30, v29;
	v28 =	vsub.f32 $1.000000000e+00, v28  }
0x18c: {  	v26 =	vadd.f32 v26, v27;
	v27 =	vld [tilespmem:$0x2A80];
	v30 =	vpop (erf)  }
0x18d: {  	v29 =	vmul.f32 v30, v29;
	v30 =	vld [tilespmem:$0x2B00]  }
0x18e: {  	v26 =	vadd.f32 v28, v26;
	_ =	sdelay $0x1  }
0x18f: {  	v26 =	vadd.f32 v26, v29;
	_ =	sdelay $0x1  }
0x190: {  	vm0 =	vlt.f32 v26, v27;
	v26 =	vmin.f32 v26, v27  }
0x191: {  	[tilespmem:$0x2A80] =	vst v26;
	v26 =	vsel vm0, s22, v30;
	s22 =	smov.u32 s17;
	s17 =	smov.u32 s14;
	s14 =	smov.u32 s13  }
0x192: {  	s13 =	smov.u32 s25;
	[tilespmem:$0x2B00] =	vst v26  }
0x193: {  	v26 =	vld [tilespmem:s20+$0x100]  }
0x194: {  	s25 =	sshll.u32 s22, $0x6;
	v27 =	vld [tilespmem:s20+$0x0]  }
0x195: {  	s25 =	sand.u32 $0x3FFFFE00, s25;
	v28 =	vld [tilespmem:s20+$0x80]  }
0x196: {  	s25 =	sor.u32 s21, s25;
	s21 =	smov.u32 s18;
	s18 =	smov.u32 s24;
	v29 =	vld [tilespmem:s20+$0x180]  }
0x197: {  	v30 =	vld [tilespmem:s25+$0x2180]  }
0x198: {  	v31 =	vld [tilespmem:s20+$0x200]  }
0x199: {  	v27 =	vmul.f32 v23, v27;
	v32 =	vld [tilespmem:s25+$0x2080]  }
0x19a: {  	v28 =	vmul.f32 v25, v28;
	v33 =	vld [tilespmem:s20+$0x280]  }
0x19b: {  	v34 =	vmul.f32 v24, v26;
	v35 =	vld [tilespmem:s25+$0x2100]  }
0x19c: {  	v27 =	vadd.f32 v28, v27;
	v36 =	vld [tilespmem:s25+$0x2000];
	v26 =	vsub.f32 v3, v30  }
0x19d: {  	v28 =	vmul.f32 v22, v29;
	v37 =	vmin.f32 v30, v3;
	v29 =	vld [tilespmem:s20+$0x380]  }
0x19e: {  	v27 =	vadd.f32 v34, v27;
	v34 =	vld [tilespmem:s20+$0x300];
	v30 =	vsub.f32 v30, v32;
	v38 =	vmax.f32 v32, v8  }
0x19f: {  	v31 =	vmul.f32 v18, v31;
	v39 =	vsub.f32 v8, v32;
	v32 =	vsub.f32 v37, v38  }
0x1a0: {  	v33 =	vmul.f32 v19, v33;
	v28 =	vadd.f32 v28, v27;
	v27 =	vsub.f32 v4, v35  }
0x1a1: {  	v37 =	vsub.f32 v35, v36;
	v35 =	vmin.f32 v35, v4;
	v38 =	vmax.f32 v36, v5  }
0x1a2: {  	v28 =	vadd.f32 v31, v28;
	v29 =	vmul.f32 v14, v29;
	v31 =	vld [tilespmem:s20+$0x1000];
	v35 =	vsub.f32 v35, v38  }
0x1a3: {  	v30 =	vmax.f32 v30, $0.0e+00;
	v34 =	vmul.f32 v15, v34;
	v37 =	vmax.f32 v37, $0.0e+00  }
0x1a4: {  	v28 =	vadd.f32 v33, v28;
	v38 =	vld [tilespmem:s20+$0x1080];
	v40 =	vmul.f32 v30, v37;
	v41 =	vmax.f32 v35, $0.0e+00  }
0x1a5: {  	v42 =	vmax.f32 v32, $0.0e+00;
	v37 =	vadd.f32 v37, v16;
	v30 =	vadd.f32 v30, v17  }
.Ltmp2:
0x1a6: {  	v34 =	vadd.f32 v34, v28;
	v33 =	vld [tilespmem:s20+$0x1100];
	v28 =	vmul.f32 v42, v41;
	v40 =	vadd.f32 v40, v21;
	(pc) =	sbr.rel @p0 .LBB2_7-.Ltmp2, $4  }
0x1a7: {  	v37 =	vsub.f32 v37, v35;
	v30 =	vsub.f32 v30, v32;
	v41 =	vmul.f32 v13, v31  }
0x1a8: {  	v31 =	vand.u32 $0x7FFFFFFF, v39;
	v34 =	vadd.f32 v29, v34;
	v32 =	vld [tilespmem:s20+$0x1180];
	v29 =	vsub.f32 v40, v28  }
0x1a9: {  	v36 =	vsub.f32 v5, v36;
	v30 =	vmul.f32 v30, v37;
	v35 =	vmul.f32 v12, v38  }
0x1aa: {  	s24 =	smov.u32 s23;
	v37 =	vadd.f32 v41, v34;
	v34 =	vld [tilespmem:s20+$0x1200];
	vm0 =	vgt.f32 v29, $0.0e+00  }
0x1ab: {  	_ = 	snop  }
0x1ac: {  	v33 =	vmul.f32 v11, v33;
	v35 =	vadd.f32 v35, v37  }
0x1ad: {  	v40 =	vld [tilespmem:s20+$0x1280];
	v38 =	vnsel vm0, $0x3F800000, v29  }
0x1ae: {  	(erf) = vrcp.f32 v38;
	v32 =	vmul.f32 v10, v32;
	v33 =	vadd.f32 v33, v35  }
0x1af: {  	v41 =	vand.u32 $0x7FFFFFFF, v36;
	v42 =	vld [tilespmem:s20+$0x1300]  }
0x1b0: {  	vm5 =	vgt.f32 v30, $0.0e+00;
	v34 =	vmul.f32 v9, v34;
	v32 =	vadd.f32 v32, v33  }
0x1b1: {  	v43 =	vld [tilespmem:s20+$0x1380];
	v31 =	vadd.f32 v31, v41;
	v44 =	vnsel vm5, $0x3F800000, v30  }
0x1b2: {  	(erf) = vrcp.f32 v44;
	v37 =	vmul.f32 v6, v40;
	v32 =	vadd.f32 v34, v32  }
0x1b3: {  	v27 =	vand.u32 $0x7FFFFFFF, v27  }
0x1b4: {  	v27 =	vadd.f32 v27, v31;
	v45 =	vmul.f32 v7, v42;
	v32 =	vadd.f32 v37, v32  }
0x1b5: {  	v26 =	vand.u32 $0x7FFFFFFF, v26  }
0x1b6: {  	v26 =	vadd.f32 v26, v27;
	v46 =	vmul.f32 v20, v43;
	v31 =	vadd.f32 v45, v32  }
0x1b7: {  	v47 =	vpop (erf)  }
0x1b8: {  	v26 =	vmul.f32 $2.500000000e+00, v26;
	v28 =	vmul.f32 v47, v28;
	v27 =	vadd.f32 v46, v31  }
0x1b9: {  	v48 =	vsub.f32 v30, v29  }
0x1ba: {  	v28 =	vsub.f32 $1.000000000e+00, v28;
	v26 =	vadd.f32 v26, v27  }
0x1bb: {  	v49 =	vld [tilespmem:$0x2A80];
	v50 =	vpop (erf)  }
0x1bc: {  	v51 =	vld [tilespmem:$0x2B00];
	v29 =	vmul.f32 v50, v48;
	v26 =	vadd.f32 v28, v26;
	_ =	sdelay $0x1  }
0x1bd: {  	v26 =	vadd.f32 v26, v29;
	_ =	sdelay $0x1  }
0x1be: {  	vm6 =	vlt.f32 v26, v49;
	v26 =	vmin.f32 v26, v49  }
0x1bf: {  	[tilespmem:$0x2A80] =	vst v26;
	v52 =	vsel vm6, s22, v51  }
0x1c0: {  	[tilespmem:$0x2B00] =	vst v52  }
0x1c1: {  	v53 =	vld [tilespmem:s19+$0x0]  }
0x1c2: {  	v54 =	vld [tilespmem:s19+$0x80]  }
0x1c3: {  	v26 =	vld [tilespmem:s19+$0x100]  }
0x1c4: {  	s22 =	sshll.u32 s17, $0x6;
	v55 =	vld [tilespmem:s19+$0x180]  }
0x1c5: {  	s20 =	sand.u32 $0x3FFFFE00, s22;
	v56 =	vld [tilespmem:s19+$0x200]  }
0x1c6: {  	s20 =	sor.u32 s21, s20;
	v58 =	vld [tilespmem:s19+$0x280]  }
0x1c7: {  	v30 =	vld [tilespmem:s20+$0x2180];
	v27 =	vmul.f32 v23, v53;
	v28 =	vmul.f32 v25, v54  }
0x1c8: {  	v34 =	vld [tilespmem:s20+$0x2100]  }
0x1c9: {  	v59 =	vld [tilespmem:s20+$0x2000];
	v26 =	vmul.f32 v24, v26;
	v27 =	vadd.f32 v28, v27  }
0x1ca: {  	v57 =	vld [tilespmem:s20+$0x2080]  }
0x1cb: {  	v29 =	vmul.f32 v22, v55;
	v26 =	vadd.f32 v26, v27  }
0x1cc: {  	v60 =	vld [tilespmem:s19+$0x300]  }
0x1cd: {  	v31 =	vmul.f32 v18, v56;
	v26 =	vadd.f32 v29, v26  }
0x1ce: {  	v62 =	vld [tilespmem:s19+$0x380];
	v33 =	vmul.f32 v19, v58;
	v61 =	vmin.f32 v30, v3;
	v45 =	vsub.f32 v34, v59  }
0x1cf: {  	v63 =	vsub.f32 v30, v57;
	v44 =	vmax.f32 v57, v8;
	v26 =	vadd.f32 v31, v26  }
0x1d0: {  	v46 =	vld [tilespmem:s19+$0x1000];
	v39 =	vmin.f32 v34, v4;
	v40 =	vmax.f32 v59, v5;
	v38 =	vmax.f32 v45, $0.0e+00  }
0x1d1: {  	v37 =	vmax.f32 v63, $0.0e+00;
	v27 =	vmul.f32 v15, v60;
	v26 =	vadd.f32 v33, v26  }
0x1d2: {  	v49 =	vld [tilespmem:s19+$0x1080];
	v47 =	vsub.f32 v39, v40;
	v50 =	vmul.f32 v37, v38;
	v29 =	vsub.f32 v61, v44  }
0x1d3: {  	v52 =	vld [tilespmem:s19+$0x1100];
	v48 =	vmul.f32 v14, v62;
	v26 =	vadd.f32 v27, v26  }
0x1d4: {  	v40 =	vmax.f32 v47, $0.0e+00;
	v39 =	vadd.f32 v50, v21;
	v41 =	vmax.f32 v29, $0.0e+00  }
0x1d5: {  	v54 =	vld [tilespmem:s19+$0x1180];
	v31 =	vmul.f32 v13, v46;
	v40 =	vmul.f32 v41, v40;
	v26 =	vadd.f32 v48, v26  }
0x1d6: {  	v53 =	vadd.f32 v38, v16;
	v37 =	vadd.f32 v37, v17  }
0x1d7: {  	v36 =	vmul.f32 v12, v49;
	v56 =	vld [tilespmem:s19+$0x1200];
	v39 =	vsub.f32 v39, v40;
	v26 =	vadd.f32 v31, v26  }
0x1d8: {  	v32 =	vmul.f32 v11, v52;
	v51 =	vsub.f32 v8, v57;
	v55 =	vsub.f32 v53, v47  }
0x1d9: {  	v29 =	vsub.f32 v37, v29;
	vm7 =	vgt.f32 v39, $0.0e+00;
	v26 =	vadd.f32 v36, v26  }
0x1da: {  	v57 =	vld [tilespmem:s19+$0x1280];
	v28 =	vsub.f32 v5, v59;
	v59 =	vmul.f32 v10, v54;
	v58 =	vnsel vm7, $0x3F800000, v39  }
0x1db: {  	v29 =	vmul.f32 v29, v55;
	(erf) = vrcp.f32 v58;
	v26 =	vadd.f32 v32, v26  }
0x1dc: {  	v28 =	vand.u32 $0x7FFFFFFF, v28;
	v60 =	vld [tilespmem:s19+$0x1300];
	v33 =	vmul.f32 v9, v56  }
0x1dd: {  	v27 =	vand.u32 $0x7FFFFFFF, v51;
	vm8 =	vgt.f32 v29, $0.0e+00;
	v26 =	vadd.f32 v59, v26  }
0x1de: {  	v34 =	vsub.f32 v4, v34;
	v61 =	vld [tilespmem:s19+$0x1380];
	v27 =	vadd.f32 v27, v28;
	v62 =	vnsel vm8, $0x3F800000, v29  }
0x1df: {  	v31 =	vmul.f32 v6, v57;
	(erf) = vrcp.f32 v62;
	v26 =	vadd.f32 v33, v26  }
0x1e0: {  	v30 =	vsub.f32 v3, v30;
	v63 =	vand.u32 $0x7FFFFFFF, v34  }
0x1e1: {  	v27 =	vadd.f32 v63, v27;
	v32 =	vmul.f32 v7, v60;
	v26 =	vadd.f32 v31, v26  }
0x1e2: {  	v30 =	vand.u32 $0x7FFFFFFF, v30  }
0x1e3: {  	v28 =	vmul.f32 v20, v61;
	v27 =	vadd.f32 v30, v27;
	v26 =	vadd.f32 v32, v26  }
0x1e4: {  	v34 =	vpop (erf)  }
0x1e5: {  	v27 =	vmul.f32 $2.500000000e+00, v27;
	v30 =	vmul.f32 v34, v40;
	v26 =	vadd.f32 v28, v26  }
0x1e6: {  	v35 =	vsub.f32 v29, v39  }
0x1e7: {  	v36 =	vsub.f32 $1.000000000e+00, v30;
	v26 =	vadd.f32 v27, v26  }
0x1e8: {  	v37 =	vld [tilespmem:$0x2A80];
	v38 =	vpop (erf)  }
0x1e9: {  	v39 =	vld [tilespmem:$0x2B00];
	v28 =	vmul.f32 v38, v35;
	v26 =	vadd.f32 v36, v26;
	_ =	sdelay $0x1  }
0x1ea: {  	v26 =	vadd.f32 v26, v28;
	_ =	sdelay $0x1  }
0x1eb: {  	vm9 =	vlt.f32 v26, v37;
	v26 =	vmin.f32 v26, v37  }
0x1ec: {  	[tilespmem:$0x2A80] =	vst v26;
	v40 =	vsel vm9, s17, v39  }
0x1ed: {  	[tilespmem:$0x2B00] =	vst v40  }
0x1ee: {  	v41 =	vld [tilespmem:s16+$0x0]  }
0x1ef: {  	s23 =	sshll.u32 s14, $0x6;
	v42 =	vld [tilespmem:s16+$0x80]  }
0x1f0: {  	s17 =	sand.u32 $0x3FFFFE00, s23;
	v26 =	vld [tilespmem:s16+$0x100]  }
0x1f1: {  	s17 =	sor.u32 s18, s17;
	v43 =	vld [tilespmem:s16+$0x180]  }
0x1f2: {  	v30 =	vld [tilespmem:s17+$0x2180]  }
0x1f3: {  	v44 =	vld [tilespmem:s16+$0x200]  }
0x1f4: {  	v45 =	vld [tilespmem:s17+$0x2080];
	v27 =	vmul.f32 v23, v41;
	v28 =	vmul.f32 v25, v42  }
0x1f5: {  	v34 =	vld [tilespmem:s17+$0x2100]  }
0x1f6: {  	v47 =	vld [tilespmem:s17+$0x2000];
	v26 =	vmul.f32 v24, v26;
	v27 =	vadd.f32 v28, v27  }
0x1f7: {  	v46 =	vld [tilespmem:s16+$0x280]  }
0x1f8: {  	v29 =	vmul.f32 v22, v43;
	v26 =	vadd.f32 v26, v27  }
0x1f9: {  	v48 =	vld [tilespmem:s16+$0x300]  }
0x1fa: {  	v31 =	vmul.f32 v18, v44;
	v26 =	vadd.f32 v29, v26  }
0x1fb: {  	v50 =	vld [tilespmem:s16+$0x380];
	v49 =	vmin.f32 v30, v3;
	v51 =	vsub.f32 v30, v45;
	v53 =	vsub.f32 v34, v47  }
0x1fc: {  	v52 =	vmax.f32 v45, v8;
	v33 =	vmul.f32 v19, v46;
	v26 =	vadd.f32 v31, v26  }
0x1fd: {  	v56 =	vld [tilespmem:s16+$0x1000];
	v54 =	vmin.f32 v34, v4;
	v55 =	vmax.f32 v47, v5;
	v38 =	vmax.f32 v53, $0.0e+00  }
0x1fe: {  	v37 =	vmax.f32 v51, $0.0e+00;
	v27 =	vmul.f32 v15, v48;
	v26 =	vadd.f32 v33, v26  }
0x1ff: {  	v59 =	vld [tilespmem:s16+$0x1080];
	v57 =	vsub.f32 v54, v55;
	v60 =	vmul.f32 v37, v38;
	v29 =	vsub.f32 v49, v52  }
0x200: {  	v63 =	vld [tilespmem:s16+$0x1100];
	v58 =	vmul.f32 v14, v50;
	v26 =	vadd.f32 v27, v26  }
0x201: {  	v40 =	vmax.f32 v57, $0.0e+00;
	v39 =	vadd.f32 v60, v21;
	v61 =	vmax.f32 v29, $0.0e+00  }
0x202: {  	v44 =	vld [tilespmem:s16+$0x1180];
	v31 =	vmul.f32 v13, v56;
	v40 =	vmul.f32 v61, v40;
	v26 =	vadd.f32 v58, v26  }
0x203: {  	v43 =	vadd.f32 v38, v16;
	v37 =	vadd.f32 v37, v17  }
0x204: {  	v36 =	vmul.f32 v12, v59;
	v46 =	vld [tilespmem:s16+$0x1200];
	v39 =	vsub.f32 v39, v40;
	v26 =	vadd.f32 v31, v26  }
0x205: {  	v62 =	vsub.f32 v8, v45;
	v32 =	vmul.f32 v11, v63;
	v45 =	vsub.f32 v43, v57  }
0x206: {  	v29 =	vsub.f32 v37, v29;
	vm10 =	vgt.f32 v39, $0.0e+00;
	v26 =	vadd.f32 v36, v26  }
0x207: {  	v28 =	vsub.f32 v5, v47;
	v47 =	vld [tilespmem:s16+$0x1280];
	v49 =	vmul.f32 v10, v44;
	v48 =	vnsel vm10, $0x3F800000, v39  }
0x208: {  	v29 =	vmul.f32 v29, v45;
	(erf) = vrcp.f32 v48;
	v26 =	vadd.f32 v32, v26  }
0x209: {  	v50 =	vld [tilespmem:s16+$0x1300];
	v28 =	vand.u32 $0x7FFFFFFF, v28;
	v33 =	vmul.f32 v9, v46  }
0x20a: {  	v27 =	vand.u32 $0x7FFFFFFF, v62;
	vm11 =	vgt.f32 v29, $0.0e+00;
	v26 =	vadd.f32 v49, v26  }
0x20b: {  	v34 =	vsub.f32 v4, v34;
	v51 =	vld [tilespmem:s16+$0x1380];
	v27 =	vadd.f32 v27, v28;
	v52 =	vnsel vm11, $0x3F800000, v29  }
0x20c: {  	v31 =	vmul.f32 v6, v47;
	(erf) = vrcp.f32 v52;
	v26 =	vadd.f32 v33, v26  }
0x20d: {  	v30 =	vsub.f32 v3, v30;
	v53 =	vand.u32 $0x7FFFFFFF, v34  }
0x20e: {  	v27 =	vadd.f32 v53, v27;
	v32 =	vmul.f32 v7, v50;
	v26 =	vadd.f32 v31, v26  }
0x20f: {  	v30 =	vand.u32 $0x7FFFFFFF, v30  }
0x210: {  	v28 =	vmul.f32 v20, v51;
	v27 =	vadd.f32 v30, v27;
	v26 =	vadd.f32 v32, v26  }
0x211: {  	v54 =	vpop (erf)  }
0x212: {  	v27 =	vmul.f32 $2.500000000e+00, v27;
	v30 =	vmul.f32 v54, v40;
	v26 =	vadd.f32 v28, v26  }
0x213: {  	v55 =	vsub.f32 v29, v39  }
0x214: {  	v56 =	vsub.f32 $1.000000000e+00, v30;
	v26 =	vadd.f32 v27, v26  }
0x215: {  	v57 =	vld [tilespmem:$0x2A80];
	v58 =	vpop (erf)  }
0x216: {  	v59 =	vld [tilespmem:$0x2B00];
	v28 =	vmul.f32 v58, v55;
	v26 =	vadd.f32 v56, v26;
	_ =	sdelay $0x1  }
0x217: {  	v26 =	vadd.f32 v26, v28;
	_ =	sdelay $0x1  }
0x218: {  	s24 =	sshll.u32 s13, $0x7;
	s15 =	sadd.s32 $0x10, s15;
	vm12 =	vlt.f32 v26, v57;
	v26 =	vmin.f32 v26, v57  }
0x219: {  	s15 =	sand.u32 $0x70, s15;
	s16 =	sand.u32 $0x3FFFFC00, s24;
	[tilespmem:$0x2A80] =	vst v26;
	v60 =	vsel vm12, s14, v59  }
0x21a: {  	s25 =	sor.u32 s15, s16;
	[tilespmem:$0x2B00] =	vst v60  }
0x21b: {  	v26 =	vld [tilespmem:s25+$0x100]  }
0x21c: {  	s26 =	sshll.u32 s13, $0x6;
	v61 =	vld [tilespmem:s25+$0x0]  }
0x21d: {  	s16 =	sand.u32 $0x3FFFFE00, s26;
	v62 =	vld [tilespmem:s25+$0x80]  }
0x21e: {  	s15 =	sor.u32 s15, s16;
	v63 =	vld [tilespmem:s25+$0x180]  }
0x21f: {  	v30 =	vld [tilespmem:s15+$0x2180]  }
0x220: {  	v36 =	vld [tilespmem:s25+$0x200]  }
0x221: {  	v37 =	vld [tilespmem:s15+$0x2080]  }
0x222: {  	v40 =	vld [tilespmem:s25+$0x280];
	v38 =	vmul.f32 v23, v61;
	v39 =	vmul.f32 v25, v62  }
0x223: {  	v28 =	vld [tilespmem:s15+$0x2100]  }
0x224: {  	v43 =	vld [tilespmem:s25+$0x300];
	v41 =	vmul.f32 v24, v26;
	v23 =	vadd.f32 v39, v38  }
0x225: {  	v45 =	vld [tilespmem:s25+$0x380]  }
0x226: {  	v25 =	vld [tilespmem:s15+$0x2000];
	v42 =	vmul.f32 v22, v63;
	v23 =	vadd.f32 v41, v23;
	_ =	sdelay $0x1  }
0x227: {  	v47 =	vmul.f32 v18, v36;
	v22 =	vadd.f32 v42, v23  }
0x228: {  	v44 =	vmin.f32 v30, v3;
	v46 =	vsub.f32 v30, v37;
	v48 =	vmax.f32 v37, v8  }
0x229: {  	v54 =	vld [tilespmem:s25+$0x1000];
	v49 =	vmul.f32 v19, v40;
	v51 =	vmin.f32 v28, v4;
	v18 =	vadd.f32 v47, v22  }
0x22a: {  	v56 =	vmul.f32 v15, v43;
	v59 =	vmul.f32 v14, v45;
	v50 =	vsub.f32 v28, v25  }
0x22b: {  	v53 =	vsub.f32 v44, v48;
	v52 =	vmax.f32 v25, v5;
	v18 =	vadd.f32 v49, v18  }
0x22c: {  	v60 =	vld [tilespmem:s25+$0x1080];
	v58 =	vmax.f32 v46, $0.0e+00;
	v55 =	vsub.f32 v51, v52;
	v57 =	vmax.f32 v50, $0.0e+00  }
0x22d: {  	v34 =	vld [tilespmem:s25+$0x1100];
	v63 =	vsub.f32 v8, v37;
	v61 =	vmul.f32 v58, v57;
	v15 =	vadd.f32 v56, v18  }
0x22e: {  	v36 =	vmul.f32 v13, v54;
	v62 =	vmax.f32 v53, $0.0e+00;
	v31 =	vmax.f32 v55, $0.0e+00  }
0x22f: {  	v39 =	vld [tilespmem:s25+$0x1180];
	v31 =	vmul.f32 v62, v31;
	v35 =	vadd.f32 v61, v21;
	v14 =	vadd.f32 v59, v15  }
0x230: {  	v38 =	vadd.f32 v58, v17;
	v37 =	vadd.f32 v57, v16  }
0x231: {  	v40 =	vmul.f32 v12, v60;
	v43 =	vld [tilespmem:s25+$0x1200];
	v21 =	vsub.f32 v35, v31;
	v13 =	vadd.f32 v36, v14  }
0x232: {  	v44 =	vmul.f32 v11, v34;
	v42 =	vsub.f32 v38, v53  }
0x233: {  	v41 =	vsub.f32 v37, v55;
	vm13 =	vgt.f32 v21, $0.0e+00;
	v12 =	vadd.f32 v40, v13  }
0x234: {  	v45 =	vsub.f32 v5, v25;
	v47 =	vld [tilespmem:s25+$0x1280];
	v49 =	vmul.f32 v10, v39;
	v48 =	vnsel vm13, $0x3F800000, v21  }
0x235: {  	v46 =	vmul.f32 v42, v41;
	(erf) = vrcp.f32 v48;
	v11 =	vadd.f32 v44, v12  }
0x236: {  	v8 =	vand.u32 $0x7FFFFFFF, v63;
	v51 =	vmul.f32 v9, v43;
	v50 =	vld [tilespmem:s25+$0x1300]  }
0x237: {  	v5 =	vand.u32 $0x7FFFFFFF, v45;
	vm14 =	vgt.f32 v46, $0.0e+00;
	v10 =	vadd.f32 v49, v11  }
0x238: {  	v52 =	vsub.f32 v4, v28;
	v53 =	vld [tilespmem:s25+$0x1380];
	v5 =	vadd.f32 v8, v5;
	v54 =	vnsel vm14, $0x3F800000, v46  }
0x239: {  	v55 =	vmul.f32 v6, v47;
	(erf) = vrcp.f32 v54;
	v9 =	vadd.f32 v51, v10  }
0x23a: {  	v3 =	vsub.f32 v3, v30;
	v4 =	vand.u32 $0x7FFFFFFF, v52  }
0x23b: {  	v4 =	vadd.f32 v4, v5;
	v56 =	vmul.f32 v7, v50;
	v6 =	vadd.f32 v55, v9  }
0x23c: {  	v3 =	vand.u32 $0x7FFFFFFF, v3  }
0x23d: {  	v57 =	vmul.f32 v20, v53;
	v3 =	vadd.f32 v3, v4;
	v5 =	vadd.f32 v56, v6  }
0x23e: {  	v58 =	vpop (erf)  }
0x23f: {  	v3 =	vmul.f32 $2.500000000e+00, v3;
	v6 =	vmul.f32 v58, v31;
	v4 =	vadd.f32 v57, v5  }
0x240: {  	v59 =	vsub.f32 v46, v21  }
0x241: {  	v6 =	vsub.f32 $1.000000000e+00, v6;
	v3 =	vadd.f32 v3, v4  }
0x242: {  	v60 =	vld [tilespmem:$0x2A80];
	v61 =	vpop (erf)  }
0x243: {  	v5 =	vmul.f32 v61, v59;
	v3 =	vadd.f32 v6, v3;
	_ =	sdelay $0x1  }
0x244: {  	v3 =	vadd.f32 v3, v5;
	_ =	sdelay $0x1  }
0x245: {  	v62 =	vld [tilespmem:$0x2B00];
	v63 =	vmin.f32 v3, v60  }
0x246: {  	[tilespmem:$0x2A80] =	vst v63  }
0x247: {  	v6 =	vld [tilespmem:$0x2A80];
	_ =	sdelay $0x1  }
0x248: {  	vm15 =	vlt.f32 v3, v60  }
0x249: {  	v3 =	vsel vm15, s13, v62  }
0x24a: {  	[tilespmem:$0x2B00] =	vst v3  }
0x24b: {  	[tilespmem:s12+$0x2B80] =	vst v6  }
0x24c: {  	v3 =	vld [tilespmem:$0x2B00]  }
0x24d: {  	s11 =	sadd.s32 $0x1, s11  }
0x24e: {  	p0 =	sne.s32 s11, $0x20  }
.Ltmp3:
0x24f: {  	_ = 	snop;
	(pc) =	sbr.rel @p0 .LBB2_6-.Ltmp3, $4  }
0x250: {  	_ = 	snop  }
0x251: {  	v3 =	vshll.u32 v3, $0x4  }
0x252: {  	v3 =	vadd.s32 v3, v0  }
0x253: {  	[tilespmem:s12+$0x2D80] =	vst v3  }
0x254: {  	s10 =	rddreg [dreg:$0xc]  }
0x255: {  	[hbm4b:s10+s1] =	stream.strided.scatter [tilespmem:s7], [sflag:$0x1], $0x200, s2, s1, $0x38;
	[tilespmem:$0x2F80] =	vst v63  }
0x256: {  	_ =	swait.ge [sflag:s31], $0x200  }
0x257: {  	[sflag:s31] =	ssyncset.done $0x0  }
0x258: {  	s23 =	rddreg [dreg:$0xd];
	[sflag:s31] =	ssyncadd.s32 $0xFFFFFE00  }
0x259: {  	[hbm4b:s23+s1] =	stream.strided.scatter [tilespmem:s8], [sflag:$0x1], $0x200, s2, s1, $0x38;
	[tilespmem:$0x2F80] =	vst v63  }
0x25a: {  	_ =	swait.ge [sflag:s31], $0x200  }
0x25b: {  	[sflag:s31] =	ssyncset.done $0x0  }
0x25c: {  	s10 =	simm.s32 $0x0;
	s11 =	rddreg [dreg:$0xe];
	[sflag:s31] =	ssyncadd.s32 $0xFFFFFE00  }
0x25d: {  	[tilespmem:s10], [sflag:$0x1] =	stream.strided.gather [hbm4b:s11+s29], $0x2000, s30, s29, $0x38;
	[tilespmem:$0x2F80] =	vst v63  }
0x25e: {  	_ =	swait.ge [sflag:s31], $0x2000  }
0x25f: {  	[sflag:s31] =	ssyncset.done $0x0  }
0x260: {  	s24 =	rddreg [dreg:$0xf];
	[sflag:s31] =	ssyncadd.s32 $0xFFFFE000  }
0x261: {  	[tilespmem:s0], [sflag:$0x1] =	stream.linear.gather [hbm4b:s24+s10], $0x800, $0x38;
	[tilespmem:$0x2F80] =	vst v63  }
0x262: {  	_ =	swait.ge [sflag:s31], $0x800  }
0x263: {  	[sflag:s31] =	ssyncset.done $0x0  }
0x264: {  	s25 =	rddreg [dreg:$0x14];
	[sflag:s31] =	ssyncadd.s32 $0xFFFFF800  }
0x265: {  	[tilespmem:s4], [sflag:$0x1] =	stream.strided.gather [hbm4b:s25+s1], $0x200, s2, s1, $0x38;
	[tilespmem:$0x2F80] =	vst v63  }
0x266: {  	_ =	swait.ge [sflag:s31], $0x200  }
0x267: {  	[sflag:s31] =	ssyncset.done $0x0  }
0x268: {  	s26 =	rddreg [dreg:$0x18];
	[sflag:s31] =	ssyncadd.s32 $0xFFFFFE00  }
0x269: {  	[tilespmem:s5], [sflag:$0x1] =	stream.linear.gather [hbm4b:s26+s10], $0x80, $0x38;
	[tilespmem:$0x2F80] =	vst v63  }
0x26a: {  	_ =	swait.ge [sflag:s31], $0x80  }
0x26b: {  	[sflag:s31] =	ssyncset.done $0x0  }
0x26c: {  	s11 =	simm.s32 $0x0;
	[sflag:s31] =	ssyncadd.s32 $0xFFFFFF80  }
.LBB2_10:
0x26d: {  	[tilespmem:$0x2A80] =	vst v1  }
0x26e: {  	s12 =	sshll.u32 s11, $0x4;
	[tilespmem:$0x2B00] =	vst v2  }
0x26f: {  	v9 =	vld.msk [tilespmem:s12+$0x2800], $0x1  }
0x270: {  	v10 =	vld.msk [tilespmem:s12+$0x2801], $0x1  }
0x271: {  	v11 =	vld.msk [tilespmem:s12+$0x2802], $0x1  }
0x272: {  	v12 =	vld.msk [tilespmem:s12+$0x2803], $0x1  }
0x273: {  	v13 =	vld.msk [tilespmem:s12+$0x2804], $0x1  }
0x274: {  	v14 =	vld.msk [tilespmem:s12+$0x2805], $0x1  }
0x275: {  	v15 =	vld.msk [tilespmem:s12+$0x2806], $0x1  }
0x276: {  	v16 =	vld.msk [tilespmem:s12+$0x2807], $0x1  }
0x277: {  	v17 =	vld.msk [tilespmem:s12+$0x2808], $0x1  }
0x278: {  	v20 =	vld.msk [tilespmem:s12+$0x2809], $0x1  }
0x279: {  	v21 =	vld.msk [tilespmem:s12+$0x280A], $0x1  }
0x27a: {  	s13 =	sshrl.u32 s12, $0x2;
	v26 =	vld.msk [tilespmem:s12+$0x280B], $0x1  }
0x27b: {  	v3 =	vld.msk [tilespmem:s13+$0x2A00], $0x1  }
0x27c: {  	v4 =	vld.msk [tilespmem:s13+$0x2A01], $0x1  }
0x27d: {  	s24 =	simm.s32 $0x0;
	v6 =	vld.msk [tilespmem:s13+$0x2A02], $0x1  }
0x27e: {  	s14 =	sand.u32 $0x70, s10;
	v7 =	vld.msk [tilespmem:s13+$0x2A03], $0x1;
	s13 =	sand.u32 $0x3FFFFC00, s24  }
0x27f: {  	v27 =	vld.msk [tilespmem:s12+$0x280C], $0x1;
	s20 =	sor.u32 s14, s13  }
0x280: {  	v28 =	vld [tilespmem:s20+$0x100];
	v23 =	vperm.xlane v9, v2  }
0x281: {  	v29 =	vld [tilespmem:s20+$0x0];
	v25 =	vperm.xlane v10, v2;
	v24 =	vperm.xlane v11, v2  }
0x282: {  	v30 =	vld [tilespmem:s20+$0x80];
	v22 =	vperm.xlane v12, v2;
	v18 =	vperm.xlane v13, v2  }
0x283: {  	s25 =	simm.s32 $0x0;
	v31 =	vld [tilespmem:s20+$0x180];
	v19 =	vperm.xlane v14, v2;
	v15 =	vperm.xlane v15, v2  }
0x284: {  	s13 =	sand.u32 $0x3FFFFE00, s25;
	v35 =	vld [tilespmem:s20+$0x380];
	v14 =	vperm.xlane v16, v2;
	v13 =	vperm.xlane v17, v2  }
0x285: {  	s13 =	sor.u32 s14, s13;
	v58 =	vld [tilespmem:s20+$0x1000];
	v12 =	vperm.xlane v20, v2;
	v11 =	vperm.xlane v21, v2  }
0x286: {  	v32 =	vld [tilespmem:s13+$0x2080];
	v10 =	vperm.xlane v26, v2;
	v9 =	vperm.xlane v27, v2  }
0x287: {  	v33 =	vld [tilespmem:s13+$0x2100];
	v5 =	vperm.xlane v3, v2;
	v8 =	vperm.xlane v4, v2  }
0x288: {  	v34 =	vld [tilespmem:s13+$0x2000];
	v4 =	vperm.xlane v6, v2;
	v3 =	vperm.xlane v7, v2  }
0x289: {  	v20 =	vld [tilespmem:s13+$0x2180];
	v26 =	vmul.f32 v23, v29;
	v29 =	vmul.f32 v25, v30  }
0x28a: {  	v27 =	vld [tilespmem:s20+$0x200];
	v16 =	vsub.f32 v4, v5;
	v28 =	vmul.f32 v24, v28;
	v31 =	vmul.f32 v22, v31  }
0x28b: {  	v17 =	vsub.f32 v3, v8;
	v35 =	vmul.f32 v14, v35;
	v62 =	vmul.f32 v13, v58  }
0x28c: {  	v37 =	vmax.f32 v32, v8;
	v39 =	vsub.f32 v8, v32;
	v29 =	vadd.f32 v29, v26  }
0x28d: {  	v30 =	vld [tilespmem:s20+$0x280];
	v56 =	vmax.f32 v34, v5;
	v16 =	vmax.f32 v16, $0.0e+00;
	v17 =	vmax.f32 v17, $0.0e+00  }
0x28e: {  	v26 =	vsub.f32 v3, v20;
	v36 =	vmin.f32 v20, v3;
	v28 =	vadd.f32 v28, v29  }
0x28f: {  	v20 =	vsub.f32 v20, v32;
	v38 =	vmul.f32 v18, v27;
	v27 =	vsub.f32 v4, v33;
	v29 =	vld [tilespmem:s20+$0x300]  }
0x290: {  	v21 =	vmul.f32 v17, v16;
	v55 =	vsub.f32 v36, v37;
	v28 =	vadd.f32 v31, v28  }
0x291: {  	v57 =	vld.msk [tilespmem:s12+$0x280F], $0x1;
	v36 =	vsub.f32 v5, v34;
	v20 =	vmax.f32 v20, $0.0e+00;
	v31 =	vsub.f32 v33, v34  }
0x292: {  	v6 =	vld.msk [tilespmem:s12+$0x280D], $0x1;
	v30 =	vmul.f32 v19, v30;
	v33 =	vmin.f32 v33, v4;
	v28 =	vadd.f32 v38, v28  }
0x293: {  	v7 =	vld.msk [tilespmem:s12+$0x280E], $0x1;
	v41 =	vmax.f32 v55, $0.0e+00;
	v33 =	vsub.f32 v33, v56;
	v31 =	vmax.f32 v31, $0.0e+00  }
0x294: {  	v29 =	vmul.f32 v15, v29;
	v59 =	vmul.f32 v20, v31;
	v28 =	vadd.f32 v30, v28;
	v30 =	vld [tilespmem:s20+$0x1080]  }
0x295: {  	v42 =	vadd.f32 v20, v17;
	v40 =	vmax.f32 v33, $0.0e+00;
	v31 =	vadd.f32 v31, v16  }
0x296: {  	s17 =	simm.s32 $0x1;
	s15 =	simm.s32 $0x10;
	s16 =	simm.s32 $0x80;
	v38 =	vadd.f32 v59, v21;
	v29 =	vadd.f32 v29, v28;
	v28 =	vmul.f32 v41, v40  }
0x297: {  	s22 =	simm.s32 $0x100;
	s21 =	sand.u32 $0x70, s15;
	s16 =	sand.u32 $0x3FFFFC00, s16;
	v6 =	vperm.xlane v6, v2;
	v61 =	vsub.f32 v42, v55;
	v60 =	vsub.f32 v31, v33;
	v33 =	vld [tilespmem:s20+$0x1100]  }
0x298: {  	s15 =	simm.s32 $0x20;
	s26 =	sand.u32 $0x3FFFFC00, s22;
	s22 =	simm.s32 $0x0;
	v7 =	vperm.xlane v7, v2;
	v63 =	vadd.f32 v35, v29;
	v29 =	vsub.f32 v38, v28  }
0x299: {  	s19 =	sor.u32 s21, s16;
	s18 =	sand.u32 $0x70, s15;
	s24 =	simm.s32 $0x4;
	v32 =	vld [tilespmem:s20+$0x1180];
	v20 =	vperm.xlane v57, v2;
	v31 =	vand.u32 $0x7FFFFFFF, v39;
	v35 =	vmul.f32 v12, v30  }
0x29a: {  	s16 =	sor.u32 s18, s26;
	s14 =	simm.s32 $0x2;
	s13 =	simm.s32 $0x3;
	v34 =	vld [tilespmem:s20+$0x1200];
	v30 =	vmul.f32 v61, v60;
	v37 =	vadd.f32 v62, v63;
	vm0 =	vgt.f32 v29, $0.0e+00  }
.LBB2_11:
0x29b: {  	s26 =	sshll.u32 s13, $0x7  }
0x29c: {  	s15 =	sadd.s32 $0x10, s15;
	v33 =	vmul.f32 v11, v33;
	v36 =	vand.u32 $0x7FFFFFFF, v36;
	s25 =	smov.u32 s24;
	s23 =	sadd.s32 $0x1, s24  }
0x29d: {  	p0 =	sne.s32 s24, $0x1F;
	s24 =	sand.u32 $0x70, s15;
	s26 =	sand.u32 $0x3FFFFC00, s26;
	v35 =	vadd.f32 v35, v37;
	v37 =	vld [tilespmem:s20+$0x1280];
	v31 =	vadd.f32 v31, v36;
	v36 =	vnsel vm0, $0x3F800000, v29  }
0x29e: {  	v27 =	vand.u32 $0x7FFFFFFF, v27;
	s26 =	sor.u32 s24, s26;
	v32 =	vmul.f32 v10, v32;
	(erf) = vrcp.f32 v36  }
0x29f: {  	v33 =	vadd.f32 v33, v35;
	v35 =	vld [tilespmem:s20+$0x1300];
	v27 =	vadd.f32 v27, v31  }
0x2a0: {  	v26 =	vand.u32 $0x7FFFFFFF, v26;
	vm0 =	vgt.f32 v30, $0.0e+00;
	v31 =	vmul.f32 v9, v34  }
0x2a1: {  	v32 =	vadd.f32 v32, v33;
	v33 =	vld [tilespmem:s20+$0x1380];
	v26 =	vadd.f32 v26, v27;
	v27 =	vnsel vm0, $0x3F800000, v30;
	s20 =	smov.u32 s19;
	s19 =	smov.u32 s16;
	s16 =	smov.u32 s26  }
0x2a2: {  	v34 =	vmul.f32 v6, v37;
	(erf) = vrcp.f32 v27  }
0x2a3: {  	v27 =	vadd.f32 v31, v32  }
0x2a4: {  	v35 =	vmul.f32 v7, v35  }
0x2a5: {  	v27 =	vadd.f32 v34, v27  }
0x2a6: {  	v32 =	vmul.f32 v20, v33  }
0x2a7: {  	v27 =	vadd.f32 v35, v27;
	v31 =	vpop (erf)  }
0x2a8: {  	v26 =	vmul.f32 $2.500000000e+00, v26;
	v28 =	vmul.f32 v31, v28  }
0x2a9: {  	v27 =	vadd.f32 v32, v27  }
0x2aa: {  	v29 =	vsub.f32 v30, v29;
	v28 =	vsub.f32 $1.000000000e+00, v28  }
0x2ab: {  	v26 =	vadd.f32 v26, v27;
	v27 =	vld [tilespmem:$0x2A80];
	v30 =	vpop (erf)  }
0x2ac: {  	v29 =	vmul.f32 v30, v29;
	v30 =	vld [tilespmem:$0x2B00]  }
0x2ad: {  	v26 =	vadd.f32 v28, v26;
	_ =	sdelay $0x1  }
0x2ae: {  	v26 =	vadd.f32 v26, v29;
	_ =	sdelay $0x1  }
0x2af: {  	vm0 =	vlt.f32 v26, v27;
	v26 =	vmin.f32 v26, v27  }
0x2b0: {  	[tilespmem:$0x2A80] =	vst v26;
	v26 =	vsel vm0, s22, v30;
	s22 =	smov.u32 s17;
	s17 =	smov.u32 s14;
	s14 =	smov.u32 s13  }
0x2b1: {  	s13 =	smov.u32 s25;
	[tilespmem:$0x2B00] =	vst v26  }
0x2b2: {  	v26 =	vld [tilespmem:s20+$0x100]  }
0x2b3: {  	s25 =	sshll.u32 s22, $0x6;
	v27 =	vld [tilespmem:s20+$0x0]  }
0x2b4: {  	s25 =	sand.u32 $0x3FFFFE00, s25;
	v28 =	vld [tilespmem:s20+$0x80]  }
0x2b5: {  	s25 =	sor.u32 s21, s25;
	s21 =	smov.u32 s18;
	s18 =	smov.u32 s24;
	v29 =	vld [tilespmem:s20+$0x180]  }
0x2b6: {  	v30 =	vld [tilespmem:s25+$0x2180]  }
0x2b7: {  	v31 =	vld [tilespmem:s20+$0x200]  }
0x2b8: {  	v27 =	vmul.f32 v23, v27;
	v32 =	vld [tilespmem:s25+$0x2080]  }
0x2b9: {  	v28 =	vmul.f32 v25, v28;
	v33 =	vld [tilespmem:s20+$0x280]  }
0x2ba: {  	v34 =	vmul.f32 v24, v26;
	v35 =	vld [tilespmem:s25+$0x2100]  }
0x2bb: {  	v27 =	vadd.f32 v28, v27;
	v36 =	vld [tilespmem:s25+$0x2000];
	v26 =	vsub.f32 v3, v30  }
0x2bc: {  	v28 =	vmul.f32 v22, v29;
	v37 =	vmin.f32 v30, v3;
	v29 =	vld [tilespmem:s20+$0x380]  }
0x2bd: {  	v27 =	vadd.f32 v34, v27;
	v34 =	vld [tilespmem:s20+$0x300];
	v30 =	vsub.f32 v30, v32;
	v38 =	vmax.f32 v32, v8  }
0x2be: {  	v31 =	vmul.f32 v18, v31;
	v39 =	vsub.f32 v8, v32;
	v32 =	vsub.f32 v37, v38  }
0x2bf: {  	v33 =	vmul.f32 v19, v33;
	v28 =	vadd.f32 v28, v27;
	v27 =	vsub.f32 v4, v35  }
0x2c0: {  	v37 =	vsub.f32 v35, v36;
	v35 =	vmin.f32 v35, v4;
	v38 =	vmax.f32 v36, v5  }
0x2c1: {  	v28 =	vadd.f32 v31, v28;
	v29 =	vmul.f32 v14, v29;
	v31 =	vld [tilespmem:s20+$0x1000];
	v35 =	vsub.f32 v35, v38  }
0x2c2: {  	v30 =	vmax.f32 v30, $0.0e+00;
	v34 =	vmul.f32 v15, v34;
	v37 =	vmax.f32 v37, $0.0e+00  }
0x2c3: {  	v28 =	vadd.f32 v33, v28;
	v38 =	vld [tilespmem:s20+$0x1080];
	v40 =	vmul.f32 v30, v37;
	v41 =	vmax.f32 v35, $0.0e+00  }
0x2c4: {  	v42 =	vmax.f32 v32, $0.0e+00;
	v37 =	vadd.f32 v37, v16;
	v30 =	vadd.f32 v30, v17  }
.Ltmp4:
0x2c5: {  	v34 =	vadd.f32 v34, v28;
	v33 =	vld [tilespmem:s20+$0x1100];
	v28 =	vmul.f32 v42, v41;
	v40 =	vadd.f32 v40, v21;
	(pc) =	sbr.rel @p0 .LBB2_11-.Ltmp4, $4  }
0x2c6: {  	v37 =	vsub.f32 v37, v35;
	v30 =	vsub.f32 v30, v32;
	v41 =	vmul.f32 v13, v31  }
0x2c7: {  	v31 =	vand.u32 $0x7FFFFFFF, v39;
	v34 =	vadd.f32 v29, v34;
	v32 =	vld [tilespmem:s20+$0x1180];
	v29 =	vsub.f32 v40, v28  }
0x2c8: {  	v36 =	vsub.f32 v5, v36;
	v30 =	vmul.f32 v30, v37;
	v35 =	vmul.f32 v12, v38  }
0x2c9: {  	s24 =	smov.u32 s23;
	v37 =	vadd.f32 v41, v34;
	v34 =	vld [tilespmem:s20+$0x1200];
	vm0 =	vgt.f32 v29, $0.0e+00  }
0x2ca: {  	_ = 	snop  }
0x2cb: {  	v33 =	vmul.f32 v11, v33;
	v35 =	vadd.f32 v35, v37  }
0x2cc: {  	v40 =	vld [tilespmem:s20+$0x1280];
	v38 =	vnsel vm0, $0x3F800000, v29  }
0x2cd: {  	(erf) = vrcp.f32 v38;
	v32 =	vmul.f32 v10, v32;
	v33 =	vadd.f32 v33, v35  }
0x2ce: {  	v41 =	vand.u32 $0x7FFFFFFF, v36;
	v42 =	vld [tilespmem:s20+$0x1300]  }
0x2cf: {  	vm5 =	vgt.f32 v30, $0.0e+00;
	v34 =	vmul.f32 v9, v34;
	v32 =	vadd.f32 v32, v33  }
0x2d0: {  	v43 =	vld [tilespmem:s20+$0x1380];
	v31 =	vadd.f32 v31, v41;
	v44 =	vnsel vm5, $0x3F800000, v30  }
0x2d1: {  	(erf) = vrcp.f32 v44;
	v37 =	vmul.f32 v6, v40;
	v32 =	vadd.f32 v34, v32  }
0x2d2: {  	v27 =	vand.u32 $0x7FFFFFFF, v27  }
0x2d3: {  	v27 =	vadd.f32 v27, v31;
	v45 =	vmul.f32 v7, v42;
	v32 =	vadd.f32 v37, v32  }
0x2d4: {  	v26 =	vand.u32 $0x7FFFFFFF, v26  }
0x2d5: {  	v26 =	vadd.f32 v26, v27;
	v46 =	vmul.f32 v20, v43;
	v31 =	vadd.f32 v45, v32  }
0x2d6: {  	v47 =	vpop (erf)  }
0x2d7: {  	v26 =	vmul.f32 $2.500000000e+00, v26;
	v28 =	vmul.f32 v47, v28;
	v27 =	vadd.f32 v46, v31  }
0x2d8: {  	v48 =	vsub.f32 v30, v29  }
0x2d9: {  	v28 =	vsub.f32 $1.000000000e+00, v28;
	v26 =	vadd.f32 v26, v27  }
0x2da: {  	v49 =	vld [tilespmem:$0x2A80];
	v50 =	vpop (erf)  }
0x2db: {  	v51 =	vld [tilespmem:$0x2B00];
	v29 =	vmul.f32 v50, v48;
	v26 =	vadd.f32 v28, v26;
	_ =	sdelay $0x1  }
0x2dc: {  	v26 =	vadd.f32 v26, v29;
	_ =	sdelay $0x1  }
0x2dd: {  	vm6 =	vlt.f32 v26, v49;
	v26 =	vmin.f32 v26, v49  }
0x2de: {  	[tilespmem:$0x2A80] =	vst v26;
	v52 =	vsel vm6, s22, v51  }
0x2df: {  	[tilespmem:$0x2B00] =	vst v52  }
0x2e0: {  	v53 =	vld [tilespmem:s19+$0x0]  }
0x2e1: {  	v54 =	vld [tilespmem:s19+$0x80]  }
0x2e2: {  	v26 =	vld [tilespmem:s19+$0x100]  }
0x2e3: {  	s22 =	sshll.u32 s17, $0x6;
	v55 =	vld [tilespmem:s19+$0x180]  }
0x2e4: {  	s20 =	sand.u32 $0x3FFFFE00, s22;
	v56 =	vld [tilespmem:s19+$0x200]  }
0x2e5: {  	s20 =	sor.u32 s21, s20;
	v58 =	vld [tilespmem:s19+$0x280]  }
0x2e6: {  	v30 =	vld [tilespmem:s20+$0x2180];
	v27 =	vmul.f32 v23, v53;
	v28 =	vmul.f32 v25, v54  }
0x2e7: {  	v34 =	vld [tilespmem:s20+$0x2100]  }
0x2e8: {  	v59 =	vld [tilespmem:s20+$0x2000];
	v26 =	vmul.f32 v24, v26;
	v27 =	vadd.f32 v28, v27  }
0x2e9: {  	v57 =	vld [tilespmem:s20+$0x2080]  }
0x2ea: {  	v29 =	vmul.f32 v22, v55;
	v26 =	vadd.f32 v26, v27  }
0x2eb: {  	v60 =	vld [tilespmem:s19+$0x300]  }
0x2ec: {  	v31 =	vmul.f32 v18, v56;
	v26 =	vadd.f32 v29, v26  }
0x2ed: {  	v62 =	vld [tilespmem:s19+$0x380];
	v33 =	vmul.f32 v19, v58;
	v61 =	vmin.f32 v30, v3;
	v45 =	vsub.f32 v34, v59  }
0x2ee: {  	v63 =	vsub.f32 v30, v57;
	v44 =	vmax.f32 v57, v8;
	v26 =	vadd.f32 v31, v26  }
0x2ef: {  	v46 =	vld [tilespmem:s19+$0x1000];
	v39 =	vmin.f32 v34, v4;
	v40 =	vmax.f32 v59, v5;
	v38 =	vmax.f32 v45, $0.0e+00  }
0x2f0: {  	v37 =	vmax.f32 v63, $0.0e+00;
	v27 =	vmul.f32 v15, v60;
	v26 =	vadd.f32 v33, v26  }
0x2f1: {  	v49 =	vld [tilespmem:s19+$0x1080];
	v47 =	vsub.f32 v39, v40;
	v50 =	vmul.f32 v37, v38;
	v29 =	vsub.f32 v61, v44  }
0x2f2: {  	v52 =	vld [tilespmem:s19+$0x1100];
	v48 =	vmul.f32 v14, v62;
	v26 =	vadd.f32 v27, v26  }
0x2f3: {  	v40 =	vmax.f32 v47, $0.0e+00;
	v39 =	vadd.f32 v50, v21;
	v41 =	vmax.f32 v29, $0.0e+00  }
0x2f4: {  	v54 =	vld [tilespmem:s19+$0x1180];
	v31 =	vmul.f32 v13, v46;
	v40 =	vmul.f32 v41, v40;
	v26 =	vadd.f32 v48, v26  }
0x2f5: {  	v53 =	vadd.f32 v38, v16;
	v37 =	vadd.f32 v37, v17  }
0x2f6: {  	v36 =	vmul.f32 v12, v49;
	v56 =	vld [tilespmem:s19+$0x1200];
	v39 =	vsub.f32 v39, v40;
	v26 =	vadd.f32 v31, v26  }
0x2f7: {  	v32 =	vmul.f32 v11, v52;
	v51 =	vsub.f32 v8, v57;
	v55 =	vsub.f32 v53, v47  }
0x2f8: {  	v29 =	vsub.f32 v37, v29;
	vm7 =	vgt.f32 v39, $0.0e+00;
	v26 =	vadd.f32 v36, v26  }
0x2f9: {  	v57 =	vld [tilespmem:s19+$0x1280];
	v28 =	vsub.f32 v5, v59;
	v59 =	vmul.f32 v10, v54;
	v58 =	vnsel vm7, $0x3F800000, v39  }
0x2fa: {  	v29 =	vmul.f32 v29, v55;
	(erf) = vrcp.f32 v58;
	v26 =	vadd.f32 v32, v26  }
0x2fb: {  	v28 =	vand.u32 $0x7FFFFFFF, v28;
	v60 =	vld [tilespmem:s19+$0x1300];
	v33 =	vmul.f32 v9, v56  }
0x2fc: {  	v27 =	vand.u32 $0x7FFFFFFF, v51;
	vm8 =	vgt.f32 v29, $0.0e+00;
	v26 =	vadd.f32 v59, v26  }
0x2fd: {  	v34 =	vsub.f32 v4, v34;
	v61 =	vld [tilespmem:s19+$0x1380];
	v27 =	vadd.f32 v27, v28;
	v62 =	vnsel vm8, $0x3F800000, v29  }
0x2fe: {  	v31 =	vmul.f32 v6, v57;
	(erf) = vrcp.f32 v62;
	v26 =	vadd.f32 v33, v26  }
0x2ff: {  	v30 =	vsub.f32 v3, v30;
	v63 =	vand.u32 $0x7FFFFFFF, v34  }
0x300: {  	v27 =	vadd.f32 v63, v27;
	v32 =	vmul.f32 v7, v60;
	v26 =	vadd.f32 v31, v26  }
0x301: {  	v30 =	vand.u32 $0x7FFFFFFF, v30  }
0x302: {  	v28 =	vmul.f32 v20, v61;
	v27 =	vadd.f32 v30, v27;
	v26 =	vadd.f32 v32, v26  }
0x303: {  	v34 =	vpop (erf)  }
0x304: {  	v27 =	vmul.f32 $2.500000000e+00, v27;
	v30 =	vmul.f32 v34, v40;
	v26 =	vadd.f32 v28, v26  }
0x305: {  	v35 =	vsub.f32 v29, v39  }
0x306: {  	v36 =	vsub.f32 $1.000000000e+00, v30;
	v26 =	vadd.f32 v27, v26  }
0x307: {  	v37 =	vld [tilespmem:$0x2A80];
	v38 =	vpop (erf)  }
0x308: {  	v39 =	vld [tilespmem:$0x2B00];
	v28 =	vmul.f32 v38, v35;
	v26 =	vadd.f32 v36, v26;
	_ =	sdelay $0x1  }
0x309: {  	v26 =	vadd.f32 v26, v28;
	_ =	sdelay $0x1  }
0x30a: {  	vm9 =	vlt.f32 v26, v37;
	v26 =	vmin.f32 v26, v37  }
0x30b: {  	[tilespmem:$0x2A80] =	vst v26;
	v40 =	vsel vm9, s17, v39  }
0x30c: {  	[tilespmem:$0x2B00] =	vst v40  }
0x30d: {  	v41 =	vld [tilespmem:s16+$0x0]  }
0x30e: {  	s23 =	sshll.u32 s14, $0x6;
	v42 =	vld [tilespmem:s16+$0x80]  }
0x30f: {  	s17 =	sand.u32 $0x3FFFFE00, s23;
	v26 =	vld [tilespmem:s16+$0x100]  }
0x310: {  	s17 =	sor.u32 s18, s17;
	v43 =	vld [tilespmem:s16+$0x180]  }
0x311: {  	v30 =	vld [tilespmem:s17+$0x2180]  }
0x312: {  	v44 =	vld [tilespmem:s16+$0x200]  }
0x313: {  	v45 =	vld [tilespmem:s17+$0x2080];
	v27 =	vmul.f32 v23, v41;
	v28 =	vmul.f32 v25, v42  }
0x314: {  	v34 =	vld [tilespmem:s17+$0x2100]  }
0x315: {  	v47 =	vld [tilespmem:s17+$0x2000];
	v26 =	vmul.f32 v24, v26;
	v27 =	vadd.f32 v28, v27  }
0x316: {  	v46 =	vld [tilespmem:s16+$0x280]  }
0x317: {  	v29 =	vmul.f32 v22, v43;
	v26 =	vadd.f32 v26, v27  }
0x318: {  	v48 =	vld [tilespmem:s16+$0x300]  }
0x319: {  	v31 =	vmul.f32 v18, v44;
	v26 =	vadd.f32 v29, v26  }
0x31a: {  	v50 =	vld [tilespmem:s16+$0x380];
	v49 =	vmin.f32 v30, v3;
	v51 =	vsub.f32 v30, v45;
	v53 =	vsub.f32 v34, v47  }
0x31b: {  	v52 =	vmax.f32 v45, v8;
	v33 =	vmul.f32 v19, v46;
	v26 =	vadd.f32 v31, v26  }
0x31c: {  	v56 =	vld [tilespmem:s16+$0x1000];
	v54 =	vmin.f32 v34, v4;
	v55 =	vmax.f32 v47, v5;
	v38 =	vmax.f32 v53, $0.0e+00  }
0x31d: {  	v37 =	vmax.f32 v51, $0.0e+00;
	v27 =	vmul.f32 v15, v48;
	v26 =	vadd.f32 v33, v26  }
0x31e: {  	v59 =	vld [tilespmem:s16+$0x1080];
	v57 =	vsub.f32 v54, v55;
	v60 =	vmul.f32 v37, v38;
	v29 =	vsub.f32 v49, v52  }
0x31f: {  	v63 =	vld [tilespmem:s16+$0x1100];
	v58 =	vmul.f32 v14, v50;
	v26 =	vadd.f32 v27, v26  }
0x320: {  	v40 =	vmax.f32 v57, $0.0e+00;
	v39 =	vadd.f32 v60, v21;
	v61 =	vmax.f32 v29, $0.0e+00  }
0x321: {  	v44 =	vld [tilespmem:s16+$0x1180];
	v31 =	vmul.f32 v13, v56;
	v40 =	vmul.f32 v61, v40;
	v26 =	vadd.f32 v58, v26  }
0x322: {  	v43 =	vadd.f32 v38, v16;
	v37 =	vadd.f32 v37, v17  }
0x323: {  	v36 =	vmul.f32 v12, v59;
	v46 =	vld [tilespmem:s16+$0x1200];
	v39 =	vsub.f32 v39, v40;
	v26 =	vadd.f32 v31, v26  }
0x324: {  	v62 =	vsub.f32 v8, v45;
	v32 =	vmul.f32 v11, v63;
	v45 =	vsub.f32 v43, v57  }
0x325: {  	v29 =	vsub.f32 v37, v29;
	vm10 =	vgt.f32 v39, $0.0e+00;
	v26 =	vadd.f32 v36, v26  }
0x326: {  	v28 =	vsub.f32 v5, v47;
	v47 =	vld [tilespmem:s16+$0x1280];
	v49 =	vmul.f32 v10, v44;
	v48 =	vnsel vm10, $0x3F800000, v39  }
0x327: {  	v29 =	vmul.f32 v29, v45;
	(erf) = vrcp.f32 v48;
	v26 =	vadd.f32 v32, v26  }
0x328: {  	v50 =	vld [tilespmem:s16+$0x1300];
	v28 =	vand.u32 $0x7FFFFFFF, v28;
	v33 =	vmul.f32 v9, v46  }
0x329: {  	v27 =	vand.u32 $0x7FFFFFFF, v62;
	vm11 =	vgt.f32 v29, $0.0e+00;
	v26 =	vadd.f32 v49, v26  }
0x32a: {  	v34 =	vsub.f32 v4, v34;
	v51 =	vld [tilespmem:s16+$0x1380];
	v27 =	vadd.f32 v27, v28;
	v52 =	vnsel vm11, $0x3F800000, v29  }
0x32b: {  	v31 =	vmul.f32 v6, v47;
	(erf) = vrcp.f32 v52;
	v26 =	vadd.f32 v33, v26  }
0x32c: {  	v30 =	vsub.f32 v3, v30;
	v53 =	vand.u32 $0x7FFFFFFF, v34  }
0x32d: {  	v27 =	vadd.f32 v53, v27;
	v32 =	vmul.f32 v7, v50;
	v26 =	vadd.f32 v31, v26  }
0x32e: {  	v30 =	vand.u32 $0x7FFFFFFF, v30  }
0x32f: {  	v28 =	vmul.f32 v20, v51;
	v27 =	vadd.f32 v30, v27;
	v26 =	vadd.f32 v32, v26  }
0x330: {  	v54 =	vpop (erf)  }
0x331: {  	v27 =	vmul.f32 $2.500000000e+00, v27;
	v30 =	vmul.f32 v54, v40;
	v26 =	vadd.f32 v28, v26  }
0x332: {  	v55 =	vsub.f32 v29, v39  }
0x333: {  	v56 =	vsub.f32 $1.000000000e+00, v30;
	v26 =	vadd.f32 v27, v26  }
0x334: {  	v57 =	vld [tilespmem:$0x2A80];
	v58 =	vpop (erf)  }
0x335: {  	v59 =	vld [tilespmem:$0x2B00];
	v28 =	vmul.f32 v58, v55;
	v26 =	vadd.f32 v56, v26;
	_ =	sdelay $0x1  }
0x336: {  	v26 =	vadd.f32 v26, v28;
	_ =	sdelay $0x1  }
0x337: {  	s24 =	sshll.u32 s13, $0x7;
	s15 =	sadd.s32 $0x10, s15;
	vm12 =	vlt.f32 v26, v57;
	v26 =	vmin.f32 v26, v57  }
0x338: {  	s15 =	sand.u32 $0x70, s15;
	s16 =	sand.u32 $0x3FFFFC00, s24;
	[tilespmem:$0x2A80] =	vst v26;
	v60 =	vsel vm12, s14, v59  }
0x339: {  	s25 =	sor.u32 s15, s16;
	[tilespmem:$0x2B00] =	vst v60  }
0x33a: {  	v26 =	vld [tilespmem:s25+$0x100]  }
0x33b: {  	s26 =	sshll.u32 s13, $0x6;
	v61 =	vld [tilespmem:s25+$0x0]  }
0x33c: {  	s16 =	sand.u32 $0x3FFFFE00, s26;
	v62 =	vld [tilespmem:s25+$0x80]  }
0x33d: {  	s15 =	sor.u32 s15, s16;
	v63 =	vld [tilespmem:s25+$0x180]  }
0x33e: {  	v30 =	vld [tilespmem:s15+$0x2180]  }
0x33f: {  	v36 =	vld [tilespmem:s25+$0x200]  }
0x340: {  	v37 =	vld [tilespmem:s15+$0x2080]  }
0x341: {  	v40 =	vld [tilespmem:s25+$0x280];
	v38 =	vmul.f32 v23, v61;
	v39 =	vmul.f32 v25, v62  }
0x342: {  	v28 =	vld [tilespmem:s15+$0x2100]  }
0x343: {  	v43 =	vld [tilespmem:s25+$0x300];
	v41 =	vmul.f32 v24, v26;
	v23 =	vadd.f32 v39, v38  }
0x344: {  	v45 =	vld [tilespmem:s25+$0x380]  }
0x345: {  	v25 =	vld [tilespmem:s15+$0x2000];
	v42 =	vmul.f32 v22, v63;
	v23 =	vadd.f32 v41, v23;
	_ =	sdelay $0x1  }
0x346: {  	v47 =	vmul.f32 v18, v36;
	v22 =	vadd.f32 v42, v23  }
0x347: {  	v44 =	vmin.f32 v30, v3;
	v46 =	vsub.f32 v30, v37;
	v48 =	vmax.f32 v37, v8  }
0x348: {  	v54 =	vld [tilespmem:s25+$0x1000];
	v49 =	vmul.f32 v19, v40;
	v51 =	vmin.f32 v28, v4;
	v18 =	vadd.f32 v47, v22  }
0x349: {  	v56 =	vmul.f32 v15, v43;
	v59 =	vmul.f32 v14, v45;
	v50 =	vsub.f32 v28, v25  }
0x34a: {  	v53 =	vsub.f32 v44, v48;
	v52 =	vmax.f32 v25, v5;
	v18 =	vadd.f32 v49, v18  }
0x34b: {  	v60 =	vld [tilespmem:s25+$0x1080];
	v58 =	vmax.f32 v46, $0.0e+00;
	v55 =	vsub.f32 v51, v52;
	v57 =	vmax.f32 v50, $0.0e+00  }
0x34c: {  	v34 =	vld [tilespmem:s25+$0x1100];
	v63 =	vsub.f32 v8, v37;
	v61 =	vmul.f32 v58, v57;
	v15 =	vadd.f32 v56, v18  }
0x34d: {  	v36 =	vmul.f32 v13, v54;
	v62 =	vmax.f32 v53, $0.0e+00;
	v31 =	vmax.f32 v55, $0.0e+00  }
0x34e: {  	v39 =	vld [tilespmem:s25+$0x1180];
	v31 =	vmul.f32 v62, v31;
	v35 =	vadd.f32 v61, v21;
	v14 =	vadd.f32 v59, v15  }
0x34f: {  	v38 =	vadd.f32 v58, v17;
	v37 =	vadd.f32 v57, v16  }
0x350: {  	v40 =	vmul.f32 v12, v60;
	v43 =	vld [tilespmem:s25+$0x1200];
	v21 =	vsub.f32 v35, v31;
	v13 =	vadd.f32 v36, v14  }
0x351: {  	v44 =	vmul.f32 v11, v34;
	v42 =	vsub.f32 v38, v53  }
0x352: {  	v41 =	vsub.f32 v37, v55;
	vm13 =	vgt.f32 v21, $0.0e+00;
	v12 =	vadd.f32 v40, v13  }
0x353: {  	v45 =	vsub.f32 v5, v25;
	v47 =	vld [tilespmem:s25+$0x1280];
	v49 =	vmul.f32 v10, v39;
	v48 =	vnsel vm13, $0x3F800000, v21  }
0x354: {  	v46 =	vmul.f32 v42, v41;
	(erf) = vrcp.f32 v48;
	v11 =	vadd.f32 v44, v12  }
0x355: {  	v8 =	vand.u32 $0x7FFFFFFF, v63;
	v51 =	vmul.f32 v9, v43;
	v50 =	vld [tilespmem:s25+$0x1300]  }
0x356: {  	v5 =	vand.u32 $0x7FFFFFFF, v45;
	vm14 =	vgt.f32 v46, $0.0e+00;
	v10 =	vadd.f32 v49, v11  }
0x357: {  	v52 =	vsub.f32 v4, v28;
	v53 =	vld [tilespmem:s25+$0x1380];
	v5 =	vadd.f32 v8, v5;
	v54 =	vnsel vm14, $0x3F800000, v46  }
0x358: {  	v55 =	vmul.f32 v6, v47;
	(erf) = vrcp.f32 v54;
	v9 =	vadd.f32 v51, v10  }
0x359: {  	v3 =	vsub.f32 v3, v30;
	v4 =	vand.u32 $0x7FFFFFFF, v52  }
0x35a: {  	v4 =	vadd.f32 v4, v5;
	v56 =	vmul.f32 v7, v50;
	v6 =	vadd.f32 v55, v9  }
0x35b: {  	v3 =	vand.u32 $0x7FFFFFFF, v3  }
0x35c: {  	v57 =	vmul.f32 v20, v53;
	v3 =	vadd.f32 v3, v4;
	v5 =	vadd.f32 v56, v6  }
0x35d: {  	v58 =	vpop (erf)  }
0x35e: {  	v3 =	vmul.f32 $2.500000000e+00, v3;
	v6 =	vmul.f32 v58, v31;
	v4 =	vadd.f32 v57, v5  }
0x35f: {  	v59 =	vsub.f32 v46, v21  }
0x360: {  	v6 =	vsub.f32 $1.000000000e+00, v6;
	v3 =	vadd.f32 v3, v4  }
0x361: {  	v60 =	vld [tilespmem:$0x2A80];
	v61 =	vpop (erf)  }
0x362: {  	v5 =	vmul.f32 v61, v59;
	v3 =	vadd.f32 v6, v3;
	_ =	sdelay $0x1  }
0x363: {  	v3 =	vadd.f32 v3, v5;
	_ =	sdelay $0x1  }
0x364: {  	v62 =	vld [tilespmem:$0x2B00];
	v63 =	vmin.f32 v3, v60  }
0x365: {  	[tilespmem:$0x2A80] =	vst v63  }
0x366: {  	v6 =	vld [tilespmem:$0x2A80];
	_ =	sdelay $0x1  }
0x367: {  	vm15 =	vlt.f32 v3, v60  }
0x368: {  	v3 =	vsel vm15, s13, v62  }
0x369: {  	[tilespmem:$0x2B00] =	vst v3  }
0x36a: {  	[tilespmem:s12+$0x2B80] =	vst v6  }
0x36b: {  	v3 =	vld [tilespmem:$0x2B00]  }
0x36c: {  	s11 =	sadd.s32 $0x1, s11  }
0x36d: {  	p0 =	sne.s32 s11, $0x20  }
.Ltmp5:
0x36e: {  	_ = 	snop;
	(pc) =	sbr.rel @p0 .LBB2_10-.Ltmp5, $4  }
0x36f: {  	_ = 	snop  }
0x370: {  	v3 =	vshll.u32 v3, $0x4  }
0x371: {  	v3 =	vadd.s32 v3, v0  }
0x372: {  	[tilespmem:s12+$0x2D80] =	vst v3  }
0x373: {  	s10 =	rddreg [dreg:$0x10]  }
0x374: {  	[hbm4b:s10+s1] =	stream.strided.scatter [tilespmem:s7], [sflag:$0x1], $0x200, s2, s1, $0x38;
	[tilespmem:$0x2F80] =	vst v63  }
0x375: {  	_ =	swait.ge [sflag:s31], $0x200  }
0x376: {  	[sflag:s31] =	ssyncset.done $0x0  }
0x377: {  	s24 =	rddreg [dreg:$0x11];
	[sflag:s31] =	ssyncadd.s32 $0xFFFFFE00  }
0x378: {  	[hbm4b:s24+s1] =	stream.strided.scatter [tilespmem:s8], [sflag:$0x1], $0x200, s2, s1, $0x38;
	[tilespmem:$0x2F80] =	vst v63  }
0x379: {  	_ =	swait.ge [sflag:s31], $0x200  }
0x37a: {  	[sflag:s31] =	ssyncset.done $0x0  }
0x37b: {  	s10 =	simm.s32 $0x0;
	s11 =	rddreg [dreg:$0x15];
	[sflag:s31] =	ssyncadd.s32 $0xFFFFFE00  }
0x37c: {  	[tilespmem:s10], [sflag:$0x1] =	stream.strided.gather [hbm4b:s11+s29], $0x2000, s30, s29, $0x38;
	[tilespmem:$0x2F80] =	vst v63  }
0x37d: {  	_ =	swait.ge [sflag:s31], $0x2000  }
0x37e: {  	[sflag:s31] =	ssyncset.done $0x0  }
0x37f: {  	s25 =	rddreg [dreg:$0x19];
	[sflag:s31] =	ssyncadd.s32 $0xFFFFE000  }
0x380: {  	[tilespmem:s0], [sflag:$0x1] =	stream.linear.gather [hbm4b:s25+s10], $0x800, $0x38;
	[tilespmem:$0x2F80] =	vst v63  }
0x381: {  	_ =	swait.ge [sflag:s31], $0x800  }
0x382: {  	[sflag:s31] =	ssyncset.done $0x0  }
0x383: {  	s26 =	rddreg [dreg:$0x16];
	[sflag:s31] =	ssyncadd.s32 $0xFFFFF800  }
0x384: {  	[tilespmem:s4], [sflag:$0x1] =	stream.strided.gather [hbm4b:s26+s1], $0x200, s2, s1, $0x38;
	[tilespmem:$0x2F80] =	vst v63  }
0x385: {  	_ =	swait.ge [sflag:s31], $0x200  }
0x386: {  	[sflag:s31] =	ssyncset.done $0x0  }
0x387: {  	[sflag:s31] =	ssyncadd.s32 $0xFFFFFE00  }
0x388: {  	[tilespmem:s5], [sflag:$0x1] =	stream.linear.gather [hbm4b:s28+s10], $0x80, $0x38;
	[tilespmem:$0x2F80] =	vst v63  }
0x389: {  	_ =	swait.ge [sflag:s31], $0x80  }
0x38a: {  	[sflag:s31] =	ssyncset.done $0x0  }
0x38b: {  	s11 =	simm.s32 $0x0;
	[sflag:s31] =	ssyncadd.s32 $0xFFFFFF80  }
.LBB2_14:
0x38c: {  	[tilespmem:$0x2A80] =	vst v1  }
0x38d: {  	s12 =	sshll.u32 s11, $0x4;
	[tilespmem:$0x2B00] =	vst v2  }
0x38e: {  	v9 =	vld.msk [tilespmem:s12+$0x2800], $0x1  }
0x38f: {  	v10 =	vld.msk [tilespmem:s12+$0x2801], $0x1  }
0x390: {  	v11 =	vld.msk [tilespmem:s12+$0x2802], $0x1  }
0x391: {  	v12 =	vld.msk [tilespmem:s12+$0x2803], $0x1  }
0x392: {  	v13 =	vld.msk [tilespmem:s12+$0x2804], $0x1  }
0x393: {  	v14 =	vld.msk [tilespmem:s12+$0x2805], $0x1  }
0x394: {  	v15 =	vld.msk [tilespmem:s12+$0x2806], $0x1  }
0x395: {  	v16 =	vld.msk [tilespmem:s12+$0x2807], $0x1  }
0x396: {  	v17 =	vld.msk [tilespmem:s12+$0x2808], $0x1  }
0x397: {  	v20 =	vld.msk [tilespmem:s12+$0x2809], $0x1  }
0x398: {  	v21 =	vld.msk [tilespmem:s12+$0x280A], $0x1  }
0x399: {  	s13 =	sshrl.u32 s12, $0x2;
	v26 =	vld.msk [tilespmem:s12+$0x280B], $0x1  }
0x39a: {  	v3 =	vld.msk [tilespmem:s13+$0x2A00], $0x1  }
0x39b: {  	v4 =	vld.msk [tilespmem:s13+$0x2A01], $0x1  }
0x39c: {  	s24 =	simm.s32 $0x0;
	v6 =	vld.msk [tilespmem:s13+$0x2A02], $0x1  }
0x39d: {  	s14 =	sand.u32 $0x70, s10;
	v7 =	vld.msk [tilespmem:s13+$0x2A03], $0x1;
	s13 =	sand.u32 $0x3FFFFC00, s24  }
0x39e: {  	v27 =	vld.msk [tilespmem:s12+$0x280C], $0x1;
	s20 =	sor.u32 s14, s13  }
0x39f: {  	v28 =	vld [tilespmem:s20+$0x100];
	v23 =	vperm.xlane v9, v2  }
0x3a0: {  	v29 =	vld [tilespmem:s20+$0x0];
	v25 =	vperm.xlane v10, v2;
	v24 =	vperm.xlane v11, v2  }
0x3a1: {  	v30 =	vld [tilespmem:s20+$0x80];
	v22 =	vperm.xlane v12, v2;
	v18 =	vperm.xlane v13, v2  }
0x3a2: {  	s25 =	simm.s32 $0x0;
	v31 =	vld [tilespmem:s20+$0x180];
	v19 =	vperm.xlane v14, v2;
	v15 =	vperm.xlane v15, v2  }
0x3a3: {  	s13 =	sand.u32 $0x3FFFFE00, s25;
	v35 =	vld [tilespmem:s20+$0x380];
	v14 =	vperm.xlane v16, v2;
	v13 =	vperm.xlane v17, v2  }
0x3a4: {  	s13 =	sor.u32 s14, s13;
	v58 =	vld [tilespmem:s20+$0x1000];
	v12 =	vperm.xlane v20, v2;
	v11 =	vperm.xlane v21, v2  }
0x3a5: {  	v32 =	vld [tilespmem:s13+$0x2080];
	v10 =	vperm.xlane v26, v2;
	v9 =	vperm.xlane v27, v2  }
0x3a6: {  	v33 =	vld [tilespmem:s13+$0x2100];
	v5 =	vperm.xlane v3, v2;
	v8 =	vperm.xlane v4, v2  }
0x3a7: {  	v34 =	vld [tilespmem:s13+$0x2000];
	v4 =	vperm.xlane v6, v2;
	v3 =	vperm.xlane v7, v2  }
0x3a8: {  	v20 =	vld [tilespmem:s13+$0x2180];
	v26 =	vmul.f32 v23, v29;
	v29 =	vmul.f32 v25, v30  }
0x3a9: {  	v27 =	vld [tilespmem:s20+$0x200];
	v16 =	vsub.f32 v4, v5;
	v28 =	vmul.f32 v24, v28;
	v31 =	vmul.f32 v22, v31  }
0x3aa: {  	v17 =	vsub.f32 v3, v8;
	v35 =	vmul.f32 v14, v35;
	v62 =	vmul.f32 v13, v58  }
0x3ab: {  	v37 =	vmax.f32 v32, v8;
	v39 =	vsub.f32 v8, v32;
	v29 =	vadd.f32 v29, v26  }
0x3ac: {  	v30 =	vld [tilespmem:s20+$0x280];
	v56 =	vmax.f32 v34, v5;
	v16 =	vmax.f32 v16, $0.0e+00;
	v17 =	vmax.f32 v17, $0.0e+00  }
0x3ad: {  	v26 =	vsub.f32 v3, v20;
	v36 =	vmin.f32 v20, v3;
	v28 =	vadd.f32 v28, v29  }
0x3ae: {  	v20 =	vsub.f32 v20, v32;
	v38 =	vmul.f32 v18, v27;
	v27 =	vsub.f32 v4, v33;
	v29 =	vld [tilespmem:s20+$0x300]  }
0x3af: {  	v21 =	vmul.f32 v17, v16;
	v55 =	vsub.f32 v36, v37;
	v28 =	vadd.f32 v31, v28  }
0x3b0: {  	v57 =	vld.msk [tilespmem:s12+$0x280F], $0x1;
	v36 =	vsub.f32 v5, v34;
	v20 =	vmax.f32 v20, $0.0e+00;
	v31 =	vsub.f32 v33, v34  }
0x3b1: {  	v6 =	vld.msk [tilespmem:s12+$0x280D], $0x1;
	v30 =	vmul.f32 v19, v30;
	v33 =	vmin.f32 v33, v4;
	v28 =	vadd.f32 v38, v28  }
0x3b2: {  	v7 =	vld.msk [tilespmem:s12+$0x280E], $0x1;
	v41 =	vmax.f32 v55, $0.0e+00;
	v33 =	vsub.f32 v33, v56;
	v31 =	vmax.f32 v31, $0.0e+00  }
0x3b3: {  	v29 =	vmul.f32 v15, v29;
	v59 =	vmul.f32 v20, v31;
	v28 =	vadd.f32 v30, v28;
	v30 =	vld [tilespmem:s20+$0x1080]  }
0x3b4: {  	v42 =	vadd.f32 v20, v17;
	v40 =	vmax.f32 v33, $0.0e+00;
	v31 =	vadd.f32 v31, v16  }
0x3b5: {  	s17 =	simm.s32 $0x1;
	s15 =	simm.s32 $0x10;
	s16 =	simm.s32 $0x80;
	v38 =	vadd.f32 v59, v21;
	v29 =	vadd.f32 v29, v28;
	v28 =	vmul.f32 v41, v40  }
0x3b6: {  	s22 =	simm.s32 $0x100;
	s21 =	sand.u32 $0x70, s15;
	s16 =	sand.u32 $0x3FFFFC00, s16;
	v6 =	vperm.xlane v6, v2;
	v61 =	vsub.f32 v42, v55;
	v60 =	vsub.f32 v31, v33;
	v33 =	vld [tilespmem:s20+$0x1100]  }
0x3b7: {  	s15 =	simm.s32 $0x20;
	s26 =	sand.u32 $0x3FFFFC00, s22;
	s22 =	simm.s32 $0x0;
	v7 =	vperm.xlane v7, v2;
	v63 =	vadd.f32 v35, v29;
	v29 =	vsub.f32 v38, v28  }
0x3b8: {  	s19 =	sor.u32 s21, s16;
	s18 =	sand.u32 $0x70, s15;
	s24 =	simm.s32 $0x4;
	v32 =	vld [tilespmem:s20+$0x1180];
	v20 =	vperm.xlane v57, v2;
	v31 =	vand.u32 $0x7FFFFFFF, v39;
	v35 =	vmul.f32 v12, v30  }
0x3b9: {  	s16 =	sor.u32 s18, s26;
	s14 =	simm.s32 $0x2;
	s13 =	simm.s32 $0x3;
	v34 =	vld [tilespmem:s20+$0x1200];
	v30 =	vmul.f32 v61, v60;
	v37 =	vadd.f32 v62, v63;
	vm0 =	vgt.f32 v29, $0.0e+00  }
.LBB2_15:
0x3ba: {  	s26 =	sshll.u32 s13, $0x7  }
0x3bb: {  	s15 =	sadd.s32 $0x10, s15;
	v33 =	vmul.f32 v11, v33;
	v36 =	vand.u32 $0x7FFFFFFF, v36;
	s25 =	smov.u32 s24;
	s23 =	sadd.s32 $0x1, s24  }
0x3bc: {  	p0 =	sne.s32 s24, $0x1F;
	s24 =	sand.u32 $0x70, s15;
	s26 =	sand.u32 $0x3FFFFC00, s26;
	v35 =	vadd.f32 v35, v37;
	v37 =	vld [tilespmem:s20+$0x1280];
	v31 =	vadd.f32 v31, v36;
	v36 =	vnsel vm0, $0x3F800000, v29  }
0x3bd: {  	v27 =	vand.u32 $0x7FFFFFFF, v27;
	s26 =	sor.u32 s24, s26;
	v32 =	vmul.f32 v10, v32;
	(erf) = vrcp.f32 v36  }
0x3be: {  	v33 =	vadd.f32 v33, v35;
	v35 =	vld [tilespmem:s20+$0x1300];
	v27 =	vadd.f32 v27, v31  }
0x3bf: {  	v26 =	vand.u32 $0x7FFFFFFF, v26;
	vm0 =	vgt.f32 v30, $0.0e+00;
	v31 =	vmul.f32 v9, v34  }
0x3c0: {  	v32 =	vadd.f32 v32, v33;
	v33 =	vld [tilespmem:s20+$0x1380];
	v26 =	vadd.f32 v26, v27;
	v27 =	vnsel vm0, $0x3F800000, v30;
	s20 =	smov.u32 s19;
	s19 =	smov.u32 s16;
	s16 =	smov.u32 s26  }
0x3c1: {  	v34 =	vmul.f32 v6, v37;
	(erf) = vrcp.f32 v27  }
0x3c2: {  	v27 =	vadd.f32 v31, v32  }
0x3c3: {  	v35 =	vmul.f32 v7, v35  }
0x3c4: {  	v27 =	vadd.f32 v34, v27  }
0x3c5: {  	v32 =	vmul.f32 v20, v33  }
0x3c6: {  	v27 =	vadd.f32 v35, v27;
	v31 =	vpop (erf)  }
0x3c7: {  	v26 =	vmul.f32 $2.500000000e+00, v26;
	v28 =	vmul.f32 v31, v28  }
0x3c8: {  	v27 =	vadd.f32 v32, v27  }
0x3c9: {  	v29 =	vsub.f32 v30, v29;
	v28 =	vsub.f32 $1.000000000e+00, v28  }
0x3ca: {  	v26 =	vadd.f32 v26, v27;
	v27 =	vld [tilespmem:$0x2A80];
	v30 =	vpop (erf)  }
0x3cb: {  	v29 =	vmul.f32 v30, v29;
	v30 =	vld [tilespmem:$0x2B00]  }
0x3cc: {  	v26 =	vadd.f32 v28, v26;
	_ =	sdelay $0x1  }
0x3cd: {  	v26 =	vadd.f32 v26, v29;
	_ =	sdelay $0x1  }
0x3ce: {  	vm0 =	vlt.f32 v26, v27;
	v26 =	vmin.f32 v26, v27  }
0x3cf: {  	[tilespmem:$0x2A80] =	vst v26;
	v26 =	vsel vm0, s22, v30;
	s22 =	smov.u32 s17;
	s17 =	smov.u32 s14;
	s14 =	smov.u32 s13  }
0x3d0: {  	s13 =	smov.u32 s25;
	[tilespmem:$0x2B00] =	vst v26  }
0x3d1: {  	v26 =	vld [tilespmem:s20+$0x100]  }
0x3d2: {  	s25 =	sshll.u32 s22, $0x6;
	v27 =	vld [tilespmem:s20+$0x0]  }
0x3d3: {  	s25 =	sand.u32 $0x3FFFFE00, s25;
	v28 =	vld [tilespmem:s20+$0x80]  }
0x3d4: {  	s25 =	sor.u32 s21, s25;
	s21 =	smov.u32 s18;
	s18 =	smov.u32 s24;
	v29 =	vld [tilespmem:s20+$0x180]  }
0x3d5: {  	v30 =	vld [tilespmem:s25+$0x2180]  }
0x3d6: {  	v31 =	vld [tilespmem:s20+$0x200]  }
0x3d7: {  	v27 =	vmul.f32 v23, v27;
	v32 =	vld [tilespmem:s25+$0x2080]  }
0x3d8: {  	v28 =	vmul.f32 v25, v28;
	v33 =	vld [tilespmem:s20+$0x280]  }
0x3d9: {  	v34 =	vmul.f32 v24, v26;
	v35 =	vld [tilespmem:s25+$0x2100]  }
0x3da: {  	v27 =	vadd.f32 v28, v27;
	v36 =	vld [tilespmem:s25+$0x2000];
	v26 =	vsub.f32 v3, v30  }
0x3db: {  	v28 =	vmul.f32 v22, v29;
	v37 =	vmin.f32 v30, v3;
	v29 =	vld [tilespmem:s20+$0x380]  }
0x3dc: {  	v27 =	vadd.f32 v34, v27;
	v34 =	vld [tilespmem:s20+$0x300];
	v30 =	vsub.f32 v30, v32;
	v38 =	vmax.f32 v32, v8  }
0x3dd: {  	v31 =	vmul.f32 v18, v31;
	v39 =	vsub.f32 v8, v32;
	v32 =	vsub.f32 v37, v38  }
0x3de: {  	v33 =	vmul.f32 v19, v33;
	v28 =	vadd.f32 v28, v27;
	v27 =	vsub.f32 v4, v35  }
0x3df: {  	v37 =	vsub.f32 v35, v36;
	v35 =	vmin.f32 v35, v4;
	v38 =	vmax.f32 v36, v5  }
0x3e0: {  	v28 =	vadd.f32 v31, v28;
	v29 =	vmul.f32 v14, v29;
	v31 =	vld [tilespmem:s20+$0x1000];
	v35 =	vsub.f32 v35, v38  }
0x3e1: {  	v30 =	vmax.f32 v30, $0.0e+00;
	v34 =	vmul.f32 v15, v34;
	v37 =	vmax.f32 v37, $0.0e+00  }
0x3e2: {  	v28 =	vadd.f32 v33, v28;
	v38 =	vld [tilespmem:s20+$0x1080];
	v40 =	vmul.f32 v30, v37;
	v41 =	vmax.f32 v35, $0.0e+00  }
0x3e3: {  	v42 =	vmax.f32 v32, $0.0e+00;
	v37 =	vadd.f32 v37, v16;
	v30 =	vadd.f32 v30, v17  }
.Ltmp6:
0x3e4: {  	v34 =	vadd.f32 v34, v28;
	v33 =	vld [tilespmem:s20+$0x1100];
	v28 =	vmul.f32 v42, v41;
	v40 =	vadd.f32 v40, v21;
	(pc) =	sbr.rel @p0 .LBB2_15-.Ltmp6, $4  }
0x3e5: {  	v37 =	vsub.f32 v37, v35;
	v30 =	vsub.f32 v30, v32;
	v41 =	vmul.f32 v13, v31  }
0x3e6: {  	v31 =	vand.u32 $0x7FFFFFFF, v39;
	v34 =	vadd.f32 v29, v34;
	v32 =	vld [tilespmem:s20+$0x1180];
	v29 =	vsub.f32 v40, v28  }
0x3e7: {  	v36 =	vsub.f32 v5, v36;
	v30 =	vmul.f32 v30, v37;
	v35 =	vmul.f32 v12, v38  }
0x3e8: {  	s24 =	smov.u32 s23;
	v37 =	vadd.f32 v41, v34;
	v34 =	vld [tilespmem:s20+$0x1200];
	vm0 =	vgt.f32 v29, $0.0e+00  }
0x3e9: {  	_ = 	snop  }
0x3ea: {  	v33 =	vmul.f32 v11, v33;
	v35 =	vadd.f32 v35, v37  }
0x3eb: {  	v40 =	vld [tilespmem:s20+$0x1280];
	v38 =	vnsel vm0, $0x3F800000, v29  }
0x3ec: {  	(erf) = vrcp.f32 v38;
	v32 =	vmul.f32 v10, v32;
	v33 =	vadd.f32 v33, v35  }
0x3ed: {  	v41 =	vand.u32 $0x7FFFFFFF, v36;
	v42 =	vld [tilespmem:s20+$0x1300]  }
0x3ee: {  	vm5 =	vgt.f32 v30, $0.0e+00;
	v34 =	vmul.f32 v9, v34;
	v32 =	vadd.f32 v32, v33  }
0x3ef: {  	v43 =	vld [tilespmem:s20+$0x1380];
	v31 =	vadd.f32 v31, v41;
	v44 =	vnsel vm5, $0x3F800000, v30  }
0x3f0: {  	(erf) = vrcp.f32 v44;
	v37 =	vmul.f32 v6, v40;
	v32 =	vadd.f32 v34, v32  }
0x3f1: {  	v27 =	vand.u32 $0x7FFFFFFF, v27  }
0x3f2: {  	v27 =	vadd.f32 v27, v31;
	v45 =	vmul.f32 v7, v42;
	v32 =	vadd.f32 v37, v32  }
0x3f3: {  	v26 =	vand.u32 $0x7FFFFFFF, v26  }
0x3f4: {  	v26 =	vadd.f32 v26, v27;
	v46 =	vmul.f32 v20, v43;
	v31 =	vadd.f32 v45, v32  }
0x3f5: {  	v47 =	vpop (erf)  }
0x3f6: {  	v26 =	vmul.f32 $2.500000000e+00, v26;
	v28 =	vmul.f32 v47, v28;
	v27 =	vadd.f32 v46, v31  }
0x3f7: {  	v48 =	vsub.f32 v30, v29  }
0x3f8: {  	v28 =	vsub.f32 $1.000000000e+00, v28;
	v26 =	vadd.f32 v26, v27  }
0x3f9: {  	v49 =	vld [tilespmem:$0x2A80];
	v50 =	vpop (erf)  }
0x3fa: {  	v51 =	vld [tilespmem:$0x2B00];
	v29 =	vmul.f32 v50, v48;
	v26 =	vadd.f32 v28, v26;
	_ =	sdelay $0x1  }
0x3fb: {  	v26 =	vadd.f32 v26, v29;
	_ =	sdelay $0x1  }
0x3fc: {  	vm6 =	vlt.f32 v26, v49;
	v26 =	vmin.f32 v26, v49  }
0x3fd: {  	[tilespmem:$0x2A80] =	vst v26;
	v52 =	vsel vm6, s22, v51  }
0x3fe: {  	[tilespmem:$0x2B00] =	vst v52  }
0x3ff: {  	v53 =	vld [tilespmem:s19+$0x0]  }
0x400: {  	v54 =	vld [tilespmem:s19+$0x80]  }
0x401: {  	v26 =	vld [tilespmem:s19+$0x100]  }
0x402: {  	s22 =	sshll.u32 s17, $0x6;
	v55 =	vld [tilespmem:s19+$0x180]  }
0x403: {  	s20 =	sand.u32 $0x3FFFFE00, s22;
	v56 =	vld [tilespmem:s19+$0x200]  }
0x404: {  	s20 =	sor.u32 s21, s20;
	v58 =	vld [tilespmem:s19+$0x280]  }
0x405: {  	v30 =	vld [tilespmem:s20+$0x2180];
	v27 =	vmul.f32 v23, v53;
	v28 =	vmul.f32 v25, v54  }
0x406: {  	v34 =	vld [tilespmem:s20+$0x2100]  }
0x407: {  	v59 =	vld [tilespmem:s20+$0x2000];
	v26 =	vmul.f32 v24, v26;
	v27 =	vadd.f32 v28, v27  }
0x408: {  	v57 =	vld [tilespmem:s20+$0x2080]  }
0x409: {  	v29 =	vmul.f32 v22, v55;
	v26 =	vadd.f32 v26, v27  }
0x40a: {  	v60 =	vld [tilespmem:s19+$0x300]  }
0x40b: {  	v31 =	vmul.f32 v18, v56;
	v26 =	vadd.f32 v29, v26  }
0x40c: {  	v62 =	vld [tilespmem:s19+$0x380];
	v33 =	vmul.f32 v19, v58;
	v61 =	vmin.f32 v30, v3;
	v45 =	vsub.f32 v34, v59  }
0x40d: {  	v63 =	vsub.f32 v30, v57;
	v44 =	vmax.f32 v57, v8;
	v26 =	vadd.f32 v31, v26  }
0x40e: {  	v46 =	vld [tilespmem:s19+$0x1000];
	v39 =	vmin.f32 v34, v4;
	v40 =	vmax.f32 v59, v5;
	v38 =	vmax.f32 v45, $0.0e+00  }
0x40f: {  	v37 =	vmax.f32 v63, $0.0e+00;
	v27 =	vmul.f32 v15, v60;
	v26 =	vadd.f32 v33, v26  }
0x410: {  	v49 =	vld [tilespmem:s19+$0x1080];
	v47 =	vsub.f32 v39, v40;
	v50 =	vmul.f32 v37, v38;
	v29 =	vsub.f32 v61, v44  }
0x411: {  	v52 =	vld [tilespmem:s19+$0x1100];
	v48 =	vmul.f32 v14, v62;
	v26 =	vadd.f32 v27, v26  }
0x412: {  	v40 =	vmax.f32 v47, $0.0e+00;
	v39 =	vadd.f32 v50, v21;
	v41 =	vmax.f32 v29, $0.0e+00  }
0x413: {  	v54 =	vld [tilespmem:s19+$0x1180];
	v31 =	vmul.f32 v13, v46;
	v40 =	vmul.f32 v41, v40;
	v26 =	vadd.f32 v48, v26  }
0x414: {  	v53 =	vadd.f32 v38, v16;
	v37 =	vadd.f32 v37, v17  }
0x415: {  	v36 =	vmul.f32 v12, v49;
	v56 =	vld [tilespmem:s19+$0x1200];
	v39 =	vsub.f32 v39, v40;
	v26 =	vadd.f32 v31, v26  }
0x416: {  	v32 =	vmul.f32 v11, v52;
	v51 =	vsub.f32 v8, v57;
	v55 =	vsub.f32 v53, v47  }
0x417: {  	v29 =	vsub.f32 v37, v29;
	vm7 =	vgt.f32 v39, $0.0e+00;
	v26 =	vadd.f32 v36, v26  }
0x418: {  	v57 =	vld [tilespmem:s19+$0x1280];
	v28 =	vsub.f32 v5, v59;
	v59 =	vmul.f32 v10, v54;
	v58 =	vnsel vm7, $0x3F800000, v39  }
0x419: {  	v29 =	vmul.f32 v29, v55;
	(erf) = vrcp.f32 v58;
	v26 =	vadd.f32 v32, v26  }
0x41a: {  	v28 =	vand.u32 $0x7FFFFFFF, v28;
	v60 =	vld [tilespmem:s19+$0x1300];
	v33 =	vmul.f32 v9, v56  }
0x41b: {  	v27 =	vand.u32 $0x7FFFFFFF, v51;
	vm8 =	vgt.f32 v29, $0.0e+00;
	v26 =	vadd.f32 v59, v26  }
0x41c: {  	v34 =	vsub.f32 v4, v34;
	v61 =	vld [tilespmem:s19+$0x1380];
	v27 =	vadd.f32 v27, v28;
	v62 =	vnsel vm8, $0x3F800000, v29  }
0x41d: {  	v31 =	vmul.f32 v6, v57;
	(erf) = vrcp.f32 v62;
	v26 =	vadd.f32 v33, v26  }
0x41e: {  	v30 =	vsub.f32 v3, v30;
	v63 =	vand.u32 $0x7FFFFFFF, v34  }
0x41f: {  	v27 =	vadd.f32 v63, v27;
	v32 =	vmul.f32 v7, v60;
	v26 =	vadd.f32 v31, v26  }
0x420: {  	v30 =	vand.u32 $0x7FFFFFFF, v30  }
0x421: {  	v28 =	vmul.f32 v20, v61;
	v27 =	vadd.f32 v30, v27;
	v26 =	vadd.f32 v32, v26  }
0x422: {  	v34 =	vpop (erf)  }
0x423: {  	v27 =	vmul.f32 $2.500000000e+00, v27;
	v30 =	vmul.f32 v34, v40;
	v26 =	vadd.f32 v28, v26  }
0x424: {  	v35 =	vsub.f32 v29, v39  }
0x425: {  	v36 =	vsub.f32 $1.000000000e+00, v30;
	v26 =	vadd.f32 v27, v26  }
0x426: {  	v37 =	vld [tilespmem:$0x2A80];
	v38 =	vpop (erf)  }
0x427: {  	v39 =	vld [tilespmem:$0x2B00];
	v28 =	vmul.f32 v38, v35;
	v26 =	vadd.f32 v36, v26;
	_ =	sdelay $0x1  }
0x428: {  	v26 =	vadd.f32 v26, v28;
	_ =	sdelay $0x1  }
0x429: {  	vm9 =	vlt.f32 v26, v37;
	v26 =	vmin.f32 v26, v37  }
0x42a: {  	[tilespmem:$0x2A80] =	vst v26;
	v40 =	vsel vm9, s17, v39  }
0x42b: {  	[tilespmem:$0x2B00] =	vst v40  }
0x42c: {  	v41 =	vld [tilespmem:s16+$0x0]  }
0x42d: {  	s23 =	sshll.u32 s14, $0x6;
	v42 =	vld [tilespmem:s16+$0x80]  }
0x42e: {  	s17 =	sand.u32 $0x3FFFFE00, s23;
	v26 =	vld [tilespmem:s16+$0x100]  }
0x42f: {  	s17 =	sor.u32 s18, s17;
	v43 =	vld [tilespmem:s16+$0x180]  }
0x430: {  	v30 =	vld [tilespmem:s17+$0x2180]  }
0x431: {  	v44 =	vld [tilespmem:s16+$0x200]  }
0x432: {  	v45 =	vld [tilespmem:s17+$0x2080];
	v27 =	vmul.f32 v23, v41;
	v28 =	vmul.f32 v25, v42  }
0x433: {  	v34 =	vld [tilespmem:s17+$0x2100]  }
0x434: {  	v47 =	vld [tilespmem:s17+$0x2000];
	v26 =	vmul.f32 v24, v26;
	v27 =	vadd.f32 v28, v27  }
0x435: {  	v46 =	vld [tilespmem:s16+$0x280]  }
0x436: {  	v29 =	vmul.f32 v22, v43;
	v26 =	vadd.f32 v26, v27  }
0x437: {  	v48 =	vld [tilespmem:s16+$0x300]  }
0x438: {  	v31 =	vmul.f32 v18, v44;
	v26 =	vadd.f32 v29, v26  }
0x439: {  	v50 =	vld [tilespmem:s16+$0x380];
	v49 =	vmin.f32 v30, v3;
	v51 =	vsub.f32 v30, v45;
	v53 =	vsub.f32 v34, v47  }
0x43a: {  	v52 =	vmax.f32 v45, v8;
	v33 =	vmul.f32 v19, v46;
	v26 =	vadd.f32 v31, v26  }
0x43b: {  	v56 =	vld [tilespmem:s16+$0x1000];
	v54 =	vmin.f32 v34, v4;
	v55 =	vmax.f32 v47, v5;
	v38 =	vmax.f32 v53, $0.0e+00  }
0x43c: {  	v37 =	vmax.f32 v51, $0.0e+00;
	v27 =	vmul.f32 v15, v48;
	v26 =	vadd.f32 v33, v26  }
0x43d: {  	v59 =	vld [tilespmem:s16+$0x1080];
	v57 =	vsub.f32 v54, v55;
	v60 =	vmul.f32 v37, v38;
	v29 =	vsub.f32 v49, v52  }
0x43e: {  	v63 =	vld [tilespmem:s16+$0x1100];
	v58 =	vmul.f32 v14, v50;
	v26 =	vadd.f32 v27, v26  }
0x43f: {  	v40 =	vmax.f32 v57, $0.0e+00;
	v39 =	vadd.f32 v60, v21;
	v61 =	vmax.f32 v29, $0.0e+00  }
0x440: {  	v44 =	vld [tilespmem:s16+$0x1180];
	v31 =	vmul.f32 v13, v56;
	v40 =	vmul.f32 v61, v40;
	v26 =	vadd.f32 v58, v26  }
0x441: {  	v43 =	vadd.f32 v38, v16;
	v37 =	vadd.f32 v37, v17  }
0x442: {  	v36 =	vmul.f32 v12, v59;
	v46 =	vld [tilespmem:s16+$0x1200];
	v39 =	vsub.f32 v39, v40;
	v26 =	vadd.f32 v31, v26  }
0x443: {  	v62 =	vsub.f32 v8, v45;
	v32 =	vmul.f32 v11, v63;
	v45 =	vsub.f32 v43, v57  }
0x444: {  	v29 =	vsub.f32 v37, v29;
	vm10 =	vgt.f32 v39, $0.0e+00;
	v26 =	vadd.f32 v36, v26  }
0x445: {  	v28 =	vsub.f32 v5, v47;
	v47 =	vld [tilespmem:s16+$0x1280];
	v49 =	vmul.f32 v10, v44;
	v48 =	vnsel vm10, $0x3F800000, v39  }
0x446: {  	v29 =	vmul.f32 v29, v45;
	(erf) = vrcp.f32 v48;
	v26 =	vadd.f32 v32, v26  }
0x447: {  	v50 =	vld [tilespmem:s16+$0x1300];
	v28 =	vand.u32 $0x7FFFFFFF, v28;
	v33 =	vmul.f32 v9, v46  }
0x448: {  	v27 =	vand.u32 $0x7FFFFFFF, v62;
	vm11 =	vgt.f32 v29, $0.0e+00;
	v26 =	vadd.f32 v49, v26  }
0x449: {  	v34 =	vsub.f32 v4, v34;
	v51 =	vld [tilespmem:s16+$0x1380];
	v27 =	vadd.f32 v27, v28;
	v52 =	vnsel vm11, $0x3F800000, v29  }
0x44a: {  	v31 =	vmul.f32 v6, v47;
	(erf) = vrcp.f32 v52;
	v26 =	vadd.f32 v33, v26  }
0x44b: {  	v30 =	vsub.f32 v3, v30;
	v53 =	vand.u32 $0x7FFFFFFF, v34  }
0x44c: {  	v27 =	vadd.f32 v53, v27;
	v32 =	vmul.f32 v7, v50;
	v26 =	vadd.f32 v31, v26  }
0x44d: {  	v30 =	vand.u32 $0x7FFFFFFF, v30  }
0x44e: {  	v28 =	vmul.f32 v20, v51;
	v27 =	vadd.f32 v30, v27;
	v26 =	vadd.f32 v32, v26  }
0x44f: {  	v54 =	vpop (erf)  }
0x450: {  	v27 =	vmul.f32 $2.500000000e+00, v27;
	v30 =	vmul.f32 v54, v40;
	v26 =	vadd.f32 v28, v26  }
0x451: {  	v55 =	vsub.f32 v29, v39  }
0x452: {  	v56 =	vsub.f32 $1.000000000e+00, v30;
	v26 =	vadd.f32 v27, v26  }
0x453: {  	v57 =	vld [tilespmem:$0x2A80];
	v58 =	vpop (erf)  }
0x454: {  	v59 =	vld [tilespmem:$0x2B00];
	v28 =	vmul.f32 v58, v55;
	v26 =	vadd.f32 v56, v26;
	_ =	sdelay $0x1  }
0x455: {  	v26 =	vadd.f32 v26, v28;
	_ =	sdelay $0x1  }
0x456: {  	s24 =	sshll.u32 s13, $0x7;
	s15 =	sadd.s32 $0x10, s15;
	vm12 =	vlt.f32 v26, v57;
	v26 =	vmin.f32 v26, v57  }
0x457: {  	s15 =	sand.u32 $0x70, s15;
	s16 =	sand.u32 $0x3FFFFC00, s24;
	[tilespmem:$0x2A80] =	vst v26;
	v60 =	vsel vm12, s14, v59  }
0x458: {  	s25 =	sor.u32 s15, s16;
	[tilespmem:$0x2B00] =	vst v60  }
0x459: {  	v26 =	vld [tilespmem:s25+$0x100]  }
0x45a: {  	s26 =	sshll.u32 s13, $0x6;
	v61 =	vld [tilespmem:s25+$0x0]  }
0x45b: {  	s16 =	sand.u32 $0x3FFFFE00, s26;
	v62 =	vld [tilespmem:s25+$0x80]  }
0x45c: {  	s15 =	sor.u32 s15, s16;
	v63 =	vld [tilespmem:s25+$0x180]  }
0x45d: {  	v30 =	vld [tilespmem:s15+$0x2180]  }
0x45e: {  	v36 =	vld [tilespmem:s25+$0x200]  }
0x45f: {  	v37 =	vld [tilespmem:s15+$0x2080]  }
0x460: {  	v40 =	vld [tilespmem:s25+$0x280];
	v38 =	vmul.f32 v23, v61;
	v39 =	vmul.f32 v25, v62  }
0x461: {  	v28 =	vld [tilespmem:s15+$0x2100]  }
0x462: {  	v43 =	vld [tilespmem:s25+$0x300];
	v41 =	vmul.f32 v24, v26;
	v23 =	vadd.f32 v39, v38  }
0x463: {  	v45 =	vld [tilespmem:s25+$0x380]  }
0x464: {  	v25 =	vld [tilespmem:s15+$0x2000];
	v42 =	vmul.f32 v22, v63;
	v23 =	vadd.f32 v41, v23;
	_ =	sdelay $0x1  }
0x465: {  	v47 =	vmul.f32 v18, v36;
	v22 =	vadd.f32 v42, v23  }
0x466: {  	v44 =	vmin.f32 v30, v3;
	v46 =	vsub.f32 v30, v37;
	v48 =	vmax.f32 v37, v8  }
0x467: {  	v54 =	vld [tilespmem:s25+$0x1000];
	v49 =	vmul.f32 v19, v40;
	v51 =	vmin.f32 v28, v4;
	v18 =	vadd.f32 v47, v22  }
0x468: {  	v56 =	vmul.f32 v15, v43;
	v59 =	vmul.f32 v14, v45;
	v50 =	vsub.f32 v28, v25  }
0x469: {  	v53 =	vsub.f32 v44, v48;
	v52 =	vmax.f32 v25, v5;
	v18 =	vadd.f32 v49, v18  }
0x46a: {  	v60 =	vld [tilespmem:s25+$0x1080];
	v58 =	vmax.f32 v46, $0.0e+00;
	v55 =	vsub.f32 v51, v52;
	v57 =	vmax.f32 v50, $0.0e+00  }
0x46b: {  	v34 =	vld [tilespmem:s25+$0x1100];
	v63 =	vsub.f32 v8, v37;
	v61 =	vmul.f32 v58, v57;
	v15 =	vadd.f32 v56, v18  }
0x46c: {  	v36 =	vmul.f32 v13, v54;
	v62 =	vmax.f32 v53, $0.0e+00;
	v31 =	vmax.f32 v55, $0.0e+00  }
0x46d: {  	v39 =	vld [tilespmem:s25+$0x1180];
	v31 =	vmul.f32 v62, v31;
	v35 =	vadd.f32 v61, v21;
	v14 =	vadd.f32 v59, v15  }
0x46e: {  	v38 =	vadd.f32 v58, v17;
	v37 =	vadd.f32 v57, v16  }
0x46f: {  	v40 =	vmul.f32 v12, v60;
	v43 =	vld [tilespmem:s25+$0x1200];
	v21 =	vsub.f32 v35, v31;
	v13 =	vadd.f32 v36, v14  }
0x470: {  	v44 =	vmul.f32 v11, v34;
	v42 =	vsub.f32 v38, v53  }
0x471: {  	v41 =	vsub.f32 v37, v55;
	vm13 =	vgt.f32 v21, $0.0e+00;
	v12 =	vadd.f32 v40, v13  }
0x472: {  	v45 =	vsub.f32 v5, v25;
	v47 =	vld [tilespmem:s25+$0x1280];
	v49 =	vmul.f32 v10, v39;
	v48 =	vnsel vm13, $0x3F800000, v21  }
0x473: {  	v46 =	vmul.f32 v42, v41;
	(erf) = vrcp.f32 v48;
	v11 =	vadd.f32 v44, v12  }
0x474: {  	v8 =	vand.u32 $0x7FFFFFFF, v63;
	v51 =	vmul.f32 v9, v43;
	v50 =	vld [tilespmem:s25+$0x1300]  }
0x475: {  	v5 =	vand.u32 $0x7FFFFFFF, v45;
	vm14 =	vgt.f32 v46, $0.0e+00;
	v10 =	vadd.f32 v49, v11  }
0x476: {  	v52 =	vsub.f32 v4, v28;
	v53 =	vld [tilespmem:s25+$0x1380];
	v5 =	vadd.f32 v8, v5;
	v54 =	vnsel vm14, $0x3F800000, v46  }
0x477: {  	v55 =	vmul.f32 v6, v47;
	(erf) = vrcp.f32 v54;
	v9 =	vadd.f32 v51, v10  }
0x478: {  	v3 =	vsub.f32 v3, v30;
	v4 =	vand.u32 $0x7FFFFFFF, v52  }
0x479: {  	v4 =	vadd.f32 v4, v5;
	v56 =	vmul.f32 v7, v50;
	v6 =	vadd.f32 v55, v9  }
0x47a: {  	v3 =	vand.u32 $0x7FFFFFFF, v3  }
0x47b: {  	v57 =	vmul.f32 v20, v53;
	v3 =	vadd.f32 v3, v4;
	v5 =	vadd.f32 v56, v6  }
0x47c: {  	v58 =	vpop (erf)  }
0x47d: {  	v3 =	vmul.f32 $2.500000000e+00, v3;
	v6 =	vmul.f32 v58, v31;
	v4 =	vadd.f32 v57, v5  }
0x47e: {  	v59 =	vsub.f32 v46, v21  }
0x47f: {  	v6 =	vsub.f32 $1.000000000e+00, v6;
	v3 =	vadd.f32 v3, v4  }
0x480: {  	v60 =	vld [tilespmem:$0x2A80];
	v61 =	vpop (erf)  }
0x481: {  	v5 =	vmul.f32 v61, v59;
	v3 =	vadd.f32 v6, v3;
	_ =	sdelay $0x1  }
0x482: {  	v3 =	vadd.f32 v3, v5;
	_ =	sdelay $0x1  }
0x483: {  	v62 =	vld [tilespmem:$0x2B00];
	v63 =	vmin.f32 v3, v60  }
0x484: {  	[tilespmem:$0x2A80] =	vst v63  }
0x485: {  	v6 =	vld [tilespmem:$0x2A80];
	_ =	sdelay $0x1  }
0x486: {  	vm15 =	vlt.f32 v3, v60  }
0x487: {  	v3 =	vsel vm15, s13, v62  }
0x488: {  	[tilespmem:$0x2B00] =	vst v3  }
0x489: {  	[tilespmem:s12+$0x2B80] =	vst v6  }
0x48a: {  	v3 =	vld [tilespmem:$0x2B00]  }
0x48b: {  	s11 =	sadd.s32 $0x1, s11  }
0x48c: {  	p0 =	sne.s32 s11, $0x20  }
.Ltmp7:
0x48d: {  	_ = 	snop;
	(pc) =	sbr.rel @p0 .LBB2_14-.Ltmp7, $4  }
0x48e: {  	_ = 	snop  }
0x48f: {  	v3 =	vshll.u32 v3, $0x4  }
0x490: {  	v3 =	vadd.s32 v3, v0  }
0x491: {  	[tilespmem:s12+$0x2D80] =	vst v3  }
0x492: {  	s10 =	rddreg [dreg:$0x12]  }
0x493: {  	[hbm4b:s10+s1] =	stream.strided.scatter [tilespmem:s7], [sflag:$0x1], $0x200, s2, s1, $0x38;
	[tilespmem:$0x2F80] =	vst v63  }
0x494: {  	_ =	swait.ge [sflag:s31], $0x200  }
0x495: {  	[sflag:s31] =	ssyncset.done $0x0  }
0x496: {  	s25 =	rddreg [dreg:$0x13];
	[sflag:s31] =	ssyncadd.s32 $0xFFFFFE00  }
0x497: {  	[hbm4b:s25+s1] =	stream.strided.scatter [tilespmem:s8], [sflag:$0x1], $0x200, s2, s1, $0x38;
	[tilespmem:$0x2F80] =	vst v63  }
0x498: {  	_ =	swait.ge [sflag:s31], $0x200  }
0x499: {  	s9 =	sadd.s32 $0x1, s9;
	s26 =	rddreg [dreg:$0x17]  }
0x49a: {  	p0 =	sne.s32 s9, s26  }
.Ltmp8:
0x49b: {  	_ = 	snop;
	(pc) =	sbr.rel @p0 .LBB2_1-.Ltmp8, $3  }
0x49c: {  	_ =	sdelay $0x1  }
0x49d: {  	[sflag:s31] =	ssyncset.done $0x0  }
0x49e: {  	[sflag:s31] =	ssyncadd.s32 $0xFFFFFE00  }
0x49f: {  	_ =	sfence.sel $0x180000  }
0x4a0: {  	[bflag:$0x0] =	sbarrier.arrive $0xFFFF  }
0x4a1: {  	_ =	strace $0x90000047  }
0x4a2: {  	s0 =	stileid.u32;
	[bflag:$0x2] =	sbarrier.arrive $0xFFFF  }
0x4a3: {  	p0 =	sne.s32 s0, $0x0;
	s0 =	rddreg [dreg:$0x3]  }
0x4a4: {  	s0 =	sadd.s32 @!p0 $0x100000, s0  }
0x4a5: {  	[sflag:s0] =	ssyncadd.tile.s32 @!p0 $0x1;
	_ =	shalt  }
.Lfunc_end2:
_tile_overlayer_lowered:
.L_overlay_start_2:
0x4a6: {  	(tag) =	ssettag $0x2  }
0x4a7: {  	s0 =	rddreg [dreg:$0x0];
	s2 =	stileid.u32  }
0x4a8: {  	s1 =	rddreg [dreg:$0x1];
	p0 =	sne.s32 s2, $0x0  }
0x4a9: {  	s3 =	rddreg [dreg:$0x2];
	[bflag:$0x3] =	sbarrier.arrive $0xFFFF;
	s2 =	simm.s32 @!p0 $0x1C01  }
0x4aa: {  	[timem:s3], [sflag:s2] =	dma.local @!p0 [hbm:s0], s1  }
0x4ab: {  	s0 =	simm.s32 @!p0 $0x1  }
0x4ac: {  	_ =	swait.ge @!p0 [sflag:s0], s1  }
0x4ad: {  	s1 =	ssub.s32 @!p0 $0x0, s1;
	[sflag:s0] =	ssyncset.done @!p0 $0x0  }
0x4ae: {  	[sflag:s0] =	ssyncadd.s32 @!p0 s1  }
0x4af: {  	[bflag:$0x3] =	sbarrier.arrive $0xFFFF  }
0x4b0: {  	_ =	shalt  }

</sc_bundles>
